<compile_context>
chip_gen: v7x
topology: tpu7x:2x2x1
jax: 0.10.2.dev20260603
libtpu: 0.0.44.dev20260713+nightly
codegen_flags: <defaults>
</compile_context>

<pallas_src>
import functools

import jax
import jax.numpy as jnp
import numpy as np
from jax import lax
from jax.experimental import pallas as pl
from jax.experimental.pallas import tpu as pltpu
from jax.experimental.pallas import tpu_sc as plsc

_B, _N, _E, _H, _K = 8, 2048, 256, 8, 8
_HD = _E // _H

_F32 = jnp.float32
_HIGH = lax.Precision.HIGHEST
_DEF = lax.Precision.DEFAULT

_TNB = 1024


def _knn_body(xvr_ref, xvc_ref, out_ref):
    b = pl.program_id(0)
    xr = xvr_ref[0]
    xc = xvc_ref[0]
    sqr = jnp.sum(xr * xr, axis=1, keepdims=True)
    ones8 = jnp.ones((8, 128), _F32)
    sqc = lax.dot_general(ones8, xc * xc, (((1,), (1,)), ((), ())),
                          preferred_element_type=_F32, precision=_HIGH)
    sqc_row = sqc[0:1, :]
    g = lax.dot_general(xr, xc, (((1,), (1,)), ((), ())),
                        preferred_element_type=_F32,
                        precision=lax.Precision.DEFAULT)
    d = (sqr + sqc_row) - 2.0 * g
    iota = lax.broadcasted_iota(jnp.int32, (_TNB, _N), 1)
    u = lax.bitcast_convert_type(jnp.maximum(d, 0.0), jnp.int32)
    key_i = (u & jnp.int32(~2047)) | iota
    key = lax.bitcast_convert_type(key_i + jnp.int32(0x00800000), _F32)
    for t in range(_K):
        m = jnp.min(key, axis=1, keepdims=True)
        mi = lax.bitcast_convert_type(m[:, 0], jnp.int32)
        out_ref[0, t, :] = (mi & 2047) + b * _N
        key = jnp.where(key == m, jnp.float32(jnp.inf), key)


def _knn_idx_global(xvp):
    return pl.pallas_call(
        _knn_body,
        grid=(_B, _N // _TNB),
        in_specs=[
            pl.BlockSpec((1, _TNB, 128), lambda b, i: (b, i, 0)),
            pl.BlockSpec((1, _N, 128), lambda b, i: (b, 0, 0)),
        ],
        out_specs=pl.BlockSpec((1, _K, _TNB), lambda b, i: (b, 0, i)),
        out_shape=jax.ShapeDtypeStruct((_B, _K, _N), jnp.int32),
    )(xvp, xvp)


_TNP = 512


def _proj_body(x_ref, w_ref, out_ref):
    pf = jnp.dot(x_ref[:], w_ref[:],
                 preferred_element_type=_F32, precision=_DEF)
    ki = lax.bitcast_convert_type(pf[:, :_E], jnp.int32)
    vi = lax.bitcast_convert_type(pf[:, _E:], jnp.int32)
    kr = ki + 0x7FFF + ((ki >> 16) & 1)
    vr = vi + 0x7FFF + ((vi >> 16) & 1)
    out_ref[:] = (lax.shift_right_logical(kr, 16) & 0xFFFF) | \
        (vr & jnp.int32(-65536))


def _proj_kv(x2, wkvT):
    return pl.pallas_call(
        _proj_body,
        grid=(_B * _N // _TNP,),
        in_specs=[
            pl.BlockSpec((_TNP, _E), lambda i: (i, 0)),
            pl.BlockSpec((_E, 2 * _E), lambda i: (0, 0)),
        ],
        out_specs=pl.BlockSpec((_TNP, _E), lambda i: (i, 0)),
        out_shape=jax.ShapeDtypeStruct((_B * _N, _E), jnp.int32),
    )(x2, wkvT)


_SC_CHUNK = 128
_ROWS = _B * _N * _K


def _gather_rows_sc(xkv, gidx):
    info = plsc.get_sparse_core_info()
    nw = info.num_cores * info.num_subcores
    rpw = _ROWS // nw
    nch = rpw // _SC_CHUNK
    mesh = plsc.VectorSubcoreMesh(core_axis_name="c", subcore_axis_name="s")

    @functools.partial(
        pl.kernel,
        mesh=mesh,
        out_type=jax.ShapeDtypeStruct((_ROWS, _E), jnp.int32),
        scratch_types=[
            pltpu.VMEM((rpw,), jnp.int32),
            pltpu.VMEM((_SC_CHUNK, _E), jnp.int32),
            pltpu.VMEM((_SC_CHUNK, _E), jnp.int32),
            pltpu.SemaphoreType.DMA,
            pltpu.SemaphoreType.DMA,
            pltpu.SemaphoreType.DMA,
            pltpu.SemaphoreType.DMA,
        ],
    )
    def k(xkv_hbm, gidx_hbm, out_hbm, idx_all, buf0, buf1,
          g0, g1, w0, w1):
        wid = lax.axis_index("s") * info.num_cores + lax.axis_index("c")
        base0 = wid * rpw
        pltpu.sync_copy(gidx_hbm.at[pl.ds(base0, rpw)], idx_all)
        bufs, gsem, wsem = (buf0, buf1), (g0, g1), (w0, w1)
        ghs = [None, None]
        whs = [None, None]
        for i in range(nch):
            p = i % 2
            if whs[p] is not None:
                whs[p].wait()
            ghs[p] = pltpu.async_copy(
                xkv_hbm.at[idx_all.at[pl.ds(i * _SC_CHUNK, _SC_CHUNK)]],
                bufs[p], gsem[p])
            q = 1 - p
            if ghs[q] is not None:
                ghs[q].wait()
                whs[q] = pltpu.async_copy(
                    bufs[q],
                    out_hbm.at[pl.ds(base0 + (i - 1) * _SC_CHUNK, _SC_CHUNK)],
                    wsem[q])
        pl2 = (nch - 1) % 2
        ghs[pl2].wait()
        pltpu.async_copy(
            bufs[pl2],
            out_hbm.at[pl.ds(base0 + (nch - 1) * _SC_CHUNK, _SC_CHUNK)],
            wsem[pl2]).wait()
        whs[1 - pl2].wait()

    return k(xkv, gidx)


_TNA = 512


def _attn_body(x_ref, xkv_ref, kvp_ref, wqT_ref, woT_ref, out_ref):
    xr = x_ref[:]
    q = jnp.dot(xr, wqT_ref[:], preferred_element_type=_F32, precision=_DEF)
    pk = kvp_ref[:]
    kp3 = lax.bitcast_convert_type(pk << 16, _F32)
    vp3 = lax.bitcast_convert_type(pk & jnp.int32(-65536), _F32)
    lane_h = lax.broadcasted_iota(jnp.int32, (_E, _H), 0) // _HD
    head_h = lax.broadcasted_iota(jnp.int32, (_E, _H), 1)
    hm = (lane_h == head_h).astype(_F32)
    lane_v = lax.broadcasted_iota(jnp.int32, (_H, _E), 1) // _HD
    head_v = lax.broadcasted_iota(jnp.int32, (_H, _E), 0)
    hmT = (lane_v == head_v).astype(_F32)

    s = kp3 * q[:, None, :]
    scores = jnp.dot(s.reshape(_TNA * _K, _E), hm,
                     preferred_element_type=_F32, precision=_DEF)
    scores = scores / np.sqrt(_HD).astype(np.float32)
    sc3 = scores.reshape(_TNA, _K, _H)
    mx = jnp.max(sc3, axis=1, keepdims=True)
    e = jnp.exp(sc3 - mx)
    a = e / jnp.sum(e, axis=1, keepdims=True)
    attn_exp = jnp.dot(a.reshape(_TNA * _K, _H), hmT,
                       preferred_element_type=_F32, precision=_DEF)
    o = jnp.sum(attn_exp.reshape(_TNA, _K, _E) * vp3, axis=1)
    o = o - lax.bitcast_convert_type(
        xkv_ref[:] & jnp.int32(-65536), _F32)
    out_ref[:] = xr + jnp.dot(o, woT_ref[:],
                              preferred_element_type=_F32, precision=_DEF)


def _attn_out(x2, xkv, kvp3, wqT, woutT):
    nrows = x2.shape[0]
    return pl.pallas_call(
        _attn_body,
        grid=(nrows // _TNA,),
        in_specs=[
            pl.BlockSpec((_TNA, _E), lambda i: (i, 0)),
            pl.BlockSpec((_TNA, _E), lambda i: (i, 0)),
            pl.BlockSpec((_TNA, _K, _E), lambda i: (i, 0, 0)),
            pl.BlockSpec((_E, _E), lambda i: (0, 0)),
            pl.BlockSpec((_E, _E), lambda i: (0, 0)),
        ],
        out_specs=pl.BlockSpec((_TNA, _E), lambda i: (i, 0)),
        out_shape=jax.ShapeDtypeStruct((nrows, _E), _F32),
    )(x2, xkv, kvp3, wqT, woutT)


def kernel(x, x_v, in_proj_weight, out_proj_weight):
    x2 = x.reshape(_B * _N, _E)
    xvp = jnp.pad(x_v, ((0, 0), (0, 0), (0, 128 - 3)))
    Wq, Wk, Wv = jnp.split(in_proj_weight, 3, axis=0)
    wqT = Wq.T
    wkvT = jnp.concatenate([Wk.T, Wv.T], axis=1)
    woutT = out_proj_weight.T

    gidxT = _knn_idx_global(xvp)
    gidx = jnp.transpose(gidxT, (0, 2, 1)).reshape(_ROWS)

    xkv = _proj_kv(x2, wkvT)
    kvp = _gather_rows_sc(xkv, gidx)
    out2 = _attn_out(x2, xkv, kvp.reshape(_B * _N, _K, _E), wqT, woutT)
    return out2.reshape(_B, _N, _E)

# --- scband reference (transcript-rebuilt; emitter-appended) ---
"""Pipeline reference for scband-mha-knn-v-58849641890550 (READ-ONLY COPY).

The authoritative reference and input builder live on the scoring server;
editing this copy changes nothing except your own understanding.
"""

import jax, jax.numpy as jnp
import numpy as np

B, N, E = 8, 2048, 256
H = 8
K = 8


def setup_inputs(seed: int = 0) -> dict:
    key = jax.random.key(seed)
    k1, k2, k3, k4 = jax.random.split(key, 4)
    x = jax.random.normal(k1, (B, N, E), dtype=jnp.float32)
    x_v = jax.random.normal(k2, (B, N, 3), dtype=jnp.float32)
    in_proj_weight = jax.random.normal(k3, (3 * E, E), dtype=jnp.float32) * (1.0 / np.sqrt(E))
    out_proj_weight = jax.random.normal(k4, (E, E), dtype=jnp.float32) * (1.0 / np.sqrt(E))
    return {"x": x, "x_v": x_v, "in_proj_weight": in_proj_weight, "out_proj_weight": out_proj_weight}


def _knn_idx(x_v, k):
    # squared euclidean pairwise distances, self-to-self included (as pytorch3d knn_points)
    sq = jnp.sum(x_v * x_v, axis=-1)
    d = sq[:, :, None] + sq[:, None, :] - 2.0 * jnp.einsum('bnd,bmd->bnm', x_v, x_v)
    _, idx = jax.lax.top_k(-d, k)  # sorted ascending distance (return_sorted=True)
    return idx


def reference(x, x_v, in_proj_weight, out_proj_weight):
    hd = E // H
    idx = _knn_idx(x_v, K)                                   # [B, N, K]
    k = jax.vmap(lambda xb, ib: xb[ib])(x, idx)              # knn_gather -> [B, N, K, E]
    q = x[:, :, None, :]                                     # [B, N, 1, E]
    v = k - q                                                # use_direction=True
    Wq, Wk, Wv = jnp.split(in_proj_weight, 3, axis=0)
    qp = q @ Wq.T
    kp = k @ Wk.T
    vp = v @ Wv.T
    qh = qp.reshape(B, N, 1, H, hd).transpose(0, 1, 3, 2, 4)  # [B,N,H,1,hd]
    kh = kp.reshape(B, N, K, H, hd).transpose(0, 1, 3, 2, 4)  # [B,N,H,K,hd]
    vh = vp.reshape(B, N, K, H, hd).transpose(0, 1, 3, 2, 4)
    scores = jnp.einsum('bnhqd,bnhkd->bnhqk', qh, kh) / np.sqrt(hd).astype(np.float32)
    attn = jax.nn.softmax(scores, axis=-1)                    # [B,N,H,1,K]
    oh = jnp.einsum('bnhqk,bnhkd->bnhqd', attn, vh)
    o = oh.transpose(0, 1, 3, 2, 4).reshape(B, N, E) @ out_proj_weight.T
    # attention-weight scatter (computed in the torch forward; discarded since return_weights=False)
    x_w = jnp.mean(attn, axis=2).reshape(B, N, K)
    idx_flat = idx.reshape(B, N * K)
    xw_flat = x_w.reshape(B, N * K)
    sums = jax.vmap(lambda i, s: jnp.zeros((N,), jnp.float32).at[i].add(s))(idx_flat, xw_flat)
    counts = jax.vmap(lambda i: jnp.zeros((N,), jnp.float32).at[i].add(1.0))(idx_flat)
    _ = sums / (counts + 1.0)  # scatter_reduce 'mean' with include_self=True on zeros
    out = x + o
    return out

if __name__ == "__main__":
    import jax
    _d = setup_inputs()
    print(jax.jit(kernel)(*tuple(_d.values())))

</pallas_src>

<mosaic_0001>
#map = affine_map<(d0, d1) -> (0, 0)>
#map1 = affine_map<(d0, d1) -> (0)>
module attributes {stable_mosaic.version = 14 : i64} {
  func.func @k(%arg0: i32, %arg1: i32, %arg2: memref<16384x256xi32, #tpu.memory_space<hbm>>, %arg3: memref<131072xi32, #tpu.memory_space<hbm>>, %arg4: memref<131072x256xi32, #tpu.memory_space<hbm>>, %arg5: memref<4096xi32, #tpu.memory_space<vmem>>, %arg6: memref<128x256xi32, #tpu.memory_space<vmem>>, %arg7: memref<128x256xi32, #tpu.memory_space<vmem>>, %arg8: memref<!tpu.dma_semaphore, #tpu.memory_space<semaphore_mem>>, %arg9: memref<!tpu.dma_semaphore, #tpu.memory_space<semaphore_mem>>, %arg10: memref<!tpu.dma_semaphore, #tpu.memory_space<semaphore_mem>>, %arg11: memref<!tpu.dma_semaphore, #tpu.memory_space<semaphore_mem>>) attributes {dimension_semantics = [#tpu.dimension_semantics<core_parallel>, #tpu.dimension_semantics<subcore_parallel>], iteration_bounds = array<i64: 2, 16>, scalar_prefetch = 0 : i64, scratch_operands = 7 : i64, tpu.core_type = #tpu.core_type<sc_vector_subcore>, window_params = [{transform_indices = #map}, {transform_indices = #map1}, {transform_indices = #map}]} {
    %mul3A = arith.constant 2 : i32
    %mul3A_0 = arith.muli %arg1, %mul3A : i32
    %add3A = arith.addi %mul3A_0, %arg0 : i32
    %mul3A_1 = arith.constant 4096 : i32
    %mul3A_2 = arith.muli %add3A, %mul3A_1 : i32
    "tpu.region"() ({
      %run_scoped3A = tpu.sem_alloc : memref<!tpu.dma_semaphore, #tpu.memory_space<semaphore_mem>>
      %dma_start3A_641 = tpu.memref_slice %arg3[%mul3A_2] : memref<131072xi32, #tpu.memory_space<hbm>> -> memref<4096xi32, #tpu.memory_space<hbm>>
      %dma_start3A_642 = tpu.memref_slice %arg3[%mul3A_2] : memref<131072xi32, #tpu.memory_space<hbm>> -> memref<4096xi32, #tpu.memory_space<hbm>>
      tpu.enqueue_dma source(%dma_start3A_642 : memref<4096xi32, #tpu.memory_space<hbm>>) target(%arg5 : memref<4096xi32, #tpu.memory_space<vmem>>) target_semaphore(%run_scoped3A : memref<!tpu.dma_semaphore, #tpu.memory_space<semaphore_mem>>)
      %dma_wait3A_643 = tpu.memref_slice %arg3[%mul3A_2] : memref<131072xi32, #tpu.memory_space<hbm>> -> memref<4096xi32, #tpu.memory_space<hbm>>
      %dma_wait3A_644 = tpu.memref_slice %arg3[%mul3A_2] : memref<131072xi32, #tpu.memory_space<hbm>> -> memref<4096xi32, #tpu.memory_space<hbm>>
      tpu.wait_dma2 semaphore(%run_scoped3A : memref<!tpu.dma_semaphore, #tpu.memory_space<semaphore_mem>>) src(%dma_wait3A_644 : memref<4096xi32, #tpu.memory_space<hbm>>) dst(%arg5 : memref<4096xi32, #tpu.memory_space<vmem>>)
      tpu.yield
    }) : () -> ()
    %dma_start3A = arith.constant 0 : i32
    %dma_start3A_3 = tpu.memref_slice %arg5[%dma_start3A] : memref<4096xi32, #tpu.memory_space<vmem>> -> memref<128xi32, #tpu.memory_space<vmem>>
    %dma_start3A_4 = arith.constant 0 : i32
    %dma_start3A_5 = arith.constant 0 : i32
    %dma_start3A_6 = tpu.memref_slice %arg2[%dma_start3A_4, %dma_start3A_5] : memref<16384x256xi32, #tpu.memory_space<hbm>> -> memref<16384x256xi32, #tpu.memory_space<hbm>>
    tpu.enqueue_indirect_dma source(%dma_start3A_6 : memref<16384x256xi32, #tpu.memory_space<hbm>>) target(%arg6 : memref<128x256xi32, #tpu.memory_space<vmem>>) offsets(%dma_start3A_3 : memref<128xi32, #tpu.memory_space<vmem>>) semaphore(%arg8 : memref<!tpu.dma_semaphore, #tpu.memory_space<semaphore_mem>>)
    %dma_start3A_7 = arith.constant 128 : i32
    %dma_start3A_8 = tpu.memref_slice %arg5[%dma_start3A_7] : memref<4096xi32, #tpu.memory_space<vmem>> -> memref<128xi32, #tpu.memory_space<vmem>>
    %dma_start3A_9 = arith.constant 0 : i32
    %dma_start3A_10 = arith.constant 0 : i32
    %dma_start3A_11 = tpu.memref_slice %arg2[%dma_start3A_9, %dma_start3A_10] : memref<16384x256xi32, #tpu.memory_space<hbm>> -> memref<16384x256xi32, #tpu.memory_space<hbm>>
    tpu.enqueue_indirect_dma source(%dma_start3A_11 : memref<16384x256xi32, #tpu.memory_space<hbm>>) target(%arg7 : memref<128x256xi32, #tpu.memory_space<vmem>>) offsets(%dma_start3A_8 : memref<128xi32, #tpu.memory_space<vmem>>) semaphore(%arg9 : memref<!tpu.dma_semaphore, #tpu.memory_space<semaphore_mem>>)
    %dma_wait3A = arith.constant 0 : i32
    %dma_wait3A_12 = tpu.memref_slice %arg5[%dma_wait3A] : memref<4096xi32, #tpu.memory_space<vmem>> -> memref<128xi32, #tpu.memory_space<vmem>>
    %dma_wait3A_13 = arith.constant 0 : i32
    %dma_wait3A_14 = arith.constant 0 : i32
    %dma_wait3A_15 = tpu.memref_slice %arg2[%dma_wait3A_13, %dma_wait3A_14] : memref<16384x256xi32, #tpu.memory_space<hbm>> -> memref<16384x256xi32, #tpu.memory_space<hbm>>
    tpu.wait_indirect_dma semaphore(%arg8 : memref<!tpu.dma_semaphore, #tpu.memory_space<semaphore_mem>>) src(%dma_wait3A_15 : memref<16384x256xi32, #tpu.memory_space<hbm>>) dst(%arg6 : memref<128x256xi32, #tpu.memory_space<vmem>>)
    %add3A_16 = arith.constant 0 : i32
    %add3A_17 = arith.addi %mul3A_2, %add3A_16 : i32
    %dma_start3A_18 = arith.constant 0 : i32
    %dma_start3A_19 = tpu.memref_slice %arg4[%add3A_17, %dma_start3A_18] : memref<131072x256xi32, #tpu.memory_space<hbm>> -> memref<128x256xi32, #tpu.memory_space<hbm>>
    %dma_start3A_20 = arith.constant 0 : i32
    %dma_start3A_21 = tpu.memref_slice %arg4[%add3A_17, %dma_start3A_20] : memref<131072x256xi32, #tpu.memory_space<hbm>> -> memref<128x256xi32, #tpu.memory_space<hbm>>
    tpu.enqueue_dma source(%arg6 : memref<128x256xi32, #tpu.memory_space<vmem>>) target(%dma_start3A_21 : memref<128x256xi32, #tpu.memory_space<hbm>>) target_semaphore(%arg10 : memref<!tpu.dma_semaphore, #tpu.memory_space<semaphore_mem>>)
    %dma_wait3A_22 = arith.constant 0 : i32
    %dma_wait3A_23 = tpu.memref_slice %arg4[%add3A_17, %dma_wait3A_22] : memref<131072x256xi32, #tpu.memory_space<hbm>> -> memref<128x256xi32, #tpu.memory_space<hbm>>
    %dma_wait3A_24 = arith.constant 0 : i32
    %dma_wait3A_25 = tpu.memref_slice %arg4[%add3A_17, %dma_wait3A_24] : memref<131072x256xi32, #tpu.memory_space<hbm>> -> memref<128x256xi32, #tpu.memory_space<hbm>>
    tpu.wait_dma2 semaphore(%arg10 : memref<!tpu.dma_semaphore, #tpu.memory_space<semaphore_mem>>) src(%arg6 : memref<128x256xi32, #tpu.memory_space<vmem>>) dst(%dma_wait3A_25 : memref<128x256xi32, #tpu.memory_space<hbm>>)
    %dma_start3A_26 = arith.constant 256 : i32
    %dma_start3A_27 = tpu.memref_slice %arg5[%dma_start3A_26] : memref<4096xi32, #tpu.memory_space<vmem>> -> memref<128xi32, #tpu.memory_space<vmem>>
    %dma_start3A_28 = arith.constant 0 : i32
    %dma_start3A_29 = arith.constant 0 : i32
    %dma_start3A_30 = tpu.memref_slice %arg2[%dma_start3A_28, %dma_start3A_29] : memref<16384x256xi32, #tpu.memory_space<hbm>> -> memref<16384x256xi32, #tpu.memory_space<hbm>>
    tpu.enqueue_indirect_dma source(%dma_start3A_30 : memref<16384x256xi32, #tpu.memory_space<hbm>>) target(%arg6 : memref<128x256xi32, #tpu.memory_space<vmem>>) offsets(%dma_start3A_27 : memref<128xi32, #tpu.memory_space<vmem>>) semaphore(%arg8 : memref<!tpu.dma_semaphore, #tpu.memory_space<semaphore_mem>>)
    %dma_wait3A_31 = arith.constant 128 : i32
    %dma_wait3A_32 = tpu.memref_slice %arg5[%dma_wait3A_31] : memref<4096xi32, #tpu.memory_space<vmem>> -> memref<128xi32, #tpu.memory_space<vmem>>
    %dma_wait3A_33 = arith.constant 0 : i32
    %dma_wait3A_34 = arith.constant 0 : i32
    %dma_wait3A_35 = tpu.memref_slice %arg2[%dma_wait3A_33, %dma_wait3A_34] : memref<16384x256xi32, #tpu.memory_space<hbm>> -> memref<16384x256xi32, #tpu.memory_space<hbm>>
    tpu.wait_indirect_dma semaphore(%arg9 : memref<!tpu.dma_semaphore, #tpu.memory_space<semaphore_mem>>) src(%dma_wait3A_35 : memref<16384x256xi32, #tpu.memory_space<hbm>>) dst(%arg7 : memref<128x256xi32, #tpu.memory_space<vmem>>)
    %add3A_36 = arith.constant 128 : i32
    %add3A_37 = arith.addi %mul3A_2, %add3A_36 : i32
    %dma_start3A_38 = arith.constant 0 : i32
    %dma_start3A_39 = tpu.memref_slice %arg4[%add3A_37, %dma_start3A_38] : memref<131072x256xi32, #tpu.memory_space<hbm>> -> memref<128x256xi32, #tpu.memory_space<hbm>>
    %dma_start3A_40 = arith.constant 0 : i32
    %dma_start3A_41 = tpu.memref_slice %arg4[%add3A_37, %dma_start3A_40] : memref<131072x256xi32, #tpu.memory_space<hbm>> -> memref<128x256xi32, #tpu.memory_space<hbm>>
    tpu.enqueue_dma source(%arg7 : memref<128x256xi32, #tpu.memory_space<vmem>>) target(%dma_start3A_41 : memref<128x256xi32, #tpu.memory_space<hbm>>) target_semaphore(%arg11 : memref<!tpu.dma_semaphore, #tpu.memory_space<semaphore_mem>>)
    %dma_wait3A_42 = arith.constant 0 : i32
    %dma_wait3A_43 = tpu.memref_slice %arg4[%add3A_37, %dma_wait3A_42] : memref<131072x256xi32, #tpu.memory_space<hbm>> -> memref<128x256xi32, #tpu.memory_space<hbm>>
    %dma_wait3A_44 = arith.constant 0 : i32
    %dma_wait3A_45 = tpu.memref_slice %arg4[%add3A_37, %dma_wait3A_44] : memref<131072x256xi32, #tpu.memory_space<hbm>> -> memref<128x256xi32, #tpu.memory_space<hbm>>
    tpu.wait_dma2 semaphore(%arg11 : memref<!tpu.dma_semaphore, #tpu.memory_space<semaphore_mem>>) src(%arg7 : memref<128x256xi32, #tpu.memory_space<vmem>>) dst(%dma_wait3A_45 : memref<128x256xi32, #tpu.memory_space<hbm>>)
    %dma_start3A_46 = arith.constant 384 : i32
    %dma_start3A_47 = tpu.memref_slice %arg5[%dma_start3A_46] : memref<4096xi32, #tpu.memory_space<vmem>> -> memref<128xi32, #tpu.memory_space<vmem>>
    %dma_start3A_48 = arith.constant 0 : i32
    %dma_start3A_49 = arith.constant 0 : i32
    %dma_start3A_50 = tpu.memref_slice %arg2[%dma_start3A_48, %dma_start3A_49] : memref<16384x256xi32, #tpu.memory_space<hbm>> -> memref<16384x256xi32, #tpu.memory_space<hbm>>
    tpu.enqueue_indirect_dma source(%dma_start3A_50 : memref<16384x256xi32, #tpu.memory_space<hbm>>) target(%arg7 : memref<128x256xi32, #tpu.memory_space<vmem>>) offsets(%dma_start3A_47 : memref<128xi32, #tpu.memory_space<vmem>>) semaphore(%arg9 : memref<!tpu.dma_semaphore, #tpu.memory_space<semaphore_mem>>)
    %dma_wait3A_51 = arith.constant 256 : i32
    %dma_wait3A_52 = tpu.memref_slice %arg5[%dma_wait3A_51] : memref<4096xi32, #tpu.memory_space<vmem>> -> memref<128xi32, #tpu.memory_space<vmem>>
    %dma_wait3A_53 = arith.constant 0 : i32
    %dma_wait3A_54 = arith.constant 0 : i32
    %dma_wait3A_55 = tpu.memref_slice %arg2[%dma_wait3A_53, %dma_wait3A_54] : memref<16384x256xi32, #tpu.memory_space<hbm>> -> memref<16384x256xi32, #tpu.memory_space<hbm>>
    tpu.wait_indirect_dma semaphore(%arg8 : memref<!tpu.dma_semaphore, #tpu.memory_space<semaphore_mem>>) src(%dma_wait3A_55 : memref<16384x256xi32, #tpu.memory_space<hbm>>) dst(%arg6 : memref<128x256xi32, #tpu.memory_space<vmem>>)
    %add3A_56 = arith.constant 256 : i32
    %add3A_57 = arith.addi %mul3A_2, %add3A_56 : i32
    %dma_start3A_58 = arith.constant 0 : i32
    %dma_start3A_59 = tpu.memref_slice %arg4[%add3A_57, %dma_start3A_58] : memref<131072x256xi32, #tpu.memory_space<hbm>> -> memref<128x256xi32, #tpu.memory_space<hbm>>
    %dma_start3A_60 = arith.constant 0 : i32
    %dma_start3A_61 = tpu.memref_slice %arg4[%add3A_57, %dma_start3A_60] : memref<131072x256xi32, #tpu.memory_space<hbm>> -> memref<128x256xi32, #tpu.memory_space<hbm>>
    tpu.enqueue_dma source(%arg6 : memref<128x256xi32, #tpu.memory_space<vmem>>) target(%dma_start3A_61 : memref<128x256xi32, #tpu.memory_space<hbm>>) target_semaphore(%arg10 : memref<!tpu.dma_semaphore, #tpu.memory_space<semaphore_mem>>)
    %dma_wait3A_62 = arith.constant 0 : i32
    %dma_wait3A_63 = tpu.memref_slice %arg4[%add3A_57, %dma_wait3A_62] : memref<131072x256xi32, #tpu.memory_space<hbm>> -> memref<128x256xi32, #tpu.memory_space<hbm>>
    %dma_wait3A_64 = arith.constant 0 : i32
    %dma_wait3A_65 = tpu.memref_slice %arg4[%add3A_57, %dma_wait3A_64] : memref<131072x256xi32, #tpu.memory_space<hbm>> -> memref<128x256xi32, #tpu.memory_space<hbm>>
    tpu.wait_dma2 semaphore(%arg10 : memref<!tpu.dma_semaphore, #tpu.memory_space<semaphore_mem>>) src(%arg6 : memref<128x256xi32, #tpu.memory_space<vmem>>) dst(%dma_wait3A_65 : memref<128x256xi32, #tpu.memory_space<hbm>>)
    %dma_start3A_66 = arith.constant 512 : i32
    %dma_start3A_67 = tpu.memref_slice %arg5[%dma_start3A_66] : memref<4096xi32, #tpu.memory_space<vmem>> -> memref<128xi32, #tpu.memory_space<vmem>>
    %dma_start3A_68 = arith.constant 0 : i32
    %dma_start3A_69 = arith.constant 0 : i32
    %dma_start3A_70 = tpu.memref_slice %arg2[%dma_start3A_68, %dma_start3A_69] : memref<16384x256xi32, #tpu.memory_space<hbm>> -> memref<16384x256xi32, #tpu.memory_space<hbm>>
    tpu.enqueue_indirect_dma source(%dma_start3A_70 : memref<16384x256xi32, #tpu.memory_space<hbm>>) target(%arg6 : memref<128x256xi32, #tpu.memory_space<vmem>>) offsets(%dma_start3A_67 : memref<128xi32, #tpu.memory_space<vmem>>) semaphore(%arg8 : memref<!tpu.dma_semaphore, #tpu.memory_space<semaphore_mem>>)
    %dma_wait3A_71 = arith.constant 384 : i32
    %dma_wait3A_72 = tpu.memref_slice %arg5[%dma_wait3A_71] : memref<4096xi32, #tpu.memory_space<vmem>> -> memref<128xi32, #tpu.memory_space<vmem>>
    %dma_wait3A_73 = arith.constant 0 : i32
    %dma_wait3A_74 = arith.constant 0 : i32
    %dma_wait3A_75 = tpu.memref_slice %arg2[%dma_wait3A_73, %dma_wait3A_74] : memref<16384x256xi32, #tpu.memory_space<hbm>> -> memref<16384x256xi32, #tpu.memory_space<hbm>>
    tpu.wait_indirect_dma semaphore(%arg9 : memref<!tpu.dma_semaphore, #tpu.memory_space<semaphore_mem>>) src(%dma_wait3A_75 : memref<16384x256xi32, #tpu.memory_space<hbm>>) dst(%arg7 : memref<128x256xi32, #tpu.memory_space<vmem>>)
    %add3A_76 = arith.constant 384 : i32
    %add3A_77 = arith.addi %mul3A_2, %add3A_76 : i32
    %dma_start3A_78 = arith.constant 0 : i32
    %dma_start3A_79 = tpu.memref_slice %arg4[%add3A_77, %dma_start3A_78] : memref<131072x256xi32, #tpu.memory_space<hbm>> -> memref<128x256xi32, #tpu.memory_space<hbm>>
    %dma_start3A_80 = arith.constant 0 : i32
    %dma_start3A_81 = tpu.memref_slice %arg4[%add3A_77, %dma_start3A_80] : memref<131072x256xi32, #tpu.memory_space<hbm>> -> memref<128x256xi32, #tpu.memory_space<hbm>>
    tpu.enqueue_dma source(%arg7 : memref<128x256xi32, #tpu.memory_space<vmem>>) target(%dma_start3A_81 : memref<128x256xi32, #tpu.memory_space<hbm>>) target_semaphore(%arg11 : memref<!tpu.dma_semaphore, #tpu.memory_space<semaphore_mem>>)
    %dma_wait3A_82 = arith.constant 0 : i32
    %dma_wait3A_83 = tpu.memref_slice %arg4[%add3A_77, %dma_wait3A_82] : memref<131072x256xi32, #tpu.memory_space<hbm>> -> memref<128x256xi32, #tpu.memory_space<hbm>>
    %dma_wait3A_84 = arith.constant 0 : i32
    %dma_wait3A_85 = tpu.memref_slice %arg4[%add3A_77, %dma_wait3A_84] : memref<131072x256xi32, #tpu.memory_space<hbm>> -> memref<128x256xi32, #tpu.memory_space<hbm>>
    tpu.wait_dma2 semaphore(%arg11 : memref<!tpu.dma_semaphore, #tpu.memory_space<semaphore_mem>>) src(%arg7 : memref<128x256xi32, #tpu.memory_space<vmem>>) dst(%dma_wait3A_85 : memref<128x256xi32, #tpu.memory_space<hbm>>)
    %dma_start3A_86 = arith.constant 640 : i32
    %dma_start3A_87 = tpu.memref_slice %arg5[%dma_start3A_86] : memref<4096xi32, #tpu.memory_space<vmem>> -> memref<128xi32, #tpu.memory_space<vmem>>
    %dma_start3A_88 = arith.constant 0 : i32
    %dma_start3A_89 = arith.constant 0 : i32
    %dma_start3A_90 = tpu.memref_slice %arg2[%dma_start3A_88, %dma_start3A_89] : memref<16384x256xi32, #tpu.memory_space<hbm>> -> memref<16384x256xi32, #tpu.memory_space<hbm>>
    tpu.enqueue_indirect_dma source(%dma_start3A_90 : memref<16384x256xi32, #tpu.memory_space<hbm>>) target(%arg7 : memref<128x256xi32, #tpu.memory_space<vmem>>) offsets(%dma_start3A_87 : memref<128xi32, #tpu.memory_space<vmem>>) semaphore(%arg9 : memref<!tpu.dma_semaphore, #tpu.memory_space<semaphore_mem>>)
    %dma_wait3A_91 = arith.constant 512 : i32
    %dma_wait3A_92 = tpu.memref_slice %arg5[%dma_wait3A_91] : memref<4096xi32, #tpu.memory_space<vmem>> -> memref<128xi32, #tpu.memory_space<vmem>>
    %dma_wait3A_93 = arith.constant 0 : i32
    %dma_wait3A_94 = arith.constant 0 : i32
    %dma_wait3A_95 = tpu.memref_slice %arg2[%dma_wait3A_93, %dma_wait3A_94] : memref<16384x256xi32, #tpu.memory_space<hbm>> -> memref<16384x256xi32, #tpu.memory_space<hbm>>
    tpu.wait_indirect_dma semaphore(%arg8 : memref<!tpu.dma_semaphore, #tpu.memory_space<semaphore_mem>>) src(%dma_wait3A_95 : memref<16384x256xi32, #tpu.memory_space<hbm>>) dst(%arg6 : memref<128x256xi32, #tpu.memory_space<vmem>>)
    %add3A_96 = arith.constant 512 : i32
    %add3A_97 = arith.addi %mul3A_2, %add3A_96 : i32
    %dma_start3A_98 = arith.constant 0 : i32
    %dma_start3A_99 = tpu.memref_slice %arg4[%add3A_97, %dma_start3A_98] : memref<131072x256xi32, #tpu.memory_space<hbm>> -> memref<128x256xi32, #tpu.memory_space<hbm>>
    %dma_start3A_100 = arith.constant 0 : i32
    %dma_start3A_101 = tpu.memref_slice %arg4[%add3A_97, %dma_start3A_100] : memref<131072x256xi32, #tpu.memory_space<hbm>> -> memref<128x256xi32, #tpu.memory_space<hbm>>
    tpu.enqueue_dma source(%arg6 : memref<128x256xi32, #tpu.memory_space<vmem>>) target(%dma_start3A_101 : memref<128x256xi32, #tpu.memory_space<hbm>>) target_semaphore(%arg10 : memref<!tpu.dma_semaphore, #tpu.memory_space<semaphore_mem>>)
    %dma_wait3A_102 = arith.constant 0 : i32
    %dma_wait3A_103 = tpu.memref_slice %arg4[%add3A_97, %dma_wait3A_102] : memref<131072x256xi32, #tpu.memory_space<hbm>> -> memref<128x256xi32, #tpu.memory_space<hbm>>
    %dma_wait3A_104 = arith.constant 0 : i32
    %dma_wait3A_105 = tpu.memref_slice %arg4[%add3A_97, %dma_wait3A_104] : memref<131072x256xi32, #tpu.memory_space<hbm>> -> memref<128x256xi32, #tpu.memory_space<hbm>>
    tpu.wait_dma2 semaphore(%arg10 : memref<!tpu.dma_semaphore, #tpu.memory_space<semaphore_mem>>) src(%arg6 : memref<128x256xi32, #tpu.memory_space<vmem>>) dst(%dma_wait3A_105 : memref<128x256xi32, #tpu.memory_space<hbm>>)
    %dma_start3A_106 = arith.constant 768 : i32
    %dma_start3A_107 = tpu.memref_slice %arg5[%dma_start3A_106] : memref<4096xi32, #tpu.memory_space<vmem>> -> memref<128xi32, #tpu.memory_space<vmem>>
    %dma_start3A_108 = arith.constant 0 : i32
    %dma_start3A_109 = arith.constant 0 : i32
    %dma_start3A_110 = tpu.memref_slice %arg2[%dma_start3A_108, %dma_start3A_109] : memref<16384x256xi32, #tpu.memory_space<hbm>> -> memref<16384x256xi32, #tpu.memory_space<hbm>>
    tpu.enqueue_indirect_dma source(%dma_start3A_110 : memref<16384x256xi32, #tpu.memory_space<hbm>>) target(%arg6 : memref<128x256xi32, #tpu.memory_space<vmem>>) offsets(%dma_start3A_107 : memref<128xi32, #tpu.memory_space<vmem>>) semaphore(%arg8 : memref<!tpu.dma_semaphore, #tpu.memory_space<semaphore_mem>>)
    %dma_wait3A_111 = arith.constant 640 : i32
    %dma_wait3A_112 = tpu.memref_slice %arg5[%dma_wait3A_111] : memref<4096xi32, #tpu.memory_space<vmem>> -> memref<128xi32, #tpu.memory_space<vmem>>
    %dma_wait3A_113 = arith.constant 0 : i32
    %dma_wait3A_114 = arith.constant 0 : i32
    %dma_wait3A_115 = tpu.memref_slice %arg2[%dma_wait3A_113, %dma_wait3A_114] : memref<16384x256xi32, #tpu.memory_space<hbm>> -> memref<16384x256xi32, #tpu.memory_space<hbm>>
    tpu.wait_indirect_dma semaphore(%arg9 : memref<!tpu.dma_semaphore, #tpu.memory_space<semaphore_mem>>) src(%dma_wait3A_115 : memref<16384x256xi32, #tpu.memory_space<hbm>>) dst(%arg7 : memref<128x256xi32, #tpu.memory_space<vmem>>)
    %add3A_116 = arith.constant 640 : i32
    %add3A_117 = arith.addi %mul3A_2, %add3A_116 : i32
    %dma_start3A_118 = arith.constant 0 : i32
    %dma_start3A_119 = tpu.memref_slice %arg4[%add3A_117, %dma_start3A_118] : memref<131072x256xi32, #tpu.memory_space<hbm>> -> memref<128x256xi32, #tpu.memory_space<hbm>>
    %dma_start3A_120 = arith.constant 0 : i32
    %dma_start3A_121 = tpu.memref_slice %arg4[%add3A_117, %dma_start3A_120] : memref<131072x256xi32, #tpu.memory_space<hbm>> -> memref<128x256xi32, #tpu.memory_space<hbm>>
    tpu.enqueue_dma source(%arg7 : memref<128x256xi32, #tpu.memory_space<vmem>>) target(%dma_start3A_121 : memref<128x256xi32, #tpu.memory_space<hbm>>) target_semaphore(%arg11 : memref<!tpu.dma_semaphore, #tpu.memory_space<semaphore_mem>>)
    %dma_wait3A_122 = arith.constant 0 : i32
    %dma_wait3A_123 = tpu.memref_slice %arg4[%add3A_117, %dma_wait3A_122] : memref<131072x256xi32, #tpu.memory_space<hbm>> -> memref<128x256xi32, #tpu.memory_space<hbm>>
    %dma_wait3A_124 = arith.constant 0 : i32
    %dma_wait3A_125 = tpu.memref_slice %arg4[%add3A_117, %dma_wait3A_124] : memref<131072x256xi32, #tpu.memory_space<hbm>> -> memref<128x256xi32, #tpu.memory_space<hbm>>
    tpu.wait_dma2 semaphore(%arg11 : memref<!tpu.dma_semaphore, #tpu.memory_space<semaphore_mem>>) src(%arg7 : memref<128x256xi32, #tpu.memory_space<vmem>>) dst(%dma_wait3A_125 : memref<128x256xi32, #tpu.memory_space<hbm>>)
    %dma_start3A_126 = arith.constant 896 : i32
    %dma_start3A_127 = tpu.memref_slice %arg5[%dma_start3A_126] : memref<4096xi32, #tpu.memory_space<vmem>> -> memref<128xi32, #tpu.memory_space<vmem>>
    %dma_start3A_128 = arith.constant 0 : i32
    %dma_start3A_129 = arith.constant 0 : i32
    %dma_start3A_130 = tpu.memref_slice %arg2[%dma_start3A_128, %dma_start3A_129] : memref<16384x256xi32, #tpu.memory_space<hbm>> -> memref<16384x256xi32, #tpu.memory_space<hbm>>
    tpu.enqueue_indirect_dma source(%dma_start3A_130 : memref<16384x256xi32, #tpu.memory_space<hbm>>) target(%arg7 : memref<128x256xi32, #tpu.memory_space<vmem>>) offsets(%dma_start3A_127 : memref<128xi32, #tpu.memory_space<vmem>>) semaphore(%arg9 : memref<!tpu.dma_semaphore, #tpu.memory_space<semaphore_mem>>)
    %dma_wait3A_131 = arith.constant 768 : i32
    %dma_wait3A_132 = tpu.memref_slice %arg5[%dma_wait3A_131] : memref<4096xi32, #tpu.memory_space<vmem>> -> memref<128xi32, #tpu.memory_space<vmem>>
    %dma_wait3A_133 = arith.constant 0 : i32
    %dma_wait3A_134 = arith.constant 0 : i32
    %dma_wait3A_135 = tpu.memref_slice %arg2[%dma_wait3A_133, %dma_wait3A_134] : memref<16384x256xi32, #tpu.memory_space<hbm>> -> memref<16384x256xi32, #tpu.memory_space<hbm>>
    tpu.wait_indirect_dma semaphore(%arg8 : memref<!tpu.dma_semaphore, #tpu.memory_space<semaphore_mem>>) src(%dma_wait3A_135 : memref<16384x256xi32, #tpu.memory_space<hbm>>) dst(%arg6 : memref<128x256xi32, #tpu.memory_space<vmem>>)
    %add3A_136 = arith.constant 768 : i32
    %add3A_137 = arith.addi %mul3A_2, %add3A_136 : i32
    %dma_start3A_138 = arith.constant 0 : i32
    %dma_start3A_139 = tpu.memref_slice %arg4[%add3A_137, %dma_start3A_138] : memref<131072x256xi32, #tpu.memory_space<hbm>> -> memref<128x256xi32, #tpu.memory_space<hbm>>
    %dma_start3A_140 = arith.constant 0 : i32
    %dma_start3A_141 = tpu.memref_slice %arg4[%add3A_137, %dma_start3A_140] : memref<131072x256xi32, #tpu.memory_space<hbm>> -> memref<128x256xi32, #tpu.memory_space<hbm>>
    tpu.enqueue_dma source(%arg6 : memref<128x256xi32, #tpu.memory_space<vmem>>) target(%dma_start3A_141 : memref<128x256xi32, #tpu.memory_space<hbm>>) target_semaphore(%arg10 : memref<!tpu.dma_semaphore, #tpu.memory_space<semaphore_mem>>)
    %dma_wait3A_142 = arith.constant 0 : i32
    %dma_wait3A_143 = tpu.memref_slice %arg4[%add3A_137, %dma_wait3A_142] : memref<131072x256xi32, #tpu.memory_space<hbm>> -> memref<128x256xi32, #tpu.memory_space<hbm>>
    %dma_wait3A_144 = arith.constant 0 : i32
    %dma_wait3A_145 = tpu.memref_slice %arg4[%add3A_137, %dma_wait3A_144] : memref<131072x256xi32, #tpu.memory_space<hbm>> -> memref<128x256xi32, #tpu.memory_space<hbm>>
    tpu.wait_dma2 semaphore(%arg10 : memref<!tpu.dma_semaphore, #tpu.memory_space<semaphore_mem>>) src(%arg6 : memref<128x256xi32, #tpu.memory_space<vmem>>) dst(%dma_wait3A_145 : memref<128x256xi32, #tpu.memory_space<hbm>>)
    %dma_start3A_146 = arith.constant 1024 : i32
    %dma_start3A_147 = tpu.memref_slice %arg5[%dma_start3A_146] : memref<4096xi32, #tpu.memory_space<vmem>> -> memref<128xi32, #tpu.memory_space<vmem>>
    %dma_start3A_148 = arith.constant 0 : i32
    %dma_start3A_149 = arith.constant 0 : i32
    %dma_start3A_150 = tpu.memref_slice %arg2[%dma_start3A_148, %dma_start3A_149] : memref<16384x256xi32, #tpu.memory_space<hbm>> -> memref<16384x256xi32, #tpu.memory_space<hbm>>
    tpu.enqueue_indirect_dma source(%dma_start3A_150 : memref<16384x256xi32, #tpu.memory_space<hbm>>) target(%arg6 : memref<128x256xi32, #tpu.memory_space<vmem>>) offsets(%dma_start3A_147 : memref<128xi32, #tpu.memory_space<vmem>>) semaphore(%arg8 : memref<!tpu.dma_semaphore, #tpu.memory_space<semaphore_mem>>)
    %dma_wait3A_151 = arith.constant 896 : i32
    %dma_wait3A_152 = tpu.memref_slice %arg5[%dma_wait3A_151] : memref<4096xi32, #tpu.memory_space<vmem>> -> memref<128xi32, #tpu.memory_space<vmem>>
    %dma_wait3A_153 = arith.constant 0 : i32
    %dma_wait3A_154 = arith.constant 0 : i32
    %dma_wait3A_155 = tpu.memref_slice %arg2[%dma_wait3A_153, %dma_wait3A_154] : memref<16384x256xi32, #tpu.memory_space<hbm>> -> memref<16384x256xi32, #tpu.memory_space<hbm>>
    tpu.wait_indirect_dma semaphore(%arg9 : memref<!tpu.dma_semaphore, #tpu.memory_space<semaphore_mem>>) src(%dma_wait3A_155 : memref<16384x256xi32, #tpu.memory_space<hbm>>) dst(%arg7 : memref<128x256xi32, #tpu.memory_space<vmem>>)
    %add3A_156 = arith.constant 896 : i32
    %add3A_157 = arith.addi %mul3A_2, %add3A_156 : i32
    %dma_start3A_158 = arith.constant 0 : i32
    %dma_start3A_159 = tpu.memref_slice %arg4[%add3A_157, %dma_start3A_158] : memref<131072x256xi32, #tpu.memory_space<hbm>> -> memref<128x256xi32, #tpu.memory_space<hbm>>
    %dma_start3A_160 = arith.constant 0 : i32
    %dma_start3A_161 = tpu.memref_slice %arg4[%add3A_157, %dma_start3A_160] : memref<131072x256xi32, #tpu.memory_space<hbm>> -> memref<128x256xi32, #tpu.memory_space<hbm>>
    tpu.enqueue_dma source(%arg7 : memref<128x256xi32, #tpu.memory_space<vmem>>) target(%dma_start3A_161 : memref<128x256xi32, #tpu.memory_space<hbm>>) target_semaphore(%arg11 : memref<!tpu.dma_semaphore, #tpu.memory_space<semaphore_mem>>)
    %dma_wait3A_162 = arith.constant 0 : i32
    %dma_wait3A_163 = tpu.memref_slice %arg4[%add3A_157, %dma_wait3A_162] : memref<131072x256xi32, #tpu.memory_space<hbm>> -> memref<128x256xi32, #tpu.memory_space<hbm>>
    %dma_wait3A_164 = arith.constant 0 : i32
    %dma_wait3A_165 = tpu.memref_slice %arg4[%add3A_157, %dma_wait3A_164] : memref<131072x256xi32, #tpu.memory_space<hbm>> -> memref<128x256xi32, #tpu.memory_space<hbm>>
    tpu.wait_dma2 semaphore(%arg11 : memref<!tpu.dma_semaphore, #tpu.memory_space<semaphore_mem>>) src(%arg7 : memref<128x256xi32, #tpu.memory_space<vmem>>) dst(%dma_wait3A_165 : memref<128x256xi32, #tpu.memory_space<hbm>>)
    %dma_start3A_166 = arith.constant 1152 : i32
    %dma_start3A_167 = tpu.memref_slice %arg5[%dma_start3A_166] : memref<4096xi32, #tpu.memory_space<vmem>> -> memref<128xi32, #tpu.memory_space<vmem>>
    %dma_start3A_168 = arith.constant 0 : i32
    %dma_start3A_169 = arith.constant 0 : i32
    %dma_start3A_170 = tpu.memref_slice %arg2[%dma_start3A_168, %dma_start3A_169] : memref<16384x256xi32, #tpu.memory_space<hbm>> -> memref<16384x256xi32, #tpu.memory_space<hbm>>
    tpu.enqueue_indirect_dma source(%dma_start3A_170 : memref<16384x256xi32, #tpu.memory_space<hbm>>) target(%arg7 : memref<128x256xi32, #tpu.memory_space<vmem>>) offsets(%dma_start3A_167 : memref<128xi32, #tpu.memory_space<vmem>>) semaphore(%arg9 : memref<!tpu.dma_semaphore, #tpu.memory_space<semaphore_mem>>)
    %dma_wait3A_171 = arith.constant 1024 : i32
    %dma_wait3A_172 = tpu.memref_slice %arg5[%dma_wait3A_171] : memref<4096xi32, #tpu.memory_space<vmem>> -> memref<128xi32, #tpu.memory_space<vmem>>
    %dma_wait3A_173 = arith.constant 0 : i32
    %dma_wait3A_174 = arith.constant 0 : i32
    %dma_wait3A_175 = tpu.memref_slice %arg2[%dma_wait3A_173, %dma_wait3A_174] : memref<16384x256xi32, #tpu.memory_space<hbm>> -> memref<16384x256xi32, #tpu.memory_space<hbm>>
    tpu.wait_indirect_dma semaphore(%arg8 : memref<!tpu.dma_semaphore, #tpu.memory_space<semaphore_mem>>) src(%dma_wait3A_175 : memref<16384x256xi32, #tpu.memory_space<hbm>>) dst(%arg6 : memref<128x256xi32, #tpu.memory_space<vmem>>)
    %add3A_176 = arith.constant 1024 : i32
    %add3A_177 = arith.addi %mul3A_2, %add3A_176 : i32
    %dma_start3A_178 = arith.constant 0 : i32
    %dma_start3A_179 = tpu.memref_slice %arg4[%add3A_177, %dma_start3A_178] : memref<131072x256xi32, #tpu.memory_space<hbm>> -> memref<128x256xi32, #tpu.memory_space<hbm>>
    %dma_start3A_180 = arith.constant 0 : i32
    %dma_start3A_181 = tpu.memref_slice %arg4[%add3A_177, %dma_start3A_180] : memref<131072x256xi32, #tpu.memory_space<hbm>> -> memref<128x256xi32, #tpu.memory_space<hbm>>
    tpu.enqueue_dma source(%arg6 : memref<128x256xi32, #tpu.memory_space<vmem>>) target(%dma_start3A_181 : memref<128x256xi32, #tpu.memory_space<hbm>>) target_semaphore(%arg10 : memref<!tpu.dma_semaphore, #tpu.memory_space<semaphore_mem>>)
    %dma_wait3A_182 = arith.constant 0 : i32
    %dma_wait3A_183 = tpu.memref_slice %arg4[%add3A_177, %dma_wait3A_182] : memref<131072x256xi32, #tpu.memory_space<hbm>> -> memref<128x256xi32, #tpu.memory_space<hbm>>
    %dma_wait3A_184 = arith.constant 0 : i32
    %dma_wait3A_185 = tpu.memref_slice %arg4[%add3A_177, %dma_wait3A_184] : memref<131072x256xi32, #tpu.memory_space<hbm>> -> memref<128x256xi32, #tpu.memory_space<hbm>>
    tpu.wait_dma2 semaphore(%arg10 : memref<!tpu.dma_semaphore, #tpu.memory_space<semaphore_mem>>) src(%arg6 : memref<128x256xi32, #tpu.memory_space<vmem>>) dst(%dma_wait3A_185 : memref<128x256xi32, #tpu.memory_space<hbm>>)
    %dma_start3A_186 = arith.constant 1280 : i32
    %dma_start3A_187 = tpu.memref_slice %arg5[%dma_start3A_186] : memref<4096xi32, #tpu.memory_space<vmem>> -> memref<128xi32, #tpu.memory_space<vmem>>
    %dma_start3A_188 = arith.constant 0 : i32
    %dma_start3A_189 = arith.constant 0 : i32
    %dma_start3A_190 = tpu.memref_slice %arg2[%dma_start3A_188, %dma_start3A_189] : memref<16384x256xi32, #tpu.memory_space<hbm>> -> memref<16384x256xi32, #tpu.memory_space<hbm>>
    tpu.enqueue_indirect_dma source(%dma_start3A_190 : memref<16384x256xi32, #tpu.memory_space<hbm>>) target(%arg6 : memref<128x256xi32, #tpu.memory_space<vmem>>) offsets(%dma_start3A_187 : memref<128xi32, #tpu.memory_space<vmem>>) semaphore(%arg8 : memref<!tpu.dma_semaphore, #tpu.memory_space<semaphore_mem>>)
    %dma_wait3A_191 = arith.constant 1152 : i32
    %dma_wait3A_192 = tpu.memref_slice %arg5[%dma_wait3A_191] : memref<4096xi32, #tpu.memory_space<vmem>> -> memref<128xi32, #tpu.memory_space<vmem>>
    %dma_wait3A_193 = arith.constant 0 : i32
    %dma_wait3A_194 = arith.constant 0 : i32
    %dma_wait3A_195 = tpu.memref_slice %arg2[%dma_wait3A_193, %dma_wait3A_194] : memref<16384x256xi32, #tpu.memory_space<hbm>> -> memref<16384x256xi32, #tpu.memory_space<hbm>>
    tpu.wait_indirect_dma semaphore(%arg9 : memref<!tpu.dma_semaphore, #tpu.memory_space<semaphore_mem>>) src(%dma_wait3A_195 : memref<16384x256xi32, #tpu.memory_space<hbm>>) dst(%arg7 : memref<128x256xi32, #tpu.memory_space<vmem>>)
    %add3A_196 = arith.constant 1152 : i32
    %add3A_197 = arith.addi %mul3A_2, %add3A_196 : i32
    %dma_start3A_198 = arith.constant 0 : i32
    %dma_start3A_199 = tpu.memref_slice %arg4[%add3A_197, %dma_start3A_198] : memref<131072x256xi32, #tpu.memory_space<hbm>> -> memref<128x256xi32, #tpu.memory_space<hbm>>
    %dma_start3A_200 = arith.constant 0 : i32
    %dma_start3A_201 = tpu.memref_slice %arg4[%add3A_197, %dma_start3A_200] : memref<131072x256xi32, #tpu.memory_space<hbm>> -> memref<128x256xi32, #tpu.memory_space<hbm>>
    tpu.enqueue_dma source(%arg7 : memref<128x256xi32, #tpu.memory_space<vmem>>) target(%dma_start3A_201 : memref<128x256xi32, #tpu.memory_space<hbm>>) target_semaphore(%arg11 : memref<!tpu.dma_semaphore, #tpu.memory_space<semaphore_mem>>)
    %dma_wait3A_202 = arith.constant 0 : i32
    %dma_wait3A_203 = tpu.memref_slice %arg4[%add3A_197, %dma_wait3A_202] : memref<131072x256xi32, #tpu.memory_space<hbm>> -> memref<128x256xi32, #tpu.memory_space<hbm>>
    %dma_wait3A_204 = arith.constant 0 : i32
    %dma_wait3A_205 = tpu.memref_slice %arg4[%add3A_197, %dma_wait3A_204] : memref<131072x256xi32, #tpu.memory_space<hbm>> -> memref<128x256xi32, #tpu.memory_space<hbm>>
    tpu.wait_dma2 semaphore(%arg11 : memref<!tpu.dma_semaphore, #tpu.memory_space<semaphore_mem>>) src(%arg7 : memref<128x256xi32, #tpu.memory_space<vmem>>) dst(%dma_wait3A_205 : memref<128x256xi32, #tpu.memory_space<hbm>>)
    %dma_start3A_206 = arith.constant 1408 : i32
    %dma_start3A_207 = tpu.memref_slice %arg5[%dma_start3A_206] : memref<4096xi32, #tpu.memory_space<vmem>> -> memref<128xi32, #tpu.memory_space<vmem>>
    %dma_start3A_208 = arith.constant 0 : i32
    %dma_start3A_209 = arith.constant 0 : i32
    %dma_start3A_210 = tpu.memref_slice %arg2[%dma_start3A_208, %dma_start3A_209] : memref<16384x256xi32, #tpu.memory_space<hbm>> -> memref<16384x256xi32, #tpu.memory_space<hbm>>
    tpu.enqueue_indirect_dma source(%dma_start3A_210 : memref<16384x256xi32, #tpu.memory_space<hbm>>) target(%arg7 : memref<128x256xi32, #tpu.memory_space<vmem>>) offsets(%dma_start3A_207 : memref<128xi32, #tpu.memory_space<vmem>>) semaphore(%arg9 : memref<!tpu.dma_semaphore, #tpu.memory_space<semaphore_mem>>)
    %dma_wait3A_211 = arith.constant 1280 : i32
    %dma_wait3A_212 = tpu.memref_slice %arg5[%dma_wait3A_211] : memref<4096xi32, #tpu.memory_space<vmem>> -> memref<128xi32, #tpu.memory_space<vmem>>
    %dma_wait3A_213 = arith.constant 0 : i32
    %dma_wait3A_214 = arith.constant 0 : i32
    %dma_wait3A_215 = tpu.memref_slice %arg2[%dma_wait3A_213, %dma_wait3A_214] : memref<16384x256xi32, #tpu.memory_space<hbm>> -> memref<16384x256xi32, #tpu.memory_space<hbm>>
    tpu.wait_indirect_dma semaphore(%arg8 : memref<!tpu.dma_semaphore, #tpu.memory_space<semaphore_mem>>) src(%dma_wait3A_215 : memref<16384x256xi32, #tpu.memory_space<hbm>>) dst(%arg6 : memref<128x256xi32, #tpu.memory_space<vmem>>)
    %add3A_216 = arith.constant 1280 : i32
    %add3A_217 = arith.addi %mul3A_2, %add3A_216 : i32
    %dma_start3A_218 = arith.constant 0 : i32
    %dma_start3A_219 = tpu.memref_slice %arg4[%add3A_217, %dma_start3A_218] : memref<131072x256xi32, #tpu.memory_space<hbm>> -> memref<128x256xi32, #tpu.memory_space<hbm>>
    %dma_start3A_220 = arith.constant 0 : i32
    %dma_start3A_221 = tpu.memref_slice %arg4[%add3A_217, %dma_start3A_220] : memref<131072x256xi32, #tpu.memory_space<hbm>> -> memref<128x256xi32, #tpu.memory_space<hbm>>
    tpu.enqueue_dma source(%arg6 : memref<128x256xi32, #tpu.memory_space<vmem>>) target(%dma_start3A_221 : memref<128x256xi32, #tpu.memory_space<hbm>>) target_semaphore(%arg10 : memref<!tpu.dma_semaphore, #tpu.memory_space<semaphore_mem>>)
    %dma_wait3A_222 = arith.constant 0 : i32
    %dma_wait3A_223 = tpu.memref_slice %arg4[%add3A_217, %dma_wait3A_222] : memref<131072x256xi32, #tpu.memory_space<hbm>> -> memref<128x256xi32, #tpu.memory_space<hbm>>
    %dma_wait3A_224 = arith.constant 0 : i32
    %dma_wait3A_225 = tpu.memref_slice %arg4[%add3A_217, %dma_wait3A_224] : memref<131072x256xi32, #tpu.memory_space<hbm>> -> memref<128x256xi32, #tpu.memory_space<hbm>>
    tpu.wait_dma2 semaphore(%arg10 : memref<!tpu.dma_semaphore, #tpu.memory_space<semaphore_mem>>) src(%arg6 : memref<128x256xi32, #tpu.memory_space<vmem>>) dst(%dma_wait3A_225 : memref<128x256xi32, #tpu.memory_space<hbm>>)
    %dma_start3A_226 = arith.constant 1536 : i32
    %dma_start3A_227 = tpu.memref_slice %arg5[%dma_start3A_226] : memref<4096xi32, #tpu.memory_space<vmem>> -> memref<128xi32, #tpu.memory_space<vmem>>
    %dma_start3A_228 = arith.constant 0 : i32
    %dma_start3A_229 = arith.constant 0 : i32
    %dma_start3A_230 = tpu.memref_slice %arg2[%dma_start3A_228, %dma_start3A_229] : memref<16384x256xi32, #tpu.memory_space<hbm>> -> memref<16384x256xi32, #tpu.memory_space<hbm>>
    tpu.enqueue_indirect_dma source(%dma_start3A_230 : memref<16384x256xi32, #tpu.memory_space<hbm>>) target(%arg6 : memref<128x256xi32, #tpu.memory_space<vmem>>) offsets(%dma_start3A_227 : memref<128xi32, #tpu.memory_space<vmem>>) semaphore(%arg8 : memref<!tpu.dma_semaphore, #tpu.memory_space<semaphore_mem>>)
    %dma_wait3A_231 = arith.constant 1408 : i32
    %dma_wait3A_232 = tpu.memref_slice %arg5[%dma_wait3A_231] : memref<4096xi32, #tpu.memory_space<vmem>> -> memref<128xi32, #tpu.memory_space<vmem>>
    %dma_wait3A_233 = arith.constant 0 : i32
    %dma_wait3A_234 = arith.constant 0 : i32
    %dma_wait3A_235 = tpu.memref_slice %arg2[%dma_wait3A_233, %dma_wait3A_234] : memref<16384x256xi32, #tpu.memory_space<hbm>> -> memref<16384x256xi32, #tpu.memory_space<hbm>>
    tpu.wait_indirect_dma semaphore(%arg9 : memref<!tpu.dma_semaphore, #tpu.memory_space<semaphore_mem>>) src(%dma_wait3A_235 : memref<16384x256xi32, #tpu.memory_space<hbm>>) dst(%arg7 : memref<128x256xi32, #tpu.memory_space<vmem>>)
    %add3A_236 = arith.constant 1408 : i32
    %add3A_237 = arith.addi %mul3A_2, %add3A_236 : i32
    %dma_start3A_238 = arith.constant 0 : i32
    %dma_start3A_239 = tpu.memref_slice %arg4[%add3A_237, %dma_start3A_238] : memref<131072x256xi32, #tpu.memory_space<hbm>> -> memref<128x256xi32, #tpu.memory_space<hbm>>
    %dma_start3A_240 = arith.constant 0 : i32
    %dma_start3A_241 = tpu.memref_slice %arg4[%add3A_237, %dma_start3A_240] : memref<131072x256xi32, #tpu.memory_space<hbm>> -> memref<128x256xi32, #tpu.memory_space<hbm>>
    tpu.enqueue_dma source(%arg7 : memref<128x256xi32, #tpu.memory_space<vmem>>) target(%dma_start3A_241 : memref<128x256xi32, #tpu.memory_space<hbm>>) target_semaphore(%arg11 : memref<!tpu.dma_semaphore, #tpu.memory_space<semaphore_mem>>)
    %dma_wait3A_242 = arith.constant 0 : i32
    %dma_wait3A_243 = tpu.memref_slice %arg4[%add3A_237, %dma_wait3A_242] : memref<131072x256xi32, #tpu.memory_space<hbm>> -> memref<128x256xi32, #tpu.memory_space<hbm>>
    %dma_wait3A_244 = arith.constant 0 : i32
    %dma_wait3A_245 = tpu.memref_slice %arg4[%add3A_237, %dma_wait3A_244] : memref<131072x256xi32, #tpu.memory_space<hbm>> -> memref<128x256xi32, #tpu.memory_space<hbm>>
    tpu.wait_dma2 semaphore(%arg11 : memref<!tpu.dma_semaphore, #tpu.memory_space<semaphore_mem>>) src(%arg7 : memref<128x256xi32, #tpu.memory_space<vmem>>) dst(%dma_wait3A_245 : memref<128x256xi32, #tpu.memory_space<hbm>>)
    %dma_start3A_246 = arith.constant 1664 : i32
    %dma_start3A_247 = tpu.memref_slice %arg5[%dma_start3A_246] : memref<4096xi32, #tpu.memory_space<vmem>> -> memref<128xi32, #tpu.memory_space<vmem>>
    %dma_start3A_248 = arith.constant 0 : i32
    %dma_start3A_249 = arith.constant 0 : i32
    %dma_start3A_250 = tpu.memref_slice %arg2[%dma_start3A_248, %dma_start3A_249] : memref<16384x256xi32, #tpu.memory_space<hbm>> -> memref<16384x256xi32, #tpu.memory_space<hbm>>
    tpu.enqueue_indirect_dma source(%dma_start3A_250 : memref<16384x256xi32, #tpu.memory_space<hbm>>) target(%arg7 : memref<128x256xi32, #tpu.memory_space<vmem>>) offsets(%dma_start3A_247 : memref<128xi32, #tpu.memory_space<vmem>>) semaphore(%arg9 : memref<!tpu.dma_semaphore, #tpu.memory_space<semaphore_mem>>)
    %dma_wait3A_251 = arith.constant 1536 : i32
    %dma_wait3A_252 = tpu.memref_slice %arg5[%dma_wait3A_251] : memref<4096xi32, #tpu.memory_space<vmem>> -> memref<128xi32, #tpu.memory_space<vmem>>
    %dma_wait3A_253 = arith.constant 0 : i32
    %dma_wait3A_254 = arith.constant 0 : i32
    %dma_wait3A_255 = tpu.memref_slice %arg2[%dma_wait3A_253, %dma_wait3A_254] : memref<16384x256xi32, #tpu.memory_space<hbm>> -> memref<16384x256xi32, #tpu.memory_space<hbm>>
    tpu.wait_indirect_dma semaphore(%arg8 : memref<!tpu.dma_semaphore, #tpu.memory_space<semaphore_mem>>) src(%dma_wait3A_255 : memref<16384x256xi32, #tpu.memory_space<hbm>>) dst(%arg6 : memref<128x256xi32, #tpu.memory_space<vmem>>)
    %add3A_256 = arith.constant 1536 : i32
    %add3A_257 = arith.addi %mul3A_2, %add3A_256 : i32
    %dma_start3A_258 = arith.constant 0 : i32
    %dma_start3A_259 = tpu.memref_slice %arg4[%add3A_257, %dma_start3A_258] : memref<131072x256xi32, #tpu.memory_space<hbm>> -> memref<128x256xi32, #tpu.memory_space<hbm>>
    %dma_start3A_260 = arith.constant 0 : i32
    %dma_start3A_261 = tpu.memref_slice %arg4[%add3A_257, %dma_start3A_260] : memref<131072x256xi32, #tpu.memory_space<hbm>> -> memref<128x256xi32, #tpu.memory_space<hbm>>
    tpu.enqueue_dma source(%arg6 : memref<128x256xi32, #tpu.memory_space<vmem>>) target(%dma_start3A_261 : memref<128x256xi32, #tpu.memory_space<hbm>>) target_semaphore(%arg10 : memref<!tpu.dma_semaphore, #tpu.memory_space<semaphore_mem>>)
    %dma_wait3A_262 = arith.constant 0 : i32
    %dma_wait3A_263 = tpu.memref_slice %arg4[%add3A_257, %dma_wait3A_262] : memref<131072x256xi32, #tpu.memory_space<hbm>> -> memref<128x256xi32, #tpu.memory_space<hbm>>
    %dma_wait3A_264 = arith.constant 0 : i32
    %dma_wait3A_265 = tpu.memref_slice %arg4[%add3A_257, %dma_wait3A_264] : memref<131072x256xi32, #tpu.memory_space<hbm>> -> memref<128x256xi32, #tpu.memory_space<hbm>>
    tpu.wait_dma2 semaphore(%arg10 : memref<!tpu.dma_semaphore, #tpu.memory_space<semaphore_mem>>) src(%arg6 : memref<128x256xi32, #tpu.memory_space<vmem>>) dst(%dma_wait3A_265 : memref<128x256xi32, #tpu.memory_space<hbm>>)
    %dma_start3A_266 = arith.constant 1792 : i32
    %dma_start3A_267 = tpu.memref_slice %arg5[%dma_start3A_266] : memref<4096xi32, #tpu.memory_space<vmem>> -> memref<128xi32, #tpu.memory_space<vmem>>
    %dma_start3A_268 = arith.constant 0 : i32
    %dma_start3A_269 = arith.constant 0 : i32
    %dma_start3A_270 = tpu.memref_slice %arg2[%dma_start3A_268, %dma_start3A_269] : memref<16384x256xi32, #tpu.memory_space<hbm>> -> memref<16384x256xi32, #tpu.memory_space<hbm>>
    tpu.enqueue_indirect_dma source(%dma_start3A_270 : memref<16384x256xi32, #tpu.memory_space<hbm>>) target(%arg6 : memref<128x256xi32, #tpu.memory_space<vmem>>) offsets(%dma_start3A_267 : memref<128xi32, #tpu.memory_space<vmem>>) semaphore(%arg8 : memref<!tpu.dma_semaphore, #tpu.memory_space<semaphore_mem>>)
    %dma_wait3A_271 = arith.constant 1664 : i32
    %dma_wait3A_272 = tpu.memref_slice %arg5[%dma_wait3A_271] : memref<4096xi32, #tpu.memory_space<vmem>> -> memref<128xi32, #tpu.memory_space<vmem>>
    %dma_wait3A_273 = arith.constant 0 : i32
    %dma_wait3A_274 = arith.constant 0 : i32
    %dma_wait3A_275 = tpu.memref_slice %arg2[%dma_wait3A_273, %dma_wait3A_274] : memref<16384x256xi32, #tpu.memory_space<hbm>> -> memref<16384x256xi32, #tpu.memory_space<hbm>>
    tpu.wait_indirect_dma semaphore(%arg9 : memref<!tpu.dma_semaphore, #tpu.memory_space<semaphore_mem>>) src(%dma_wait3A_275 : memref<16384x256xi32, #tpu.memory_space<hbm>>) dst(%arg7 : memref<128x256xi32, #tpu.memory_space<vmem>>)
    %add3A_276 = arith.constant 1664 : i32
    %add3A_277 = arith.addi %mul3A_2, %add3A_276 : i32
    %dma_start3A_278 = arith.constant 0 : i32
    %dma_start3A_279 = tpu.memref_slice %arg4[%add3A_277, %dma_start3A_278] : memref<131072x256xi32, #tpu.memory_space<hbm>> -> memref<128x256xi32, #tpu.memory_space<hbm>>
    %dma_start3A_280 = arith.constant 0 : i32
    %dma_start3A_281 = tpu.memref_slice %arg4[%add3A_277, %dma_start3A_280] : memref<131072x256xi32, #tpu.memory_space<hbm>> -> memref<128x256xi32, #tpu.memory_space<hbm>>
    tpu.enqueue_dma source(%arg7 : memref<128x256xi32, #tpu.memory_space<vmem>>) target(%dma_start3A_281 : memref<128x256xi32, #tpu.memory_space<hbm>>) target_semaphore(%arg11 : memref<!tpu.dma_semaphore, #tpu.memory_space<semaphore_mem>>)
    %dma_wait3A_282 = arith.constant 0 : i32
    %dma_wait3A_283 = tpu.memref_slice %arg4[%add3A_277, %dma_wait3A_282] : memref<131072x256xi32, #tpu.memory_space<hbm>> -> memref<128x256xi32, #tpu.memory_space<hbm>>
    %dma_wait3A_284 = arith.constant 0 : i32
    %dma_wait3A_285 = tpu.memref_slice %arg4[%add3A_277, %dma_wait3A_284] : memref<131072x256xi32, #tpu.memory_space<hbm>> -> memref<128x256xi32, #tpu.memory_space<hbm>>
    tpu.wait_dma2 semaphore(%arg11 : memref<!tpu.dma_semaphore, #tpu.memory_space<semaphore_mem>>) src(%arg7 : memref<128x256xi32, #tpu.memory_space<vmem>>) dst(%dma_wait3A_285 : memref<128x256xi32, #tpu.memory_space<hbm>>)
    %dma_start3A_286 = arith.constant 1920 : i32
    %dma_start3A_287 = tpu.memref_slice %arg5[%dma_start3A_286] : memref<4096xi32, #tpu.memory_space<vmem>> -> memref<128xi32, #tpu.memory_space<vmem>>
    %dma_start3A_288 = arith.constant 0 : i32
    %dma_start3A_289 = arith.constant 0 : i32
    %dma_start3A_290 = tpu.memref_slice %arg2[%dma_start3A_288, %dma_start3A_289] : memref<16384x256xi32, #tpu.memory_space<hbm>> -> memref<16384x256xi32, #tpu.memory_space<hbm>>
    tpu.enqueue_indirect_dma source(%dma_start3A_290 : memref<16384x256xi32, #tpu.memory_space<hbm>>) target(%arg7 : memref<128x256xi32, #tpu.memory_space<vmem>>) offsets(%dma_start3A_287 : memref<128xi32, #tpu.memory_space<vmem>>) semaphore(%arg9 : memref<!tpu.dma_semaphore, #tpu.memory_space<semaphore_mem>>)
    %dma_wait3A_291 = arith.constant 1792 : i32
    %dma_wait3A_292 = tpu.memref_slice %arg5[%dma_wait3A_291] : memref<4096xi32, #tpu.memory_space<vmem>> -> memref<128xi32, #tpu.memory_space<vmem>>
    %dma_wait3A_293 = arith.constant 0 : i32
    %dma_wait3A_294 = arith.constant 0 : i32
    %dma_wait3A_295 = tpu.memref_slice %arg2[%dma_wait3A_293, %dma_wait3A_294] : memref<16384x256xi32, #tpu.memory_space<hbm>> -> memref<16384x256xi32, #tpu.memory_space<hbm>>
    tpu.wait_indirect_dma semaphore(%arg8 : memref<!tpu.dma_semaphore, #tpu.memory_space<semaphore_mem>>) src(%dma_wait3A_295 : memref<16384x256xi32, #tpu.memory_space<hbm>>) dst(%arg6 : memref<128x256xi32, #tpu.memory_space<vmem>>)
    %add3A_296 = arith.constant 1792 : i32
    %add3A_297 = arith.addi %mul3A_2, %add3A_296 : i32
    %dma_start3A_298 = arith.constant 0 : i32
    %dma_start3A_299 = tpu.memref_slice %arg4[%add3A_297, %dma_start3A_298] : memref<131072x256xi32, #tpu.memory_space<hbm>> -> memref<128x256xi32, #tpu.memory_space<hbm>>
    %dma_start3A_300 = arith.constant 0 : i32
    %dma_start3A_301 = tpu.memref_slice %arg4[%add3A_297, %dma_start3A_300] : memref<131072x256xi32, #tpu.memory_space<hbm>> -> memref<128x256xi32, #tpu.memory_space<hbm>>
    tpu.enqueue_dma source(%arg6 : memref<128x256xi32, #tpu.memory_space<vmem>>) target(%dma_start3A_301 : memref<128x256xi32, #tpu.memory_space<hbm>>) target_semaphore(%arg10 : memref<!tpu.dma_semaphore, #tpu.memory_space<semaphore_mem>>)
    %dma_wait3A_302 = arith.constant 0 : i32
    %dma_wait3A_303 = tpu.memref_slice %arg4[%add3A_297, %dma_wait3A_302] : memref<131072x256xi32, #tpu.memory_space<hbm>> -> memref<128x256xi32, #tpu.memory_space<hbm>>
    %dma_wait3A_304 = arith.constant 0 : i32
    %dma_wait3A_305 = tpu.memref_slice %arg4[%add3A_297, %dma_wait3A_304] : memref<131072x256xi32, #tpu.memory_space<hbm>> -> memref<128x256xi32, #tpu.memory_space<hbm>>
    tpu.wait_dma2 semaphore(%arg10 : memref<!tpu.dma_semaphore, #tpu.memory_space<semaphore_mem>>) src(%arg6 : memref<128x256xi32, #tpu.memory_space<vmem>>) dst(%dma_wait3A_305 : memref<128x256xi32, #tpu.memory_space<hbm>>)
    %dma_start3A_306 = arith.constant 2048 : i32
    %dma_start3A_307 = tpu.memref_slice %arg5[%dma_start3A_306] : memref<4096xi32, #tpu.memory_space<vmem>> -> memref<128xi32, #tpu.memory_space<vmem>>
    %dma_start3A_308 = arith.constant 0 : i32
    %dma_start3A_309 = arith.constant 0 : i32
    %dma_start3A_310 = tpu.memref_slice %arg2[%dma_start3A_308, %dma_start3A_309] : memref<16384x256xi32, #tpu.memory_space<hbm>> -> memref<16384x256xi32, #tpu.memory_space<hbm>>
    tpu.enqueue_indirect_dma source(%dma_start3A_310 : memref<16384x256xi32, #tpu.memory_space<hbm>>) target(%arg6 : memref<128x256xi32, #tpu.memory_space<vmem>>) offsets(%dma_start3A_307 : memref<128xi32, #tpu.memory_space<vmem>>) semaphore(%arg8 : memref<!tpu.dma_semaphore, #tpu.memory_space<semaphore_mem>>)
    %dma_wait3A_311 = arith.constant 1920 : i32
    %dma_wait3A_312 = tpu.memref_slice %arg5[%dma_wait3A_311] : memref<4096xi32, #tpu.memory_space<vmem>> -> memref<128xi32, #tpu.memory_space<vmem>>
    %dma_wait3A_313 = arith.constant 0 : i32
    %dma_wait3A_314 = arith.constant 0 : i32
    %dma_wait3A_315 = tpu.memref_slice %arg2[%dma_wait3A_313, %dma_wait3A_314] : memref<16384x256xi32, #tpu.memory_space<hbm>> -> memref<16384x256xi32, #tpu.memory_space<hbm>>
    tpu.wait_indirect_dma semaphore(%arg9 : memref<!tpu.dma_semaphore, #tpu.memory_space<semaphore_mem>>) src(%dma_wait3A_315 : memref<16384x256xi32, #tpu.memory_space<hbm>>) dst(%arg7 : memref<128x256xi32, #tpu.memory_space<vmem>>)
    %add3A_316 = arith.constant 1920 : i32
    %add3A_317 = arith.addi %mul3A_2, %add3A_316 : i32
    %dma_start3A_318 = arith.constant 0 : i32
    %dma_start3A_319 = tpu.memref_slice %arg4[%add3A_317, %dma_start3A_318] : memref<131072x256xi32, #tpu.memory_space<hbm>> -> memref<128x256xi32, #tpu.memory_space<hbm>>
    %dma_start3A_320 = arith.constant 0 : i32
    %dma_start3A_321 = tpu.memref_slice %arg4[%add3A_317, %dma_start3A_320] : memref<131072x256xi32, #tpu.memory_space<hbm>> -> memref<128x256xi32, #tpu.memory_space<hbm>>
    tpu.enqueue_dma source(%arg7 : memref<128x256xi32, #tpu.memory_space<vmem>>) target(%dma_start3A_321 : memref<128x256xi32, #tpu.memory_space<hbm>>) target_semaphore(%arg11 : memref<!tpu.dma_semaphore, #tpu.memory_space<semaphore_mem>>)
    %dma_wait3A_322 = arith.constant 0 : i32
    %dma_wait3A_323 = tpu.memref_slice %arg4[%add3A_317, %dma_wait3A_322] : memref<131072x256xi32, #tpu.memory_space<hbm>> -> memref<128x256xi32, #tpu.memory_space<hbm>>
    %dma_wait3A_324 = arith.constant 0 : i32
    %dma_wait3A_325 = tpu.memref_slice %arg4[%add3A_317, %dma_wait3A_324] : memref<131072x256xi32, #tpu.memory_space<hbm>> -> memref<128x256xi32, #tpu.memory_space<hbm>>
    tpu.wait_dma2 semaphore(%arg11 : memref<!tpu.dma_semaphore, #tpu.memory_space<semaphore_mem>>) src(%arg7 : memref<128x256xi32, #tpu.memory_space<vmem>>) dst(%dma_wait3A_325 : memref<128x256xi32, #tpu.memory_space<hbm>>)
    %dma_start3A_326 = arith.constant 2176 : i32
    %dma_start3A_327 = tpu.memref_slice %arg5[%dma_start3A_326] : memref<4096xi32, #tpu.memory_space<vmem>> -> memref<128xi32, #tpu.memory_space<vmem>>
    %dma_start3A_328 = arith.constant 0 : i32
    %dma_start3A_329 = arith.constant 0 : i32
    %dma_start3A_330 = tpu.memref_slice %arg2[%dma_start3A_328, %dma_start3A_329] : memref<16384x256xi32, #tpu.memory_space<hbm>> -> memref<16384x256xi32, #tpu.memory_space<hbm>>
    tpu.enqueue_indirect_dma source(%dma_start3A_330 : memref<16384x256xi32, #tpu.memory_space<hbm>>) target(%arg7 : memref<128x256xi32, #tpu.memory_space<vmem>>) offsets(%dma_start3A_327 : memref<128xi32, #tpu.memory_space<vmem>>) semaphore(%arg9 : memref<!tpu.dma_semaphore, #tpu.memory_space<semaphore_mem>>)
    %dma_wait3A_331 = arith.constant 2048 : i32
    %dma_wait3A_332 = tpu.memref_slice %arg5[%dma_wait3A_331] : memref<4096xi32, #tpu.memory_space<vmem>> -> memref<128xi32, #tpu.memory_space<vmem>>
    %dma_wait3A_333 = arith.constant 0 : i32
    %dma_wait3A_334 = arith.constant 0 : i32
    %dma_wait3A_335 = tpu.memref_slice %arg2[%dma_wait3A_333, %dma_wait3A_334] : memref<16384x256xi32, #tpu.memory_space<hbm>> -> memref<16384x256xi32, #tpu.memory_space<hbm>>
    tpu.wait_indirect_dma semaphore(%arg8 : memref<!tpu.dma_semaphore, #tpu.memory_space<semaphore_mem>>) src(%dma_wait3A_335 : memref<16384x256xi32, #tpu.memory_space<hbm>>) dst(%arg6 : memref<128x256xi32, #tpu.memory_space<vmem>>)
    %add3A_336 = arith.constant 2048 : i32
    %add3A_337 = arith.addi %mul3A_2, %add3A_336 : i32
    %dma_start3A_338 = arith.constant 0 : i32
    %dma_start3A_339 = tpu.memref_slice %arg4[%add3A_337, %dma_start3A_338] : memref<131072x256xi32, #tpu.memory_space<hbm>> -> memref<128x256xi32, #tpu.memory_space<hbm>>
    %dma_start3A_340 = arith.constant 0 : i32
    %dma_start3A_341 = tpu.memref_slice %arg4[%add3A_337, %dma_start3A_340] : memref<131072x256xi32, #tpu.memory_space<hbm>> -> memref<128x256xi32, #tpu.memory_space<hbm>>
    tpu.enqueue_dma source(%arg6 : memref<128x256xi32, #tpu.memory_space<vmem>>) target(%dma_start3A_341 : memref<128x256xi32, #tpu.memory_space<hbm>>) target_semaphore(%arg10 : memref<!tpu.dma_semaphore, #tpu.memory_space<semaphore_mem>>)
    %dma_wait3A_342 = arith.constant 0 : i32
    %dma_wait3A_343 = tpu.memref_slice %arg4[%add3A_337, %dma_wait3A_342] : memref<131072x256xi32, #tpu.memory_space<hbm>> -> memref<128x256xi32, #tpu.memory_space<hbm>>
    %dma_wait3A_344 = arith.constant 0 : i32
    %dma_wait3A_345 = tpu.memref_slice %arg4[%add3A_337, %dma_wait3A_344] : memref<131072x256xi32, #tpu.memory_space<hbm>> -> memref<128x256xi32, #tpu.memory_space<hbm>>
    tpu.wait_dma2 semaphore(%arg10 : memref<!tpu.dma_semaphore, #tpu.memory_space<semaphore_mem>>) src(%arg6 : memref<128x256xi32, #tpu.memory_space<vmem>>) dst(%dma_wait3A_345 : memref<128x256xi32, #tpu.memory_space<hbm>>)
    %dma_start3A_346 = arith.constant 2304 : i32
    %dma_start3A_347 = tpu.memref_slice %arg5[%dma_start3A_346] : memref<4096xi32, #tpu.memory_space<vmem>> -> memref<128xi32, #tpu.memory_space<vmem>>
    %dma_start3A_348 = arith.constant 0 : i32
    %dma_start3A_349 = arith.constant 0 : i32
    %dma_start3A_350 = tpu.memref_slice %arg2[%dma_start3A_348, %dma_start3A_349] : memref<16384x256xi32, #tpu.memory_space<hbm>> -> memref<16384x256xi32, #tpu.memory_space<hbm>>
    tpu.enqueue_indirect_dma source(%dma_start3A_350 : memref<16384x256xi32, #tpu.memory_space<hbm>>) target(%arg6 : memref<128x256xi32, #tpu.memory_space<vmem>>) offsets(%dma_start3A_347 : memref<128xi32, #tpu.memory_space<vmem>>) semaphore(%arg8 : memref<!tpu.dma_semaphore, #tpu.memory_space<semaphore_mem>>)
    %dma_wait3A_351 = arith.constant 2176 : i32
    %dma_wait3A_352 = tpu.memref_slice %arg5[%dma_wait3A_351] : memref<4096xi32, #tpu.memory_space<vmem>> -> memref<128xi32, #tpu.memory_space<vmem>>
    %dma_wait3A_353 = arith.constant 0 : i32
    %dma_wait3A_354 = arith.constant 0 : i32
    %dma_wait3A_355 = tpu.memref_slice %arg2[%dma_wait3A_353, %dma_wait3A_354] : memref<16384x256xi32, #tpu.memory_space<hbm>> -> memref<16384x256xi32, #tpu.memory_space<hbm>>
    tpu.wait_indirect_dma semaphore(%arg9 : memref<!tpu.dma_semaphore, #tpu.memory_space<semaphore_mem>>) src(%dma_wait3A_355 : memref<16384x256xi32, #tpu.memory_space<hbm>>) dst(%arg7 : memref<128x256xi32, #tpu.memory_space<vmem>>)
    %add3A_356 = arith.constant 2176 : i32
    %add3A_357 = arith.addi %mul3A_2, %add3A_356 : i32
    %dma_start3A_358 = arith.constant 0 : i32
    %dma_start3A_359 = tpu.memref_slice %arg4[%add3A_357, %dma_start3A_358] : memref<131072x256xi32, #tpu.memory_space<hbm>> -> memref<128x256xi32, #tpu.memory_space<hbm>>
    %dma_start3A_360 = arith.constant 0 : i32
    %dma_start3A_361 = tpu.memref_slice %arg4[%add3A_357, %dma_start3A_360] : memref<131072x256xi32, #tpu.memory_space<hbm>> -> memref<128x256xi32, #tpu.memory_space<hbm>>
    tpu.enqueue_dma source(%arg7 : memref<128x256xi32, #tpu.memory_space<vmem>>) target(%dma_start3A_361 : memref<128x256xi32, #tpu.memory_space<hbm>>) target_semaphore(%arg11 : memref<!tpu.dma_semaphore, #tpu.memory_space<semaphore_mem>>)
    %dma_wait3A_362 = arith.constant 0 : i32
    %dma_wait3A_363 = tpu.memref_slice %arg4[%add3A_357, %dma_wait3A_362] : memref<131072x256xi32, #tpu.memory_space<hbm>> -> memref<128x256xi32, #tpu.memory_space<hbm>>
    %dma_wait3A_364 = arith.constant 0 : i32
    %dma_wait3A_365 = tpu.memref_slice %arg4[%add3A_357, %dma_wait3A_364] : memref<131072x256xi32, #tpu.memory_space<hbm>> -> memref<128x256xi32, #tpu.memory_space<hbm>>
    tpu.wait_dma2 semaphore(%arg11 : memref<!tpu.dma_semaphore, #tpu.memory_space<semaphore_mem>>) src(%arg7 : memref<128x256xi32, #tpu.memory_space<vmem>>) dst(%dma_wait3A_365 : memref<128x256xi32, #tpu.memory_space<hbm>>)
    %dma_start3A_366 = arith.constant 2432 : i32
    %dma_start3A_367 = tpu.memref_slice %arg5[%dma_start3A_366] : memref<4096xi32, #tpu.memory_space<vmem>> -> memref<128xi32, #tpu.memory_space<vmem>>
    %dma_start3A_368 = arith.constant 0 : i32
    %dma_start3A_369 = arith.constant 0 : i32
    %dma_start3A_370 = tpu.memref_slice %arg2[%dma_start3A_368, %dma_start3A_369] : memref<16384x256xi32, #tpu.memory_space<hbm>> -> memref<16384x256xi32, #tpu.memory_space<hbm>>
    tpu.enqueue_indirect_dma source(%dma_start3A_370 : memref<16384x256xi32, #tpu.memory_space<hbm>>) target(%arg7 : memref<128x256xi32, #tpu.memory_space<vmem>>) offsets(%dma_start3A_367 : memref<128xi32, #tpu.memory_space<vmem>>) semaphore(%arg9 : memref<!tpu.dma_semaphore, #tpu.memory_space<semaphore_mem>>)
    %dma_wait3A_371 = arith.constant 2304 : i32
    %dma_wait3A_372 = tpu.memref_slice %arg5[%dma_wait3A_371] : memref<4096xi32, #tpu.memory_space<vmem>> -> memref<128xi32, #tpu.memory_space<vmem>>
    %dma_wait3A_373 = arith.constant 0 : i32
    %dma_wait3A_374 = arith.constant 0 : i32
    %dma_wait3A_375 = tpu.memref_slice %arg2[%dma_wait3A_373, %dma_wait3A_374] : memref<16384x256xi32, #tpu.memory_space<hbm>> -> memref<16384x256xi32, #tpu.memory_space<hbm>>
    tpu.wait_indirect_dma semaphore(%arg8 : memref<!tpu.dma_semaphore, #tpu.memory_space<semaphore_mem>>) src(%dma_wait3A_375 : memref<16384x256xi32, #tpu.memory_space<hbm>>) dst(%arg6 : memref<128x256xi32, #tpu.memory_space<vmem>>)
    %add3A_376 = arith.constant 2304 : i32
    %add3A_377 = arith.addi %mul3A_2, %add3A_376 : i32
    %dma_start3A_378 = arith.constant 0 : i32
    %dma_start3A_379 = tpu.memref_slice %arg4[%add3A_377, %dma_start3A_378] : memref<131072x256xi32, #tpu.memory_space<hbm>> -> memref<128x256xi32, #tpu.memory_space<hbm>>
    %dma_start3A_380 = arith.constant 0 : i32
    %dma_start3A_381 = tpu.memref_slice %arg4[%add3A_377, %dma_start3A_380] : memref<131072x256xi32, #tpu.memory_space<hbm>> -> memref<128x256xi32, #tpu.memory_space<hbm>>
    tpu.enqueue_dma source(%arg6 : memref<128x256xi32, #tpu.memory_space<vmem>>) target(%dma_start3A_381 : memref<128x256xi32, #tpu.memory_space<hbm>>) target_semaphore(%arg10 : memref<!tpu.dma_semaphore, #tpu.memory_space<semaphore_mem>>)
    %dma_wait3A_382 = arith.constant 0 : i32
    %dma_wait3A_383 = tpu.memref_slice %arg4[%add3A_377, %dma_wait3A_382] : memref<131072x256xi32, #tpu.memory_space<hbm>> -> memref<128x256xi32, #tpu.memory_space<hbm>>
    %dma_wait3A_384 = arith.constant 0 : i32
    %dma_wait3A_385 = tpu.memref_slice %arg4[%add3A_377, %dma_wait3A_384] : memref<131072x256xi32, #tpu.memory_space<hbm>> -> memref<128x256xi32, #tpu.memory_space<hbm>>
    tpu.wait_dma2 semaphore(%arg10 : memref<!tpu.dma_semaphore, #tpu.memory_space<semaphore_mem>>) src(%arg6 : memref<128x256xi32, #tpu.memory_space<vmem>>) dst(%dma_wait3A_385 : memref<128x256xi32, #tpu.memory_space<hbm>>)
    %dma_start3A_386 = arith.constant 2560 : i32
    %dma_start3A_387 = tpu.memref_slice %arg5[%dma_start3A_386] : memref<4096xi32, #tpu.memory_space<vmem>> -> memref<128xi32, #tpu.memory_space<vmem>>
    %dma_start3A_388 = arith.constant 0 : i32
    %dma_start3A_389 = arith.constant 0 : i32
    %dma_start3A_390 = tpu.memref_slice %arg2[%dma_start3A_388, %dma_start3A_389] : memref<16384x256xi32, #tpu.memory_space<hbm>> -> memref<16384x256xi32, #tpu.memory_space<hbm>>
    tpu.enqueue_indirect_dma source(%dma_start3A_390 : memref<16384x256xi32, #tpu.memory_space<hbm>>) target(%arg6 : memref<128x256xi32, #tpu.memory_space<vmem>>) offsets(%dma_start3A_387 : memref<128xi32, #tpu.memory_space<vmem>>) semaphore(%arg8 : memref<!tpu.dma_semaphore, #tpu.memory_space<semaphore_mem>>)
    %dma_wait3A_391 = arith.constant 2432 : i32
    %dma_wait3A_392 = tpu.memref_slice %arg5[%dma_wait3A_391] : memref<4096xi32, #tpu.memory_space<vmem>> -> memref<128xi32, #tpu.memory_space<vmem>>
    %dma_wait3A_393 = arith.constant 0 : i32
    %dma_wait3A_394 = arith.constant 0 : i32
    %dma_wait3A_395 = tpu.memref_slice %arg2[%dma_wait3A_393, %dma_wait3A_394] : memref<16384x256xi32, #tpu.memory_space<hbm>> -> memref<16384x256xi32, #tpu.memory_space<hbm>>
    tpu.wait_indirect_dma semaphore(%arg9 : memref<!tpu.dma_semaphore, #tpu.memory_space<semaphore_mem>>) src(%dma_wait3A_395 : memref<16384x256xi32, #tpu.memory_space<hbm>>) dst(%arg7 : memref<128x256xi32, #tpu.memory_space<vmem>>)
    %add3A_396 = arith.constant 2432 : i32
    %add3A_397 = arith.addi %mul3A_2, %add3A_396 : i32
    %dma_start3A_398 = arith.constant 0 : i32
    %dma_start3A_399 = tpu.memref_slice %arg4[%add3A_397, %dma_start3A_398] : memref<131072x256xi32, #tpu.memory_space<hbm>> -> memref<128x256xi32, #tpu.memory_space<hbm>>
    %dma_start3A_400 = arith.constant 0 : i32
    %dma_start3A_401 = tpu.memref_slice %arg4[%add3A_397, %dma_start3A_400] : memref<131072x256xi32, #tpu.memory_space<hbm>> -> memref<128x256xi32, #tpu.memory_space<hbm>>
    tpu.enqueue_dma source(%arg7 : memref<128x256xi32, #tpu.memory_space<vmem>>) target(%dma_start3A_401 : memref<128x256xi32, #tpu.memory_space<hbm>>) target_semaphore(%arg11 : memref<!tpu.dma_semaphore, #tpu.memory_space<semaphore_mem>>)
    %dma_wait3A_402 = arith.constant 0 : i32
    %dma_wait3A_403 = tpu.memref_slice %arg4[%add3A_397, %dma_wait3A_402] : memref<131072x256xi32, #tpu.memory_space<hbm>> -> memref<128x256xi32, #tpu.memory_space<hbm>>
    %dma_wait3A_404 = arith.constant 0 : i32
    %dma_wait3A_405 = tpu.memref_slice %arg4[%add3A_397, %dma_wait3A_404] : memref<131072x256xi32, #tpu.memory_space<hbm>> -> memref<128x256xi32, #tpu.memory_space<hbm>>
    tpu.wait_dma2 semaphore(%arg11 : memref<!tpu.dma_semaphore, #tpu.memory_space<semaphore_mem>>) src(%arg7 : memref<128x256xi32, #tpu.memory_space<vmem>>) dst(%dma_wait3A_405 : memref<128x256xi32, #tpu.memory_space<hbm>>)
    %dma_start3A_406 = arith.constant 2688 : i32
    %dma_start3A_407 = tpu.memref_slice %arg5[%dma_start3A_406] : memref<4096xi32, #tpu.memory_space<vmem>> -> memref<128xi32, #tpu.memory_space<vmem>>
    %dma_start3A_408 = arith.constant 0 : i32
    %dma_start3A_409 = arith.constant 0 : i32
    %dma_start3A_410 = tpu.memref_slice %arg2[%dma_start3A_408, %dma_start3A_409] : memref<16384x256xi32, #tpu.memory_space<hbm>> -> memref<16384x256xi32, #tpu.memory_space<hbm>>
    tpu.enqueue_indirect_dma source(%dma_start3A_410 : memref<16384x256xi32, #tpu.memory_space<hbm>>) target(%arg7 : memref<128x256xi32, #tpu.memory_space<vmem>>) offsets(%dma_start3A_407 : memref<128xi32, #tpu.memory_space<vmem>>) semaphore(%arg9 : memref<!tpu.dma_semaphore, #tpu.memory_space<semaphore_mem>>)
    %dma_wait3A_411 = arith.constant 2560 : i32
    %dma_wait3A_412 = tpu.memref_slice %arg5[%dma_wait3A_411] : memref<4096xi32, #tpu.memory_space<vmem>> -> memref<128xi32, #tpu.memory_space<vmem>>
    %dma_wait3A_413 = arith.constant 0 : i32
    %dma_wait3A_414 = arith.constant 0 : i32
    %dma_wait3A_415 = tpu.memref_slice %arg2[%dma_wait3A_413, %dma_wait3A_414] : memref<16384x256xi32, #tpu.memory_space<hbm>> -> memref<16384x256xi32, #tpu.memory_space<hbm>>
    tpu.wait_indirect_dma semaphore(%arg8 : memref<!tpu.dma_semaphore, #tpu.memory_space<semaphore_mem>>) src(%dma_wait3A_415 : memref<16384x256xi32, #tpu.memory_space<hbm>>) dst(%arg6 : memref<128x256xi32, #tpu.memory_space<vmem>>)
    %add3A_416 = arith.constant 2560 : i32
    %add3A_417 = arith.addi %mul3A_2, %add3A_416 : i32
    %dma_start3A_418 = arith.constant 0 : i32
    %dma_start3A_419 = tpu.memref_slice %arg4[%add3A_417, %dma_start3A_418] : memref<131072x256xi32, #tpu.memory_space<hbm>> -> memref<128x256xi32, #tpu.memory_space<hbm>>
    %dma_start3A_420 = arith.constant 0 : i32
    %dma_start3A_421 = tpu.memref_slice %arg4[%add3A_417, %dma_start3A_420] : memref<131072x256xi32, #tpu.memory_space<hbm>> -> memref<128x256xi32, #tpu.memory_space<hbm>>
    tpu.enqueue_dma source(%arg6 : memref<128x256xi32, #tpu.memory_space<vmem>>) target(%dma_start3A_421 : memref<128x256xi32, #tpu.memory_space<hbm>>) target_semaphore(%arg10 : memref<!tpu.dma_semaphore, #tpu.memory_space<semaphore_mem>>)
    %dma_wait3A_422 = arith.constant 0 : i32
    %dma_wait3A_423 = tpu.memref_slice %arg4[%add3A_417, %dma_wait3A_422] : memref<131072x256xi32, #tpu.memory_space<hbm>> -> memref<128x256xi32, #tpu.memory_space<hbm>>
    %dma_wait3A_424 = arith.constant 0 : i32
    %dma_wait3A_425 = tpu.memref_slice %arg4[%add3A_417, %dma_wait3A_424] : memref<131072x256xi32, #tpu.memory_space<hbm>> -> memref<128x256xi32, #tpu.memory_space<hbm>>
    tpu.wait_dma2 semaphore(%arg10 : memref<!tpu.dma_semaphore, #tpu.memory_space<semaphore_mem>>) src(%arg6 : memref<128x256xi32, #tpu.memory_space<vmem>>) dst(%dma_wait3A_425 : memref<128x256xi32, #tpu.memory_space<hbm>>)
    %dma_start3A_426 = arith.constant 2816 : i32
    %dma_start3A_427 = tpu.memref_slice %arg5[%dma_start3A_426] : memref<4096xi32, #tpu.memory_space<vmem>> -> memref<128xi32, #tpu.memory_space<vmem>>
    %dma_start3A_428 = arith.constant 0 : i32
    %dma_start3A_429 = arith.constant 0 : i32
    %dma_start3A_430 = tpu.memref_slice %arg2[%dma_start3A_428, %dma_start3A_429] : memref<16384x256xi32, #tpu.memory_space<hbm>> -> memref<16384x256xi32, #tpu.memory_space<hbm>>
    tpu.enqueue_indirect_dma source(%dma_start3A_430 : memref<16384x256xi32, #tpu.memory_space<hbm>>) target(%arg6 : memref<128x256xi32, #tpu.memory_space<vmem>>) offsets(%dma_start3A_427 : memref<128xi32, #tpu.memory_space<vmem>>) semaphore(%arg8 : memref<!tpu.dma_semaphore, #tpu.memory_space<semaphore_mem>>)
    %dma_wait3A_431 = arith.constant 2688 : i32
    %dma_wait3A_432 = tpu.memref_slice %arg5[%dma_wait3A_431] : memref<4096xi32, #tpu.memory_space<vmem>> -> memref<128xi32, #tpu.memory_space<vmem>>
    %dma_wait3A_433 = arith.constant 0 : i32
    %dma_wait3A_434 = arith.constant 0 : i32
    %dma_wait3A_435 = tpu.memref_slice %arg2[%dma_wait3A_433, %dma_wait3A_434] : memref<16384x256xi32, #tpu.memory_space<hbm>> -> memref<16384x256xi32, #tpu.memory_space<hbm>>
    tpu.wait_indirect_dma semaphore(%arg9 : memref<!tpu.dma_semaphore, #tpu.memory_space<semaphore_mem>>) src(%dma_wait3A_435 : memref<16384x256xi32, #tpu.memory_space<hbm>>) dst(%arg7 : memref<128x256xi32, #tpu.memory_space<vmem>>)
    %add3A_436 = arith.constant 2688 : i32
    %add3A_437 = arith.addi %mul3A_2, %add3A_436 : i32
    %dma_start3A_438 = arith.constant 0 : i32
    %dma_start3A_439 = tpu.memref_slice %arg4[%add3A_437, %dma_start3A_438] : memref<131072x256xi32, #tpu.memory_space<hbm>> -> memref<128x256xi32, #tpu.memory_space<hbm>>
    %dma_start3A_440 = arith.constant 0 : i32
    %dma_start3A_441 = tpu.memref_slice %arg4[%add3A_437, %dma_start3A_440] : memref<131072x256xi32, #tpu.memory_space<hbm>> -> memref<128x256xi32, #tpu.memory_space<hbm>>
    tpu.enqueue_dma source(%arg7 : memref<128x256xi32, #tpu.memory_space<vmem>>) target(%dma_start3A_441 : memref<128x256xi32, #tpu.memory_space<hbm>>) target_semaphore(%arg11 : memref<!tpu.dma_semaphore, #tpu.memory_space<semaphore_mem>>)
    %dma_wait3A_442 = arith.constant 0 : i32
    %dma_wait3A_443 = tpu.memref_slice %arg4[%add3A_437, %dma_wait3A_442] : memref<131072x256xi32, #tpu.memory_space<hbm>> -> memref<128x256xi32, #tpu.memory_space<hbm>>
    %dma_wait3A_444 = arith.constant 0 : i32
    %dma_wait3A_445 = tpu.memref_slice %arg4[%add3A_437, %dma_wait3A_444] : memref<131072x256xi32, #tpu.memory_space<hbm>> -> memref<128x256xi32, #tpu.memory_space<hbm>>
    tpu.wait_dma2 semaphore(%arg11 : memref<!tpu.dma_semaphore, #tpu.memory_space<semaphore_mem>>) src(%arg7 : memref<128x256xi32, #tpu.memory_space<vmem>>) dst(%dma_wait3A_445 : memref<128x256xi32, #tpu.memory_space<hbm>>)
    %dma_start3A_446 = arith.constant 2944 : i32
    %dma_start3A_447 = tpu.memref_slice %arg5[%dma_start3A_446] : memref<4096xi32, #tpu.memory_space<vmem>> -> memref<128xi32, #tpu.memory_space<vmem>>
    %dma_start3A_448 = arith.constant 0 : i32
    %dma_start3A_449 = arith.constant 0 : i32
    %dma_start3A_450 = tpu.memref_slice %arg2[%dma_start3A_448, %dma_start3A_449] : memref<16384x256xi32, #tpu.memory_space<hbm>> -> memref<16384x256xi32, #tpu.memory_space<hbm>>
    tpu.enqueue_indirect_dma source(%dma_start3A_450 : memref<16384x256xi32, #tpu.memory_space<hbm>>) target(%arg7 : memref<128x256xi32, #tpu.memory_space<vmem>>) offsets(%dma_start3A_447 : memref<128xi32, #tpu.memory_space<vmem>>) semaphore(%arg9 : memref<!tpu.dma_semaphore, #tpu.memory_space<semaphore_mem>>)
    %dma_wait3A_451 = arith.constant 2816 : i32
    %dma_wait3A_452 = tpu.memref_slice %arg5[%dma_wait3A_451] : memref<4096xi32, #tpu.memory_space<vmem>> -> memref<128xi32, #tpu.memory_space<vmem>>
    %dma_wait3A_453 = arith.constant 0 : i32
    %dma_wait3A_454 = arith.constant 0 : i32
    %dma_wait3A_455 = tpu.memref_slice %arg2[%dma_wait3A_453, %dma_wait3A_454] : memref<16384x256xi32, #tpu.memory_space<hbm>> -> memref<16384x256xi32, #tpu.memory_space<hbm>>
    tpu.wait_indirect_dma semaphore(%arg8 : memref<!tpu.dma_semaphore, #tpu.memory_space<semaphore_mem>>) src(%dma_wait3A_455 : memref<16384x256xi32, #tpu.memory_space<hbm>>) dst(%arg6 : memref<128x256xi32, #tpu.memory_space<vmem>>)
    %add3A_456 = arith.constant 2816 : i32
    %add3A_457 = arith.addi %mul3A_2, %add3A_456 : i32
    %dma_start3A_458 = arith.constant 0 : i32
    %dma_start3A_459 = tpu.memref_slice %arg4[%add3A_457, %dma_start3A_458] : memref<131072x256xi32, #tpu.memory_space<hbm>> -> memref<128x256xi32, #tpu.memory_space<hbm>>
    %dma_start3A_460 = arith.constant 0 : i32
    %dma_start3A_461 = tpu.memref_slice %arg4[%add3A_457, %dma_start3A_460] : memref<131072x256xi32, #tpu.memory_space<hbm>> -> memref<128x256xi32, #tpu.memory_space<hbm>>
    tpu.enqueue_dma source(%arg6 : memref<128x256xi32, #tpu.memory_space<vmem>>) target(%dma_start3A_461 : memref<128x256xi32, #tpu.memory_space<hbm>>) target_semaphore(%arg10 : memref<!tpu.dma_semaphore, #tpu.memory_space<semaphore_mem>>)
    %dma_wait3A_462 = arith.constant 0 : i32
    %dma_wait3A_463 = tpu.memref_slice %arg4[%add3A_457, %dma_wait3A_462] : memref<131072x256xi32, #tpu.memory_space<hbm>> -> memref<128x256xi32, #tpu.memory_space<hbm>>
    %dma_wait3A_464 = arith.constant 0 : i32
    %dma_wait3A_465 = tpu.memref_slice %arg4[%add3A_457, %dma_wait3A_464] : memref<131072x256xi32, #tpu.memory_space<hbm>> -> memref<128x256xi32, #tpu.memory_space<hbm>>
    tpu.wait_dma2 semaphore(%arg10 : memref<!tpu.dma_semaphore, #tpu.memory_space<semaphore_mem>>) src(%arg6 : memref<128x256xi32, #tpu.memory_space<vmem>>) dst(%dma_wait3A_465 : memref<128x256xi32, #tpu.memory_space<hbm>>)
    %dma_start3A_466 = arith.constant 3072 : i32
    %dma_start3A_467 = tpu.memref_slice %arg5[%dma_start3A_466] : memref<4096xi32, #tpu.memory_space<vmem>> -> memref<128xi32, #tpu.memory_space<vmem>>
    %dma_start3A_468 = arith.constant 0 : i32
    %dma_start3A_469 = arith.constant 0 : i32
    %dma_start3A_470 = tpu.memref_slice %arg2[%dma_start3A_468, %dma_start3A_469] : memref<16384x256xi32, #tpu.memory_space<hbm>> -> memref<16384x256xi32, #tpu.memory_space<hbm>>
    tpu.enqueue_indirect_dma source(%dma_start3A_470 : memref<16384x256xi32, #tpu.memory_space<hbm>>) target(%arg6 : memref<128x256xi32, #tpu.memory_space<vmem>>) offsets(%dma_start3A_467 : memref<128xi32, #tpu.memory_space<vmem>>) semaphore(%arg8 : memref<!tpu.dma_semaphore, #tpu.memory_space<semaphore_mem>>)
    %dma_wait3A_471 = arith.constant 2944 : i32
    %dma_wait3A_472 = tpu.memref_slice %arg5[%dma_wait3A_471] : memref<4096xi32, #tpu.memory_space<vmem>> -> memref<128xi32, #tpu.memory_space<vmem>>
    %dma_wait3A_473 = arith.constant 0 : i32
    %dma_wait3A_474 = arith.constant 0 : i32
    %dma_wait3A_475 = tpu.memref_slice %arg2[%dma_wait3A_473, %dma_wait3A_474] : memref<16384x256xi32, #tpu.memory_space<hbm>> -> memref<16384x256xi32, #tpu.memory_space<hbm>>
    tpu.wait_indirect_dma semaphore(%arg9 : memref<!tpu.dma_semaphore, #tpu.memory_space<semaphore_mem>>) src(%dma_wait3A_475 : memref<16384x256xi32, #tpu.memory_space<hbm>>) dst(%arg7 : memref<128x256xi32, #tpu.memory_space<vmem>>)
    %add3A_476 = arith.constant 2944 : i32
    %add3A_477 = arith.addi %mul3A_2, %add3A_476 : i32
    %dma_start3A_478 = arith.constant 0 : i32
    %dma_start3A_479 = tpu.memref_slice %arg4[%add3A_477, %dma_start3A_478] : memref<131072x256xi32, #tpu.memory_space<hbm>> -> memref<128x256xi32, #tpu.memory_space<hbm>>
    %dma_start3A_480 = arith.constant 0 : i32
    %dma_start3A_481 = tpu.memref_slice %arg4[%add3A_477, %dma_start3A_480] : memref<131072x256xi32, #tpu.memory_space<hbm>> -> memref<128x256xi32, #tpu.memory_space<hbm>>
    tpu.enqueue_dma source(%arg7 : memref<128x256xi32, #tpu.memory_space<vmem>>) target(%dma_start3A_481 : memref<128x256xi32, #tpu.memory_space<hbm>>) target_semaphore(%arg11 : memref<!tpu.dma_semaphore, #tpu.memory_space<semaphore_mem>>)
    %dma_wait3A_482 = arith.constant 0 : i32
    %dma_wait3A_483 = tpu.memref_slice %arg4[%add3A_477, %dma_wait3A_482] : memref<131072x256xi32, #tpu.memory_space<hbm>> -> memref<128x256xi32, #tpu.memory_space<hbm>>
    %dma_wait3A_484 = arith.constant 0 : i32
    %dma_wait3A_485 = tpu.memref_slice %arg4[%add3A_477, %dma_wait3A_484] : memref<131072x256xi32, #tpu.memory_space<hbm>> -> memref<128x256xi32, #tpu.memory_space<hbm>>
    tpu.wait_dma2 semaphore(%arg11 : memref<!tpu.dma_semaphore, #tpu.memory_space<semaphore_mem>>) src(%arg7 : memref<128x256xi32, #tpu.memory_space<vmem>>) dst(%dma_wait3A_485 : memref<128x256xi32, #tpu.memory_space<hbm>>)
    %dma_start3A_486 = arith.constant 3200 : i32
    %dma_start3A_487 = tpu.memref_slice %arg5[%dma_start3A_486] : memref<4096xi32, #tpu.memory_space<vmem>> -> memref<128xi32, #tpu.memory_space<vmem>>
    %dma_start3A_488 = arith.constant 0 : i32
    %dma_start3A_489 = arith.constant 0 : i32
    %dma_start3A_490 = tpu.memref_slice %arg2[%dma_start3A_488, %dma_start3A_489] : memref<16384x256xi32, #tpu.memory_space<hbm>> -> memref<16384x256xi32, #tpu.memory_space<hbm>>
    tpu.enqueue_indirect_dma source(%dma_start3A_490 : memref<16384x256xi32, #tpu.memory_space<hbm>>) target(%arg7 : memref<128x256xi32, #tpu.memory_space<vmem>>) offsets(%dma_start3A_487 : memref<128xi32, #tpu.memory_space<vmem>>) semaphore(%arg9 : memref<!tpu.dma_semaphore, #tpu.memory_space<semaphore_mem>>)
    %dma_wait3A_491 = arith.constant 3072 : i32
    %dma_wait3A_492 = tpu.memref_slice %arg5[%dma_wait3A_491] : memref<4096xi32, #tpu.memory_space<vmem>> -> memref<128xi32, #tpu.memory_space<vmem>>
    %dma_wait3A_493 = arith.constant 0 : i32
    %dma_wait3A_494 = arith.constant 0 : i32
    %dma_wait3A_495 = tpu.memref_slice %arg2[%dma_wait3A_493, %dma_wait3A_494] : memref<16384x256xi32, #tpu.memory_space<hbm>> -> memref<16384x256xi32, #tpu.memory_space<hbm>>
    tpu.wait_indirect_dma semaphore(%arg8 : memref<!tpu.dma_semaphore, #tpu.memory_space<semaphore_mem>>) src(%dma_wait3A_495 : memref<16384x256xi32, #tpu.memory_space<hbm>>) dst(%arg6 : memref<128x256xi32, #tpu.memory_space<vmem>>)
    %add3A_496 = arith.constant 3072 : i32
    %add3A_497 = arith.addi %mul3A_2, %add3A_496 : i32
    %dma_start3A_498 = arith.constant 0 : i32
    %dma_start3A_499 = tpu.memref_slice %arg4[%add3A_497, %dma_start3A_498] : memref<131072x256xi32, #tpu.memory_space<hbm>> -> memref<128x256xi32, #tpu.memory_space<hbm>>
    %dma_start3A_500 = arith.constant 0 : i32
    %dma_start3A_501 = tpu.memref_slice %arg4[%add3A_497, %dma_start3A_500] : memref<131072x256xi32, #tpu.memory_space<hbm>> -> memref<128x256xi32, #tpu.memory_space<hbm>>
    tpu.enqueue_dma source(%arg6 : memref<128x256xi32, #tpu.memory_space<vmem>>) target(%dma_start3A_501 : memref<128x256xi32, #tpu.memory_space<hbm>>) target_semaphore(%arg10 : memref<!tpu.dma_semaphore, #tpu.memory_space<semaphore_mem>>)
    %dma_wait3A_502 = arith.constant 0 : i32
    %dma_wait3A_503 = tpu.memref_slice %arg4[%add3A_497, %dma_wait3A_502] : memref<131072x256xi32, #tpu.memory_space<hbm>> -> memref<128x256xi32, #tpu.memory_space<hbm>>
    %dma_wait3A_504 = arith.constant 0 : i32
    %dma_wait3A_505 = tpu.memref_slice %arg4[%add3A_497, %dma_wait3A_504] : memref<131072x256xi32, #tpu.memory_space<hbm>> -> memref<128x256xi32, #tpu.memory_space<hbm>>
    tpu.wait_dma2 semaphore(%arg10 : memref<!tpu.dma_semaphore, #tpu.memory_space<semaphore_mem>>) src(%arg6 : memref<128x256xi32, #tpu.memory_space<vmem>>) dst(%dma_wait3A_505 : memref<128x256xi32, #tpu.memory_space<hbm>>)
    %dma_start3A_506 = arith.constant 3328 : i32
    %dma_start3A_507 = tpu.memref_slice %arg5[%dma_start3A_506] : memref<4096xi32, #tpu.memory_space<vmem>> -> memref<128xi32, #tpu.memory_space<vmem>>
    %dma_start3A_508 = arith.constant 0 : i32
    %dma_start3A_509 = arith.constant 0 : i32
    %dma_start3A_510 = tpu.memref_slice %arg2[%dma_start3A_508, %dma_start3A_509] : memref<16384x256xi32, #tpu.memory_space<hbm>> -> memref<16384x256xi32, #tpu.memory_space<hbm>>
    tpu.enqueue_indirect_dma source(%dma_start3A_510 : memref<16384x256xi32, #tpu.memory_space<hbm>>) target(%arg6 : memref<128x256xi32, #tpu.memory_space<vmem>>) offsets(%dma_start3A_507 : memref<128xi32, #tpu.memory_space<vmem>>) semaphore(%arg8 : memref<!tpu.dma_semaphore, #tpu.memory_space<semaphore_mem>>)
    %dma_wait3A_511 = arith.constant 3200 : i32
    %dma_wait3A_512 = tpu.memref_slice %arg5[%dma_wait3A_511] : memref<4096xi32, #tpu.memory_space<vmem>> -> memref<128xi32, #tpu.memory_space<vmem>>
    %dma_wait3A_513 = arith.constant 0 : i32
    %dma_wait3A_514 = arith.constant 0 : i32
    %dma_wait3A_515 = tpu.memref_slice %arg2[%dma_wait3A_513, %dma_wait3A_514] : memref<16384x256xi32, #tpu.memory_space<hbm>> -> memref<16384x256xi32, #tpu.memory_space<hbm>>
    tpu.wait_indirect_dma semaphore(%arg9 : memref<!tpu.dma_semaphore, #tpu.memory_space<semaphore_mem>>) src(%dma_wait3A_515 : memref<16384x256xi32, #tpu.memory_space<hbm>>) dst(%arg7 : memref<128x256xi32, #tpu.memory_space<vmem>>)
    %add3A_516 = arith.constant 3200 : i32
    %add3A_517 = arith.addi %mul3A_2, %add3A_516 : i32
    %dma_start3A_518 = arith.constant 0 : i32
    %dma_start3A_519 = tpu.memref_slice %arg4[%add3A_517, %dma_start3A_518] : memref<131072x256xi32, #tpu.memory_space<hbm>> -> memref<128x256xi32, #tpu.memory_space<hbm>>
    %dma_start3A_520 = arith.constant 0 : i32
    %dma_start3A_521 = tpu.memref_slice %arg4[%add3A_517, %dma_start3A_520] : memref<131072x256xi32, #tpu.memory_space<hbm>> -> memref<128x256xi32, #tpu.memory_space<hbm>>
    tpu.enqueue_dma source(%arg7 : memref<128x256xi32, #tpu.memory_space<vmem>>) target(%dma_start3A_521 : memref<128x256xi32, #tpu.memory_space<hbm>>) target_semaphore(%arg11 : memref<!tpu.dma_semaphore, #tpu.memory_space<semaphore_mem>>)
    %dma_wait3A_522 = arith.constant 0 : i32
    %dma_wait3A_523 = tpu.memref_slice %arg4[%add3A_517, %dma_wait3A_522] : memref<131072x256xi32, #tpu.memory_space<hbm>> -> memref<128x256xi32, #tpu.memory_space<hbm>>
    %dma_wait3A_524 = arith.constant 0 : i32
    %dma_wait3A_525 = tpu.memref_slice %arg4[%add3A_517, %dma_wait3A_524] : memref<131072x256xi32, #tpu.memory_space<hbm>> -> memref<128x256xi32, #tpu.memory_space<hbm>>
    tpu.wait_dma2 semaphore(%arg11 : memref<!tpu.dma_semaphore, #tpu.memory_space<semaphore_mem>>) src(%arg7 : memref<128x256xi32, #tpu.memory_space<vmem>>) dst(%dma_wait3A_525 : memref<128x256xi32, #tpu.memory_space<hbm>>)
    %dma_start3A_526 = arith.constant 3456 : i32
    %dma_start3A_527 = tpu.memref_slice %arg5[%dma_start3A_526] : memref<4096xi32, #tpu.memory_space<vmem>> -> memref<128xi32, #tpu.memory_space<vmem>>
    %dma_start3A_528 = arith.constant 0 : i32
    %dma_start3A_529 = arith.constant 0 : i32
    %dma_start3A_530 = tpu.memref_slice %arg2[%dma_start3A_528, %dma_start3A_529] : memref<16384x256xi32, #tpu.memory_space<hbm>> -> memref<16384x256xi32, #tpu.memory_space<hbm>>
    tpu.enqueue_indirect_dma source(%dma_start3A_530 : memref<16384x256xi32, #tpu.memory_space<hbm>>) target(%arg7 : memref<128x256xi32, #tpu.memory_space<vmem>>) offsets(%dma_start3A_527 : memref<128xi32, #tpu.memory_space<vmem>>) semaphore(%arg9 : memref<!tpu.dma_semaphore, #tpu.memory_space<semaphore_mem>>)
    %dma_wait3A_531 = arith.constant 3328 : i32
    %dma_wait3A_532 = tpu.memref_slice %arg5[%dma_wait3A_531] : memref<4096xi32, #tpu.memory_space<vmem>> -> memref<128xi32, #tpu.memory_space<vmem>>
    %dma_wait3A_533 = arith.constant 0 : i32
    %dma_wait3A_534 = arith.constant 0 : i32
    %dma_wait3A_535 = tpu.memref_slice %arg2[%dma_wait3A_533, %dma_wait3A_534] : memref<16384x256xi32, #tpu.memory_space<hbm>> -> memref<16384x256xi32, #tpu.memory_space<hbm>>
    tpu.wait_indirect_dma semaphore(%arg8 : memref<!tpu.dma_semaphore, #tpu.memory_space<semaphore_mem>>) src(%dma_wait3A_535 : memref<16384x256xi32, #tpu.memory_space<hbm>>) dst(%arg6 : memref<128x256xi32, #tpu.memory_space<vmem>>)
    %add3A_536 = arith.constant 3328 : i32
    %add3A_537 = arith.addi %mul3A_2, %add3A_536 : i32
    %dma_start3A_538 = arith.constant 0 : i32
    %dma_start3A_539 = tpu.memref_slice %arg4[%add3A_537, %dma_start3A_538] : memref<131072x256xi32, #tpu.memory_space<hbm>> -> memref<128x256xi32, #tpu.memory_space<hbm>>
    %dma_start3A_540 = arith.constant 0 : i32
    %dma_start3A_541 = tpu.memref_slice %arg4[%add3A_537, %dma_start3A_540] : memref<131072x256xi32, #tpu.memory_space<hbm>> -> memref<128x256xi32, #tpu.memory_space<hbm>>
    tpu.enqueue_dma source(%arg6 : memref<128x256xi32, #tpu.memory_space<vmem>>) target(%dma_start3A_541 : memref<128x256xi32, #tpu.memory_space<hbm>>) target_semaphore(%arg10 : memref<!tpu.dma_semaphore, #tpu.memory_space<semaphore_mem>>)
    %dma_wait3A_542 = arith.constant 0 : i32
    %dma_wait3A_543 = tpu.memref_slice %arg4[%add3A_537, %dma_wait3A_542] : memref<131072x256xi32, #tpu.memory_space<hbm>> -> memref<128x256xi32, #tpu.memory_space<hbm>>
    %dma_wait3A_544 = arith.constant 0 : i32
    %dma_wait3A_545 = tpu.memref_slice %arg4[%add3A_537, %dma_wait3A_544] : memref<131072x256xi32, #tpu.memory_space<hbm>> -> memref<128x256xi32, #tpu.memory_space<hbm>>
    tpu.wait_dma2 semaphore(%arg10 : memref<!tpu.dma_semaphore, #tpu.memory_space<semaphore_mem>>) src(%arg6 : memref<128x256xi32, #tpu.memory_space<vmem>>) dst(%dma_wait3A_545 : memref<128x256xi32, #tpu.memory_space<hbm>>)
    %dma_start3A_546 = arith.constant 3584 : i32
    %dma_start3A_547 = tpu.memref_slice %arg5[%dma_start3A_546] : memref<4096xi32, #tpu.memory_space<vmem>> -> memref<128xi32, #tpu.memory_space<vmem>>
    %dma_start3A_548 = arith.constant 0 : i32
    %dma_start3A_549 = arith.constant 0 : i32
    %dma_start3A_550 = tpu.memref_slice %arg2[%dma_start3A_548, %dma_start3A_549] : memref<16384x256xi32, #tpu.memory_space<hbm>> -> memref<16384x256xi32, #tpu.memory_space<hbm>>
    tpu.enqueue_indirect_dma source(%dma_start3A_550 : memref<16384x256xi32, #tpu.memory_space<hbm>>) target(%arg6 : memref<128x256xi32, #tpu.memory_space<vmem>>) offsets(%dma_start3A_547 : memref<128xi32, #tpu.memory_space<vmem>>) semaphore(%arg8 : memref<!tpu.dma_semaphore, #tpu.memory_space<semaphore_mem>>)
    %dma_wait3A_551 = arith.constant 3456 : i32
    %dma_wait3A_552 = tpu.memref_slice %arg5[%dma_wait3A_551] : memref<4096xi32, #tpu.memory_space<vmem>> -> memref<128xi32, #tpu.memory_space<vmem>>
    %dma_wait3A_553 = arith.constant 0 : i32
    %dma_wait3A_554 = arith.constant 0 : i32
    %dma_wait3A_555 = tpu.memref_slice %arg2[%dma_wait3A_553, %dma_wait3A_554] : memref<16384x256xi32, #tpu.memory_space<hbm>> -> memref<16384x256xi32, #tpu.memory_space<hbm>>
    tpu.wait_indirect_dma semaphore(%arg9 : memref<!tpu.dma_semaphore, #tpu.memory_space<semaphore_mem>>) src(%dma_wait3A_555 : memref<16384x256xi32, #tpu.memory_space<hbm>>) dst(%arg7 : memref<128x256xi32, #tpu.memory_space<vmem>>)
    %add3A_556 = arith.constant 3456 : i32
    %add3A_557 = arith.addi %mul3A_2, %add3A_556 : i32
    %dma_start3A_558 = arith.constant 0 : i32
    %dma_start3A_559 = tpu.memref_slice %arg4[%add3A_557, %dma_start3A_558] : memref<131072x256xi32, #tpu.memory_space<hbm>> -> memref<128x256xi32, #tpu.memory_space<hbm>>
    %dma_start3A_560 = arith.constant 0 : i32
    %dma_start3A_561 = tpu.memref_slice %arg4[%add3A_557, %dma_start3A_560] : memref<131072x256xi32, #tpu.memory_space<hbm>> -> memref<128x256xi32, #tpu.memory_space<hbm>>
    tpu.enqueue_dma source(%arg7 : memref<128x256xi32, #tpu.memory_space<vmem>>) target(%dma_start3A_561 : memref<128x256xi32, #tpu.memory_space<hbm>>) target_semaphore(%arg11 : memref<!tpu.dma_semaphore, #tpu.memory_space<semaphore_mem>>)
    %dma_wait3A_562 = arith.constant 0 : i32
    %dma_wait3A_563 = tpu.memref_slice %arg4[%add3A_557, %dma_wait3A_562] : memref<131072x256xi32, #tpu.memory_space<hbm>> -> memref<128x256xi32, #tpu.memory_space<hbm>>
    %dma_wait3A_564 = arith.constant 0 : i32
    %dma_wait3A_565 = tpu.memref_slice %arg4[%add3A_557, %dma_wait3A_564] : memref<131072x256xi32, #tpu.memory_space<hbm>> -> memref<128x256xi32, #tpu.memory_space<hbm>>
    tpu.wait_dma2 semaphore(%arg11 : memref<!tpu.dma_semaphore, #tpu.memory_space<semaphore_mem>>) src(%arg7 : memref<128x256xi32, #tpu.memory_space<vmem>>) dst(%dma_wait3A_565 : memref<128x256xi32, #tpu.memory_space<hbm>>)
    %dma_start3A_566 = arith.constant 3712 : i32
    %dma_start3A_567 = tpu.memref_slice %arg5[%dma_start3A_566] : memref<4096xi32, #tpu.memory_space<vmem>> -> memref<128xi32, #tpu.memory_space<vmem>>
    %dma_start3A_568 = arith.constant 0 : i32
    %dma_start3A_569 = arith.constant 0 : i32
    %dma_start3A_570 = tpu.memref_slice %arg2[%dma_start3A_568, %dma_start3A_569] : memref<16384x256xi32, #tpu.memory_space<hbm>> -> memref<16384x256xi32, #tpu.memory_space<hbm>>
    tpu.enqueue_indirect_dma source(%dma_start3A_570 : memref<16384x256xi32, #tpu.memory_space<hbm>>) target(%arg7 : memref<128x256xi32, #tpu.memory_space<vmem>>) offsets(%dma_start3A_567 : memref<128xi32, #tpu.memory_space<vmem>>) semaphore(%arg9 : memref<!tpu.dma_semaphore, #tpu.memory_space<semaphore_mem>>)
    %dma_wait3A_571 = arith.constant 3584 : i32
    %dma_wait3A_572 = tpu.memref_slice %arg5[%dma_wait3A_571] : memref<4096xi32, #tpu.memory_space<vmem>> -> memref<128xi32, #tpu.memory_space<vmem>>
    %dma_wait3A_573 = arith.constant 0 : i32
    %dma_wait3A_574 = arith.constant 0 : i32
    %dma_wait3A_575 = tpu.memref_slice %arg2[%dma_wait3A_573, %dma_wait3A_574] : memref<16384x256xi32, #tpu.memory_space<hbm>> -> memref<16384x256xi32, #tpu.memory_space<hbm>>
    tpu.wait_indirect_dma semaphore(%arg8 : memref<!tpu.dma_semaphore, #tpu.memory_space<semaphore_mem>>) src(%dma_wait3A_575 : memref<16384x256xi32, #tpu.memory_space<hbm>>) dst(%arg6 : memref<128x256xi32, #tpu.memory_space<vmem>>)
    %add3A_576 = arith.constant 3584 : i32
    %add3A_577 = arith.addi %mul3A_2, %add3A_576 : i32
    %dma_start3A_578 = arith.constant 0 : i32
    %dma_start3A_579 = tpu.memref_slice %arg4[%add3A_577, %dma_start3A_578] : memref<131072x256xi32, #tpu.memory_space<hbm>> -> memref<128x256xi32, #tpu.memory_space<hbm>>
    %dma_start3A_580 = arith.constant 0 : i32
    %dma_start3A_581 = tpu.memref_slice %arg4[%add3A_577, %dma_start3A_580] : memref<131072x256xi32, #tpu.memory_space<hbm>> -> memref<128x256xi32, #tpu.memory_space<hbm>>
    tpu.enqueue_dma source(%arg6 : memref<128x256xi32, #tpu.memory_space<vmem>>) target(%dma_start3A_581 : memref<128x256xi32, #tpu.memory_space<hbm>>) target_semaphore(%arg10 : memref<!tpu.dma_semaphore, #tpu.memory_space<semaphore_mem>>)
    %dma_wait3A_582 = arith.constant 0 : i32
    %dma_wait3A_583 = tpu.memref_slice %arg4[%add3A_577, %dma_wait3A_582] : memref<131072x256xi32, #tpu.memory_space<hbm>> -> memref<128x256xi32, #tpu.memory_space<hbm>>
    %dma_wait3A_584 = arith.constant 0 : i32
    %dma_wait3A_585 = tpu.memref_slice %arg4[%add3A_577, %dma_wait3A_584] : memref<131072x256xi32, #tpu.memory_space<hbm>> -> memref<128x256xi32, #tpu.memory_space<hbm>>
    tpu.wait_dma2 semaphore(%arg10 : memref<!tpu.dma_semaphore, #tpu.memory_space<semaphore_mem>>) src(%arg6 : memref<128x256xi32, #tpu.memory_space<vmem>>) dst(%dma_wait3A_585 : memref<128x256xi32, #tpu.memory_space<hbm>>)
    %dma_start3A_586 = arith.constant 3840 : i32
    %dma_start3A_587 = tpu.memref_slice %arg5[%dma_start3A_586] : memref<4096xi32, #tpu.memory_space<vmem>> -> memref<128xi32, #tpu.memory_space<vmem>>
    %dma_start3A_588 = arith.constant 0 : i32
    %dma_start3A_589 = arith.constant 0 : i32
    %dma_start3A_590 = tpu.memref_slice %arg2[%dma_start3A_588, %dma_start3A_589] : memref<16384x256xi32, #tpu.memory_space<hbm>> -> memref<16384x256xi32, #tpu.memory_space<hbm>>
    tpu.enqueue_indirect_dma source(%dma_start3A_590 : memref<16384x256xi32, #tpu.memory_space<hbm>>) target(%arg6 : memref<128x256xi32, #tpu.memory_space<vmem>>) offsets(%dma_start3A_587 : memref<128xi32, #tpu.memory_space<vmem>>) semaphore(%arg8 : memref<!tpu.dma_semaphore, #tpu.memory_space<semaphore_mem>>)
    %dma_wait3A_591 = arith.constant 3712 : i32
    %dma_wait3A_592 = tpu.memref_slice %arg5[%dma_wait3A_591] : memref<4096xi32, #tpu.memory_space<vmem>> -> memref<128xi32, #tpu.memory_space<vmem>>
    %dma_wait3A_593 = arith.constant 0 : i32
    %dma_wait3A_594 = arith.constant 0 : i32
    %dma_wait3A_595 = tpu.memref_slice %arg2[%dma_wait3A_593, %dma_wait3A_594] : memref<16384x256xi32, #tpu.memory_space<hbm>> -> memref<16384x256xi32, #tpu.memory_space<hbm>>
    tpu.wait_indirect_dma semaphore(%arg9 : memref<!tpu.dma_semaphore, #tpu.memory_space<semaphore_mem>>) src(%dma_wait3A_595 : memref<16384x256xi32, #tpu.memory_space<hbm>>) dst(%arg7 : memref<128x256xi32, #tpu.memory_space<vmem>>)
    %add3A_596 = arith.constant 3712 : i32
    %add3A_597 = arith.addi %mul3A_2, %add3A_596 : i32
    %dma_start3A_598 = arith.constant 0 : i32
    %dma_start3A_599 = tpu.memref_slice %arg4[%add3A_597, %dma_start3A_598] : memref<131072x256xi32, #tpu.memory_space<hbm>> -> memref<128x256xi32, #tpu.memory_space<hbm>>
    %dma_start3A_600 = arith.constant 0 : i32
    %dma_start3A_601 = tpu.memref_slice %arg4[%add3A_597, %dma_start3A_600] : memref<131072x256xi32, #tpu.memory_space<hbm>> -> memref<128x256xi32, #tpu.memory_space<hbm>>
    tpu.enqueue_dma source(%arg7 : memref<128x256xi32, #tpu.memory_space<vmem>>) target(%dma_start3A_601 : memref<128x256xi32, #tpu.memory_space<hbm>>) target_semaphore(%arg11 : memref<!tpu.dma_semaphore, #tpu.memory_space<semaphore_mem>>)
    %dma_wait3A_602 = arith.constant 0 : i32
    %dma_wait3A_603 = tpu.memref_slice %arg4[%add3A_597, %dma_wait3A_602] : memref<131072x256xi32, #tpu.memory_space<hbm>> -> memref<128x256xi32, #tpu.memory_space<hbm>>
    %dma_wait3A_604 = arith.constant 0 : i32
    %dma_wait3A_605 = tpu.memref_slice %arg4[%add3A_597, %dma_wait3A_604] : memref<131072x256xi32, #tpu.memory_space<hbm>> -> memref<128x256xi32, #tpu.memory_space<hbm>>
    tpu.wait_dma2 semaphore(%arg11 : memref<!tpu.dma_semaphore, #tpu.memory_space<semaphore_mem>>) src(%arg7 : memref<128x256xi32, #tpu.memory_space<vmem>>) dst(%dma_wait3A_605 : memref<128x256xi32, #tpu.memory_space<hbm>>)
    %dma_start3A_606 = arith.constant 3968 : i32
    %dma_start3A_607 = tpu.memref_slice %arg5[%dma_start3A_606] : memref<4096xi32, #tpu.memory_space<vmem>> -> memref<128xi32, #tpu.memory_space<vmem>>
    %dma_start3A_608 = arith.constant 0 : i32
    %dma_start3A_609 = arith.constant 0 : i32
    %dma_start3A_610 = tpu.memref_slice %arg2[%dma_start3A_608, %dma_start3A_609] : memref<16384x256xi32, #tpu.memory_space<hbm>> -> memref<16384x256xi32, #tpu.memory_space<hbm>>
    tpu.enqueue_indirect_dma source(%dma_start3A_610 : memref<16384x256xi32, #tpu.memory_space<hbm>>) target(%arg7 : memref<128x256xi32, #tpu.memory_space<vmem>>) offsets(%dma_start3A_607 : memref<128xi32, #tpu.memory_space<vmem>>) semaphore(%arg9 : memref<!tpu.dma_semaphore, #tpu.memory_space<semaphore_mem>>)
    %dma_wait3A_611 = arith.constant 3840 : i32
    %dma_wait3A_612 = tpu.memref_slice %arg5[%dma_wait3A_611] : memref<4096xi32, #tpu.memory_space<vmem>> -> memref<128xi32, #tpu.memory_space<vmem>>
    %dma_wait3A_613 = arith.constant 0 : i32
    %dma_wait3A_614 = arith.constant 0 : i32
    %dma_wait3A_615 = tpu.memref_slice %arg2[%dma_wait3A_613, %dma_wait3A_614] : memref<16384x256xi32, #tpu.memory_space<hbm>> -> memref<16384x256xi32, #tpu.memory_space<hbm>>
    tpu.wait_indirect_dma semaphore(%arg8 : memref<!tpu.dma_semaphore, #tpu.memory_space<semaphore_mem>>) src(%dma_wait3A_615 : memref<16384x256xi32, #tpu.memory_space<hbm>>) dst(%arg6 : memref<128x256xi32, #tpu.memory_space<vmem>>)
    %add3A_616 = arith.constant 3840 : i32
    %add3A_617 = arith.addi %mul3A_2, %add3A_616 : i32
    %dma_start3A_618 = arith.constant 0 : i32
    %dma_start3A_619 = tpu.memref_slice %arg4[%add3A_617, %dma_start3A_618] : memref<131072x256xi32, #tpu.memory_space<hbm>> -> memref<128x256xi32, #tpu.memory_space<hbm>>
    %dma_start3A_620 = arith.constant 0 : i32
    %dma_start3A_621 = tpu.memref_slice %arg4[%add3A_617, %dma_start3A_620] : memref<131072x256xi32, #tpu.memory_space<hbm>> -> memref<128x256xi32, #tpu.memory_space<hbm>>
    tpu.enqueue_dma source(%arg6 : memref<128x256xi32, #tpu.memory_space<vmem>>) target(%dma_start3A_621 : memref<128x256xi32, #tpu.memory_space<hbm>>) target_semaphore(%arg10 : memref<!tpu.dma_semaphore, #tpu.memory_space<semaphore_mem>>)
    %dma_wait3A_622 = arith.constant 3968 : i32
    %dma_wait3A_623 = tpu.memref_slice %arg5[%dma_wait3A_622] : memref<4096xi32, #tpu.memory_space<vmem>> -> memref<128xi32, #tpu.memory_space<vmem>>
    %dma_wait3A_624 = arith.constant 0 : i32
    %dma_wait3A_625 = arith.constant 0 : i32
    %dma_wait3A_626 = tpu.memref_slice %arg2[%dma_wait3A_624, %dma_wait3A_625] : memref<16384x256xi32, #tpu.memory_space<hbm>> -> memref<16384x256xi32, #tpu.memory_space<hbm>>
    tpu.wait_indirect_dma semaphore(%arg9 : memref<!tpu.dma_semaphore, #tpu.memory_space<semaphore_mem>>) src(%dma_wait3A_626 : memref<16384x256xi32, #tpu.memory_space<hbm>>) dst(%arg7 : memref<128x256xi32, #tpu.memory_space<vmem>>)
    %add3A_627 = arith.constant 3968 : i32
    %add3A_628 = arith.addi %mul3A_2, %add3A_627 : i32
    %dma_start3A_629 = arith.constant 0 : i32
    %dma_start3A_630 = tpu.memref_slice %arg4[%add3A_628, %dma_start3A_629] : memref<131072x256xi32, #tpu.memory_space<hbm>> -> memref<128x256xi32, #tpu.memory_space<hbm>>
    %dma_start3A_631 = arith.constant 0 : i32
    %dma_start3A_632 = tpu.memref_slice %arg4[%add3A_628, %dma_start3A_631] : memref<131072x256xi32, #tpu.memory_space<hbm>> -> memref<128x256xi32, #tpu.memory_space<hbm>>
    tpu.enqueue_dma source(%arg7 : memref<128x256xi32, #tpu.memory_space<vmem>>) target(%dma_start3A_632 : memref<128x256xi32, #tpu.memory_space<hbm>>) target_semaphore(%arg11 : memref<!tpu.dma_semaphore, #tpu.memory_space<semaphore_mem>>)
    %dma_wait3A_633 = arith.constant 0 : i32
    %dma_wait3A_634 = tpu.memref_slice %arg4[%add3A_628, %dma_wait3A_633] : memref<131072x256xi32, #tpu.memory_space<hbm>> -> memref<128x256xi32, #tpu.memory_space<hbm>>
    %dma_wait3A_635 = arith.constant 0 : i32
    %dma_wait3A_636 = tpu.memref_slice %arg4[%add3A_628, %dma_wait3A_635] : memref<131072x256xi32, #tpu.memory_space<hbm>> -> memref<128x256xi32, #tpu.memory_space<hbm>>
    tpu.wait_dma2 semaphore(%arg11 : memref<!tpu.dma_semaphore, #tpu.memory_space<semaphore_mem>>) src(%arg7 : memref<128x256xi32, #tpu.memory_space<vmem>>) dst(%dma_wait3A_636 : memref<128x256xi32, #tpu.memory_space<hbm>>)
    %dma_wait3A_637 = arith.constant 0 : i32
    %dma_wait3A_638 = tpu.memref_slice %arg4[%add3A_617, %dma_wait3A_637] : memref<131072x256xi32, #tpu.memory_space<hbm>> -> memref<128x256xi32, #tpu.memory_space<hbm>>
    %dma_wait3A_639 = arith.constant 0 : i32
    %dma_wait3A_640 = tpu.memref_slice %arg4[%add3A_617, %dma_wait3A_639] : memref<131072x256xi32, #tpu.memory_space<hbm>> -> memref<128x256xi32, #tpu.memory_space<hbm>>
    tpu.wait_dma2 semaphore(%arg10 : memref<!tpu.dma_semaphore, #tpu.memory_space<semaphore_mem>>) src(%arg6 : memref<128x256xi32, #tpu.memory_space<vmem>>) dst(%dma_wait3A_640 : memref<128x256xi32, #tpu.memory_space<hbm>>)
    return
  }
}

module attributes {stable_mosaic.version = 14 : i64} {
  func.func @_knn_body(%arg0: i32, %arg1: i32, %arg2: memref<1x1024x128xf32, #tpu.memory_space<vmem>>, %arg3: memref<1x2048x128xf32, #tpu.memory_space<vmem>>, %arg4: memref<1x8x1024xi32, #tpu.memory_space<vmem>>) attributes {dimension_semantics = [#tpu.dimension_semantics<arbitrary>, #tpu.dimension_semantics<arbitrary>], iteration_bounds = array<i64: 8, 2>, scalar_prefetch = 0 : i64, scratch_operands = 0 : i64, tpu.core_type = #tpu.core_type<tc>, window_params = [{transform_indices = @transform_0, window_bounds = array<i64: 1, 1024, 128>}, {transform_indices = @transform_1, window_bounds = array<i64: 1, 2048, 128>}, {transform_indices = @transform_2, window_bounds = array<i64: 1, 8, 1024>}]} {
    %get3A = arith.constant 0 : index
    %get3A_0 = arith.constant 0 : index
    %get3A_1 = arith.constant 0 : index
    %get3A_2 = vector.load %arg2[%get3A, %get3A_0, %get3A_1] : memref<1x1024x128xf32, #tpu.memory_space<vmem>>, vector<1x1024x128xf32>
    %get3A_3 = vector.shape_cast %get3A_2 : vector<1x1024x128xf32> to vector<1024x128xf32>
    %get3A_4 = arith.constant 0 : index
    %get3A_5 = arith.constant 0 : index
    %get3A_6 = arith.constant 0 : index
    %get3A_7 = vector.load %arg3[%get3A_4, %get3A_5, %get3A_6] : memref<1x2048x128xf32, #tpu.memory_space<vmem>>, vector<1x2048x128xf32>
    %get3A_8 = vector.shape_cast %get3A_7 : vector<1x2048x128xf32> to vector<2048x128xf32>
    %mul3A = arith.mulf %get3A_3, %get3A_3 : vector<1024x128xf32>
    %reduce_sum3A = arith.constant dense<0.000000e+00> : vector<1024xf32>
    %reduce_sum3A_9 = vector.multi_reduction <add>, %mul3A, %reduce_sum3A [1] : vector<1024x128xf32> to vector<1024xf32>
    %broadcast_in_dim3A = vector.shape_cast %reduce_sum3A_9 : vector<1024xf32> to vector<1024x1xf32>
    %broadcast_in_dim3A_10 = arith.constant 1.000000e+00 : f32
    %broadcast_in_dim3A_11 = vector.broadcast %broadcast_in_dim3A_10 : f32 to vector<8x128xf32>
    %mul3A_12 = arith.mulf %get3A_8, %get3A_8 : vector<2048x128xf32>
    %dot_general3A = arith.constant dense<0.000000e+00> : vector<8x2048xf32>
    %dot_general3A_13 = tpu.matmul %broadcast_in_dim3A_11, %mul3A_12, %dot_general3A {dimension_numbers = #tpu.dot_dimension_numbers<[1], [1], [0], [0], [0, 0, 1, 0], [], []>, precision = #tpu.contract_precision<fp32>, transpose_lhs_hint = false} : vector<8x128xf32>, vector<2048x128xf32>, vector<8x2048xf32> -> vector<8x2048xf32>
    %slice3A = vector.extract_strided_slice %dot_general3A_13 {offsets = [0, 0], sizes = [1, 2048], strides = [1, 1]} : vector<8x2048xf32> to vector<1x2048xf32>
    %dot_general3A_14 = arith.constant dense<0.000000e+00> : vector<1024x2048xf32>
    %dot_general3A_15 = tpu.matmul %get3A_3, %get3A_8, %dot_general3A_14 {dimension_numbers = #tpu.dot_dimension_numbers<[1], [1], [0], [0], [0, 0, 1, 0], [], []>, transpose_lhs_hint = false} : vector<1024x128xf32>, vector<2048x128xf32>, vector<1024x2048xf32> -> vector<1024x2048xf32>
    %add3A = vector.broadcast %broadcast_in_dim3A : vector<1024x1xf32> to vector<1024x2048xf32>
    %add3A_16 = vector.broadcast %slice3A : vector<1x2048xf32> to vector<1024x2048xf32>
    %add3A_17 = arith.addf %add3A, %add3A_16 : vector<1024x2048xf32>
    %mul3A_18 = arith.constant 2.000000e+00 : f32
    %mul3A_19 = vector.broadcast %mul3A_18 : f32 to vector<1024x2048xf32>
    %mul3A_20 = arith.mulf %mul3A_19, %dot_general3A_15 : vector<1024x2048xf32>
    %sub3A = arith.subf %add3A_17, %mul3A_20 : vector<1024x2048xf32>
    %iota3A = tpu.iota {dimensions = array<i32: 1>} : vector<1024x2048xi32>
    %max3A = arith.constant 0.000000e+00 : f32
    %max3A_21 = vector.broadcast %max3A : f32 to vector<1024x2048xf32>
    %max3A_22 = arith.maximumf %sub3A, %max3A_21 : vector<1024x2048xf32>
    %bitcast_convert_type3A = tpu.bitcast %max3A_22 : vector<1024x2048xf32> -> vector<1024x2048xi32>
    %and3A = arith.constant -2048 : i32
    %and3A_23 = vector.broadcast %and3A : i32 to vector<1024x2048xi32>
    %and3A_24 = arith.andi %bitcast_convert_type3A, %and3A_23 : vector<1024x2048xi32>
    %or3A = arith.ori %and3A_24, %iota3A : vector<1024x2048xi32>
    %add3A_25 = arith.constant 8388608 : i32
    %add3A_26 = vector.broadcast %add3A_25 : i32 to vector<1024x2048xi32>
    %add3A_27 = arith.addi %or3A, %add3A_26 : vector<1024x2048xi32>
    %bitcast_convert_type3A_28 = tpu.bitcast %add3A_27 : vector<1024x2048xi32> -> vector<1024x2048xf32>
    %reduce_min3A = arith.constant dense<0x7F800000> : vector<1024xf32>
    %reduce_min3A_29 = vector.multi_reduction <minimumf>, %bitcast_convert_type3A_28, %reduce_min3A [1] : vector<1024x2048xf32> to vector<1024xf32>
    %broadcast_in_dim3A_30 = vector.shape_cast %reduce_min3A_29 : vector<1024xf32> to vector<1024x1xf32>
    %squeeze3A = vector.shape_cast %broadcast_in_dim3A_30 : vector<1024x1xf32> to vector<1024xf32>
    %bitcast_convert_type3A_31 = tpu.bitcast %squeeze3A : vector<1024xf32> -> vector<1024xi32>
    %and3A_32 = arith.constant 2047 : i32
    %and3A_33 = vector.broadcast %and3A_32 : i32 to vector<1024xi32>
    %and3A_34 = arith.andi %bitcast_convert_type3A_31, %and3A_33 : vector<1024xi32>
    %mul3A_35 = arith.constant 2048 : i32
    %mul3A_36 = arith.muli %arg0, %mul3A_35 : i32
    %add3A_37 = vector.broadcast %mul3A_36 : i32 to vector<1024xi32>
    %add3A_38 = arith.addi %and3A_34, %add3A_37 : vector<1024xi32>
    %swap3A = arith.constant 0 : index
    %swap3A_39 = arith.constant 0 : index
    %swap3A_40 = arith.constant 0 : index
    %swap3A_41 = vector.load %arg4[%swap3A, %swap3A_39, %swap3A_40] : memref<1x8x1024xi32, #tpu.memory_space<vmem>>, vector<1x1x1024xi32>
    %swap3A_42 = vector.shape_cast %swap3A_41 : vector<1x1x1024xi32> to vector<1024xi32>
    %swap3A_43 = vector.shape_cast %add3A_38 : vector<1024xi32> to vector<1x1x1024xi32>
    tpu.vector_store %arg4[%swap3A, %swap3A_39, %swap3A_40], %swap3A_43 {strides = array<i32>} : memref<1x8x1024xi32, #tpu.memory_space<vmem>>, vector<1x1x1024xi32>,
    %eq3A = vector.broadcast %broadcast_in_dim3A_30 : vector<1024x1xf32> to vector<1024x2048xf32>
    %eq3A_44 = arith.cmpf oeq, %bitcast_convert_type3A_28, %eq3A : vector<1024x2048xf32>
    %jit3A = arith.constant 0x7F800000 : f32
    %broadcast_in_dim3A_45 = vector.broadcast %jit3A : f32 to vector<1024x2048xf32>
    %select_n3A = arith.select %eq3A_44, %broadcast_in_dim3A_45, %bitcast_convert_type3A_28 : vector<1024x2048xi1>, vector<1024x2048xf32>
    %reduce_min3A_46 = arith.constant dense<0x7F800000> : vector<1024xf32>
    %reduce_min3A_47 = vector.multi_reduction <minimumf>, %select_n3A, %reduce_min3A_46 [1] : vector<1024x2048xf32> to vector<1024xf32>
    %broadcast_in_dim3A_48 = vector.shape_cast %reduce_min3A_47 : vector<1024xf32> to vector<1024x1xf32>
    %squeeze3A_49 = vector.shape_cast %broadcast_in_dim3A_48 : vector<1024x1xf32> to vector<1024xf32>
    %bitcast_convert_type3A_50 = tpu.bitcast %squeeze3A_49 : vector<1024xf32> -> vector<1024xi32>
    %and3A_51 = arith.constant 2047 : i32
    %and3A_52 = vector.broadcast %and3A_51 : i32 to vector<1024xi32>
    %and3A_53 = arith.andi %bitcast_convert_type3A_50, %and3A_52 : vector<1024xi32>
    %mul3A_54 = arith.constant 2048 : i32
    %mul3A_55 = arith.muli %arg0, %mul3A_54 : i32
    %add3A_56 = vector.broadcast %mul3A_55 : i32 to vector<1024xi32>
    %add3A_57 = arith.addi %and3A_53, %add3A_56 : vector<1024xi32>
    %swap3A_58 = arith.constant 0 : index
    %swap3A_59 = arith.constant 1 : index
    %swap3A_60 = arith.constant 0 : index
    %swap3A_61 = vector.load %arg4[%swap3A_58, %swap3A_59, %swap3A_60] : memref<1x8x1024xi32, #tpu.memory_space<vmem>>, vector<1x1x1024xi32>
    %swap3A_62 = vector.shape_cast %swap3A_61 : vector<1x1x1024xi32> to vector<1024xi32>
    %swap3A_63 = vector.shape_cast %add3A_57 : vector<1024xi32> to vector<1x1x1024xi32>
    tpu.vector_store %arg4[%swap3A_58, %swap3A_59, %swap3A_60], %swap3A_63 {strides = array<i32>} : memref<1x8x1024xi32, #tpu.memory_space<vmem>>, vector<1x1x1024xi32>,
    %eq3A_64 = vector.broadcast %broadcast_in_dim3A_48 : vector<1024x1xf32> to vector<1024x2048xf32>
    %eq3A_65 = arith.cmpf oeq, %select_n3A, %eq3A_64 : vector<1024x2048xf32>
    %jit3A_66 = arith.constant 0x7F800000 : f32
    %broadcast_in_dim3A_67 = vector.broadcast %jit3A_66 : f32 to vector<1024x2048xf32>
    %select_n3A_68 = arith.select %eq3A_65, %broadcast_in_dim3A_67, %select_n3A : vector<1024x2048xi1>, vector<1024x2048xf32>
    %reduce_min3A_69 = arith.constant dense<0x7F800000> : vector<1024xf32>
    %reduce_min3A_70 = vector.multi_reduction <minimumf>, %select_n3A_68, %reduce_min3A_69 [1] : vector<1024x2048xf32> to vector<1024xf32>
    %broadcast_in_dim3A_71 = vector.shape_cast %reduce_min3A_70 : vector<1024xf32> to vector<1024x1xf32>
    %squeeze3A_72 = vector.shape_cast %broadcast_in_dim3A_71 : vector<1024x1xf32> to vector<1024xf32>
    %bitcast_convert_type3A_73 = tpu.bitcast %squeeze3A_72 : vector<1024xf32> -> vector<1024xi32>
    %and3A_74 = arith.constant 2047 : i32
    %and3A_75 = vector.broadcast %and3A_74 : i32 to vector<1024xi32>
    %and3A_76 = arith.andi %bitcast_convert_type3A_73, %and3A_75 : vector<1024xi32>
    %mul3A_77 = arith.constant 2048 : i32
    %mul3A_78 = arith.muli %arg0, %mul3A_77 : i32
    %add3A_79 = vector.broadcast %mul3A_78 : i32 to vector<1024xi32>
    %add3A_80 = arith.addi %and3A_76, %add3A_79 : vector<1024xi32>
    %swap3A_81 = arith.constant 0 : index
    %swap3A_82 = arith.constant 2 : index
    %swap3A_83 = arith.constant 0 : index
    %swap3A_84 = vector.load %arg4[%swap3A_81, %swap3A_82, %swap3A_83] : memref<1x8x1024xi32, #tpu.memory_space<vmem>>, vector<1x1x1024xi32>
    %swap3A_85 = vector.shape_cast %swap3A_84 : vector<1x1x1024xi32> to vector<1024xi32>
    %swap3A_86 = vector.shape_cast %add3A_80 : vector<1024xi32> to vector<1x1x1024xi32>
    tpu.vector_store %arg4[%swap3A_81, %swap3A_82, %swap3A_83], %swap3A_86 {strides = array<i32>} : memref<1x8x1024xi32, #tpu.memory_space<vmem>>, vector<1x1x1024xi32>,
    %eq3A_87 = vector.broadcast %broadcast_in_dim3A_71 : vector<1024x1xf32> to vector<1024x2048xf32>
    %eq3A_88 = arith.cmpf oeq, %select_n3A_68, %eq3A_87 : vector<1024x2048xf32>
    %jit3A_89 = arith.constant 0x7F800000 : f32
    %broadcast_in_dim3A_90 = vector.broadcast %jit3A_89 : f32 to vector<1024x2048xf32>
    %select_n3A_91 = arith.select %eq3A_88, %broadcast_in_dim3A_90, %select_n3A_68 : vector<1024x2048xi1>, vector<1024x2048xf32>
    %reduce_min3A_92 = arith.constant dense<0x7F800000> : vector<1024xf32>
    %reduce_min3A_93 = vector.multi_reduction <minimumf>, %select_n3A_91, %reduce_min3A_92 [1] : vector<1024x2048xf32> to vector<1024xf32>
    %broadcast_in_dim3A_94 = vector.shape_cast %reduce_min3A_93 : vector<1024xf32> to vector<1024x1xf32>
    %squeeze3A_95 = vector.shape_cast %broadcast_in_dim3A_94 : vector<1024x1xf32> to vector<1024xf32>
    %bitcast_convert_type3A_96 = tpu.bitcast %squeeze3A_95 : vector<1024xf32> -> vector<1024xi32>
    %and3A_97 = arith.constant 2047 : i32
    %and3A_98 = vector.broadcast %and3A_97 : i32 to vector<1024xi32>
    %and3A_99 = arith.andi %bitcast_convert_type3A_96, %and3A_98 : vector<1024xi32>
    %mul3A_100 = arith.constant 2048 : i32
    %mul3A_101 = arith.muli %arg0, %mul3A_100 : i32
    %add3A_102 = vector.broadcast %mul3A_101 : i32 to vector<1024xi32>
    %add3A_103 = arith.addi %and3A_99, %add3A_102 : vector<1024xi32>
    %swap3A_104 = arith.constant 0 : index
    %swap3A_105 = arith.constant 3 : index
    %swap3A_106 = arith.constant 0 : index
    %swap3A_107 = vector.load %arg4[%swap3A_104, %swap3A_105, %swap3A_106] : memref<1x8x1024xi32, #tpu.memory_space<vmem>>, vector<1x1x1024xi32>
    %swap3A_108 = vector.shape_cast %swap3A_107 : vector<1x1x1024xi32> to vector<1024xi32>
    %swap3A_109 = vector.shape_cast %add3A_103 : vector<1024xi32> to vector<1x1x1024xi32>
    tpu.vector_store %arg4[%swap3A_104, %swap3A_105, %swap3A_106], %swap3A_109 {strides = array<i32>} : memref<1x8x1024xi32, #tpu.memory_space<vmem>>, vector<1x1x1024xi32>,
    %eq3A_110 = vector.broadcast %broadcast_in_dim3A_94 : vector<1024x1xf32> to vector<1024x2048xf32>
    %eq3A_111 = arith.cmpf oeq, %select_n3A_91, %eq3A_110 : vector<1024x2048xf32>
    %jit3A_112 = arith.constant 0x7F800000 : f32
    %broadcast_in_dim3A_113 = vector.broadcast %jit3A_112 : f32 to vector<1024x2048xf32>
    %select_n3A_114 = arith.select %eq3A_111, %broadcast_in_dim3A_113, %select_n3A_91 : vector<1024x2048xi1>, vector<1024x2048xf32>
    %reduce_min3A_115 = arith.constant dense<0x7F800000> : vector<1024xf32>
    %reduce_min3A_116 = vector.multi_reduction <minimumf>, %select_n3A_114, %reduce_min3A_115 [1] : vector<1024x2048xf32> to vector<1024xf32>
    %broadcast_in_dim3A_117 = vector.shape_cast %reduce_min3A_116 : vector<1024xf32> to vector<1024x1xf32>
    %squeeze3A_118 = vector.shape_cast %broadcast_in_dim3A_117 : vector<1024x1xf32> to vector<1024xf32>
    %bitcast_convert_type3A_119 = tpu.bitcast %squeeze3A_118 : vector<1024xf32> -> vector<1024xi32>
    %and3A_120 = arith.constant 2047 : i32
    %and3A_121 = vector.broadcast %and3A_120 : i32 to vector<1024xi32>
    %and3A_122 = arith.andi %bitcast_convert_type3A_119, %and3A_121 : vector<1024xi32>
    %mul3A_123 = arith.constant 2048 : i32
    %mul3A_124 = arith.muli %arg0, %mul3A_123 : i32
    %add3A_125 = vector.broadcast %mul3A_124 : i32 to vector<1024xi32>
    %add3A_126 = arith.addi %and3A_122, %add3A_125 : vector<1024xi32>
    %swap3A_127 = arith.constant 0 : index
    %swap3A_128 = arith.constant 4 : index
    %swap3A_129 = arith.constant 0 : index
    %swap3A_130 = vector.load %arg4[%swap3A_127, %swap3A_128, %swap3A_129] : memref<1x8x1024xi32, #tpu.memory_space<vmem>>, vector<1x1x1024xi32>
    %swap3A_131 = vector.shape_cast %swap3A_130 : vector<1x1x1024xi32> to vector<1024xi32>
    %swap3A_132 = vector.shape_cast %add3A_126 : vector<1024xi32> to vector<1x1x1024xi32>
    tpu.vector_store %arg4[%swap3A_127, %swap3A_128, %swap3A_129], %swap3A_132 {strides = array<i32>} : memref<1x8x1024xi32, #tpu.memory_space<vmem>>, vector<1x1x1024xi32>,
    %eq3A_133 = vector.broadcast %broadcast_in_dim3A_117 : vector<1024x1xf32> to vector<1024x2048xf32>
    %eq3A_134 = arith.cmpf oeq, %select_n3A_114, %eq3A_133 : vector<1024x2048xf32>
    %jit3A_135 = arith.constant 0x7F800000 : f32
    %broadcast_in_dim3A_136 = vector.broadcast %jit3A_135 : f32 to vector<1024x2048xf32>
    %select_n3A_137 = arith.select %eq3A_134, %broadcast_in_dim3A_136, %select_n3A_114 : vector<1024x2048xi1>, vector<1024x2048xf32>
    %reduce_min3A_138 = arith.constant dense<0x7F800000> : vector<1024xf32>
    %reduce_min3A_139 = vector.multi_reduction <minimumf>, %select_n3A_137, %reduce_min3A_138 [1] : vector<1024x2048xf32> to vector<1024xf32>
    %broadcast_in_dim3A_140 = vector.shape_cast %reduce_min3A_139 : vector<1024xf32> to vector<1024x1xf32>
    %squeeze3A_141 = vector.shape_cast %broadcast_in_dim3A_140 : vector<1024x1xf32> to vector<1024xf32>
    %bitcast_convert_type3A_142 = tpu.bitcast %squeeze3A_141 : vector<1024xf32> -> vector<1024xi32>
    %and3A_143 = arith.constant 2047 : i32
    %and3A_144 = vector.broadcast %and3A_143 : i32 to vector<1024xi32>
    %and3A_145 = arith.andi %bitcast_convert_type3A_142, %and3A_144 : vector<1024xi32>
    %mul3A_146 = arith.constant 2048 : i32
    %mul3A_147 = arith.muli %arg0, %mul3A_146 : i32
    %add3A_148 = vector.broadcast %mul3A_147 : i32 to vector<1024xi32>
    %add3A_149 = arith.addi %and3A_145, %add3A_148 : vector<1024xi32>
    %swap3A_150 = arith.constant 0 : index
    %swap3A_151 = arith.constant 5 : index
    %swap3A_152 = arith.constant 0 : index
    %swap3A_153 = vector.load %arg4[%swap3A_150, %swap3A_151, %swap3A_152] : memref<1x8x1024xi32, #tpu.memory_space<vmem>>, vector<1x1x1024xi32>
    %swap3A_154 = vector.shape_cast %swap3A_153 : vector<1x1x1024xi32> to vector<1024xi32>
    %swap3A_155 = vector.shape_cast %add3A_149 : vector<1024xi32> to vector<1x1x1024xi32>
    tpu.vector_store %arg4[%swap3A_150, %swap3A_151, %swap3A_152], %swap3A_155 {strides = array<i32>} : memref<1x8x1024xi32, #tpu.memory_space<vmem>>, vector<1x1x1024xi32>,
    %eq3A_156 = vector.broadcast %broadcast_in_dim3A_140 : vector<1024x1xf32> to vector<1024x2048xf32>
    %eq3A_157 = arith.cmpf oeq, %select_n3A_137, %eq3A_156 : vector<1024x2048xf32>
    %jit3A_158 = arith.constant 0x7F800000 : f32
    %broadcast_in_dim3A_159 = vector.broadcast %jit3A_158 : f32 to vector<1024x2048xf32>
    %select_n3A_160 = arith.select %eq3A_157, %broadcast_in_dim3A_159, %select_n3A_137 : vector<1024x2048xi1>, vector<1024x2048xf32>
    %reduce_min3A_161 = arith.constant dense<0x7F800000> : vector<1024xf32>
    %reduce_min3A_162 = vector.multi_reduction <minimumf>, %select_n3A_160, %reduce_min3A_161 [1] : vector<1024x2048xf32> to vector<1024xf32>
    %broadcast_in_dim3A_163 = vector.shape_cast %reduce_min3A_162 : vector<1024xf32> to vector<1024x1xf32>
    %squeeze3A_164 = vector.shape_cast %broadcast_in_dim3A_163 : vector<1024x1xf32> to vector<1024xf32>
    %bitcast_convert_type3A_165 = tpu.bitcast %squeeze3A_164 : vector<1024xf32> -> vector<1024xi32>
    %and3A_166 = arith.constant 2047 : i32
    %and3A_167 = vector.broadcast %and3A_166 : i32 to vector<1024xi32>
    %and3A_168 = arith.andi %bitcast_convert_type3A_165, %and3A_167 : vector<1024xi32>
    %mul3A_169 = arith.constant 2048 : i32
    %mul3A_170 = arith.muli %arg0, %mul3A_169 : i32
    %add3A_171 = vector.broadcast %mul3A_170 : i32 to vector<1024xi32>
    %add3A_172 = arith.addi %and3A_168, %add3A_171 : vector<1024xi32>
    %swap3A_173 = arith.constant 0 : index
    %swap3A_174 = arith.constant 6 : index
    %swap3A_175 = arith.constant 0 : index
    %swap3A_176 = vector.load %arg4[%swap3A_173, %swap3A_174, %swap3A_175] : memref<1x8x1024xi32, #tpu.memory_space<vmem>>, vector<1x1x1024xi32>
    %swap3A_177 = vector.shape_cast %swap3A_176 : vector<1x1x1024xi32> to vector<1024xi32>
    %swap3A_178 = vector.shape_cast %add3A_172 : vector<1024xi32> to vector<1x1x1024xi32>
    tpu.vector_store %arg4[%swap3A_173, %swap3A_174, %swap3A_175], %swap3A_178 {strides = array<i32>} : memref<1x8x1024xi32, #tpu.memory_space<vmem>>, vector<1x1x1024xi32>,
    %eq3A_179 = vector.broadcast %broadcast_in_dim3A_163 : vector<1024x1xf32> to vector<1024x2048xf32>
    %eq3A_180 = arith.cmpf oeq, %select_n3A_160, %eq3A_179 : vector<1024x2048xf32>
    %jit3A_181 = arith.constant 0x7F800000 : f32
    %broadcast_in_dim3A_182 = vector.broadcast %jit3A_181 : f32 to vector<1024x2048xf32>
    %select_n3A_183 = arith.select %eq3A_180, %broadcast_in_dim3A_182, %select_n3A_160 : vector<1024x2048xi1>, vector<1024x2048xf32>
    %reduce_min3A_184 = arith.constant dense<0x7F800000> : vector<1024xf32>
    %reduce_min3A_185 = vector.multi_reduction <minimumf>, %select_n3A_183, %reduce_min3A_184 [1] : vector<1024x2048xf32> to vector<1024xf32>
    %broadcast_in_dim3A_186 = vector.shape_cast %reduce_min3A_185 : vector<1024xf32> to vector<1024x1xf32>
    %squeeze3A_187 = vector.shape_cast %broadcast_in_dim3A_186 : vector<1024x1xf32> to vector<1024xf32>
    %bitcast_convert_type3A_188 = tpu.bitcast %squeeze3A_187 : vector<1024xf32> -> vector<1024xi32>
    %and3A_189 = arith.constant 2047 : i32
    %and3A_190 = vector.broadcast %and3A_189 : i32 to vector<1024xi32>
    %and3A_191 = arith.andi %bitcast_convert_type3A_188, %and3A_190 : vector<1024xi32>
    %mul3A_192 = arith.constant 2048 : i32
    %mul3A_193 = arith.muli %arg0, %mul3A_192 : i32
    %add3A_194 = vector.broadcast %mul3A_193 : i32 to vector<1024xi32>
    %add3A_195 = arith.addi %and3A_191, %add3A_194 : vector<1024xi32>
    %swap3A_196 = arith.constant 0 : index
    %swap3A_197 = arith.constant 7 : index
    %swap3A_198 = arith.constant 0 : index
    %swap3A_199 = vector.load %arg4[%swap3A_196, %swap3A_197, %swap3A_198] : memref<1x8x1024xi32, #tpu.memory_space<vmem>>, vector<1x1x1024xi32>
    %swap3A_200 = vector.shape_cast %swap3A_199 : vector<1x1x1024xi32> to vector<1024xi32>
    %swap3A_201 = vector.shape_cast %add3A_195 : vector<1024xi32> to vector<1x1x1024xi32>
    tpu.vector_store %arg4[%swap3A_196, %swap3A_197, %swap3A_198], %swap3A_201 {strides = array<i32>} : memref<1x8x1024xi32, #tpu.memory_space<vmem>>, vector<1x1x1024xi32>,
    return
  }
  func.func @transform_0(%arg0: i32, %arg1: i32) -> (i32, i32, i32) {
    %c0_i32 = arith.constant 0 : i32
    %c0_i32_0 = arith.constant 0 : i32
    return %arg0, %arg1, %c0_i32 : i32, i32, i32
  }
  func.func @transform_1(%arg0: i32, %arg1: i32) -> (i32, i32, i32) {
    %c0_i32 = arith.constant 0 : i32
    %c0_i32_0 = arith.constant 0 : i32
    %c0_i32_1 = arith.constant 0 : i32
    return %arg0, %c0_i32, %c0_i32_0 : i32, i32, i32
  }
  func.func @transform_2(%arg0: i32, %arg1: i32) -> (i32, i32, i32) {
    %c0_i32 = arith.constant 0 : i32
    %c0_i32_0 = arith.constant 0 : i32
    return %arg0, %c0_i32, %arg1 : i32, i32, i32
  }
}

module attributes {stable_mosaic.version = 14 : i64} {
  func.func @_proj_body(%arg0: i32, %arg1: memref<512x256xf32, #tpu.memory_space<vmem>>, %arg2: memref<256x512xf32, #tpu.memory_space<vmem>>, %arg3: memref<512x256xi32, #tpu.memory_space<vmem>>) attributes {dimension_semantics = [#tpu.dimension_semantics<arbitrary>], iteration_bounds = array<i64: 32>, scalar_prefetch = 0 : i64, scratch_operands = 0 : i64, tpu.core_type = #tpu.core_type<tc>, window_params = [{transform_indices = @transform_0, window_bounds = array<i64: 512, 256>}, {pipeline_mode = #tpu.pipeline_mode<synchronous>, transform_indices = @transform_1, window_bounds = array<i64: 256, 512>}, {transform_indices = @transform_2, window_bounds = array<i64: 512, 256>}]} {
    %get3A = arith.constant 0 : index
    %get3A_0 = arith.constant 0 : index
    %get3A_1 = vector.load %arg1[%get3A, %get3A_0] : memref<512x256xf32, #tpu.memory_space<vmem>>, vector<512x256xf32>
    %get3A_2 = arith.constant 0 : index
    %get3A_3 = arith.constant 0 : index
    %get3A_4 = vector.load %arg2[%get3A_2, %get3A_3] : memref<256x512xf32, #tpu.memory_space<vmem>>, vector<256x512xf32>
    %dot_general3A = arith.constant dense<0.000000e+00> : vector<512x512xf32>
    %dot_general3A_5 = tpu.matmul %get3A_1, %get3A_4, %dot_general3A {dimension_numbers = #tpu.dot_dimension_numbers<[1], [0], [0], [1], [0, 0, 1, 1], [], []>, transpose_lhs_hint = false} : vector<512x256xf32>, vector<256x512xf32>, vector<512x512xf32> -> vector<512x512xf32>
    %slice3A = vector.extract_strided_slice %dot_general3A_5 {offsets = [0, 0], sizes = [512, 256], strides = [1, 1]} : vector<512x512xf32> to vector<512x256xf32>
    %bitcast_convert_type3A = tpu.bitcast %slice3A : vector<512x256xf32> -> vector<512x256xi32>
    %slice3A_6 = vector.extract_strided_slice %dot_general3A_5 {offsets = [0, 256], sizes = [512, 256], strides = [1, 1]} : vector<512x512xf32> to vector<512x256xf32>
    %bitcast_convert_type3A_7 = tpu.bitcast %slice3A_6 : vector<512x256xf32> -> vector<512x256xi32>
    %add3A = arith.constant 32767 : i32
    %add3A_8 = vector.broadcast %add3A : i32 to vector<512x256xi32>
    %add3A_9 = arith.addi %bitcast_convert_type3A, %add3A_8 : vector<512x256xi32>
    %shift_right_arithmetic3A = arith.constant 16 : i32
    %shift_right_arithmetic3A_10 = vector.broadcast %shift_right_arithmetic3A : i32 to vector<512x256xi32>
    %shift_right_arithmetic3A_11 = arith.shrsi %bitcast_convert_type3A, %shift_right_arithmetic3A_10 : vector<512x256xi32>
    %and3A = arith.constant 1 : i32
    %and3A_12 = vector.broadcast %and3A : i32 to vector<512x256xi32>
    %and3A_13 = arith.andi %shift_right_arithmetic3A_11, %and3A_12 : vector<512x256xi32>
    %add3A_14 = arith.addi %add3A_9, %and3A_13 : vector<512x256xi32>
    %add3A_15 = arith.constant 32767 : i32
    %add3A_16 = vector.broadcast %add3A_15 : i32 to vector<512x256xi32>
    %add3A_17 = arith.addi %bitcast_convert_type3A_7, %add3A_16 : vector<512x256xi32>
    %shift_right_arithmetic3A_18 = arith.constant 16 : i32
    %shift_right_arithmetic3A_19 = vector.broadcast %shift_right_arithmetic3A_18 : i32 to vector<512x256xi32>
    %shift_right_arithmetic3A_20 = arith.shrsi %bitcast_convert_type3A_7, %shift_right_arithmetic3A_19 : vector<512x256xi32>
    %and3A_21 = arith.constant 1 : i32
    %and3A_22 = vector.broadcast %and3A_21 : i32 to vector<512x256xi32>
    %and3A_23 = arith.andi %shift_right_arithmetic3A_20, %and3A_22 : vector<512x256xi32>
    %add3A_24 = arith.addi %add3A_17, %and3A_23 : vector<512x256xi32>
    %shift_right_logical3A = arith.constant 16 : i32
    %shift_right_logical3A_25 = vector.broadcast %shift_right_logical3A : i32 to vector<512x256xi32>
    %shift_right_logical3A_26 = arith.shrui %add3A_14, %shift_right_logical3A_25 : vector<512x256xi32>
    %and3A_27 = arith.constant 65535 : i32
    %and3A_28 = vector.broadcast %and3A_27 : i32 to vector<512x256xi32>
    %and3A_29 = arith.andi %shift_right_logical3A_26, %and3A_28 : vector<512x256xi32>
    %and3A_30 = arith.constant -65536 : i32
    %and3A_31 = vector.broadcast %and3A_30 : i32 to vector<512x256xi32>
    %and3A_32 = arith.andi %add3A_24, %and3A_31 : vector<512x256xi32>
    %or3A = arith.ori %and3A_29, %and3A_32 : vector<512x256xi32>
    %swap3A = arith.constant 0 : index
    %swap3A_33 = arith.constant 0 : index
    %swap3A_34 = vector.load %arg3[%swap3A, %swap3A_33] : memref<512x256xi32, #tpu.memory_space<vmem>>, vector<512x256xi32>
    tpu.vector_store %arg3[%swap3A, %swap3A_33], %or3A {strides = array<i32>} : memref<512x256xi32, #tpu.memory_space<vmem>>, vector<512x256xi32>,
    return
  }
  func.func @transform_0(%arg0: i32) -> (i32, i32) {
    %c0_i32 = arith.constant 0 : i32
    %c0_i32_0 = arith.constant 0 : i32
    return %arg0, %c0_i32 : i32, i32
  }
  func.func @transform_1(%arg0: i32) -> (i32, i32) {
    %c0_i32 = arith.constant 0 : i32
    %c0_i32_0 = arith.constant 0 : i32
    %c0_i32_1 = arith.constant 0 : i32
    return %c0_i32, %c0_i32_0 : i32, i32
  }
  func.func @transform_2(%arg0: i32) -> (i32, i32) {
    %c0_i32 = arith.constant 0 : i32
    %c0_i32_0 = arith.constant 0 : i32
    return %arg0, %c0_i32 : i32, i32
  }
}

module attributes {stable_mosaic.version = 14 : i64} {
  func.func @_attn_body(%arg0: i32, %arg1: memref<512x256xf32, #tpu.memory_space<vmem>>, %arg2: memref<512x256xi32, #tpu.memory_space<vmem>>, %arg3: memref<512x8x256xi32, #tpu.memory_space<vmem>>, %arg4: memref<256x256xf32, #tpu.memory_space<vmem>>, %arg5: memref<256x256xf32, #tpu.memory_space<vmem>>, %arg6: memref<512x256xf32, #tpu.memory_space<vmem>>) attributes {dimension_semantics = [#tpu.dimension_semantics<arbitrary>], iteration_bounds = array<i64: 32>, scalar_prefetch = 0 : i64, scratch_operands = 0 : i64, tpu.core_type = #tpu.core_type<tc>, window_params = [{transform_indices = @transform_0, window_bounds = array<i64: 512, 256>}, {transform_indices = @transform_1, window_bounds = array<i64: 512, 256>}, {transform_indices = @transform_2, window_bounds = array<i64: 512, 8, 256>}, {pipeline_mode = #tpu.pipeline_mode<synchronous>, transform_indices = @transform_3, window_bounds = array<i64: 256, 256>}, {pipeline_mode = #tpu.pipeline_mode<synchronous>, transform_indices = @transform_4, window_bounds = array<i64: 256, 256>}, {transform_indices = @transform_5, window_bounds = array<i64: 512, 256>}]} {
    %get3A = arith.constant 0 : index
    %get3A_0 = arith.constant 0 : index
    %get3A_1 = vector.load %arg1[%get3A, %get3A_0] : memref<512x256xf32, #tpu.memory_space<vmem>>, vector<512x256xf32>
    %get3A_2 = arith.constant 0 : index
    %get3A_3 = arith.constant 0 : index
    %get3A_4 = vector.load %arg4[%get3A_2, %get3A_3] : memref<256x256xf32, #tpu.memory_space<vmem>>, vector<256x256xf32>
    %dot_general3A = arith.constant dense<0.000000e+00> : vector<512x256xf32>
    %dot_general3A_5 = tpu.matmul %get3A_1, %get3A_4, %dot_general3A {dimension_numbers = #tpu.dot_dimension_numbers<[1], [0], [0], [1], [0, 0, 1, 1], [], []>, transpose_lhs_hint = false} : vector<512x256xf32>, vector<256x256xf32>, vector<512x256xf32> -> vector<512x256xf32>
    %get3A_6 = arith.constant 0 : index
    %get3A_7 = arith.constant 0 : index
    %get3A_8 = arith.constant 0 : index
    %get3A_9 = vector.load %arg3[%get3A_6, %get3A_7, %get3A_8] : memref<512x8x256xi32, #tpu.memory_space<vmem>>, vector<512x8x256xi32>
    %shift_left3A = arith.constant 16 : i32
    %shift_left3A_10 = vector.broadcast %shift_left3A : i32 to vector<512x8x256xi32>
    %shift_left3A_11 = arith.shli %get3A_9, %shift_left3A_10 : vector<512x8x256xi32>
    %bitcast_convert_type3A = tpu.bitcast %shift_left3A_11 : vector<512x8x256xi32> -> vector<512x8x256xf32>
    %and3A = arith.constant -65536 : i32
    %and3A_12 = vector.broadcast %and3A : i32 to vector<512x8x256xi32>
    %and3A_13 = arith.andi %get3A_9, %and3A_12 : vector<512x8x256xi32>
    %bitcast_convert_type3A_14 = tpu.bitcast %and3A_13 : vector<512x8x256xi32> -> vector<512x8x256xf32>
    %iota3A = tpu.iota {dimensions = array<i32: 0>} : vector<256x8xi32>
    %jit3A = arith.constant 32 : i32
    %div3A = vector.broadcast %jit3A : i32 to vector<256x8xi32>
    %div3A_15 = arith.divsi %iota3A, %div3A : vector<256x8xi32>
    %sign3A = arith.constant 0 : i32
    %sign3A_16 = vector.broadcast %sign3A : i32 to vector<256x8xi32>
    %sign3A_17 = arith.cmpi sgt, %iota3A, %sign3A_16 : vector<256x8xi32>
    %sign3A_18 = arith.extui %sign3A_17 : vector<256x8xi1> to vector<256x8xi32>
    %sign3A_19 = arith.constant 0 : i32
    %sign3A_20 = vector.broadcast %sign3A_19 : i32 to vector<256x8xi32>
    %sign3A_21 = arith.cmpi slt, %iota3A, %sign3A_20 : vector<256x8xi32>
    %sign3A_22 = arith.extui %sign3A_21 : vector<256x8xi1> to vector<256x8xi32>
    %sign3A_23 = arith.subi %sign3A_18, %sign3A_22 : vector<256x8xi32>
    %sign3A_24 = arith.constant 0 : i32
    %sign3A_25 = arith.cmpi sgt, %jit3A, %sign3A_24 : i32
    %sign3A_26 = arith.extui %sign3A_25 : i1 to i32
    %sign3A_27 = arith.constant 0 : i32
    %sign3A_28 = arith.cmpi slt, %jit3A, %sign3A_27 : i32
    %sign3A_29 = arith.extui %sign3A_28 : i1 to i32
    %sign3A_30 = arith.subi %sign3A_26, %sign3A_29 : i32
    %ne3A = vector.broadcast %sign3A_30 : i32 to vector<256x8xi32>
    %ne3A_31 = arith.cmpi ne, %sign3A_23, %ne3A : vector<256x8xi32>
    %rem3A = vector.broadcast %jit3A : i32 to vector<256x8xi32>
    %rem3A_32 = arith.remsi %iota3A, %rem3A : vector<256x8xi32>
    %ne3A_33 = arith.constant 0 : i32
    %ne3A_34 = vector.broadcast %ne3A_33 : i32 to vector<256x8xi32>
    %ne3A_35 = arith.cmpi ne, %rem3A_32, %ne3A_34 : vector<256x8xi32>
    %and3A_36 = arith.andi %ne3A_31, %ne3A_35 : vector<256x8xi1>
    %sub3A = arith.constant 1 : i32
    %sub3A_37 = vector.broadcast %sub3A : i32 to vector<256x8xi32>
    %sub3A_38 = arith.subi %div3A_15, %sub3A_37 : vector<256x8xi32>
    %select_n3A = arith.select %and3A_36, %sub3A_38, %div3A_15 : vector<256x8xi1>, vector<256x8xi32>
    %iota3A_39 = tpu.iota {dimensions = array<i32: 1>} : vector<256x8xi32>
    %eq3A = arith.cmpi eq, %select_n3A, %iota3A_39 : vector<256x8xi32>
    %convert_element_type3A = arith.extui %eq3A : vector<256x8xi1> to vector<256x8xi32>
    %convert_element_type3A_40 = arith.sitofp %convert_element_type3A : vector<256x8xi32> to vector<256x8xf32>
    %iota3A_41 = tpu.iota {dimensions = array<i32: 1>} : vector<8x256xi32>
    %jit3A_42 = arith.constant 32 : i32
    %div3A_43 = vector.broadcast %jit3A_42 : i32 to vector<8x256xi32>
    %div3A_44 = arith.divsi %iota3A_41, %div3A_43 : vector<8x256xi32>
    %sign3A_45 = arith.constant 0 : i32
    %sign3A_46 = vector.broadcast %sign3A_45 : i32 to vector<8x256xi32>
    %sign3A_47 = arith.cmpi sgt, %iota3A_41, %sign3A_46 : vector<8x256xi32>
    %sign3A_48 = arith.extui %sign3A_47 : vector<8x256xi1> to vector<8x256xi32>
    %sign3A_49 = arith.constant 0 : i32
    %sign3A_50 = vector.broadcast %sign3A_49 : i32 to vector<8x256xi32>
    %sign3A_51 = arith.cmpi slt, %iota3A_41, %sign3A_50 : vector<8x256xi32>
    %sign3A_52 = arith.extui %sign3A_51 : vector<8x256xi1> to vector<8x256xi32>
    %sign3A_53 = arith.subi %sign3A_48, %sign3A_52 : vector<8x256xi32>
    %sign3A_54 = arith.constant 0 : i32
    %sign3A_55 = arith.cmpi sgt, %jit3A_42, %sign3A_54 : i32
    %sign3A_56 = arith.extui %sign3A_55 : i1 to i32
    %sign3A_57 = arith.constant 0 : i32
    %sign3A_58 = arith.cmpi slt, %jit3A_42, %sign3A_57 : i32
    %sign3A_59 = arith.extui %sign3A_58 : i1 to i32
    %sign3A_60 = arith.subi %sign3A_56, %sign3A_59 : i32
    %ne3A_61 = vector.broadcast %sign3A_60 : i32 to vector<8x256xi32>
    %ne3A_62 = arith.cmpi ne, %sign3A_53, %ne3A_61 : vector<8x256xi32>
    %rem3A_63 = vector.broadcast %jit3A_42 : i32 to vector<8x256xi32>
    %rem3A_64 = arith.remsi %iota3A_41, %rem3A_63 : vector<8x256xi32>
    %ne3A_65 = arith.constant 0 : i32
    %ne3A_66 = vector.broadcast %ne3A_65 : i32 to vector<8x256xi32>
    %ne3A_67 = arith.cmpi ne, %rem3A_64, %ne3A_66 : vector<8x256xi32>
    %and3A_68 = arith.andi %ne3A_62, %ne3A_67 : vector<8x256xi1>
    %sub3A_69 = arith.constant 1 : i32
    %sub3A_70 = vector.broadcast %sub3A_69 : i32 to vector<8x256xi32>
    %sub3A_71 = arith.subi %div3A_44, %sub3A_70 : vector<8x256xi32>
    %select_n3A_72 = arith.select %and3A_68, %sub3A_71, %div3A_44 : vector<8x256xi1>, vector<8x256xi32>
    %iota3A_73 = tpu.iota {dimensions = array<i32: 0>} : vector<8x256xi32>
    %eq3A_74 = arith.cmpi eq, %select_n3A_72, %iota3A_73 : vector<8x256xi32>
    %convert_element_type3A_75 = arith.extui %eq3A_74 : vector<8x256xi1> to vector<8x256xi32>
    %convert_element_type3A_76 = arith.sitofp %convert_element_type3A_75 : vector<8x256xi32> to vector<8x256xf32>
    %broadcast_in_dim3A = vector.shape_cast %dot_general3A_5 : vector<512x256xf32> to vector<512x1x256xf32>
    %mul3A = vector.broadcast %broadcast_in_dim3A : vector<512x1x256xf32> to vector<512x8x256xf32>
    %mul3A_77 = arith.mulf %bitcast_convert_type3A, %mul3A : vector<512x8x256xf32>
    %reshape3A = vector.shape_cast %mul3A_77 : vector<512x8x256xf32> to vector<4096x256xf32>
    %dot_general3A_78 = arith.constant dense<0.000000e+00> : vector<4096x8xf32>
    %dot_general3A_79 = tpu.matmul %reshape3A, %convert_element_type3A_40, %dot_general3A_78 {dimension_numbers = #tpu.dot_dimension_numbers<[1], [0], [0], [1], [0, 0, 1, 1], [], []>, transpose_lhs_hint = false} : vector<4096x256xf32>, vector<256x8xf32>, vector<4096x8xf32> -> vector<4096x8xf32>
    %div3A_80 = arith.constant 5.65685415 : f32
    %div3A_81 = vector.broadcast %div3A_80 : f32 to vector<4096x8xf32>
    %div3A_82 = arith.divf %dot_general3A_79, %div3A_81 : vector<4096x8xf32>
    %reshape3A_83 = vector.shape_cast %div3A_82 : vector<4096x8xf32> to vector<512x8x8xf32>
    %reduce_max3A = arith.constant dense<0xFF800000> : vector<512x8xf32>
    %reduce_max3A_84 = vector.multi_reduction <maximumf>, %reshape3A_83, %reduce_max3A [1] : vector<512x8x8xf32> to vector<512x8xf32>
    %broadcast_in_dim3A_85 = vector.shape_cast %reduce_max3A_84 : vector<512x8xf32> to vector<512x1x8xf32>
    %sub3A_86 = vector.broadcast %broadcast_in_dim3A_85 : vector<512x1x8xf32> to vector<512x8x8xf32>
    %sub3A_87 = arith.subf %reshape3A_83, %sub3A_86 : vector<512x8x8xf32>
    %exp3A = math.exp %sub3A_87 : vector<512x8x8xf32>
    %reduce_sum3A = arith.constant dense<0.000000e+00> : vector<512x8xf32>
    %reduce_sum3A_88 = vector.multi_reduction <add>, %exp3A, %reduce_sum3A [1] : vector<512x8x8xf32> to vector<512x8xf32>
    %broadcast_in_dim3A_89 = vector.shape_cast %reduce_sum3A_88 : vector<512x8xf32> to vector<512x1x8xf32>
    %div3A_90 = vector.broadcast %broadcast_in_dim3A_89 : vector<512x1x8xf32> to vector<512x8x8xf32>
    %div3A_91 = arith.divf %exp3A, %div3A_90 : vector<512x8x8xf32>
    %reshape3A_92 = vector.shape_cast %div3A_91 : vector<512x8x8xf32> to vector<4096x8xf32>
    %dot_general3A_93 = arith.constant dense<0.000000e+00> : vector<4096x256xf32>
    %dot_general3A_94 = tpu.matmul %reshape3A_92, %convert_element_type3A_76, %dot_general3A_93 {dimension_numbers = #tpu.dot_dimension_numbers<[1], [0], [0], [1], [0, 0, 1, 1], [], []>, transpose_lhs_hint = false} : vector<4096x8xf32>, vector<8x256xf32>, vector<4096x256xf32> -> vector<4096x256xf32>
    %reshape3A_95 = vector.shape_cast %dot_general3A_94 : vector<4096x256xf32> to vector<512x8x256xf32>
    %mul3A_96 = arith.mulf %reshape3A_95, %bitcast_convert_type3A_14 : vector<512x8x256xf32>
    %reduce_sum3A_97 = arith.constant dense<0.000000e+00> : vector<512x256xf32>
    %reduce_sum3A_98 = vector.multi_reduction <add>, %mul3A_96, %reduce_sum3A_97 [1] : vector<512x8x256xf32> to vector<512x256xf32>
    %get3A_99 = arith.constant 0 : index
    %get3A_100 = arith.constant 0 : index
    %get3A_101 = vector.load %arg2[%get3A_99, %get3A_100] : memref<512x256xi32, #tpu.memory_space<vmem>>, vector<512x256xi32>
    %and3A_102 = arith.constant -65536 : i32
    %and3A_103 = vector.broadcast %and3A_102 : i32 to vector<512x256xi32>
    %and3A_104 = arith.andi %get3A_101, %and3A_103 : vector<512x256xi32>
    %bitcast_convert_type3A_105 = tpu.bitcast %and3A_104 : vector<512x256xi32> -> vector<512x256xf32>
    %sub3A_106 = arith.subf %reduce_sum3A_98, %bitcast_convert_type3A_105 : vector<512x256xf32>
    %get3A_107 = arith.constant 0 : index
    %get3A_108 = arith.constant 0 : index
    %get3A_109 = vector.load %arg5[%get3A_107, %get3A_108] : memref<256x256xf32, #tpu.memory_space<vmem>>, vector<256x256xf32>
    %dot_general3A_110 = arith.constant dense<0.000000e+00> : vector<512x256xf32>
    %dot_general3A_111 = tpu.matmul %sub3A_106, %get3A_109, %dot_general3A_110 {dimension_numbers = #tpu.dot_dimension_numbers<[1], [0], [0], [1], [0, 0, 1, 1], [], []>, transpose_lhs_hint = false} : vector<512x256xf32>, vector<256x256xf32>, vector<512x256xf32> -> vector<512x256xf32>
    %add3A = arith.addf %get3A_1, %dot_general3A_111 : vector<512x256xf32>
    %swap3A = arith.constant 0 : index
    %swap3A_112 = arith.constant 0 : index
    %swap3A_113 = vector.load %arg6[%swap3A, %swap3A_112] : memref<512x256xf32, #tpu.memory_space<vmem>>, vector<512x256xf32>
    tpu.vector_store %arg6[%swap3A, %swap3A_112], %add3A {strides = array<i32>} : memref<512x256xf32, #tpu.memory_space<vmem>>, vector<512x256xf32>,
    return
  }
  func.func @transform_0(%arg0: i32) -> (i32, i32) {
    %c0_i32 = arith.constant 0 : i32
    %c0_i32_0 = arith.constant 0 : i32
    return %arg0, %c0_i32 : i32, i32
  }
  func.func @transform_1(%arg0: i32) -> (i32, i32) {
    %c0_i32 = arith.constant 0 : i32
    %c0_i32_0 = arith.constant 0 : i32
    return %arg0, %c0_i32 : i32, i32
  }
  func.func @transform_2(%arg0: i32) -> (i32, i32, i32) {
    %c0_i32 = arith.constant 0 : i32
    %c0_i32_0 = arith.constant 0 : i32
    %c0_i32_1 = arith.constant 0 : i32
    return %arg0, %c0_i32, %c0_i32_0 : i32, i32, i32
  }
  func.func @transform_3(%arg0: i32) -> (i32, i32) {
    %c0_i32 = arith.constant 0 : i32
    %c0_i32_0 = arith.constant 0 : i32
    %c0_i32_1 = arith.constant 0 : i32
    return %c0_i32, %c0_i32_0 : i32, i32
  }
  func.func @transform_4(%arg0: i32) -> (i32, i32) {
    %c0_i32 = arith.constant 0 : i32
    %c0_i32_0 = arith.constant 0 : i32
    %c0_i32_1 = arith.constant 0 : i32
    return %c0_i32, %c0_i32_0 : i32, i32
  }
  func.func @transform_5(%arg0: i32) -> (i32, i32) {
    %c0_i32 = arith.constant 0 : i32
    %c0_i32_0 = arith.constant 0 : i32
    return %arg0, %c0_i32 : i32, i32
  }
}

</mosaic_0001>

<sc_bundles>
// kernel: kernel.6.cloned.1.call-start
scs
__scs_entry_jumppad:
0x0: {  	(pc) =	sbr.rel $0x88, $3  }
0x1: {  	(tag) =	ssettag $0x0;
	lr =	simm.s32 $0x1  }
0x2: {  	[smem:$0x3F9D] =	sst lr;
	_ =	strace $0xD0000000  }
0x3: {  	_ = 	snop  }
0x4: {  	_ = 	snop  }
0x5: {  	_ = 	snop  }
0x6: {  	_ = 	snop  }
0x7: {  	_ = 	snop  }
__scs_overlays_trampoline_lowered:
0x8: {  	[smem:$0x3FAC] =	sst s0  }
0x9: {  	[smem:$0x3FAD] =	sst s1  }
0xa: {  	[smem:$0x3FAE] =	sst s2  }
0xb: {  	[smem:$0x3FAF] =	sst s3  }
0xc: {  	[smem:$0x3FB0] =	sst s4  }
0xd: {  	[smem:$0x3FB1] =	sst s5  }
0xe: {  	[smem:$0x3FB2] =	sst s6  }
0xf: {  	[smem:$0x3FB3] =	sst s7  }
0x10: {  	[smem:$0x3FB4] =	sst s8  }
0x11: {  	[smem:$0x3FB5] =	sst s9;
	s0 =	simm.s32 @!p0 $0x0  }
0x12: {  	s1 =	sld [smem:$0x3F9B];
	s0 =	simm.s32 @p0 $0x1  }
0x13: {  	[smem:$0x3FB6] =	sst s0;
	s0 =	simm.s32 @!p1 $0x0  }
0x14: {  	s2 =	sld [smem:$0x3F9A];
	s0 =	simm.s32 @p1 $0x1  }
0x15: {  	[smem:$0x3FB7] =	sst s0;
	s0 =	simm.s32 @!p2 $0x0  }
0x16: {  	s3 =	sld [smem:$0x3FDB];
	s0 =	simm.s32 @p2 $0x1  }
0x17: {  	s4 =	simm.s32 $0x1BF5;
	[smem:$0x3FB9] =	sst s0  }
0x18: {  	s0 =	sld [smem:$0x3F9C];
	_ =	swait.ge [sflag:s4], $0x0  }
0x19: {  	s7 =	sld [smem:$0x3F9D]  }
0x1a: {  	s8 =	sadd.s32 $0xFFFFE003, lr  }
0x1b: {  	s9 =	sadd.s32 $0xFFFFFEF7, lr;
	s5 =	simm.s32 $0xFFFFFFFF;
	p2 =	slt.u32 s8, $0xFFFFF086  }
0x1c: {  	p1 =	slt.u32 s9, $0xF7A;
	s5 =	simm.s32 @!p2 $0x0  }
0x1d: {  	s5 =	simm.s32 @p1 $0x1;
	p0 =	seq.s32 s7, s2  }
0x1e: {  	s7 =	smul.u32 @!p0 $0xF7A, s2;
	p2 =	seq.s32 @!p0 s5, $0x0  }
0x1f: {  	s9 =	smul.u32 $0xF7A, s1;
	s8 =	simm.s32 @!p0 $0x1BF5;
	p2 =	por !p2, p0  }
0x20: {  	[sflag:s8] =	ssyncset.s32 @!p0 $0xFFFFF086;
	s6 =	sadd.s32 @!p0 s3, s7;
	s7 =	simm.s32 @!p0 $0x108  }
0x21: {  	s3 =	sadd.s32 s3, s9;
	s6 =	sadd.s32 @!p0 $0x88, s6;
	s7 =	simm.s32 @p2 $0x1082  }
0x22: {  	[simem:s7], [sflag:s8] =	dma.local @!p0 [hbm:s6], $0xF7A  }
0x23: {  	s9 =	sor.u32 $0xD0000000, s2;
	s6 =	simm.s32 $0x108;
	_ =	swait.ge @!p0 [sflag:s8], $0x0  }
0x24: {  	s3 =	sadd.s32 $0x88, s3;
	s6 =	simm.s32 @!p1 $0x1082;
	[sflag:s4] =	ssyncset.s32 $0xFFFFF086  }
0x25: {  	[simem:s6], [sflag:s4] =	dma.local [hbm:s3], $0xF7A  }
0x26: {  	[smem:$0x3F9D] =	sst s1;
	(tag) =	ssettag s2;
	_ =	strace s9  }
0x27: {  	s1 =	sld [smem:$0x3FAD]  }
0x28: {  	s2 =	sld [smem:$0x3FAE]  }
0x29: {  	s4 =	sld [smem:$0x3FB0]  }
0x2a: {  	p0 =	seq.s32 s5, $0x0;
	s5 =	sld [smem:$0x3FB1]  }
0x2b: {  	s6 =	sld [smem:$0x3FB2]  }
0x2c: {  	s7 =	sld [smem:$0x3FB3]  }
0x2d: {  	s3 =	simm.s32 $0x108;
	s8 =	sld [smem:$0x3FB4]  }
0x2e: {  	s3 =	simm.s32 @!p0 $0x1082;
	s9 =	sld [smem:$0x3FB5]  }
0x2f: {  	lr =	sadd.s32 s0, s3;
	s0 =	sld [smem:$0x3FAC]  }
0x30: {  	s3 =	sld [smem:$0x3FAF]  }
0x31: {  	[smem:$0x3FB8] =	sst s10  }
0x32: {  	s10 =	sld [smem:$0x3FB6];
	_ =	sdelay $0x3  }
0x33: {  	p0 =	seq.s32 s10, $0x1;
	s10 =	sld [smem:$0x3FB8];
	_ =	sdelay $0x3  }
0x34: {  	[smem:$0x3FB8] =	sst s10  }
0x35: {  	s10 =	sld [smem:$0x3FB7];
	_ =	sdelay $0x3  }
0x36: {  	p1 =	seq.s32 s10, $0x1;
	s10 =	sld [smem:$0x3FB8];
	_ =	sdelay $0x3  }
0x37: {  	[smem:$0x3FB8] =	sst s10  }
0x38: {  	s10 =	sld [smem:$0x3FB9]  }
0x39: {  	_ = 	snop;
	(pc) =	sbr.ind lr, $3  }
0x3a: {  	_ = 	snop  }
0x3b: {  	_ = 	snop  }
0x3c: {  	p2 =	seq.s32 s10, $0x1;
	s10 =	sld [smem:$0x3FB8]  }
0x3d: {  	_ =	shalt  }
0x3e: {  	_ =	shalt  }
0x3f: {  	_ =	shalt  }
0x40: {  	_ =	shalt  }
0x41: {  	_ =	shalt  }
0x42: {  	_ =	shalt  }
0x43: {  	_ =	shalt  }
0x44: {  	_ =	shalt  }
0x45: {  	_ =	shalt  }
0x46: {  	_ =	shalt  }
0x47: {  	_ =	shalt  }
0x48: {  	_ =	shalt  }
0x49: {  	_ =	shalt  }
0x4a: {  	_ =	shalt  }
0x4b: {  	_ =	shalt  }
0x4c: {  	_ =	shalt  }
0x4d: {  	_ =	shalt  }
0x4e: {  	_ =	shalt  }
0x4f: {  	_ =	shalt  }
0x50: {  	_ =	shalt  }
0x51: {  	_ =	shalt  }
0x52: {  	_ =	shalt  }
0x53: {  	_ =	shalt  }
0x54: {  	_ =	shalt  }
0x55: {  	_ =	shalt  }
0x56: {  	_ =	shalt  }
0x57: {  	_ =	shalt  }
0x58: {  	_ =	shalt  }
0x59: {  	_ =	shalt  }
0x5a: {  	_ =	shalt  }
0x5b: {  	_ =	shalt  }
0x5c: {  	_ =	shalt  }
0x5d: {  	_ =	shalt  }
0x5e: {  	_ =	shalt  }
0x5f: {  	_ =	shalt  }
0x60: {  	_ =	shalt  }
0x61: {  	_ =	shalt  }
0x62: {  	_ =	shalt  }
0x63: {  	_ =	shalt  }
0x64: {  	_ =	shalt  }
0x65: {  	_ =	shalt  }
0x66: {  	_ =	shalt  }
0x67: {  	_ =	shalt  }
0x68: {  	_ =	shalt  }
0x69: {  	_ =	shalt  }
0x6a: {  	_ =	shalt  }
0x6b: {  	_ =	shalt  }
0x6c: {  	_ =	shalt  }
0x6d: {  	_ =	shalt  }
0x6e: {  	_ =	shalt  }
0x6f: {  	_ =	shalt  }
0x70: {  	_ =	shalt  }
0x71: {  	_ =	shalt  }
0x72: {  	_ =	shalt  }
0x73: {  	_ =	shalt  }
0x74: {  	_ =	shalt  }
0x75: {  	_ =	shalt  }
0x76: {  	_ =	shalt  }
0x77: {  	_ =	shalt  }
0x78: {  	_ =	shalt  }
0x79: {  	_ =	shalt  }
0x7a: {  	_ =	shalt  }
0x7b: {  	_ =	shalt  }
0x7c: {  	_ =	shalt  }
0x7d: {  	_ =	shalt  }
0x7e: {  	_ =	shalt  }
0x7f: {  	_ =	shalt  }
0x80: {  	_ =	shalt  }
0x81: {  	_ =	shalt  }
0x82: {  	_ =	shalt  }
0x83: {  	_ =	shalt  }
0x84: {  	_ =	shalt  }
0x85: {  	_ =	shalt  }
0x86: {  	_ =	shalt  }
0x87: {  	_ =	shalt  }
.Lfunc_end0:
.L_simem_size_0:
called_computation_lowered:
.L_overlay_start_0:
0x88: {  	s2 =	sld [smem:$0x3FD9]  }
0x89: {  	s3 =	sld [smem:$0x3FFE];
	_ =	sdelay $0x1  }
0x8a: {  	s1 =	srdreg.scid  }
0x8b: {  	s0 =	sand.u32 $0x1, s1  }
0x8c: {  	s17 =	sshll.u32 s0, $0xA;
	s2 =	sadd.s32 s3, s2  }
0x8d: {  	s2 =	sadd.s32 s2, s17  }
0x8e: {  	[smem:$0x3FC4] =	sst s2  }
0x8f: {  	_ = 	snop  }
0x90: {  	s2 =	sld [smem:$0x3FD0];
	(tm) =	ssettm $0x1  }
0x91: {  	s18 =	sld [smem:$0x3FFB];
	_ =	sdelay $0x3  }
0x92: {  	_ =	strace s18  }
0x93: {  	s3 =	sld [smem:$0x3FFC];
	_ =	sdelay $0x3  }
0x94: {  	_ =	strace s3  }
0x95: {  	s3 =	sld [smem:$0x3FFD];
	_ =	sdelay $0x3  }
0x96: {  	_ =	strace s3  }
0x97: {  	_ =	strace $0x8FFFFFFF  }
0x98: {  	s19 =	sld [smem:$0x3FDB];
	_ =	sdelay $0x1  }
0x99: {  	s4 =	simm.s32 $_scs_section_size  }
0x9a: {  	s5 =	simm.s32 $_size__tile_overlayer_lowered;
	s6 =	simm.s32 $_tile_overlayer_lowered  }
0x9b: {  	s22 =	simm.s32 $0x1BFF;
	s21 =	sshll.u32 s6, $0x1;
	s3 =	sadd.s32 s4, s19  }
0x9c: {  	s7 =	simm.s32 $0x0;
	s20 =	sshll.u32 s5, $0x1;
	s5 =	sadd.s32 s21, s3  }
0x9d: {  	[timem:s7], [sflag:s22] =	dma.local [hbm:s5], s20  }
0x9e: {  	_ =	swait.ge [sflag:s22], s20  }
0x9f: {  	s4 =	ssub.s32 $0x0, s20;
	[sflag:s22] =	ssyncset.done $0x0  }
0xa0: {  	[sflag:s22] =	ssyncadd.s32 s4;
	_ =	sdelay $0x1  }
0xa1: {  	s23 =	simm.s32 $0x1B8B  }
0xa2: {  	_ =	swait.ge [sflag:s23], $0x1  }
0xa3: {  	[sflag:s23] =	ssyncset.done $0x0  }
0xa4: {  	s25 =	simm.s32 $0x1B8E;
	s24 =	sld [smem:$0x3FFE];
	[sflag:s23] =	ssyncadd.s32 $0xFFFFFFFF  }
0xa5: {  	s26 =	simm.s32 $execute0_lowered;
	[smem:$0x3FD2] =	sst s25  }
0xa6: {  	s5 =	sshll.u32 s26, $0x1;
	_ =	strace $0x80000046;
	[dreg:$0x1] =	wrdreg $0xFFFFFFFF  }
0xa7: {  	s28 =	simm.s32 $_size_execute0_lowered;
	s3 =	sadd.s32 s3, s5;
	[dreg:$0x0] =	wrdreg $0x0  }
0xa8: {  	s5 =	sshll.u32 s28, $0x1;
	[dreg:$0x2] =	wrdreg s3  }
0xa9: {  	[dreg:$0x3] =	wrdreg s5  }
0xaa: {  	[dreg:$0x4] =	wrdreg $0xC0  }
0xab: {  	_ =	task [dreg:s7], $0x5FFFF  }
0xac: {  	[dreg:$0x1] =	wrdreg $0xFFFFFFFF  }
0xad: {  	[dreg:$0x0] =	wrdreg $0x60  }
0xae: {  	[dreg:$0x2] =	wrdreg s24  }
0xaf: {  	[dreg:$0x3] =	wrdreg s2  }
0xb0: {  	[dreg:$0x4] =	wrdreg $0x9  }
0xb1: {  	_ =	task.clear_ibuf [dreg:s7], $0x5FFFF;
	_ =	strace $0x90000046  }
0xb2: {  	s29 =	simm.s32 $0x9;
	_ =	strace $0x80000048  }
0xb3: {  	_ =	swait.ge [sflag:s29], $0x1  }
0xb4: {  	[sflag:s29] =	ssyncadd.s32 $0xFFFFFFFF  }
0xb5: {  	_ =	strace $0x90000048  }
0xb6: {  	_ =	sfence  }
0xb7: {  	s30 =	sld [smem:$0x0];
	_ =	sdelay $0x2  }
0xb8: {  	s31 =	sshll.u32 s1, $0xD;
	s1 =	sshrl.u32 s1, $0x2  }
0xb9: {  	s3 =	sand.u32 $0x4000, s31;
	s1 =	sadd.s32 s1, s30  }
0xba: {  	s0 =	sor.u32 s3, s0;
	s1 =	sshll.u32 s1, $0x11  }
0xbb: {  	s0 =	sor.u32 s1, s0  }
0xbc: {  	s0 =	sadd.s32 $0x8F2B, s0  }
0xbd: {  	[sflag:s0] =	ssyncadd.remote.s32 $0x1  }
0xbe: {  	_ =	sfence.sel $0xFFFF  }
0xbf: {  	[dreg:$0x0] =	wrdreg $0xFFFFFFFF;
	(pc) =	sbr.abs _section_cstart, $3  }
0xc0: {  	[dreg:$0x1] =	wrdreg $0xFFFFFFFF  }
0xc1: {  	_ =	task.clear_ibuf [dreg:s7], $0x2FFFF;
	_ =	strace $0x9FFFFFFF  }
0xc2: {  	(tm) =	ssettm $0x7FFFFFFF  }
0xc3: {  	_ =	shalt  }
tec
execute0_lowered:
.L_overlay_start_1:
0x0: {  	(tag) =	ssettag $0x1  }
0x1: {  	s0 =	srdreg.scid  }
0x2: {  	s2 =	stileid.u32;
	s0 =	sand.u32 $0x1, s0  }
0x3: {  	s1 =	rddreg [dreg:$0x0];
	s4 =	sshll.u32 s2, $0xD;
	s5 =	sshll.u32 s0, $0xC  }
0x4: {  	s3 =	rddreg [dreg:$0x1];
	s4 =	sor.u32 s5, s4  }
0x5: {  	s2 =	simm.s32 $0x0;
	s5 =	sshll.u32 s4, $0x5;
	s6 =	sshrl.u32 s4, $0x3  }
0x6: {  	[smem:$0x7FF] =	sst s2;
	s4 =	sadd.s32 s5, s1;
	s3 =	sadd.s32 s3, s6  }
0x7: {  	_ =	strace $0x80000047;
	[dreg:$0x3] =	wrdreg s3;
	s25 =	sadd.s32 $0x82E00, s4  }
0x8: {  	s26 =	sadd.s32 $0x83E00, s4;
	[dreg:$0x4] =	wrdreg s25  }
0x9: {  	s28 =	sadd.s32 $0x84E00, s4;
	[dreg:$0x5] =	wrdreg s26  }
0xa: {  	s29 =	sadd.s32 $0x85E00, s4;
	[dreg:$0x6] =	wrdreg s28  }
0xb: {  	s30 =	sadd.s32 $0x86E00, s4;
	[dreg:$0x7] =	wrdreg s29  }
0xc: {  	s31 =	sadd.s32 $0x87E00, s4;
	[dreg:$0x8] =	wrdreg s30  }
0xd: {  	s5 =	sadd.s32 $0x88E00, s4;
	[dreg:$0x9] =	wrdreg s31  }
0xe: {  	s6 =	sadd.s32 $0x89E00, s4;
	[dreg:$0xa] =	wrdreg s5  }
0xf: {  	s7 =	sadd.s32 $0x8AE00, s4;
	[dreg:$0xb] =	wrdreg s6  }
0x10: {  	s8 =	sadd.s32 $0x8BE00, s4;
	[dreg:$0xc] =	wrdreg s7  }
0x11: {  	s9 =	sadd.s32 $0x8CE00, s4;
	[dreg:$0xd] =	wrdreg s8  }
0x12: {  	s10 =	sadd.s32 $0x8DE00, s4;
	[dreg:$0xe] =	wrdreg s9  }
0x13: {  	s11 =	sadd.s32 $0x8EE00, s4;
	[dreg:$0xf] =	wrdreg s10  }
0x14: {  	s12 =	sadd.s32 $0x8FE00, s4;
	[dreg:$0x10] =	wrdreg s11  }
0x15: {  	s13 =	sadd.s32 $0x90E00, s4;
	[dreg:$0x11] =	wrdreg s12  }
0x16: {  	s14 =	sadd.s32 $0x91E00, s4;
	[dreg:$0x12] =	wrdreg s13  }
0x17: {  	s15 =	sadd.s32 $0x92E00, s4;
	[dreg:$0x13] =	wrdreg s14  }
0x18: {  	s16 =	sadd.s32 $0x93E00, s4;
	[dreg:$0x14] =	wrdreg s15  }
0x19: {  	s17 =	sadd.s32 $0x94E00, s4;
	[dreg:$0x15] =	wrdreg s16  }
0x1a: {  	s18 =	sadd.s32 $0x95E00, s4;
	[dreg:$0x16] =	wrdreg s17  }
0x1b: {  	s19 =	sadd.s32 $0x96E00, s4;
	[dreg:$0x17] =	wrdreg s18  }
0x1c: {  	s20 =	sadd.s32 $0x97E00, s4;
	[dreg:$0x18] =	wrdreg s19  }
0x1d: {  	s21 =	sadd.s32 $0x98E00, s4;
	[dreg:$0x19] =	wrdreg s20  }
0x1e: {  	s22 =	sadd.s32 $0x99E00, s4;
	[dreg:$0x1a] =	wrdreg s21  }
0x1f: {  	s23 =	sadd.s32 $0x9AE00, s4;
	[dreg:$0x1b] =	wrdreg s22  }
0x20: {  	s24 =	sadd.s32 $0x9BE00, s4;
	[dreg:$0x1c] =	wrdreg s23  }
0x21: {  	s0 =	ssub.s32 $0x2, s0;
	s3 =	sadd.s32 $0x2E00, s1;
	[dreg:$0x1d] =	wrdreg s24  }
0x22: {  	s25 =	sadd.s32 $0x9CE00, s4;
	s5 =	sadd.s32 $0x9DE00, s4;
	s26 =	sadd.s32 $0x9EE00, s4  }
0x23: {  	s28 =	sadd.s32 $0x9FE00, s4;
	s29 =	sshrl.u32 s0, $0x1;
	[dreg:$0x1e] =	wrdreg s25  }
0x24: {  	s30 =	sadd.s32 $0xA0E00, s4;
	s31 =	sadd.s32 $0xA1E00, s4;
	[dreg:$0x1f] =	wrdreg s5  }
0x25: {  	s6 =	simm.s32 $0x1000;
	s22 =	simm.s32 $0x9000;
	[smem:$0x7FA] =	sst s26  }
0x26: {  	v2 =	vlaneseq.u32;
	s10 =	simm.s32 $0x1;
	s11 =	simm.s32 $0x3;
	[smem:$0x7FB] =	sst s28  }
0x27: {  	vm0 =	vmmov $0xffff;
	v1 =	vshrl.u32 v2, $0x3;
	s12 =	simm.s32 $0x2;
	s0 =	ssub.s32 s0, s29;
	[smem:$0x7FC] =	sst s30  }
0x28: {  	v0 =	vand.u32 $0x7, v2;
	v2 =	vor.u32 $0x8, v2;
	v1 =	vmul.u32 $0x8, v1;
	s13 =	simm.s32 $0x4;
	[smem:$0x7FD] =	sst s31;
	s14 =	smax.u32 s0, $0x1  }
.LBB2_1:
0x29: {  	[smem:$0x7F9] =	sst s14  }
0x2a: {  	s9 =	rddreg [dreg:$0x3];
	s15 =	simm.s32 $0x5  }
0x2b: {  	[tilespmem:s2], [sflag:$0x5] =	stream.linear.gather [hbm4b:s9+s2], $0x1000, $0x38;
	[tilespmem:$0x11000] =	vst v63  }
0x2c: {  	_ =	swait.ge [sflag:s15], $0x1000  }
0x2d: {  	[sflag:s15] =	ssyncset.done $0x0  }
0x2e: {  	[sflag:s15] =	ssyncadd.s32 $0xFFFFF000  }
0x2f: {  	v3 =	vld [tilespmem:$0x0];
	_ =	sdelay $0x4  }
0x30: {  	v4 =	vshll.u32 v3, $0x1  }
0x31: {  	v3 =	vand.u32 $0x7, v3;
	v4 =	vand.u32 $0xFFFFFFF0, v4  }
0x32: {  	v3 =	vor.u32 v3, v4  }
0x33: {  	v4 =	vperm.xlane v3, v0;
	_ =	sdelay $0x1  }
0x34: {  	v3 =	vperm.xlane v3, v2;
	v4 =	vadd.s32 v1, v4;
	_ =	sdelay $0x1  }
0x35: {  	v3 =	vadd.s32 v1, v3;
	_ =	sdelay $0x2  }
0x36: {  	[tilespmem:s6], [sflag:$0x1] =	stream.indirect_vreg.gather [hbm4b:s3+s2], $0x80, v4, vm0, $0xb8;
	[tilespmem:$0x11000] =	vst v63  }
0x37: {  	s0 =	simm.s32 $0x1800  }
0x38: {  	[tilespmem:s0], [sflag:$0x1] =	stream.indirect_vreg.gather [hbm4b:s3+s2], $0x80, v3, vm0, $0xb8;
	[tilespmem:$0x11000] =	vst v63  }
0x39: {  	v3 =	vld [tilespmem:$0x10];
	_ =	sdelay $0x4  }
0x3a: {  	v33 =	vshll.u32 v3, $0x1  }
0x3b: {  	v3 =	vand.u32 $0x7, v3;
	v4 =	vand.u32 $0xFFFFFFF0, v33  }
0x3c: {  	v3 =	vor.u32 v3, v4  }
0x3d: {  	v4 =	vperm.xlane v3, v0;
	_ =	sdelay $0x1  }
0x3e: {  	v3 =	vperm.xlane v3, v2;
	v4 =	vadd.s32 v1, v4;
	_ =	sdelay $0x1  }
0x3f: {  	v3 =	vadd.s32 v1, v3;
	_ =	sdelay $0x1  }
0x40: {  	s16 =	simm.s32 $0x2000  }
0x41: {  	[tilespmem:s16], [sflag:$0x1] =	stream.indirect_vreg.gather [hbm4b:s3+s2], $0x80, v4, vm0, $0xb8;
	[tilespmem:$0x11000] =	vst v63  }
0x42: {  	s17 =	simm.s32 $0x2800  }
0x43: {  	[tilespmem:s17], [sflag:$0x1] =	stream.indirect_vreg.gather [hbm4b:s3+s2], $0x80, v3, vm0, $0xb8;
	[tilespmem:$0x11000] =	vst v63  }
0x44: {  	v3 =	vld [tilespmem:$0x20];
	_ =	sdelay $0x4  }
0x45: {  	v34 =	vshll.u32 v3, $0x1  }
0x46: {  	v3 =	vand.u32 $0x7, v3;
	v4 =	vand.u32 $0xFFFFFFF0, v34  }
0x47: {  	v3 =	vor.u32 v3, v4  }
0x48: {  	v4 =	vperm.xlane v3, v0;
	_ =	sdelay $0x1  }
0x49: {  	v3 =	vperm.xlane v3, v2;
	v4 =	vadd.s32 v1, v4;
	_ =	sdelay $0x1  }
0x4a: {  	v3 =	vadd.s32 v1, v3;
	_ =	sdelay $0x1  }
0x4b: {  	s18 =	simm.s32 $0x3000  }
0x4c: {  	[tilespmem:s18], [sflag:$0x1] =	stream.indirect_vreg.gather [hbm4b:s3+s2], $0x80, v4, vm0, $0xb8;
	[tilespmem:$0x11000] =	vst v63  }
0x4d: {  	s19 =	simm.s32 $0x3800  }
0x4e: {  	[tilespmem:s19], [sflag:$0x1] =	stream.indirect_vreg.gather [hbm4b:s3+s2], $0x80, v3, vm0, $0xb8;
	[tilespmem:$0x11000] =	vst v63  }
0x4f: {  	v3 =	vld [tilespmem:$0x30];
	_ =	sdelay $0x4  }
0x50: {  	v35 =	vshll.u32 v3, $0x1  }
0x51: {  	v3 =	vand.u32 $0x7, v3;
	v4 =	vand.u32 $0xFFFFFFF0, v35  }
0x52: {  	v3 =	vor.u32 v3, v4  }
0x53: {  	v4 =	vperm.xlane v3, v0;
	_ =	sdelay $0x1  }
0x54: {  	v3 =	vperm.xlane v3, v2;
	v4 =	vadd.s32 v1, v4;
	_ =	sdelay $0x1  }
0x55: {  	v3 =	vadd.s32 v1, v3;
	_ =	sdelay $0x1  }
0x56: {  	s20 =	simm.s32 $0x4000  }
0x57: {  	[tilespmem:s20], [sflag:$0x1] =	stream.indirect_vreg.gather [hbm4b:s3+s2], $0x80, v4, vm0, $0xb8;
	[tilespmem:$0x11000] =	vst v63  }
0x58: {  	s21 =	simm.s32 $0x4800  }
0x59: {  	[tilespmem:s21], [sflag:$0x1] =	stream.indirect_vreg.gather [hbm4b:s3+s2], $0x80, v3, vm0, $0xb8;
	[tilespmem:$0x11000] =	vst v63  }
0x5a: {  	v3 =	vld [tilespmem:$0x40];
	_ =	sdelay $0x4  }
0x5b: {  	v36 =	vshll.u32 v3, $0x1  }
0x5c: {  	v3 =	vand.u32 $0x7, v3;
	v4 =	vand.u32 $0xFFFFFFF0, v36  }
0x5d: {  	v3 =	vor.u32 v3, v4  }
0x5e: {  	v4 =	vperm.xlane v3, v0;
	_ =	sdelay $0x1  }
0x5f: {  	v3 =	vperm.xlane v3, v2;
	v4 =	vadd.s32 v1, v4;
	_ =	sdelay $0x1  }
0x60: {  	v3 =	vadd.s32 v1, v3;
	_ =	sdelay $0x1  }
0x61: {  	s23 =	simm.s32 $0x5000  }
0x62: {  	[tilespmem:s23], [sflag:$0x1] =	stream.indirect_vreg.gather [hbm4b:s3+s2], $0x80, v4, vm0, $0xb8;
	[tilespmem:$0x11000] =	vst v63  }
0x63: {  	s24 =	simm.s32 $0x5800  }
0x64: {  	[tilespmem:s24], [sflag:$0x1] =	stream.indirect_vreg.gather [hbm4b:s3+s2], $0x80, v3, vm0, $0xb8;
	[tilespmem:$0x11000] =	vst v63  }
0x65: {  	v3 =	vld [tilespmem:$0x50];
	_ =	sdelay $0x4  }
0x66: {  	v37 =	vshll.u32 v3, $0x1  }
0x67: {  	v3 =	vand.u32 $0x7, v3;
	v4 =	vand.u32 $0xFFFFFFF0, v37  }
0x68: {  	v3 =	vor.u32 v3, v4  }
0x69: {  	v4 =	vperm.xlane v3, v0;
	_ =	sdelay $0x1  }
0x6a: {  	v3 =	vperm.xlane v3, v2;
	v4 =	vadd.s32 v1, v4;
	_ =	sdelay $0x1  }
0x6b: {  	v3 =	vadd.s32 v1, v3;
	_ =	sdelay $0x1  }
0x6c: {  	s25 =	simm.s32 $0x6000  }
0x6d: {  	[tilespmem:s25], [sflag:$0x1] =	stream.indirect_vreg.gather [hbm4b:s3+s2], $0x80, v4, vm0, $0xb8;
	[tilespmem:$0x11000] =	vst v63  }
0x6e: {  	s26 =	simm.s32 $0x6800  }
0x6f: {  	[tilespmem:s26], [sflag:$0x1] =	stream.indirect_vreg.gather [hbm4b:s3+s2], $0x80, v3, vm0, $0xb8;
	[tilespmem:$0x11000] =	vst v63  }
0x70: {  	v3 =	vld [tilespmem:$0x60];
	_ =	sdelay $0x4  }
0x71: {  	v38 =	vshll.u32 v3, $0x1  }
0x72: {  	v3 =	vand.u32 $0x7, v3;
	v4 =	vand.u32 $0xFFFFFFF0, v38  }
0x73: {  	v3 =	vor.u32 v3, v4  }
0x74: {  	v4 =	vperm.xlane v3, v0;
	_ =	sdelay $0x1  }
0x75: {  	v3 =	vperm.xlane v3, v2;
	v4 =	vadd.s32 v1, v4;
	_ =	sdelay $0x1  }
0x76: {  	v3 =	vadd.s32 v1, v3;
	_ =	sdelay $0x1  }
0x77: {  	s28 =	simm.s32 $0x7000  }
0x78: {  	[tilespmem:s28], [sflag:$0x1] =	stream.indirect_vreg.gather [hbm4b:s3+s2], $0x80, v4, vm0, $0xb8;
	[tilespmem:$0x11000] =	vst v63  }
0x79: {  	s29 =	simm.s32 $0x7800  }
0x7a: {  	[tilespmem:s29], [sflag:$0x1] =	stream.indirect_vreg.gather [hbm4b:s3+s2], $0x80, v3, vm0, $0xb8;
	[tilespmem:$0x11000] =	vst v63  }
0x7b: {  	v3 =	vld [tilespmem:$0x70];
	_ =	sdelay $0x4  }
0x7c: {  	v39 =	vshll.u32 v3, $0x1  }
0x7d: {  	v3 =	vand.u32 $0x7, v3;
	v4 =	vand.u32 $0xFFFFFFF0, v39  }
0x7e: {  	v3 =	vor.u32 v3, v4  }
0x7f: {  	v4 =	vperm.xlane v3, v0;
	_ =	sdelay $0x1  }
0x80: {  	v3 =	vperm.xlane v3, v2;
	v4 =	vadd.s32 v1, v4;
	_ =	sdelay $0x1  }
0x81: {  	v3 =	vadd.s32 v1, v3;
	_ =	sdelay $0x1  }
0x82: {  	s30 =	simm.s32 $0x8000  }
0x83: {  	[tilespmem:s30], [sflag:$0x1] =	stream.indirect_vreg.gather [hbm4b:s3+s2], $0x80, v4, vm0, $0xb8;
	[tilespmem:$0x11000] =	vst v63  }
0x84: {  	s31 =	simm.s32 $0x8800  }
0x85: {  	[tilespmem:s31], [sflag:$0x1] =	stream.indirect_vreg.gather [hbm4b:s3+s2], $0x80, v3, vm0, $0xb8;
	[tilespmem:$0x11000] =	vst v63  }
0x86: {  	v3 =	vld [tilespmem:$0x80];
	_ =	sdelay $0x4  }
0x87: {  	v40 =	vshll.u32 v3, $0x1  }
0x88: {  	v3 =	vand.u32 $0x7, v3;
	v4 =	vand.u32 $0xFFFFFFF0, v40  }
0x89: {  	v3 =	vor.u32 v3, v4  }
0x8a: {  	v4 =	vperm.xlane v3, v0;
	_ =	sdelay $0x1  }
0x8b: {  	v3 =	vperm.xlane v3, v2;
	v4 =	vadd.s32 v1, v4;
	_ =	sdelay $0x1  }
0x8c: {  	v3 =	vadd.s32 v1, v3;
	_ =	sdelay $0x2  }
0x8d: {  	[tilespmem:s22], [sflag:$0x2] =	stream.indirect_vreg.gather [hbm4b:s3+s2], $0x80, v4, vm0, $0xb8;
	[tilespmem:$0x11000] =	vst v63  }
0x8e: {  	s14 =	simm.s32 $0x9800  }
0x8f: {  	[tilespmem:s14], [sflag:$0x2] =	stream.indirect_vreg.gather [hbm4b:s3+s2], $0x80, v3, vm0, $0xb8;
	[tilespmem:$0x11000] =	vst v63  }
0x90: {  	v3 =	vld [tilespmem:$0x90];
	_ =	sdelay $0x4  }
0x91: {  	v41 =	vshll.u32 v3, $0x1  }
0x92: {  	v3 =	vand.u32 $0x7, v3;
	v4 =	vand.u32 $0xFFFFFFF0, v41  }
0x93: {  	v3 =	vor.u32 v3, v4  }
0x94: {  	v4 =	vperm.xlane v3, v0;
	_ =	sdelay $0x1  }
0x95: {  	v3 =	vperm.xlane v3, v2;
	v4 =	vadd.s32 v1, v4;
	_ =	sdelay $0x1  }
0x96: {  	v3 =	vadd.s32 v1, v3;
	_ =	sdelay $0x1  }
0x97: {  	s19 =	simm.s32 $0xA000  }
0x98: {  	[tilespmem:s19], [sflag:$0x2] =	stream.indirect_vreg.gather [hbm4b:s3+s2], $0x80, v4, vm0, $0xb8;
	[tilespmem:$0x11000] =	vst v63  }
0x99: {  	s20 =	simm.s32 $0xA800  }
0x9a: {  	[tilespmem:s20], [sflag:$0x2] =	stream.indirect_vreg.gather [hbm4b:s3+s2], $0x80, v3, vm0, $0xb8;
	[tilespmem:$0x11000] =	vst v63  }
0x9b: {  	v3 =	vld [tilespmem:$0xA0];
	_ =	sdelay $0x4  }
0x9c: {  	v42 =	vshll.u32 v3, $0x1  }
0x9d: {  	v3 =	vand.u32 $0x7, v3;
	v4 =	vand.u32 $0xFFFFFFF0, v42  }
0x9e: {  	v3 =	vor.u32 v3, v4  }
0x9f: {  	v4 =	vperm.xlane v3, v0;
	_ =	sdelay $0x1  }
0xa0: {  	v3 =	vperm.xlane v3, v2;
	v4 =	vadd.s32 v1, v4;
	_ =	sdelay $0x1  }
0xa1: {  	v3 =	vadd.s32 v1, v3;
	_ =	sdelay $0x1  }
0xa2: {  	s21 =	simm.s32 $0xB000  }
0xa3: {  	[tilespmem:s21], [sflag:$0x2] =	stream.indirect_vreg.gather [hbm4b:s3+s2], $0x80, v4, vm0, $0xb8;
	[tilespmem:$0x11000] =	vst v63  }
0xa4: {  	s23 =	simm.s32 $0xB800  }
0xa5: {  	[tilespmem:s23], [sflag:$0x2] =	stream.indirect_vreg.gather [hbm4b:s3+s2], $0x80, v3, vm0, $0xb8;
	[tilespmem:$0x11000] =	vst v63  }
0xa6: {  	v3 =	vld [tilespmem:$0xB0];
	_ =	sdelay $0x4  }
0xa7: {  	v43 =	vshll.u32 v3, $0x1  }
0xa8: {  	v3 =	vand.u32 $0x7, v3;
	v4 =	vand.u32 $0xFFFFFFF0, v43  }
0xa9: {  	v3 =	vor.u32 v3, v4  }
0xaa: {  	v4 =	vperm.xlane v3, v0;
	_ =	sdelay $0x1  }
0xab: {  	v3 =	vperm.xlane v3, v2;
	v4 =	vadd.s32 v1, v4;
	_ =	sdelay $0x1  }
0xac: {  	v3 =	vadd.s32 v1, v3;
	_ =	sdelay $0x1  }
0xad: {  	s25 =	simm.s32 $0xC000  }
0xae: {  	[tilespmem:s25], [sflag:$0x2] =	stream.indirect_vreg.gather [hbm4b:s3+s2], $0x80, v4, vm0, $0xb8;
	[tilespmem:$0x11000] =	vst v63  }
0xaf: {  	s26 =	simm.s32 $0xC800  }
0xb0: {  	[tilespmem:s26], [sflag:$0x2] =	stream.indirect_vreg.gather [hbm4b:s3+s2], $0x80, v3, vm0, $0xb8;
	[tilespmem:$0x11000] =	vst v63  }
0xb1: {  	v3 =	vld [tilespmem:$0xC0];
	_ =	sdelay $0x4  }
0xb2: {  	v44 =	vshll.u32 v3, $0x1  }
0xb3: {  	v3 =	vand.u32 $0x7, v3;
	v4 =	vand.u32 $0xFFFFFFF0, v44  }
0xb4: {  	v3 =	vor.u32 v3, v4  }
0xb5: {  	v4 =	vperm.xlane v3, v0;
	_ =	sdelay $0x1  }
0xb6: {  	v3 =	vperm.xlane v3, v2;
	v4 =	vadd.s32 v1, v4;
	_ =	sdelay $0x1  }
0xb7: {  	v3 =	vadd.s32 v1, v3;
	_ =	sdelay $0x1  }
0xb8: {  	s28 =	simm.s32 $0xD000  }
0xb9: {  	[tilespmem:s28], [sflag:$0x2] =	stream.indirect_vreg.gather [hbm4b:s3+s2], $0x80, v4, vm0, $0xb8;
	[tilespmem:$0x11000] =	vst v63  }
0xba: {  	s30 =	simm.s32 $0xD800  }
0xbb: {  	[tilespmem:s30], [sflag:$0x2] =	stream.indirect_vreg.gather [hbm4b:s3+s2], $0x80, v3, vm0, $0xb8;
	[tilespmem:$0x11000] =	vst v63  }
0xbc: {  	v3 =	vld [tilespmem:$0xD0];
	_ =	sdelay $0x4  }
0xbd: {  	v45 =	vshll.u32 v3, $0x1  }
0xbe: {  	v3 =	vand.u32 $0x7, v3;
	v4 =	vand.u32 $0xFFFFFFF0, v45  }
0xbf: {  	v3 =	vor.u32 v3, v4  }
0xc0: {  	v4 =	vperm.xlane v3, v0;
	_ =	sdelay $0x1  }
0xc1: {  	v3 =	vperm.xlane v3, v2;
	v4 =	vadd.s32 v1, v4;
	_ =	sdelay $0x1  }
0xc2: {  	v3 =	vadd.s32 v1, v3;
	_ =	sdelay $0x1  }
0xc3: {  	s31 =	simm.s32 $0xE000  }
0xc4: {  	[tilespmem:s31], [sflag:$0x2] =	stream.indirect_vreg.gather [hbm4b:s3+s2], $0x80, v4, vm0, $0xb8;
	[tilespmem:$0x11000] =	vst v63  }
0xc5: {  	s0 =	simm.s32 $0xE800  }
0xc6: {  	[tilespmem:s0], [sflag:$0x2] =	stream.indirect_vreg.gather [hbm4b:s3+s2], $0x80, v3, vm0, $0xb8;
	[tilespmem:$0x11000] =	vst v63  }
0xc7: {  	v3 =	vld [tilespmem:$0xE0];
	_ =	sdelay $0x4  }
0xc8: {  	v46 =	vshll.u32 v3, $0x1  }
0xc9: {  	v3 =	vand.u32 $0x7, v3;
	v4 =	vand.u32 $0xFFFFFFF0, v46  }
0xca: {  	v3 =	vor.u32 v3, v4  }
0xcb: {  	v4 =	vperm.xlane v3, v0;
	_ =	sdelay $0x1  }
0xcc: {  	v3 =	vperm.xlane v3, v2;
	v4 =	vadd.s32 v1, v4;
	_ =	sdelay $0x1  }
0xcd: {  	v3 =	vadd.s32 v1, v3;
	_ =	sdelay $0x1  }
0xce: {  	s19 =	simm.s32 $0xF000  }
0xcf: {  	[tilespmem:s19], [sflag:$0x2] =	stream.indirect_vreg.gather [hbm4b:s3+s2], $0x80, v4, vm0, $0xb8;
	[tilespmem:$0x11000] =	vst v63  }
0xd0: {  	s25 =	simm.s32 $0xF800  }
0xd1: {  	[tilespmem:s25], [sflag:$0x2] =	stream.indirect_vreg.gather [hbm4b:s3+s2], $0x80, v3, vm0, $0xb8;
	[tilespmem:$0x11000] =	vst v63  }
0xd2: {  	v3 =	vld [tilespmem:$0xF0];
	_ =	sdelay $0x4  }
0xd3: {  	v47 =	vshll.u32 v3, $0x1  }
0xd4: {  	v3 =	vand.u32 $0x7, v3;
	v4 =	vand.u32 $0xFFFFFFF0, v47  }
0xd5: {  	v3 =	vor.u32 v3, v4  }
0xd6: {  	v4 =	vperm.xlane v3, v0;
	_ =	sdelay $0x1  }
0xd7: {  	v3 =	vperm.xlane v3, v2;
	v4 =	vadd.s32 v1, v4;
	_ =	sdelay $0x1  }
0xd8: {  	v3 =	vadd.s32 v1, v3;
	_ =	sdelay $0x1  }
0xd9: {  	s30 =	simm.s32 $0x10000  }
0xda: {  	[tilespmem:s30], [sflag:$0x2] =	stream.indirect_vreg.gather [hbm4b:s3+s2], $0x80, v4, vm0, $0xb8;
	[tilespmem:$0x11000] =	vst v63  }
0xdb: {  	s31 =	simm.s32 $0x10800  }
0xdc: {  	[tilespmem:s31], [sflag:$0x2] =	stream.indirect_vreg.gather [hbm4b:s3+s2], $0x80, v3, vm0, $0xb8;
	[tilespmem:$0x11000] =	vst v63  }
0xdd: {  	_ =	swait.ge [sflag:s10], $0x8000  }
0xde: {  	[sflag:s10] =	ssyncset.done $0x0  }
0xdf: {  	s0 =	rddreg [dreg:$0x4];
	[sflag:s10] =	ssyncadd.s32 $0xFFFF8000  }
0xe0: {  	[hbm4b:s0+s2] =	stream.linear.scatter [tilespmem:s6], [sflag:$0x3], $0x8000, $0x38;
	[tilespmem:$0x11000] =	vst v63  }
0xe1: {  	_ =	swait.ge [sflag:s11], $0x8000  }
0xe2: {  	[sflag:s11] =	ssyncset.done $0x0  }
0xe3: {  	[sflag:s11] =	ssyncadd.s32 $0xFFFF8000  }
0xe4: {  	v3 =	vld [tilespmem:$0x100];
	_ =	sdelay $0x4  }
0xe5: {  	v48 =	vshll.u32 v3, $0x1  }
0xe6: {  	v3 =	vand.u32 $0x7, v3;
	v4 =	vand.u32 $0xFFFFFFF0, v48  }
0xe7: {  	v3 =	vor.u32 v3, v4  }
0xe8: {  	v4 =	vperm.xlane v3, v0;
	_ =	sdelay $0x1  }
0xe9: {  	v3 =	vperm.xlane v3, v2;
	v4 =	vadd.s32 v1, v4;
	_ =	sdelay $0x1  }
0xea: {  	v3 =	vadd.s32 v1, v3;
	_ =	sdelay $0x2  }
0xeb: {  	[tilespmem:s6], [sflag:$0x1] =	stream.indirect_vreg.gather [hbm4b:s3+s2], $0x80, v4, vm0, $0xb8;
	[tilespmem:$0x11000] =	vst v63  }
0xec: {  	s1 =	simm.s32 $0x1800  }
0xed: {  	[tilespmem:s1], [sflag:$0x1] =	stream.indirect_vreg.gather [hbm4b:s3+s2], $0x80, v3, vm0, $0xb8;
	[tilespmem:$0x11000] =	vst v63  }
0xee: {  	v3 =	vld [tilespmem:$0x110];
	_ =	sdelay $0x4  }
0xef: {  	v49 =	vshll.u32 v3, $0x1  }
0xf0: {  	v3 =	vand.u32 $0x7, v3;
	v4 =	vand.u32 $0xFFFFFFF0, v49  }
0xf1: {  	v3 =	vor.u32 v3, v4  }
0xf2: {  	v4 =	vperm.xlane v3, v0;
	_ =	sdelay $0x1  }
0xf3: {  	v3 =	vperm.xlane v3, v2;
	v4 =	vadd.s32 v1, v4;
	_ =	sdelay $0x1  }
0xf4: {  	v3 =	vadd.s32 v1, v3;
	_ =	sdelay $0x1  }
0xf5: {  	s15 =	simm.s32 $0x2000  }
0xf6: {  	[tilespmem:s15], [sflag:$0x1] =	stream.indirect_vreg.gather [hbm4b:s3+s2], $0x80, v4, vm0, $0xb8;
	[tilespmem:$0x11000] =	vst v63  }
0xf7: {  	s4 =	simm.s32 $0x2800  }
0xf8: {  	[tilespmem:s4], [sflag:$0x1] =	stream.indirect_vreg.gather [hbm4b:s3+s2], $0x80, v3, vm0, $0xb8;
	[tilespmem:$0x11000] =	vst v63  }
0xf9: {  	v3 =	vld [tilespmem:$0x120];
	_ =	sdelay $0x4  }
0xfa: {  	v50 =	vshll.u32 v3, $0x1  }
0xfb: {  	v3 =	vand.u32 $0x7, v3;
	v4 =	vand.u32 $0xFFFFFFF0, v50  }
0xfc: {  	v3 =	vor.u32 v3, v4  }
0xfd: {  	v4 =	vperm.xlane v3, v0;
	_ =	sdelay $0x1  }
0xfe: {  	v3 =	vperm.xlane v3, v2;
	v4 =	vadd.s32 v1, v4;
	_ =	sdelay $0x1  }
0xff: {  	v3 =	vadd.s32 v1, v3;
	_ =	sdelay $0x1  }
0x100: {  	s17 =	simm.s32 $0x3000  }
0x101: {  	[tilespmem:s17], [sflag:$0x1] =	stream.indirect_vreg.gather [hbm4b:s3+s2], $0x80, v4, vm0, $0xb8;
	[tilespmem:$0x11000] =	vst v63  }
0x102: {  	s5 =	simm.s32 $0x3800  }
0x103: {  	[tilespmem:s5], [sflag:$0x1] =	stream.indirect_vreg.gather [hbm4b:s3+s2], $0x80, v3, vm0, $0xb8;
	[tilespmem:$0x11000] =	vst v63  }
0x104: {  	v3 =	vld [tilespmem:$0x130];
	_ =	sdelay $0x4  }
0x105: {  	v51 =	vshll.u32 v3, $0x1  }
0x106: {  	v3 =	vand.u32 $0x7, v3;
	v4 =	vand.u32 $0xFFFFFFF0, v51  }
0x107: {  	v3 =	vor.u32 v3, v4  }
0x108: {  	v4 =	vperm.xlane v3, v0;
	_ =	sdelay $0x1  }
0x109: {  	v3 =	vperm.xlane v3, v2;
	v4 =	vadd.s32 v1, v4;
	_ =	sdelay $0x1  }
0x10a: {  	v3 =	vadd.s32 v1, v3;
	_ =	sdelay $0x1  }
0x10b: {  	s8 =	simm.s32 $0x4000  }
0x10c: {  	[tilespmem:s8], [sflag:$0x1] =	stream.indirect_vreg.gather [hbm4b:s3+s2], $0x80, v4, vm0, $0xb8;
	[tilespmem:$0x11000] =	vst v63  }
0x10d: {  	s8 =	simm.s32 $0x4800  }
0x10e: {  	[tilespmem:s8], [sflag:$0x1] =	stream.indirect_vreg.gather [hbm4b:s3+s2], $0x80, v3, vm0, $0xb8;
	[tilespmem:$0x11000] =	vst v63  }
0x10f: {  	v3 =	vld [tilespmem:$0x140];
	_ =	sdelay $0x4  }
0x110: {  	v52 =	vshll.u32 v3, $0x1  }
0x111: {  	v3 =	vand.u32 $0x7, v3;
	v4 =	vand.u32 $0xFFFFFFF0, v52  }
0x112: {  	v3 =	vor.u32 v3, v4  }
0x113: {  	v4 =	vperm.xlane v3, v0;
	_ =	sdelay $0x1  }
0x114: {  	v3 =	vperm.xlane v3, v2;
	v4 =	vadd.s32 v1, v4;
	_ =	sdelay $0x1  }
0x115: {  	v3 =	vadd.s32 v1, v3;
	_ =	sdelay $0x1  }
0x116: {  	s7 =	simm.s32 $0x5000  }
0x117: {  	[tilespmem:s7], [sflag:$0x1] =	stream.indirect_vreg.gather [hbm4b:s3+s2], $0x80, v4, vm0, $0xb8;
	[tilespmem:$0x11000] =	vst v63  }
0x118: {  	s7 =	simm.s32 $0x5800  }
0x119: {  	[tilespmem:s7], [sflag:$0x1] =	stream.indirect_vreg.gather [hbm4b:s3+s2], $0x80, v3, vm0, $0xb8;
	[tilespmem:$0x11000] =	vst v63  }
0x11a: {  	v3 =	vld [tilespmem:$0x150];
	_ =	sdelay $0x4  }
0x11b: {  	v53 =	vshll.u32 v3, $0x1  }
0x11c: {  	v3 =	vand.u32 $0x7, v3;
	v4 =	vand.u32 $0xFFFFFFF0, v53  }
0x11d: {  	v3 =	vor.u32 v3, v4  }
0x11e: {  	v4 =	vperm.xlane v3, v0;
	_ =	sdelay $0x1  }
0x11f: {  	v3 =	vperm.xlane v3, v2;
	v4 =	vadd.s32 v1, v4;
	_ =	sdelay $0x1  }
0x120: {  	v3 =	vadd.s32 v1, v3;
	_ =	sdelay $0x1  }
0x121: {  	s9 =	simm.s32 $0x6000  }
0x122: {  	[tilespmem:s9], [sflag:$0x1] =	stream.indirect_vreg.gather [hbm4b:s3+s2], $0x80, v4, vm0, $0xb8;
	[tilespmem:$0x11000] =	vst v63  }
0x123: {  	s9 =	simm.s32 $0x6800  }
0x124: {  	[tilespmem:s9], [sflag:$0x1] =	stream.indirect_vreg.gather [hbm4b:s3+s2], $0x80, v3, vm0, $0xb8;
	[tilespmem:$0x11000] =	vst v63  }
0x125: {  	v3 =	vld [tilespmem:$0x160];
	_ =	sdelay $0x4  }
0x126: {  	v54 =	vshll.u32 v3, $0x1  }
0x127: {  	v3 =	vand.u32 $0x7, v3;
	v4 =	vand.u32 $0xFFFFFFF0, v54  }
0x128: {  	v3 =	vor.u32 v3, v4  }
0x129: {  	v4 =	vperm.xlane v3, v0;
	_ =	sdelay $0x1  }
0x12a: {  	v3 =	vperm.xlane v3, v2;
	v4 =	vadd.s32 v1, v4;
	_ =	sdelay $0x1  }
0x12b: {  	v3 =	vadd.s32 v1, v3;
	_ =	sdelay $0x1  }
0x12c: {  	s16 =	simm.s32 $0x7000  }
0x12d: {  	[tilespmem:s16], [sflag:$0x1] =	stream.indirect_vreg.gather [hbm4b:s3+s2], $0x80, v4, vm0, $0xb8;
	[tilespmem:$0x11000] =	vst v63  }
0x12e: {  	s15 =	simm.s32 $0x7800  }
0x12f: {  	[tilespmem:s15], [sflag:$0x1] =	stream.indirect_vreg.gather [hbm4b:s3+s2], $0x80, v3, vm0, $0xb8;
	[tilespmem:$0x11000] =	vst v63  }
0x130: {  	v3 =	vld [tilespmem:$0x170];
	_ =	sdelay $0x4  }
0x131: {  	v55 =	vshll.u32 v3, $0x1  }
0x132: {  	v3 =	vand.u32 $0x7, v3;
	v4 =	vand.u32 $0xFFFFFFF0, v55  }
0x133: {  	v3 =	vor.u32 v3, v4  }
0x134: {  	v4 =	vperm.xlane v3, v0;
	_ =	sdelay $0x1  }
0x135: {  	v3 =	vperm.xlane v3, v2;
	v4 =	vadd.s32 v1, v4;
	_ =	sdelay $0x1  }
0x136: {  	v3 =	vadd.s32 v1, v3;
	_ =	sdelay $0x1  }
0x137: {  	s18 =	simm.s32 $0x8000  }
0x138: {  	[tilespmem:s18], [sflag:$0x1] =	stream.indirect_vreg.gather [hbm4b:s3+s2], $0x80, v4, vm0, $0xb8;
	[tilespmem:$0x11000] =	vst v63  }
0x139: {  	s18 =	simm.s32 $0x8800  }
0x13a: {  	[tilespmem:s18], [sflag:$0x1] =	stream.indirect_vreg.gather [hbm4b:s3+s2], $0x80, v3, vm0, $0xb8;
	[tilespmem:$0x11000] =	vst v63  }
0x13b: {  	_ =	swait.ge [sflag:s12], $0x8000  }
0x13c: {  	[sflag:s12] =	ssyncset.done $0x0  }
0x13d: {  	s17 =	rddreg [dreg:$0x5];
	[sflag:s12] =	ssyncadd.s32 $0xFFFF8000  }
0x13e: {  	[hbm4b:s17+s2] =	stream.linear.scatter [tilespmem:s22], [sflag:$0x4], $0x8000, $0x38;
	[tilespmem:$0x11000] =	vst v63  }
0x13f: {  	_ =	swait.ge [sflag:s13], $0x8000  }
0x140: {  	[sflag:s13] =	ssyncset.done $0x0  }
0x141: {  	[sflag:s13] =	ssyncadd.s32 $0xFFFF8000  }
0x142: {  	v3 =	vld [tilespmem:$0x180];
	_ =	sdelay $0x4  }
0x143: {  	v56 =	vshll.u32 v3, $0x1  }
0x144: {  	v3 =	vand.u32 $0x7, v3;
	v4 =	vand.u32 $0xFFFFFFF0, v56  }
0x145: {  	v3 =	vor.u32 v3, v4  }
0x146: {  	v4 =	vperm.xlane v3, v0;
	_ =	sdelay $0x1  }
0x147: {  	v3 =	vperm.xlane v3, v2;
	v4 =	vadd.s32 v1, v4;
	_ =	sdelay $0x1  }
0x148: {  	v3 =	vadd.s32 v1, v3;
	_ =	sdelay $0x2  }
0x149: {  	[tilespmem:s22], [sflag:$0x2] =	stream.indirect_vreg.gather [hbm4b:s3+s2], $0x80, v4, vm0, $0xb8;
	[tilespmem:$0x11000] =	vst v63  }
0x14a: {  	s24 =	simm.s32 $0x9800  }
0x14b: {  	[tilespmem:s24], [sflag:$0x2] =	stream.indirect_vreg.gather [hbm4b:s3+s2], $0x80, v3, vm0, $0xb8;
	[tilespmem:$0x11000] =	vst v63  }
0x14c: {  	v3 =	vld [tilespmem:$0x190];
	_ =	sdelay $0x4  }
0x14d: {  	v57 =	vshll.u32 v3, $0x1  }
0x14e: {  	v3 =	vand.u32 $0x7, v3;
	v4 =	vand.u32 $0xFFFFFFF0, v57  }
0x14f: {  	v3 =	vor.u32 v3, v4  }
0x150: {  	v4 =	vperm.xlane v3, v0;
	_ =	sdelay $0x1  }
0x151: {  	v3 =	vperm.xlane v3, v2;
	v4 =	vadd.s32 v1, v4;
	_ =	sdelay $0x1  }
0x152: {  	v3 =	vadd.s32 v1, v3;
	_ =	sdelay $0x1  }
0x153: {  	s0 =	simm.s32 $0xA000  }
0x154: {  	[tilespmem:s0], [sflag:$0x2] =	stream.indirect_vreg.gather [hbm4b:s3+s2], $0x80, v4, vm0, $0xb8;
	[tilespmem:$0x11000] =	vst v63  }
0x155: {  	s4 =	simm.s32 $0xA800  }
0x156: {  	[tilespmem:s4], [sflag:$0x2] =	stream.indirect_vreg.gather [hbm4b:s3+s2], $0x80, v3, vm0, $0xb8;
	[tilespmem:$0x11000] =	vst v63  }
0x157: {  	v3 =	vld [tilespmem:$0x1A0];
	_ =	sdelay $0x4  }
0x158: {  	v58 =	vshll.u32 v3, $0x1  }
0x159: {  	v3 =	vand.u32 $0x7, v3;
	v4 =	vand.u32 $0xFFFFFFF0, v58  }
0x15a: {  	v3 =	vor.u32 v3, v4  }
0x15b: {  	v4 =	vperm.xlane v3, v0;
	_ =	sdelay $0x1  }
0x15c: {  	v3 =	vperm.xlane v3, v2;
	v4 =	vadd.s32 v1, v4;
	_ =	sdelay $0x1  }
0x15d: {  	v3 =	vadd.s32 v1, v3;
	_ =	sdelay $0x1  }
0x15e: {  	s1 =	simm.s32 $0xB000  }
0x15f: {  	[tilespmem:s1], [sflag:$0x2] =	stream.indirect_vreg.gather [hbm4b:s3+s2], $0x80, v4, vm0, $0xb8;
	[tilespmem:$0x11000] =	vst v63  }
0x160: {  	s5 =	simm.s32 $0xB800  }
0x161: {  	[tilespmem:s5], [sflag:$0x2] =	stream.indirect_vreg.gather [hbm4b:s3+s2], $0x80, v3, vm0, $0xb8;
	[tilespmem:$0x11000] =	vst v63  }
0x162: {  	v3 =	vld [tilespmem:$0x1B0];
	_ =	sdelay $0x4  }
0x163: {  	v59 =	vshll.u32 v3, $0x1  }
0x164: {  	v3 =	vand.u32 $0x7, v3;
	v4 =	vand.u32 $0xFFFFFFF0, v59  }
0x165: {  	v3 =	vor.u32 v3, v4  }
0x166: {  	v4 =	vperm.xlane v3, v0;
	_ =	sdelay $0x1  }
0x167: {  	v3 =	vperm.xlane v3, v2;
	v4 =	vadd.s32 v1, v4;
	_ =	sdelay $0x1  }
0x168: {  	v3 =	vadd.s32 v1, v3;
	_ =	sdelay $0x1  }
0x169: {  	s29 =	simm.s32 $0xC000  }
0x16a: {  	[tilespmem:s29], [sflag:$0x2] =	stream.indirect_vreg.gather [hbm4b:s3+s2], $0x80, v4, vm0, $0xb8;
	[tilespmem:$0x11000] =	vst v63  }
0x16b: {  	s23 =	simm.s32 $0xC800  }
0x16c: {  	[tilespmem:s23], [sflag:$0x2] =	stream.indirect_vreg.gather [hbm4b:s3+s2], $0x80, v3, vm0, $0xb8;
	[tilespmem:$0x11000] =	vst v63  }
0x16d: {  	v3 =	vld [tilespmem:$0x1C0];
	_ =	sdelay $0x4  }
0x16e: {  	v60 =	vshll.u32 v3, $0x1  }
0x16f: {  	v3 =	vand.u32 $0x7, v3;
	v4 =	vand.u32 $0xFFFFFFF0, v60  }
0x170: {  	v3 =	vor.u32 v3, v4  }
0x171: {  	v4 =	vperm.xlane v3, v0;
	_ =	sdelay $0x1  }
0x172: {  	v3 =	vperm.xlane v3, v2;
	v4 =	vadd.s32 v1, v4;
	_ =	sdelay $0x1  }
0x173: {  	v3 =	vadd.s32 v1, v3;
	_ =	sdelay $0x1  }
0x174: {  	s26 =	simm.s32 $0xD000  }
0x175: {  	[tilespmem:s26], [sflag:$0x2] =	stream.indirect_vreg.gather [hbm4b:s3+s2], $0x80, v4, vm0, $0xb8;
	[tilespmem:$0x11000] =	vst v63  }
0x176: {  	s20 =	simm.s32 $0xD800  }
0x177: {  	[tilespmem:s20], [sflag:$0x2] =	stream.indirect_vreg.gather [hbm4b:s3+s2], $0x80, v3, vm0, $0xb8;
	[tilespmem:$0x11000] =	vst v63  }
0x178: {  	v3 =	vld [tilespmem:$0x1D0];
	_ =	sdelay $0x4  }
0x179: {  	v61 =	vshll.u32 v3, $0x1  }
0x17a: {  	v3 =	vand.u32 $0x7, v3;
	v4 =	vand.u32 $0xFFFFFFF0, v61  }
0x17b: {  	v3 =	vor.u32 v3, v4  }
0x17c: {  	v4 =	vperm.xlane v3, v0;
	_ =	sdelay $0x1  }
0x17d: {  	v3 =	vperm.xlane v3, v2;
	v4 =	vadd.s32 v1, v4;
	_ =	sdelay $0x1  }
0x17e: {  	v3 =	vadd.s32 v1, v3;
	_ =	sdelay $0x1  }
0x17f: {  	s28 =	simm.s32 $0xE000  }
0x180: {  	[tilespmem:s28], [sflag:$0x2] =	stream.indirect_vreg.gather [hbm4b:s3+s2], $0x80, v4, vm0, $0xb8;
	[tilespmem:$0x11000] =	vst v63  }
0x181: {  	s21 =	simm.s32 $0xE800  }
0x182: {  	[tilespmem:s21], [sflag:$0x2] =	stream.indirect_vreg.gather [hbm4b:s3+s2], $0x80, v3, vm0, $0xb8;
	[tilespmem:$0x11000] =	vst v63  }
0x183: {  	v3 =	vld [tilespmem:$0x1E0];
	_ =	sdelay $0x4  }
0x184: {  	v62 =	vshll.u32 v3, $0x1  }
0x185: {  	v3 =	vand.u32 $0x7, v3;
	v4 =	vand.u32 $0xFFFFFFF0, v62  }
0x186: {  	v3 =	vor.u32 v3, v4  }
0x187: {  	v4 =	vperm.xlane v3, v0;
	_ =	sdelay $0x1  }
0x188: {  	v3 =	vperm.xlane v3, v2;
	v4 =	vadd.s32 v1, v4;
	_ =	sdelay $0x1  }
0x189: {  	v3 =	vadd.s32 v1, v3;
	_ =	sdelay $0x1  }
0x18a: {  	s24 =	simm.s32 $0xF000  }
0x18b: {  	[tilespmem:s24], [sflag:$0x2] =	stream.indirect_vreg.gather [hbm4b:s3+s2], $0x80, v4, vm0, $0xb8;
	[tilespmem:$0x11000] =	vst v63  }
0x18c: {  	s25 =	simm.s32 $0xF800  }
0x18d: {  	[tilespmem:s25], [sflag:$0x2] =	stream.indirect_vreg.gather [hbm4b:s3+s2], $0x80, v3, vm0, $0xb8;
	[tilespmem:$0x11000] =	vst v63  }
0x18e: {  	v3 =	vld [tilespmem:$0x1F0];
	_ =	sdelay $0x4  }
0x18f: {  	v63 =	vshll.u32 v3, $0x1  }
0x190: {  	v3 =	vand.u32 $0x7, v3;
	v4 =	vand.u32 $0xFFFFFFF0, v63  }
0x191: {  	v3 =	vor.u32 v3, v4  }
0x192: {  	v4 =	vperm.xlane v3, v0;
	_ =	sdelay $0x1  }
0x193: {  	v3 =	vperm.xlane v3, v2;
	v4 =	vadd.s32 v1, v4;
	_ =	sdelay $0x1  }
0x194: {  	v3 =	vadd.s32 v1, v3;
	_ =	sdelay $0x1  }
0x195: {  	s25 =	simm.s32 $0x10000  }
0x196: {  	[tilespmem:s25], [sflag:$0x2] =	stream.indirect_vreg.gather [hbm4b:s3+s2], $0x80, v4, vm0, $0xb8;
	[tilespmem:$0x11000] =	vst v63  }
0x197: {  	s19 =	simm.s32 $0x10800  }
0x198: {  	[tilespmem:s19], [sflag:$0x2] =	stream.indirect_vreg.gather [hbm4b:s3+s2], $0x80, v3, vm0, $0xb8;
	[tilespmem:$0x11000] =	vst v63  }
0x199: {  	_ =	swait.ge [sflag:s10], $0x8000  }
0x19a: {  	[sflag:s10] =	ssyncset.done $0x0  }
0x19b: {  	s14 =	rddreg [dreg:$0x6];
	[sflag:s10] =	ssyncadd.s32 $0xFFFF8000  }
0x19c: {  	[hbm4b:s14+s2] =	stream.linear.scatter [tilespmem:s6], [sflag:$0x3], $0x8000, $0x38;
	[tilespmem:$0x11000] =	vst v63  }
0x19d: {  	_ =	swait.ge [sflag:s11], $0x8000  }
0x19e: {  	[sflag:s11] =	ssyncset.done $0x0  }
0x19f: {  	[sflag:s11] =	ssyncadd.s32 $0xFFFF8000  }
0x1a0: {  	v3 =	vld [tilespmem:$0x200];
	_ =	sdelay $0x4  }
0x1a1: {  	v8 =	vshll.u32 v3, $0x1  }
0x1a2: {  	v3 =	vand.u32 $0x7, v3;
	v4 =	vand.u32 $0xFFFFFFF0, v8  }
0x1a3: {  	v3 =	vor.u32 v3, v4  }
0x1a4: {  	v4 =	vperm.xlane v3, v0;
	_ =	sdelay $0x1  }
0x1a5: {  	v3 =	vperm.xlane v3, v2;
	v4 =	vadd.s32 v1, v4;
	_ =	sdelay $0x1  }
0x1a6: {  	v3 =	vadd.s32 v1, v3;
	_ =	sdelay $0x2  }
0x1a7: {  	[tilespmem:s6], [sflag:$0x1] =	stream.indirect_vreg.gather [hbm4b:s3+s2], $0x80, v4, vm0, $0xb8;
	[tilespmem:$0x11000] =	vst v63  }
0x1a8: {  	s14 =	simm.s32 $0x1800  }
0x1a9: {  	[tilespmem:s14], [sflag:$0x1] =	stream.indirect_vreg.gather [hbm4b:s3+s2], $0x80, v3, vm0, $0xb8;
	[tilespmem:$0x11000] =	vst v63  }
0x1aa: {  	v3 =	vld [tilespmem:$0x210];
	_ =	sdelay $0x4  }
0x1ab: {  	v9 =	vshll.u32 v3, $0x1  }
0x1ac: {  	v3 =	vand.u32 $0x7, v3;
	v4 =	vand.u32 $0xFFFFFFF0, v9  }
0x1ad: {  	v3 =	vor.u32 v3, v4  }
0x1ae: {  	v4 =	vperm.xlane v3, v0;
	_ =	sdelay $0x1  }
0x1af: {  	v3 =	vperm.xlane v3, v2;
	v4 =	vadd.s32 v1, v4;
	_ =	sdelay $0x1  }
0x1b0: {  	v3 =	vadd.s32 v1, v3;
	_ =	sdelay $0x1  }
0x1b1: {  	s30 =	simm.s32 $0x2000  }
0x1b2: {  	[tilespmem:s30], [sflag:$0x1] =	stream.indirect_vreg.gather [hbm4b:s3+s2], $0x80, v4, vm0, $0xb8;
	[tilespmem:$0x11000] =	vst v63  }
0x1b3: {  	s30 =	simm.s32 $0x2800  }
0x1b4: {  	[tilespmem:s30], [sflag:$0x1] =	stream.indirect_vreg.gather [hbm4b:s3+s2], $0x80, v3, vm0, $0xb8;
	[tilespmem:$0x11000] =	vst v63  }
0x1b5: {  	v3 =	vld [tilespmem:$0x220];
	_ =	sdelay $0x4  }
0x1b6: {  	v10 =	vshll.u32 v3, $0x1  }
0x1b7: {  	v3 =	vand.u32 $0x7, v3;
	v4 =	vand.u32 $0xFFFFFFF0, v10  }
0x1b8: {  	v3 =	vor.u32 v3, v4  }
0x1b9: {  	v4 =	vperm.xlane v3, v0;
	_ =	sdelay $0x1  }
0x1ba: {  	v3 =	vperm.xlane v3, v2;
	v4 =	vadd.s32 v1, v4;
	_ =	sdelay $0x1  }
0x1bb: {  	v3 =	vadd.s32 v1, v3;
	_ =	sdelay $0x1  }
0x1bc: {  	s31 =	simm.s32 $0x3000  }
0x1bd: {  	[tilespmem:s31], [sflag:$0x1] =	stream.indirect_vreg.gather [hbm4b:s3+s2], $0x80, v4, vm0, $0xb8;
	[tilespmem:$0x11000] =	vst v63  }
0x1be: {  	s31 =	simm.s32 $0x3800  }
0x1bf: {  	[tilespmem:s31], [sflag:$0x1] =	stream.indirect_vreg.gather [hbm4b:s3+s2], $0x80, v3, vm0, $0xb8;
	[tilespmem:$0x11000] =	vst v63  }
0x1c0: {  	v3 =	vld [tilespmem:$0x230];
	_ =	sdelay $0x4  }
0x1c1: {  	v11 =	vshll.u32 v3, $0x1  }
0x1c2: {  	v3 =	vand.u32 $0x7, v3;
	v4 =	vand.u32 $0xFFFFFFF0, v11  }
0x1c3: {  	v3 =	vor.u32 v3, v4  }
0x1c4: {  	v4 =	vperm.xlane v3, v0;
	_ =	sdelay $0x1  }
0x1c5: {  	v3 =	vperm.xlane v3, v2;
	v4 =	vadd.s32 v1, v4;
	_ =	sdelay $0x1  }
0x1c6: {  	v3 =	vadd.s32 v1, v3;
	_ =	sdelay $0x1  }
0x1c7: {  	s30 =	simm.s32 $0x4000  }
0x1c8: {  	[tilespmem:s30], [sflag:$0x1] =	stream.indirect_vreg.gather [hbm4b:s3+s2], $0x80, v4, vm0, $0xb8;
	[tilespmem:$0x11000] =	vst v63  }
0x1c9: {  	_ = 	snop  }
0x1ca: {  	[tilespmem:s8], [sflag:$0x1] =	stream.indirect_vreg.gather [hbm4b:s3+s2], $0x80, v3, vm0, $0xb8;
	[tilespmem:$0x11000] =	vst v63  }
0x1cb: {  	v3 =	vld [tilespmem:$0x240];
	_ =	sdelay $0x4  }
0x1cc: {  	v12 =	vshll.u32 v3, $0x1  }
0x1cd: {  	v3 =	vand.u32 $0x7, v3;
	v4 =	vand.u32 $0xFFFFFFF0, v12  }
0x1ce: {  	v3 =	vor.u32 v3, v4  }
0x1cf: {  	v4 =	vperm.xlane v3, v0;
	_ =	sdelay $0x1  }
0x1d0: {  	v3 =	vperm.xlane v3, v2;
	v4 =	vadd.s32 v1, v4;
	_ =	sdelay $0x1  }
0x1d1: {  	v3 =	vadd.s32 v1, v3;
	_ =	sdelay $0x1  }
0x1d2: {  	s31 =	simm.s32 $0x5000  }
0x1d3: {  	[tilespmem:s31], [sflag:$0x1] =	stream.indirect_vreg.gather [hbm4b:s3+s2], $0x80, v4, vm0, $0xb8;
	[tilespmem:$0x11000] =	vst v63  }
0x1d4: {  	_ = 	snop  }
0x1d5: {  	[tilespmem:s7], [sflag:$0x1] =	stream.indirect_vreg.gather [hbm4b:s3+s2], $0x80, v3, vm0, $0xb8;
	[tilespmem:$0x11000] =	vst v63  }
0x1d6: {  	v3 =	vld [tilespmem:$0x250];
	_ =	sdelay $0x4  }
0x1d7: {  	v13 =	vshll.u32 v3, $0x1  }
0x1d8: {  	v3 =	vand.u32 $0x7, v3;
	v4 =	vand.u32 $0xFFFFFFF0, v13  }
0x1d9: {  	v3 =	vor.u32 v3, v4  }
0x1da: {  	v4 =	vperm.xlane v3, v0;
	_ =	sdelay $0x1  }
0x1db: {  	v3 =	vperm.xlane v3, v2;
	v4 =	vadd.s32 v1, v4;
	_ =	sdelay $0x1  }
0x1dc: {  	v3 =	vadd.s32 v1, v3;
	_ =	sdelay $0x1  }
0x1dd: {  	s14 =	simm.s32 $0x6000  }
0x1de: {  	[tilespmem:s14], [sflag:$0x1] =	stream.indirect_vreg.gather [hbm4b:s3+s2], $0x80, v4, vm0, $0xb8;
	[tilespmem:$0x11000] =	vst v63  }
0x1df: {  	_ = 	snop  }
0x1e0: {  	[tilespmem:s9], [sflag:$0x1] =	stream.indirect_vreg.gather [hbm4b:s3+s2], $0x80, v3, vm0, $0xb8;
	[tilespmem:$0x11000] =	vst v63  }
0x1e1: {  	v3 =	vld [tilespmem:$0x260];
	_ =	sdelay $0x4  }
0x1e2: {  	v14 =	vshll.u32 v3, $0x1  }
0x1e3: {  	v3 =	vand.u32 $0x7, v3;
	v4 =	vand.u32 $0xFFFFFFF0, v14  }
0x1e4: {  	v3 =	vor.u32 v3, v4  }
0x1e5: {  	v4 =	vperm.xlane v3, v0;
	_ =	sdelay $0x1  }
0x1e6: {  	v3 =	vperm.xlane v3, v2;
	v4 =	vadd.s32 v1, v4;
	_ =	sdelay $0x1  }
0x1e7: {  	v3 =	vadd.s32 v1, v3;
	_ =	sdelay $0x1  }
0x1e8: {  	s30 =	simm.s32 $0x7000  }
0x1e9: {  	[tilespmem:s30], [sflag:$0x1] =	stream.indirect_vreg.gather [hbm4b:s3+s2], $0x80, v4, vm0, $0xb8;
	[tilespmem:$0x11000] =	vst v63  }
0x1ea: {  	_ = 	snop  }
0x1eb: {  	[tilespmem:s15], [sflag:$0x1] =	stream.indirect_vreg.gather [hbm4b:s3+s2], $0x80, v3, vm0, $0xb8;
	[tilespmem:$0x11000] =	vst v63  }
0x1ec: {  	v3 =	vld [tilespmem:$0x270];
	_ =	sdelay $0x4  }
0x1ed: {  	v15 =	vshll.u32 v3, $0x1  }
0x1ee: {  	v3 =	vand.u32 $0x7, v3;
	v4 =	vand.u32 $0xFFFFFFF0, v15  }
0x1ef: {  	v3 =	vor.u32 v3, v4  }
0x1f0: {  	v4 =	vperm.xlane v3, v0;
	_ =	sdelay $0x1  }
0x1f1: {  	v3 =	vperm.xlane v3, v2;
	v4 =	vadd.s32 v1, v4;
	_ =	sdelay $0x1  }
0x1f2: {  	v3 =	vadd.s32 v1, v3;
	_ =	sdelay $0x1  }
0x1f3: {  	s31 =	simm.s32 $0x8000  }
0x1f4: {  	[tilespmem:s31], [sflag:$0x1] =	stream.indirect_vreg.gather [hbm4b:s3+s2], $0x80, v4, vm0, $0xb8;
	[tilespmem:$0x11000] =	vst v63  }
0x1f5: {  	_ = 	snop  }
0x1f6: {  	[tilespmem:s18], [sflag:$0x1] =	stream.indirect_vreg.gather [hbm4b:s3+s2], $0x80, v3, vm0, $0xb8;
	[tilespmem:$0x11000] =	vst v63  }
0x1f7: {  	_ =	swait.ge [sflag:s12], $0x8000  }
0x1f8: {  	[sflag:s12] =	ssyncset.done $0x0  }
0x1f9: {  	s7 =	rddreg [dreg:$0x7];
	[sflag:s12] =	ssyncadd.s32 $0xFFFF8000  }
0x1fa: {  	[hbm4b:s7+s2] =	stream.linear.scatter [tilespmem:s22], [sflag:$0x4], $0x8000, $0x38;
	[tilespmem:$0x11000] =	vst v63  }
0x1fb: {  	_ =	swait.ge [sflag:s13], $0x8000  }
0x1fc: {  	[sflag:s13] =	ssyncset.done $0x0  }
0x1fd: {  	[sflag:s13] =	ssyncadd.s32 $0xFFFF8000  }
0x1fe: {  	v3 =	vld [tilespmem:$0x280];
	_ =	sdelay $0x4  }
0x1ff: {  	v16 =	vshll.u32 v3, $0x1  }
0x200: {  	v3 =	vand.u32 $0x7, v3;
	v4 =	vand.u32 $0xFFFFFFF0, v16  }
0x201: {  	v3 =	vor.u32 v3, v4  }
0x202: {  	v4 =	vperm.xlane v3, v0;
	_ =	sdelay $0x1  }
0x203: {  	v3 =	vperm.xlane v3, v2;
	v4 =	vadd.s32 v1, v4;
	_ =	sdelay $0x1  }
0x204: {  	v3 =	vadd.s32 v1, v3;
	_ =	sdelay $0x2  }
0x205: {  	[tilespmem:s22], [sflag:$0x2] =	stream.indirect_vreg.gather [hbm4b:s3+s2], $0x80, v4, vm0, $0xb8;
	[tilespmem:$0x11000] =	vst v63  }
0x206: {  	s16 =	simm.s32 $0x9800  }
0x207: {  	[tilespmem:s16], [sflag:$0x2] =	stream.indirect_vreg.gather [hbm4b:s3+s2], $0x80, v3, vm0, $0xb8;
	[tilespmem:$0x11000] =	vst v63  }
0x208: {  	v3 =	vld [tilespmem:$0x290];
	_ =	sdelay $0x4  }
0x209: {  	v17 =	vshll.u32 v3, $0x1  }
0x20a: {  	v3 =	vand.u32 $0x7, v3;
	v4 =	vand.u32 $0xFFFFFFF0, v17  }
0x20b: {  	v3 =	vor.u32 v3, v4  }
0x20c: {  	v4 =	vperm.xlane v3, v0;
	_ =	sdelay $0x1  }
0x20d: {  	v3 =	vperm.xlane v3, v2;
	v4 =	vadd.s32 v1, v4;
	_ =	sdelay $0x1  }
0x20e: {  	v3 =	vadd.s32 v1, v3;
	_ =	sdelay $0x2  }
0x20f: {  	[tilespmem:s0], [sflag:$0x2] =	stream.indirect_vreg.gather [hbm4b:s3+s2], $0x80, v4, vm0, $0xb8;
	[tilespmem:$0x11000] =	vst v63  }
0x210: {  	_ = 	snop  }
0x211: {  	[tilespmem:s4], [sflag:$0x2] =	stream.indirect_vreg.gather [hbm4b:s3+s2], $0x80, v3, vm0, $0xb8;
	[tilespmem:$0x11000] =	vst v63  }
0x212: {  	v3 =	vld [tilespmem:$0x2A0];
	_ =	sdelay $0x4  }
0x213: {  	v18 =	vshll.u32 v3, $0x1  }
0x214: {  	v3 =	vand.u32 $0x7, v3;
	v4 =	vand.u32 $0xFFFFFFF0, v18  }
0x215: {  	v3 =	vor.u32 v3, v4  }
0x216: {  	v4 =	vperm.xlane v3, v0;
	_ =	sdelay $0x1  }
0x217: {  	v3 =	vperm.xlane v3, v2;
	v4 =	vadd.s32 v1, v4;
	_ =	sdelay $0x1  }
0x218: {  	v3 =	vadd.s32 v1, v3;
	_ =	sdelay $0x2  }
0x219: {  	[tilespmem:s1], [sflag:$0x2] =	stream.indirect_vreg.gather [hbm4b:s3+s2], $0x80, v4, vm0, $0xb8;
	[tilespmem:$0x11000] =	vst v63  }
0x21a: {  	_ = 	snop  }
0x21b: {  	[tilespmem:s5], [sflag:$0x2] =	stream.indirect_vreg.gather [hbm4b:s3+s2], $0x80, v3, vm0, $0xb8;
	[tilespmem:$0x11000] =	vst v63  }
0x21c: {  	v3 =	vld [tilespmem:$0x2B0];
	_ =	sdelay $0x4  }
0x21d: {  	v19 =	vshll.u32 v3, $0x1  }
0x21e: {  	v3 =	vand.u32 $0x7, v3;
	v4 =	vand.u32 $0xFFFFFFF0, v19  }
0x21f: {  	v3 =	vor.u32 v3, v4  }
0x220: {  	v4 =	vperm.xlane v3, v0;
	_ =	sdelay $0x1  }
0x221: {  	v3 =	vperm.xlane v3, v2;
	v4 =	vadd.s32 v1, v4;
	_ =	sdelay $0x1  }
0x222: {  	v3 =	vadd.s32 v1, v3;
	_ =	sdelay $0x1  }
0x223: {  	s29 =	simm.s32 $0xC000  }
0x224: {  	[tilespmem:s29], [sflag:$0x2] =	stream.indirect_vreg.gather [hbm4b:s3+s2], $0x80, v4, vm0, $0xb8;
	[tilespmem:$0x11000] =	vst v63  }
0x225: {  	s17 =	simm.s32 $0xC800  }
0x226: {  	[tilespmem:s17], [sflag:$0x2] =	stream.indirect_vreg.gather [hbm4b:s3+s2], $0x80, v3, vm0, $0xb8;
	[tilespmem:$0x11000] =	vst v63  }
0x227: {  	v3 =	vld [tilespmem:$0x2C0];
	_ =	sdelay $0x4  }
0x228: {  	v20 =	vshll.u32 v3, $0x1  }
0x229: {  	v3 =	vand.u32 $0x7, v3;
	v4 =	vand.u32 $0xFFFFFFF0, v20  }
0x22a: {  	v3 =	vor.u32 v3, v4  }
0x22b: {  	v4 =	vperm.xlane v3, v0;
	_ =	sdelay $0x1  }
0x22c: {  	v3 =	vperm.xlane v3, v2;
	v4 =	vadd.s32 v1, v4;
	_ =	sdelay $0x1  }
0x22d: {  	v3 =	vadd.s32 v1, v3;
	_ =	sdelay $0x1  }
0x22e: {  	s26 =	simm.s32 $0xD000  }
0x22f: {  	[tilespmem:s26], [sflag:$0x2] =	stream.indirect_vreg.gather [hbm4b:s3+s2], $0x80, v4, vm0, $0xb8;
	[tilespmem:$0x11000] =	vst v63  }
0x230: {  	s23 =	simm.s32 $0xD800  }
0x231: {  	[tilespmem:s23], [sflag:$0x2] =	stream.indirect_vreg.gather [hbm4b:s3+s2], $0x80, v3, vm0, $0xb8;
	[tilespmem:$0x11000] =	vst v63  }
0x232: {  	v3 =	vld [tilespmem:$0x2D0];
	_ =	sdelay $0x4  }
0x233: {  	v21 =	vshll.u32 v3, $0x1  }
0x234: {  	v3 =	vand.u32 $0x7, v3;
	v4 =	vand.u32 $0xFFFFFFF0, v21  }
0x235: {  	v3 =	vor.u32 v3, v4  }
0x236: {  	v4 =	vperm.xlane v3, v0;
	_ =	sdelay $0x1  }
0x237: {  	v3 =	vperm.xlane v3, v2;
	v4 =	vadd.s32 v1, v4;
	_ =	sdelay $0x1  }
0x238: {  	v3 =	vadd.s32 v1, v3;
	_ =	sdelay $0x1  }
0x239: {  	s28 =	simm.s32 $0xE000  }
0x23a: {  	[tilespmem:s28], [sflag:$0x2] =	stream.indirect_vreg.gather [hbm4b:s3+s2], $0x80, v4, vm0, $0xb8;
	[tilespmem:$0x11000] =	vst v63  }
0x23b: {  	s20 =	simm.s32 $0xE800  }
0x23c: {  	[tilespmem:s20], [sflag:$0x2] =	stream.indirect_vreg.gather [hbm4b:s3+s2], $0x80, v3, vm0, $0xb8;
	[tilespmem:$0x11000] =	vst v63  }
0x23d: {  	v3 =	vld [tilespmem:$0x2E0];
	_ =	sdelay $0x4  }
0x23e: {  	v22 =	vshll.u32 v3, $0x1  }
0x23f: {  	v3 =	vand.u32 $0x7, v3;
	v4 =	vand.u32 $0xFFFFFFF0, v22  }
0x240: {  	v3 =	vor.u32 v3, v4  }
0x241: {  	v4 =	vperm.xlane v3, v0;
	_ =	sdelay $0x1  }
0x242: {  	v3 =	vperm.xlane v3, v2;
	v4 =	vadd.s32 v1, v4;
	_ =	sdelay $0x1  }
0x243: {  	v3 =	vadd.s32 v1, v3;
	_ =	sdelay $0x1  }
0x244: {  	s24 =	simm.s32 $0xF000  }
0x245: {  	[tilespmem:s24], [sflag:$0x2] =	stream.indirect_vreg.gather [hbm4b:s3+s2], $0x80, v4, vm0, $0xb8;
	[tilespmem:$0x11000] =	vst v63  }
0x246: {  	s21 =	simm.s32 $0xF800  }
0x247: {  	[tilespmem:s21], [sflag:$0x2] =	stream.indirect_vreg.gather [hbm4b:s3+s2], $0x80, v3, vm0, $0xb8;
	[tilespmem:$0x11000] =	vst v63  }
0x248: {  	v3 =	vld [tilespmem:$0x2F0];
	_ =	sdelay $0x4  }
0x249: {  	v23 =	vshll.u32 v3, $0x1  }
0x24a: {  	v3 =	vand.u32 $0x7, v3;
	v4 =	vand.u32 $0xFFFFFFF0, v23  }
0x24b: {  	v3 =	vor.u32 v3, v4  }
0x24c: {  	v4 =	vperm.xlane v3, v0;
	_ =	sdelay $0x1  }
0x24d: {  	v3 =	vperm.xlane v3, v2;
	v4 =	vadd.s32 v1, v4;
	_ =	sdelay $0x1  }
0x24e: {  	v3 =	vadd.s32 v1, v3;
	_ =	sdelay $0x1  }
0x24f: {  	s25 =	simm.s32 $0x10000  }
0x250: {  	[tilespmem:s25], [sflag:$0x2] =	stream.indirect_vreg.gather [hbm4b:s3+s2], $0x80, v4, vm0, $0xb8;
	[tilespmem:$0x11000] =	vst v63  }
0x251: {  	s19 =	simm.s32 $0x10800  }
0x252: {  	[tilespmem:s19], [sflag:$0x2] =	stream.indirect_vreg.gather [hbm4b:s3+s2], $0x80, v3, vm0, $0xb8;
	[tilespmem:$0x11000] =	vst v63  }
0x253: {  	_ =	swait.ge [sflag:s10], $0x8000  }
0x254: {  	[sflag:s10] =	ssyncset.done $0x0  }
0x255: {  	s29 =	rddreg [dreg:$0x8];
	[sflag:s10] =	ssyncadd.s32 $0xFFFF8000  }
0x256: {  	[hbm4b:s29+s2] =	stream.linear.scatter [tilespmem:s6], [sflag:$0x3], $0x8000, $0x38;
	[tilespmem:$0x11000] =	vst v63  }
0x257: {  	_ =	swait.ge [sflag:s11], $0x8000  }
0x258: {  	[sflag:s11] =	ssyncset.done $0x0  }
0x259: {  	[sflag:s11] =	ssyncadd.s32 $0xFFFF8000  }
0x25a: {  	v3 =	vld [tilespmem:$0x300];
	_ =	sdelay $0x4  }
0x25b: {  	v24 =	vshll.u32 v3, $0x1  }
0x25c: {  	v3 =	vand.u32 $0x7, v3;
	v4 =	vand.u32 $0xFFFFFFF0, v24  }
0x25d: {  	v3 =	vor.u32 v3, v4  }
0x25e: {  	v4 =	vperm.xlane v3, v0;
	_ =	sdelay $0x1  }
0x25f: {  	v3 =	vperm.xlane v3, v2;
	v4 =	vadd.s32 v1, v4;
	_ =	sdelay $0x1  }
0x260: {  	v3 =	vadd.s32 v1, v3;
	_ =	sdelay $0x2  }
0x261: {  	[tilespmem:s6], [sflag:$0x1] =	stream.indirect_vreg.gather [hbm4b:s3+s2], $0x80, v4, vm0, $0xb8;
	[tilespmem:$0x11000] =	vst v63  }
0x262: {  	s25 =	simm.s32 $0x1800  }
0x263: {  	[tilespmem:s25], [sflag:$0x1] =	stream.indirect_vreg.gather [hbm4b:s3+s2], $0x80, v3, vm0, $0xb8;
	[tilespmem:$0x11000] =	vst v63  }
0x264: {  	v3 =	vld [tilespmem:$0x310];
	_ =	sdelay $0x4  }
0x265: {  	v25 =	vshll.u32 v3, $0x1  }
0x266: {  	v3 =	vand.u32 $0x7, v3;
	v4 =	vand.u32 $0xFFFFFFF0, v25  }
0x267: {  	v3 =	vor.u32 v3, v4  }
0x268: {  	v4 =	vperm.xlane v3, v0;
	_ =	sdelay $0x1  }
0x269: {  	v3 =	vperm.xlane v3, v2;
	v4 =	vadd.s32 v1, v4;
	_ =	sdelay $0x1  }
0x26a: {  	v3 =	vadd.s32 v1, v3;
	_ =	sdelay $0x1  }
0x26b: {  	s28 =	simm.s32 $0x2000  }
0x26c: {  	[tilespmem:s28], [sflag:$0x1] =	stream.indirect_vreg.gather [hbm4b:s3+s2], $0x80, v4, vm0, $0xb8;
	[tilespmem:$0x11000] =	vst v63  }
0x26d: {  	s29 =	simm.s32 $0x2800  }
0x26e: {  	[tilespmem:s29], [sflag:$0x1] =	stream.indirect_vreg.gather [hbm4b:s3+s2], $0x80, v3, vm0, $0xb8;
	[tilespmem:$0x11000] =	vst v63  }
0x26f: {  	v3 =	vld [tilespmem:$0x320];
	_ =	sdelay $0x4  }
0x270: {  	v26 =	vshll.u32 v3, $0x1  }
0x271: {  	v3 =	vand.u32 $0x7, v3;
	v4 =	vand.u32 $0xFFFFFFF0, v26  }
0x272: {  	v3 =	vor.u32 v3, v4  }
0x273: {  	v4 =	vperm.xlane v3, v0;
	_ =	sdelay $0x1  }
0x274: {  	v3 =	vperm.xlane v3, v2;
	v4 =	vadd.s32 v1, v4;
	_ =	sdelay $0x1  }
0x275: {  	v3 =	vadd.s32 v1, v3;
	_ =	sdelay $0x1  }
0x276: {  	s28 =	simm.s32 $0x3000  }
0x277: {  	[tilespmem:s28], [sflag:$0x1] =	stream.indirect_vreg.gather [hbm4b:s3+s2], $0x80, v4, vm0, $0xb8;
	[tilespmem:$0x11000] =	vst v63  }
0x278: {  	s29 =	simm.s32 $0x3800  }
0x279: {  	[tilespmem:s29], [sflag:$0x1] =	stream.indirect_vreg.gather [hbm4b:s3+s2], $0x80, v3, vm0, $0xb8;
	[tilespmem:$0x11000] =	vst v63  }
0x27a: {  	v3 =	vld [tilespmem:$0x330];
	_ =	sdelay $0x4  }
0x27b: {  	v27 =	vshll.u32 v3, $0x1  }
0x27c: {  	v3 =	vand.u32 $0x7, v3;
	v4 =	vand.u32 $0xFFFFFFF0, v27  }
0x27d: {  	v3 =	vor.u32 v3, v4  }
0x27e: {  	v4 =	vperm.xlane v3, v0;
	_ =	sdelay $0x1  }
0x27f: {  	v3 =	vperm.xlane v3, v2;
	v4 =	vadd.s32 v1, v4;
	_ =	sdelay $0x1  }
0x280: {  	v3 =	vadd.s32 v1, v3;
	_ =	sdelay $0x1  }
0x281: {  	s28 =	simm.s32 $0x4000  }
0x282: {  	[tilespmem:s28], [sflag:$0x1] =	stream.indirect_vreg.gather [hbm4b:s3+s2], $0x80, v4, vm0, $0xb8;
	[tilespmem:$0x11000] =	vst v63  }
0x283: {  	s8 =	simm.s32 $0x4800  }
0x284: {  	[tilespmem:s8], [sflag:$0x1] =	stream.indirect_vreg.gather [hbm4b:s3+s2], $0x80, v3, vm0, $0xb8;
	[tilespmem:$0x11000] =	vst v63  }
0x285: {  	v3 =	vld [tilespmem:$0x340];
	_ =	sdelay $0x4  }
0x286: {  	v28 =	vshll.u32 v3, $0x1  }
0x287: {  	v3 =	vand.u32 $0x7, v3;
	v4 =	vand.u32 $0xFFFFFFF0, v28  }
0x288: {  	v3 =	vor.u32 v3, v4  }
0x289: {  	v4 =	vperm.xlane v3, v0;
	_ =	sdelay $0x1  }
0x28a: {  	v3 =	vperm.xlane v3, v2;
	v4 =	vadd.s32 v1, v4;
	_ =	sdelay $0x1  }
0x28b: {  	v3 =	vadd.s32 v1, v3;
	_ =	sdelay $0x1  }
0x28c: {  	s29 =	simm.s32 $0x5000  }
0x28d: {  	[tilespmem:s29], [sflag:$0x1] =	stream.indirect_vreg.gather [hbm4b:s3+s2], $0x80, v4, vm0, $0xb8;
	[tilespmem:$0x11000] =	vst v63  }
0x28e: {  	s14 =	simm.s32 $0x5800  }
0x28f: {  	[tilespmem:s14], [sflag:$0x1] =	stream.indirect_vreg.gather [hbm4b:s3+s2], $0x80, v3, vm0, $0xb8;
	[tilespmem:$0x11000] =	vst v63  }
0x290: {  	v3 =	vld [tilespmem:$0x350];
	_ =	sdelay $0x4  }
0x291: {  	v29 =	vshll.u32 v3, $0x1  }
0x292: {  	v3 =	vand.u32 $0x7, v3;
	v4 =	vand.u32 $0xFFFFFFF0, v29  }
0x293: {  	v3 =	vor.u32 v3, v4  }
0x294: {  	v4 =	vperm.xlane v3, v0;
	_ =	sdelay $0x1  }
0x295: {  	v3 =	vperm.xlane v3, v2;
	v4 =	vadd.s32 v1, v4;
	_ =	sdelay $0x1  }
0x296: {  	v3 =	vadd.s32 v1, v3;
	_ =	sdelay $0x1  }
0x297: {  	s29 =	simm.s32 $0x6000  }
0x298: {  	[tilespmem:s29], [sflag:$0x1] =	stream.indirect_vreg.gather [hbm4b:s3+s2], $0x80, v4, vm0, $0xb8;
	[tilespmem:$0x11000] =	vst v63  }
0x299: {  	s9 =	simm.s32 $0x6800  }
0x29a: {  	[tilespmem:s9], [sflag:$0x1] =	stream.indirect_vreg.gather [hbm4b:s3+s2], $0x80, v3, vm0, $0xb8;
	[tilespmem:$0x11000] =	vst v63  }
0x29b: {  	v3 =	vld [tilespmem:$0x360];
	_ =	sdelay $0x4  }
0x29c: {  	v30 =	vshll.u32 v3, $0x1  }
0x29d: {  	v3 =	vand.u32 $0x7, v3;
	v4 =	vand.u32 $0xFFFFFFF0, v30  }
0x29e: {  	v3 =	vor.u32 v3, v4  }
0x29f: {  	v4 =	vperm.xlane v3, v0;
	_ =	sdelay $0x1  }
0x2a0: {  	v3 =	vperm.xlane v3, v2;
	v4 =	vadd.s32 v1, v4;
	_ =	sdelay $0x1  }
0x2a1: {  	v3 =	vadd.s32 v1, v3;
	_ =	sdelay $0x1  }
0x2a2: {  	s29 =	simm.s32 $0x7000  }
0x2a3: {  	[tilespmem:s29], [sflag:$0x1] =	stream.indirect_vreg.gather [hbm4b:s3+s2], $0x80, v4, vm0, $0xb8;
	[tilespmem:$0x11000] =	vst v63  }
0x2a4: {  	s15 =	simm.s32 $0x7800  }
0x2a5: {  	[tilespmem:s15], [sflag:$0x1] =	stream.indirect_vreg.gather [hbm4b:s3+s2], $0x80, v3, vm0, $0xb8;
	[tilespmem:$0x11000] =	vst v63  }
0x2a6: {  	v3 =	vld [tilespmem:$0x370];
	_ =	sdelay $0x4  }
0x2a7: {  	v31 =	vshll.u32 v3, $0x1  }
0x2a8: {  	v3 =	vand.u32 $0x7, v3;
	v4 =	vand.u32 $0xFFFFFFF0, v31  }
0x2a9: {  	v3 =	vor.u32 v3, v4  }
0x2aa: {  	v4 =	vperm.xlane v3, v0;
	_ =	sdelay $0x1  }
0x2ab: {  	v3 =	vperm.xlane v3, v2;
	v4 =	vadd.s32 v1, v4;
	_ =	sdelay $0x1  }
0x2ac: {  	v3 =	vadd.s32 v1, v3;
	_ =	sdelay $0x1  }
0x2ad: {  	s29 =	simm.s32 $0x8000  }
0x2ae: {  	[tilespmem:s29], [sflag:$0x1] =	stream.indirect_vreg.gather [hbm4b:s3+s2], $0x80, v4, vm0, $0xb8;
	[tilespmem:$0x11000] =	vst v63  }
0x2af: {  	s18 =	simm.s32 $0x8800  }
0x2b0: {  	[tilespmem:s18], [sflag:$0x1] =	stream.indirect_vreg.gather [hbm4b:s3+s2], $0x80, v3, vm0, $0xb8;
	[tilespmem:$0x11000] =	vst v63  }
0x2b1: {  	_ =	swait.ge [sflag:s12], $0x8000  }
0x2b2: {  	[sflag:s12] =	ssyncset.done $0x0  }
0x2b3: {  	s29 =	rddreg [dreg:$0x9];
	[sflag:s12] =	ssyncadd.s32 $0xFFFF8000  }
0x2b4: {  	[hbm4b:s29+s2] =	stream.linear.scatter [tilespmem:s22], [sflag:$0x4], $0x8000, $0x38;
	[tilespmem:$0x11000] =	vst v63  }
0x2b5: {  	_ =	swait.ge [sflag:s13], $0x8000  }
0x2b6: {  	[sflag:s13] =	ssyncset.done $0x0  }
0x2b7: {  	[sflag:s13] =	ssyncadd.s32 $0xFFFF8000  }
0x2b8: {  	v3 =	vld [tilespmem:$0x380];
	_ =	sdelay $0x4  }
0x2b9: {  	v32 =	vshll.u32 v3, $0x1  }
0x2ba: {  	v3 =	vand.u32 $0x7, v3;
	v4 =	vand.u32 $0xFFFFFFF0, v32  }
0x2bb: {  	v3 =	vor.u32 v3, v4  }
0x2bc: {  	v4 =	vperm.xlane v3, v0;
	_ =	sdelay $0x1  }
0x2bd: {  	v3 =	vperm.xlane v3, v2;
	v4 =	vadd.s32 v1, v4;
	_ =	sdelay $0x1  }
0x2be: {  	v3 =	vadd.s32 v1, v3;
	_ =	sdelay $0x2  }
0x2bf: {  	[tilespmem:s22], [sflag:$0x2] =	stream.indirect_vreg.gather [hbm4b:s3+s2], $0x80, v4, vm0, $0xb8;
	[tilespmem:$0x11000] =	vst v63  }
0x2c0: {  	s7 =	simm.s32 $0x9800  }
0x2c1: {  	[tilespmem:s7], [sflag:$0x2] =	stream.indirect_vreg.gather [hbm4b:s3+s2], $0x80, v3, vm0, $0xb8;
	[tilespmem:$0x11000] =	vst v63  }
0x2c2: {  	v3 =	vld [tilespmem:$0x390];
	_ =	sdelay $0x4  }
0x2c3: {  	v33 =	vshll.u32 v3, $0x1  }
0x2c4: {  	v3 =	vand.u32 $0x7, v3;
	v4 =	vand.u32 $0xFFFFFFF0, v33  }
0x2c5: {  	v3 =	vor.u32 v3, v4  }
0x2c6: {  	v4 =	vperm.xlane v3, v0;
	_ =	sdelay $0x1  }
0x2c7: {  	v3 =	vperm.xlane v3, v2;
	v4 =	vadd.s32 v1, v4;
	_ =	sdelay $0x1  }
0x2c8: {  	v3 =	vadd.s32 v1, v3;
	_ =	sdelay $0x1  }
0x2c9: {  	s16 =	simm.s32 $0xA000  }
0x2ca: {  	[tilespmem:s16], [sflag:$0x2] =	stream.indirect_vreg.gather [hbm4b:s3+s2], $0x80, v4, vm0, $0xb8;
	[tilespmem:$0x11000] =	vst v63  }
0x2cb: {  	s0 =	simm.s32 $0xA800  }
0x2cc: {  	[tilespmem:s0], [sflag:$0x2] =	stream.indirect_vreg.gather [hbm4b:s3+s2], $0x80, v3, vm0, $0xb8;
	[tilespmem:$0x11000] =	vst v63  }
0x2cd: {  	v3 =	vld [tilespmem:$0x3A0];
	_ =	sdelay $0x4  }
0x2ce: {  	v34 =	vshll.u32 v3, $0x1  }
0x2cf: {  	v3 =	vand.u32 $0x7, v3;
	v4 =	vand.u32 $0xFFFFFFF0, v34  }
0x2d0: {  	v3 =	vor.u32 v3, v4  }
0x2d1: {  	v4 =	vperm.xlane v3, v0;
	_ =	sdelay $0x1  }
0x2d2: {  	v3 =	vperm.xlane v3, v2;
	v4 =	vadd.s32 v1, v4;
	_ =	sdelay $0x1  }
0x2d3: {  	v3 =	vadd.s32 v1, v3;
	_ =	sdelay $0x1  }
0x2d4: {  	s1 =	simm.s32 $0xB000  }
0x2d5: {  	[tilespmem:s1], [sflag:$0x2] =	stream.indirect_vreg.gather [hbm4b:s3+s2], $0x80, v4, vm0, $0xb8;
	[tilespmem:$0x11000] =	vst v63  }
0x2d6: {  	s4 =	simm.s32 $0xB800  }
0x2d7: {  	[tilespmem:s4], [sflag:$0x2] =	stream.indirect_vreg.gather [hbm4b:s3+s2], $0x80, v3, vm0, $0xb8;
	[tilespmem:$0x11000] =	vst v63  }
0x2d8: {  	v3 =	vld [tilespmem:$0x3B0];
	_ =	sdelay $0x4  }
0x2d9: {  	v35 =	vshll.u32 v3, $0x1  }
0x2da: {  	v3 =	vand.u32 $0x7, v3;
	v4 =	vand.u32 $0xFFFFFFF0, v35  }
0x2db: {  	v3 =	vor.u32 v3, v4  }
0x2dc: {  	v4 =	vperm.xlane v3, v0;
	_ =	sdelay $0x1  }
0x2dd: {  	v3 =	vperm.xlane v3, v2;
	v4 =	vadd.s32 v1, v4;
	_ =	sdelay $0x1  }
0x2de: {  	v3 =	vadd.s32 v1, v3;
	_ =	sdelay $0x1  }
0x2df: {  	s5 =	simm.s32 $0xC000  }
0x2e0: {  	[tilespmem:s5], [sflag:$0x2] =	stream.indirect_vreg.gather [hbm4b:s3+s2], $0x80, v4, vm0, $0xb8;
	[tilespmem:$0x11000] =	vst v63  }
0x2e1: {  	s30 =	simm.s32 $0xC800  }
0x2e2: {  	[tilespmem:s30], [sflag:$0x2] =	stream.indirect_vreg.gather [hbm4b:s3+s2], $0x80, v3, vm0, $0xb8;
	[tilespmem:$0x11000] =	vst v63  }
0x2e3: {  	v3 =	vld [tilespmem:$0x3C0];
	_ =	sdelay $0x4  }
0x2e4: {  	v36 =	vshll.u32 v3, $0x1  }
0x2e5: {  	v3 =	vand.u32 $0x7, v3;
	v4 =	vand.u32 $0xFFFFFFF0, v36  }
0x2e6: {  	v3 =	vor.u32 v3, v4  }
0x2e7: {  	v4 =	vperm.xlane v3, v0;
	_ =	sdelay $0x1  }
0x2e8: {  	v3 =	vperm.xlane v3, v2;
	v4 =	vadd.s32 v1, v4;
	_ =	sdelay $0x1  }
0x2e9: {  	v3 =	vadd.s32 v1, v3;
	_ =	sdelay $0x1  }
0x2ea: {  	s31 =	simm.s32 $0xD000  }
0x2eb: {  	[tilespmem:s31], [sflag:$0x2] =	stream.indirect_vreg.gather [hbm4b:s3+s2], $0x80, v4, vm0, $0xb8;
	[tilespmem:$0x11000] =	vst v63  }
0x2ec: {  	s23 =	simm.s32 $0xD800  }
0x2ed: {  	[tilespmem:s23], [sflag:$0x2] =	stream.indirect_vreg.gather [hbm4b:s3+s2], $0x80, v3, vm0, $0xb8;
	[tilespmem:$0x11000] =	vst v63  }
0x2ee: {  	v3 =	vld [tilespmem:$0x3D0];
	_ =	sdelay $0x4  }
0x2ef: {  	v37 =	vshll.u32 v3, $0x1  }
0x2f0: {  	v3 =	vand.u32 $0x7, v3;
	v4 =	vand.u32 $0xFFFFFFF0, v37  }
0x2f1: {  	v3 =	vor.u32 v3, v4  }
0x2f2: {  	v4 =	vperm.xlane v3, v0;
	_ =	sdelay $0x1  }
0x2f3: {  	v3 =	vperm.xlane v3, v2;
	v4 =	vadd.s32 v1, v4;
	_ =	sdelay $0x1  }
0x2f4: {  	v3 =	vadd.s32 v1, v3;
	_ =	sdelay $0x1  }
0x2f5: {  	s26 =	simm.s32 $0xE000  }
0x2f6: {  	[tilespmem:s26], [sflag:$0x2] =	stream.indirect_vreg.gather [hbm4b:s3+s2], $0x80, v4, vm0, $0xb8;
	[tilespmem:$0x11000] =	vst v63  }
0x2f7: {  	s17 =	simm.s32 $0xE800  }
0x2f8: {  	[tilespmem:s17], [sflag:$0x2] =	stream.indirect_vreg.gather [hbm4b:s3+s2], $0x80, v3, vm0, $0xb8;
	[tilespmem:$0x11000] =	vst v63  }
0x2f9: {  	v3 =	vld [tilespmem:$0x3E0];
	_ =	sdelay $0x4  }
0x2fa: {  	v38 =	vshll.u32 v3, $0x1  }
0x2fb: {  	v3 =	vand.u32 $0x7, v3;
	v4 =	vand.u32 $0xFFFFFFF0, v38  }
0x2fc: {  	v3 =	vor.u32 v3, v4  }
0x2fd: {  	v4 =	vperm.xlane v3, v0;
	_ =	sdelay $0x1  }
0x2fe: {  	v3 =	vperm.xlane v3, v2;
	v4 =	vadd.s32 v1, v4;
	_ =	sdelay $0x1  }
0x2ff: {  	v3 =	vadd.s32 v1, v3;
	_ =	sdelay $0x1  }
0x300: {  	s20 =	simm.s32 $0xF000  }
0x301: {  	[tilespmem:s20], [sflag:$0x2] =	stream.indirect_vreg.gather [hbm4b:s3+s2], $0x80, v4, vm0, $0xb8;
	[tilespmem:$0x11000] =	vst v63  }
0x302: {  	s21 =	simm.s32 $0xF800  }
0x303: {  	[tilespmem:s21], [sflag:$0x2] =	stream.indirect_vreg.gather [hbm4b:s3+s2], $0x80, v3, vm0, $0xb8;
	[tilespmem:$0x11000] =	vst v63  }
0x304: {  	v3 =	vld [tilespmem:$0x3F0];
	_ =	sdelay $0x4  }
0x305: {  	v39 =	vshll.u32 v3, $0x1  }
0x306: {  	v3 =	vand.u32 $0x7, v3;
	v4 =	vand.u32 $0xFFFFFFF0, v39  }
0x307: {  	v3 =	vor.u32 v3, v4  }
0x308: {  	v4 =	vperm.xlane v3, v0;
	_ =	sdelay $0x1  }
0x309: {  	v3 =	vperm.xlane v3, v2;
	v4 =	vadd.s32 v1, v4;
	_ =	sdelay $0x1  }
0x30a: {  	v3 =	vadd.s32 v1, v3;
	_ =	sdelay $0x1  }
0x30b: {  	s24 =	simm.s32 $0x10000  }
0x30c: {  	[tilespmem:s24], [sflag:$0x2] =	stream.indirect_vreg.gather [hbm4b:s3+s2], $0x80, v4, vm0, $0xb8;
	[tilespmem:$0x11000] =	vst v63  }
0x30d: {  	s19 =	simm.s32 $0x10800  }
0x30e: {  	[tilespmem:s19], [sflag:$0x2] =	stream.indirect_vreg.gather [hbm4b:s3+s2], $0x80, v3, vm0, $0xb8;
	[tilespmem:$0x11000] =	vst v63  }
0x30f: {  	_ =	swait.ge [sflag:s10], $0x8000  }
0x310: {  	[sflag:s10] =	ssyncset.done $0x0  }
0x311: {  	s24 =	rddreg [dreg:$0xa];
	[sflag:s10] =	ssyncadd.s32 $0xFFFF8000  }
0x312: {  	[hbm4b:s24+s2] =	stream.linear.scatter [tilespmem:s6], [sflag:$0x3], $0x8000, $0x38;
	[tilespmem:$0x11000] =	vst v63  }
0x313: {  	_ =	swait.ge [sflag:s11], $0x8000  }
0x314: {  	[sflag:s11] =	ssyncset.done $0x0  }
0x315: {  	[sflag:s11] =	ssyncadd.s32 $0xFFFF8000  }
0x316: {  	v3 =	vld [tilespmem:$0x400];
	_ =	sdelay $0x4  }
0x317: {  	v40 =	vshll.u32 v3, $0x1  }
0x318: {  	v3 =	vand.u32 $0x7, v3;
	v4 =	vand.u32 $0xFFFFFFF0, v40  }
0x319: {  	v3 =	vor.u32 v3, v4  }
0x31a: {  	v4 =	vperm.xlane v3, v0;
	_ =	sdelay $0x1  }
0x31b: {  	v3 =	vperm.xlane v3, v2;
	v4 =	vadd.s32 v1, v4;
	_ =	sdelay $0x1  }
0x31c: {  	v3 =	vadd.s32 v1, v3;
	_ =	sdelay $0x2  }
0x31d: {  	[tilespmem:s6], [sflag:$0x1] =	stream.indirect_vreg.gather [hbm4b:s3+s2], $0x80, v4, vm0, $0xb8;
	[tilespmem:$0x11000] =	vst v63  }
0x31e: {  	s24 =	simm.s32 $0x1800  }
0x31f: {  	[tilespmem:s24], [sflag:$0x1] =	stream.indirect_vreg.gather [hbm4b:s3+s2], $0x80, v3, vm0, $0xb8;
	[tilespmem:$0x11000] =	vst v63  }
0x320: {  	v3 =	vld [tilespmem:$0x410];
	_ =	sdelay $0x4  }
0x321: {  	v41 =	vshll.u32 v3, $0x1  }
0x322: {  	v3 =	vand.u32 $0x7, v3;
	v4 =	vand.u32 $0xFFFFFFF0, v41  }
0x323: {  	v3 =	vor.u32 v3, v4  }
0x324: {  	v4 =	vperm.xlane v3, v0;
	_ =	sdelay $0x1  }
0x325: {  	v3 =	vperm.xlane v3, v2;
	v4 =	vadd.s32 v1, v4;
	_ =	sdelay $0x1  }
0x326: {  	v3 =	vadd.s32 v1, v3;
	_ =	sdelay $0x1  }
0x327: {  	s25 =	simm.s32 $0x2000  }
0x328: {  	[tilespmem:s25], [sflag:$0x1] =	stream.indirect_vreg.gather [hbm4b:s3+s2], $0x80, v4, vm0, $0xb8;
	[tilespmem:$0x11000] =	vst v63  }
0x329: {  	s24 =	simm.s32 $0x2800  }
0x32a: {  	[tilespmem:s24], [sflag:$0x1] =	stream.indirect_vreg.gather [hbm4b:s3+s2], $0x80, v3, vm0, $0xb8;
	[tilespmem:$0x11000] =	vst v63  }
0x32b: {  	v3 =	vld [tilespmem:$0x420];
	_ =	sdelay $0x4  }
0x32c: {  	v42 =	vshll.u32 v3, $0x1  }
0x32d: {  	v3 =	vand.u32 $0x7, v3;
	v4 =	vand.u32 $0xFFFFFFF0, v42  }
0x32e: {  	v3 =	vor.u32 v3, v4  }
0x32f: {  	v4 =	vperm.xlane v3, v0;
	_ =	sdelay $0x1  }
0x330: {  	v3 =	vperm.xlane v3, v2;
	v4 =	vadd.s32 v1, v4;
	_ =	sdelay $0x1  }
0x331: {  	v3 =	vadd.s32 v1, v3;
	_ =	sdelay $0x1  }
0x332: {  	s24 =	simm.s32 $0x3000  }
0x333: {  	[tilespmem:s24], [sflag:$0x1] =	stream.indirect_vreg.gather [hbm4b:s3+s2], $0x80, v4, vm0, $0xb8;
	[tilespmem:$0x11000] =	vst v63  }
0x334: {  	s24 =	simm.s32 $0x3800  }
0x335: {  	[tilespmem:s24], [sflag:$0x1] =	stream.indirect_vreg.gather [hbm4b:s3+s2], $0x80, v3, vm0, $0xb8;
	[tilespmem:$0x11000] =	vst v63  }
0x336: {  	v3 =	vld [tilespmem:$0x430];
	_ =	sdelay $0x4  }
0x337: {  	v43 =	vshll.u32 v3, $0x1  }
0x338: {  	v3 =	vand.u32 $0x7, v3;
	v4 =	vand.u32 $0xFFFFFFF0, v43  }
0x339: {  	v3 =	vor.u32 v3, v4  }
0x33a: {  	v4 =	vperm.xlane v3, v0;
	_ =	sdelay $0x1  }
0x33b: {  	v3 =	vperm.xlane v3, v2;
	v4 =	vadd.s32 v1, v4;
	_ =	sdelay $0x1  }
0x33c: {  	v3 =	vadd.s32 v1, v3;
	_ =	sdelay $0x1  }
0x33d: {  	s24 =	simm.s32 $0x4000  }
0x33e: {  	[tilespmem:s24], [sflag:$0x1] =	stream.indirect_vreg.gather [hbm4b:s3+s2], $0x80, v4, vm0, $0xb8;
	[tilespmem:$0x11000] =	vst v63  }
0x33f: {  	s28 =	simm.s32 $0x4800  }
0x340: {  	[tilespmem:s28], [sflag:$0x1] =	stream.indirect_vreg.gather [hbm4b:s3+s2], $0x80, v3, vm0, $0xb8;
	[tilespmem:$0x11000] =	vst v63  }
0x341: {  	v3 =	vld [tilespmem:$0x440];
	_ =	sdelay $0x4  }
0x342: {  	v44 =	vshll.u32 v3, $0x1  }
0x343: {  	v3 =	vand.u32 $0x7, v3;
	v4 =	vand.u32 $0xFFFFFFF0, v44  }
0x344: {  	v3 =	vor.u32 v3, v4  }
0x345: {  	v4 =	vperm.xlane v3, v0;
	_ =	sdelay $0x1  }
0x346: {  	v3 =	vperm.xlane v3, v2;
	v4 =	vadd.s32 v1, v4;
	_ =	sdelay $0x1  }
0x347: {  	v3 =	vadd.s32 v1, v3;
	_ =	sdelay $0x1  }
0x348: {  	s28 =	simm.s32 $0x5000  }
0x349: {  	[tilespmem:s28], [sflag:$0x1] =	stream.indirect_vreg.gather [hbm4b:s3+s2], $0x80, v4, vm0, $0xb8;
	[tilespmem:$0x11000] =	vst v63  }
0x34a: {  	s8 =	simm.s32 $0x5800  }
0x34b: {  	[tilespmem:s8], [sflag:$0x1] =	stream.indirect_vreg.gather [hbm4b:s3+s2], $0x80, v3, vm0, $0xb8;
	[tilespmem:$0x11000] =	vst v63  }
0x34c: {  	v3 =	vld [tilespmem:$0x450];
	_ =	sdelay $0x4  }
0x34d: {  	v45 =	vshll.u32 v3, $0x1  }
0x34e: {  	v3 =	vand.u32 $0x7, v3;
	v4 =	vand.u32 $0xFFFFFFF0, v45  }
0x34f: {  	v3 =	vor.u32 v3, v4  }
0x350: {  	v4 =	vperm.xlane v3, v0;
	_ =	sdelay $0x1  }
0x351: {  	v3 =	vperm.xlane v3, v2;
	v4 =	vadd.s32 v1, v4;
	_ =	sdelay $0x1  }
0x352: {  	v3 =	vadd.s32 v1, v3;
	_ =	sdelay $0x1  }
0x353: {  	s14 =	simm.s32 $0x6000  }
0x354: {  	[tilespmem:s14], [sflag:$0x1] =	stream.indirect_vreg.gather [hbm4b:s3+s2], $0x80, v4, vm0, $0xb8;
	[tilespmem:$0x11000] =	vst v63  }
0x355: {  	s9 =	simm.s32 $0x6800  }
0x356: {  	[tilespmem:s9], [sflag:$0x1] =	stream.indirect_vreg.gather [hbm4b:s3+s2], $0x80, v3, vm0, $0xb8;
	[tilespmem:$0x11000] =	vst v63  }
0x357: {  	v3 =	vld [tilespmem:$0x460];
	_ =	sdelay $0x4  }
0x358: {  	v46 =	vshll.u32 v3, $0x1  }
0x359: {  	v3 =	vand.u32 $0x7, v3;
	v4 =	vand.u32 $0xFFFFFFF0, v46  }
0x35a: {  	v3 =	vor.u32 v3, v4  }
0x35b: {  	v4 =	vperm.xlane v3, v0;
	_ =	sdelay $0x1  }
0x35c: {  	v3 =	vperm.xlane v3, v2;
	v4 =	vadd.s32 v1, v4;
	_ =	sdelay $0x1  }
0x35d: {  	v3 =	vadd.s32 v1, v3;
	_ =	sdelay $0x1  }
0x35e: {  	s14 =	simm.s32 $0x7000  }
0x35f: {  	[tilespmem:s14], [sflag:$0x1] =	stream.indirect_vreg.gather [hbm4b:s3+s2], $0x80, v4, vm0, $0xb8;
	[tilespmem:$0x11000] =	vst v63  }
0x360: {  	s15 =	simm.s32 $0x7800  }
0x361: {  	[tilespmem:s15], [sflag:$0x1] =	stream.indirect_vreg.gather [hbm4b:s3+s2], $0x80, v3, vm0, $0xb8;
	[tilespmem:$0x11000] =	vst v63  }
0x362: {  	v3 =	vld [tilespmem:$0x470];
	_ =	sdelay $0x4  }
0x363: {  	v47 =	vshll.u32 v3, $0x1  }
0x364: {  	v3 =	vand.u32 $0x7, v3;
	v4 =	vand.u32 $0xFFFFFFF0, v47  }
0x365: {  	v3 =	vor.u32 v3, v4  }
0x366: {  	v4 =	vperm.xlane v3, v0;
	_ =	sdelay $0x1  }
0x367: {  	v3 =	vperm.xlane v3, v2;
	v4 =	vadd.s32 v1, v4;
	_ =	sdelay $0x1  }
0x368: {  	v3 =	vadd.s32 v1, v3;
	_ =	sdelay $0x1  }
0x369: {  	s14 =	simm.s32 $0x8000  }
0x36a: {  	[tilespmem:s14], [sflag:$0x1] =	stream.indirect_vreg.gather [hbm4b:s3+s2], $0x80, v4, vm0, $0xb8;
	[tilespmem:$0x11000] =	vst v63  }
0x36b: {  	s18 =	simm.s32 $0x8800  }
0x36c: {  	[tilespmem:s18], [sflag:$0x1] =	stream.indirect_vreg.gather [hbm4b:s3+s2], $0x80, v3, vm0, $0xb8;
	[tilespmem:$0x11000] =	vst v63  }
0x36d: {  	_ =	swait.ge [sflag:s12], $0x8000  }
0x36e: {  	[sflag:s12] =	ssyncset.done $0x0  }
0x36f: {  	s9 =	rddreg [dreg:$0xb];
	[sflag:s12] =	ssyncadd.s32 $0xFFFF8000  }
0x370: {  	[hbm4b:s9+s2] =	stream.linear.scatter [tilespmem:s22], [sflag:$0x4], $0x8000, $0x38;
	[tilespmem:$0x11000] =	vst v63  }
0x371: {  	_ =	swait.ge [sflag:s13], $0x8000  }
0x372: {  	[sflag:s13] =	ssyncset.done $0x0  }
0x373: {  	[sflag:s13] =	ssyncadd.s32 $0xFFFF8000  }
0x374: {  	v3 =	vld [tilespmem:$0x480];
	_ =	sdelay $0x4  }
0x375: {  	v48 =	vshll.u32 v3, $0x1  }
0x376: {  	v3 =	vand.u32 $0x7, v3;
	v4 =	vand.u32 $0xFFFFFFF0, v48  }
0x377: {  	v3 =	vor.u32 v3, v4  }
0x378: {  	v4 =	vperm.xlane v3, v0;
	_ =	sdelay $0x1  }
0x379: {  	v3 =	vperm.xlane v3, v2;
	v4 =	vadd.s32 v1, v4;
	_ =	sdelay $0x1  }
0x37a: {  	v3 =	vadd.s32 v1, v3;
	_ =	sdelay $0x2  }
0x37b: {  	[tilespmem:s22], [sflag:$0x2] =	stream.indirect_vreg.gather [hbm4b:s3+s2], $0x80, v4, vm0, $0xb8;
	[tilespmem:$0x11000] =	vst v63  }
0x37c: {  	s29 =	simm.s32 $0x9800  }
0x37d: {  	[tilespmem:s29], [sflag:$0x2] =	stream.indirect_vreg.gather [hbm4b:s3+s2], $0x80, v3, vm0, $0xb8;
	[tilespmem:$0x11000] =	vst v63  }
0x37e: {  	v3 =	vld [tilespmem:$0x490];
	_ =	sdelay $0x4  }
0x37f: {  	v49 =	vshll.u32 v3, $0x1  }
0x380: {  	v3 =	vand.u32 $0x7, v3;
	v4 =	vand.u32 $0xFFFFFFF0, v49  }
0x381: {  	v3 =	vor.u32 v3, v4  }
0x382: {  	v4 =	vperm.xlane v3, v0;
	_ =	sdelay $0x1  }
0x383: {  	v3 =	vperm.xlane v3, v2;
	v4 =	vadd.s32 v1, v4;
	_ =	sdelay $0x1  }
0x384: {  	v3 =	vadd.s32 v1, v3;
	_ =	sdelay $0x1  }
0x385: {  	s16 =	simm.s32 $0xA000  }
0x386: {  	[tilespmem:s16], [sflag:$0x2] =	stream.indirect_vreg.gather [hbm4b:s3+s2], $0x80, v4, vm0, $0xb8;
	[tilespmem:$0x11000] =	vst v63  }
0x387: {  	s0 =	simm.s32 $0xA800  }
0x388: {  	[tilespmem:s0], [sflag:$0x2] =	stream.indirect_vreg.gather [hbm4b:s3+s2], $0x80, v3, vm0, $0xb8;
	[tilespmem:$0x11000] =	vst v63  }
0x389: {  	v3 =	vld [tilespmem:$0x4A0];
	_ =	sdelay $0x4  }
0x38a: {  	v50 =	vshll.u32 v3, $0x1  }
0x38b: {  	v3 =	vand.u32 $0x7, v3;
	v4 =	vand.u32 $0xFFFFFFF0, v50  }
0x38c: {  	v3 =	vor.u32 v3, v4  }
0x38d: {  	v4 =	vperm.xlane v3, v0;
	_ =	sdelay $0x1  }
0x38e: {  	v3 =	vperm.xlane v3, v2;
	v4 =	vadd.s32 v1, v4;
	_ =	sdelay $0x1  }
0x38f: {  	v3 =	vadd.s32 v1, v3;
	_ =	sdelay $0x1  }
0x390: {  	s1 =	simm.s32 $0xB000  }
0x391: {  	[tilespmem:s1], [sflag:$0x2] =	stream.indirect_vreg.gather [hbm4b:s3+s2], $0x80, v4, vm0, $0xb8;
	[tilespmem:$0x11000] =	vst v63  }
0x392: {  	s4 =	simm.s32 $0xB800  }
0x393: {  	[tilespmem:s4], [sflag:$0x2] =	stream.indirect_vreg.gather [hbm4b:s3+s2], $0x80, v3, vm0, $0xb8;
	[tilespmem:$0x11000] =	vst v63  }
0x394: {  	v3 =	vld [tilespmem:$0x4B0];
	_ =	sdelay $0x4  }
0x395: {  	v51 =	vshll.u32 v3, $0x1  }
0x396: {  	v3 =	vand.u32 $0x7, v3;
	v4 =	vand.u32 $0xFFFFFFF0, v51  }
0x397: {  	v3 =	vor.u32 v3, v4  }
0x398: {  	v4 =	vperm.xlane v3, v0;
	_ =	sdelay $0x1  }
0x399: {  	v3 =	vperm.xlane v3, v2;
	v4 =	vadd.s32 v1, v4;
	_ =	sdelay $0x1  }
0x39a: {  	v3 =	vadd.s32 v1, v3;
	_ =	sdelay $0x1  }
0x39b: {  	s5 =	simm.s32 $0xC000  }
0x39c: {  	[tilespmem:s5], [sflag:$0x2] =	stream.indirect_vreg.gather [hbm4b:s3+s2], $0x80, v4, vm0, $0xb8;
	[tilespmem:$0x11000] =	vst v63  }
0x39d: {  	s30 =	simm.s32 $0xC800  }
0x39e: {  	[tilespmem:s30], [sflag:$0x2] =	stream.indirect_vreg.gather [hbm4b:s3+s2], $0x80, v3, vm0, $0xb8;
	[tilespmem:$0x11000] =	vst v63  }
0x39f: {  	v3 =	vld [tilespmem:$0x4C0];
	_ =	sdelay $0x4  }
0x3a0: {  	v52 =	vshll.u32 v3, $0x1  }
0x3a1: {  	v3 =	vand.u32 $0x7, v3;
	v4 =	vand.u32 $0xFFFFFFF0, v52  }
0x3a2: {  	v3 =	vor.u32 v3, v4  }
0x3a3: {  	v4 =	vperm.xlane v3, v0;
	_ =	sdelay $0x1  }
0x3a4: {  	v3 =	vperm.xlane v3, v2;
	v4 =	vadd.s32 v1, v4;
	_ =	sdelay $0x1  }
0x3a5: {  	v3 =	vadd.s32 v1, v3;
	_ =	sdelay $0x1  }
0x3a6: {  	s31 =	simm.s32 $0xD000  }
0x3a7: {  	[tilespmem:s31], [sflag:$0x2] =	stream.indirect_vreg.gather [hbm4b:s3+s2], $0x80, v4, vm0, $0xb8;
	[tilespmem:$0x11000] =	vst v63  }
0x3a8: {  	s23 =	simm.s32 $0xD800  }
0x3a9: {  	[tilespmem:s23], [sflag:$0x2] =	stream.indirect_vreg.gather [hbm4b:s3+s2], $0x80, v3, vm0, $0xb8;
	[tilespmem:$0x11000] =	vst v63  }
0x3aa: {  	v3 =	vld [tilespmem:$0x4D0];
	_ =	sdelay $0x4  }
0x3ab: {  	v53 =	vshll.u32 v3, $0x1  }
0x3ac: {  	v3 =	vand.u32 $0x7, v3;
	v4 =	vand.u32 $0xFFFFFFF0, v53  }
0x3ad: {  	v3 =	vor.u32 v3, v4  }
0x3ae: {  	v4 =	vperm.xlane v3, v0;
	_ =	sdelay $0x1  }
0x3af: {  	v3 =	vperm.xlane v3, v2;
	v4 =	vadd.s32 v1, v4;
	_ =	sdelay $0x1  }
0x3b0: {  	v3 =	vadd.s32 v1, v3;
	_ =	sdelay $0x1  }
0x3b1: {  	s26 =	simm.s32 $0xE000  }
0x3b2: {  	[tilespmem:s26], [sflag:$0x2] =	stream.indirect_vreg.gather [hbm4b:s3+s2], $0x80, v4, vm0, $0xb8;
	[tilespmem:$0x11000] =	vst v63  }
0x3b3: {  	s17 =	simm.s32 $0xE800  }
0x3b4: {  	[tilespmem:s17], [sflag:$0x2] =	stream.indirect_vreg.gather [hbm4b:s3+s2], $0x80, v3, vm0, $0xb8;
	[tilespmem:$0x11000] =	vst v63  }
0x3b5: {  	v3 =	vld [tilespmem:$0x4E0];
	_ =	sdelay $0x4  }
0x3b6: {  	v54 =	vshll.u32 v3, $0x1  }
0x3b7: {  	v3 =	vand.u32 $0x7, v3;
	v4 =	vand.u32 $0xFFFFFFF0, v54  }
0x3b8: {  	v3 =	vor.u32 v3, v4  }
0x3b9: {  	v4 =	vperm.xlane v3, v0;
	_ =	sdelay $0x1  }
0x3ba: {  	v3 =	vperm.xlane v3, v2;
	v4 =	vadd.s32 v1, v4;
	_ =	sdelay $0x1  }
0x3bb: {  	v3 =	vadd.s32 v1, v3;
	_ =	sdelay $0x1  }
0x3bc: {  	s20 =	simm.s32 $0xF000  }
0x3bd: {  	[tilespmem:s20], [sflag:$0x2] =	stream.indirect_vreg.gather [hbm4b:s3+s2], $0x80, v4, vm0, $0xb8;
	[tilespmem:$0x11000] =	vst v63  }
0x3be: {  	s7 =	simm.s32 $0xF800  }
0x3bf: {  	[tilespmem:s7], [sflag:$0x2] =	stream.indirect_vreg.gather [hbm4b:s3+s2], $0x80, v3, vm0, $0xb8;
	[tilespmem:$0x11000] =	vst v63  }
0x3c0: {  	v3 =	vld [tilespmem:$0x4F0];
	_ =	sdelay $0x4  }
0x3c1: {  	v55 =	vshll.u32 v3, $0x1  }
0x3c2: {  	v3 =	vand.u32 $0x7, v3;
	v4 =	vand.u32 $0xFFFFFFF0, v55  }
0x3c3: {  	v3 =	vor.u32 v3, v4  }
0x3c4: {  	v4 =	vperm.xlane v3, v0;
	_ =	sdelay $0x1  }
0x3c5: {  	v3 =	vperm.xlane v3, v2;
	v4 =	vadd.s32 v1, v4;
	_ =	sdelay $0x1  }
0x3c6: {  	v3 =	vadd.s32 v1, v3;
	_ =	sdelay $0x1  }
0x3c7: {  	s21 =	simm.s32 $0x10000  }
0x3c8: {  	[tilespmem:s21], [sflag:$0x2] =	stream.indirect_vreg.gather [hbm4b:s3+s2], $0x80, v4, vm0, $0xb8;
	[tilespmem:$0x11000] =	vst v63  }
0x3c9: {  	s19 =	simm.s32 $0x10800  }
0x3ca: {  	[tilespmem:s19], [sflag:$0x2] =	stream.indirect_vreg.gather [hbm4b:s3+s2], $0x80, v3, vm0, $0xb8;
	[tilespmem:$0x11000] =	vst v63  }
0x3cb: {  	_ =	swait.ge [sflag:s10], $0x8000  }
0x3cc: {  	[sflag:s10] =	ssyncset.done $0x0  }
0x3cd: {  	s19 =	rddreg [dreg:$0xc];
	[sflag:s10] =	ssyncadd.s32 $0xFFFF8000  }
0x3ce: {  	[hbm4b:s19+s2] =	stream.linear.scatter [tilespmem:s6], [sflag:$0x3], $0x8000, $0x38;
	[tilespmem:$0x11000] =	vst v63  }
0x3cf: {  	_ =	swait.ge [sflag:s11], $0x8000  }
0x3d0: {  	[sflag:s11] =	ssyncset.done $0x0  }
0x3d1: {  	[sflag:s11] =	ssyncadd.s32 $0xFFFF8000  }
0x3d2: {  	v3 =	vld [tilespmem:$0x500];
	_ =	sdelay $0x4  }
0x3d3: {  	v56 =	vshll.u32 v3, $0x1  }
0x3d4: {  	v3 =	vand.u32 $0x7, v3;
	v4 =	vand.u32 $0xFFFFFFF0, v56  }
0x3d5: {  	v3 =	vor.u32 v3, v4  }
0x3d6: {  	v4 =	vperm.xlane v3, v0;
	_ =	sdelay $0x1  }
0x3d7: {  	v3 =	vperm.xlane v3, v2;
	v4 =	vadd.s32 v1, v4;
	_ =	sdelay $0x1  }
0x3d8: {  	v3 =	vadd.s32 v1, v3;
	_ =	sdelay $0x2  }
0x3d9: {  	[tilespmem:s6], [sflag:$0x1] =	stream.indirect_vreg.gather [hbm4b:s3+s2], $0x80, v4, vm0, $0xb8;
	[tilespmem:$0x11000] =	vst v63  }
0x3da: {  	s19 =	simm.s32 $0x1800  }
0x3db: {  	[tilespmem:s19], [sflag:$0x1] =	stream.indirect_vreg.gather [hbm4b:s3+s2], $0x80, v3, vm0, $0xb8;
	[tilespmem:$0x11000] =	vst v63  }
0x3dc: {  	v3 =	vld [tilespmem:$0x510];
	_ =	sdelay $0x4  }
0x3dd: {  	v57 =	vshll.u32 v3, $0x1  }
0x3de: {  	v3 =	vand.u32 $0x7, v3;
	v4 =	vand.u32 $0xFFFFFFF0, v57  }
0x3df: {  	v3 =	vor.u32 v3, v4  }
0x3e0: {  	v4 =	vperm.xlane v3, v0;
	_ =	sdelay $0x1  }
0x3e1: {  	v3 =	vperm.xlane v3, v2;
	v4 =	vadd.s32 v1, v4;
	_ =	sdelay $0x1  }
0x3e2: {  	v3 =	vadd.s32 v1, v3;
	_ =	sdelay $0x1  }
0x3e3: {  	s25 =	simm.s32 $0x2000  }
0x3e4: {  	[tilespmem:s25], [sflag:$0x1] =	stream.indirect_vreg.gather [hbm4b:s3+s2], $0x80, v4, vm0, $0xb8;
	[tilespmem:$0x11000] =	vst v63  }
0x3e5: {  	s25 =	simm.s32 $0x2800  }
0x3e6: {  	[tilespmem:s25], [sflag:$0x1] =	stream.indirect_vreg.gather [hbm4b:s3+s2], $0x80, v3, vm0, $0xb8;
	[tilespmem:$0x11000] =	vst v63  }
0x3e7: {  	v3 =	vld [tilespmem:$0x520];
	_ =	sdelay $0x4  }
0x3e8: {  	v58 =	vshll.u32 v3, $0x1  }
0x3e9: {  	v3 =	vand.u32 $0x7, v3;
	v4 =	vand.u32 $0xFFFFFFF0, v58  }
0x3ea: {  	v3 =	vor.u32 v3, v4  }
0x3eb: {  	v4 =	vperm.xlane v3, v0;
	_ =	sdelay $0x1  }
0x3ec: {  	v3 =	vperm.xlane v3, v2;
	v4 =	vadd.s32 v1, v4;
	_ =	sdelay $0x1  }
0x3ed: {  	v3 =	vadd.s32 v1, v3;
	_ =	sdelay $0x1  }
0x3ee: {  	s25 =	simm.s32 $0x3000  }
0x3ef: {  	[tilespmem:s25], [sflag:$0x1] =	stream.indirect_vreg.gather [hbm4b:s3+s2], $0x80, v4, vm0, $0xb8;
	[tilespmem:$0x11000] =	vst v63  }
0x3f0: {  	s25 =	simm.s32 $0x3800  }
0x3f1: {  	[tilespmem:s25], [sflag:$0x1] =	stream.indirect_vreg.gather [hbm4b:s3+s2], $0x80, v3, vm0, $0xb8;
	[tilespmem:$0x11000] =	vst v63  }
0x3f2: {  	v3 =	vld [tilespmem:$0x530];
	_ =	sdelay $0x4  }
0x3f3: {  	v59 =	vshll.u32 v3, $0x1  }
0x3f4: {  	v3 =	vand.u32 $0x7, v3;
	v4 =	vand.u32 $0xFFFFFFF0, v59  }
0x3f5: {  	v3 =	vor.u32 v3, v4  }
0x3f6: {  	v4 =	vperm.xlane v3, v0;
	_ =	sdelay $0x1  }
0x3f7: {  	v3 =	vperm.xlane v3, v2;
	v4 =	vadd.s32 v1, v4;
	_ =	sdelay $0x1  }
0x3f8: {  	v3 =	vadd.s32 v1, v3;
	_ =	sdelay $0x1  }
0x3f9: {  	s25 =	simm.s32 $0x4000  }
0x3fa: {  	[tilespmem:s25], [sflag:$0x1] =	stream.indirect_vreg.gather [hbm4b:s3+s2], $0x80, v4, vm0, $0xb8;
	[tilespmem:$0x11000] =	vst v63  }
0x3fb: {  	s24 =	simm.s32 $0x4800  }
0x3fc: {  	[tilespmem:s24], [sflag:$0x1] =	stream.indirect_vreg.gather [hbm4b:s3+s2], $0x80, v3, vm0, $0xb8;
	[tilespmem:$0x11000] =	vst v63  }
0x3fd: {  	v3 =	vld [tilespmem:$0x540];
	_ =	sdelay $0x4  }
0x3fe: {  	v60 =	vshll.u32 v3, $0x1  }
0x3ff: {  	v3 =	vand.u32 $0x7, v3;
	v4 =	vand.u32 $0xFFFFFFF0, v60  }
0x400: {  	v3 =	vor.u32 v3, v4  }
0x401: {  	v4 =	vperm.xlane v3, v0;
	_ =	sdelay $0x1  }
0x402: {  	v3 =	vperm.xlane v3, v2;
	v4 =	vadd.s32 v1, v4;
	_ =	sdelay $0x1  }
0x403: {  	v3 =	vadd.s32 v1, v3;
	_ =	sdelay $0x1  }
0x404: {  	s25 =	simm.s32 $0x5000  }
0x405: {  	[tilespmem:s25], [sflag:$0x1] =	stream.indirect_vreg.gather [hbm4b:s3+s2], $0x80, v4, vm0, $0xb8;
	[tilespmem:$0x11000] =	vst v63  }
0x406: {  	s28 =	simm.s32 $0x5800  }
0x407: {  	[tilespmem:s28], [sflag:$0x1] =	stream.indirect_vreg.gather [hbm4b:s3+s2], $0x80, v3, vm0, $0xb8;
	[tilespmem:$0x11000] =	vst v63  }
0x408: {  	v3 =	vld [tilespmem:$0x550];
	_ =	sdelay $0x4  }
0x409: {  	v61 =	vshll.u32 v3, $0x1  }
0x40a: {  	v3 =	vand.u32 $0x7, v3;
	v4 =	vand.u32 $0xFFFFFFF0, v61  }
0x40b: {  	v3 =	vor.u32 v3, v4  }
0x40c: {  	v4 =	vperm.xlane v3, v0;
	_ =	sdelay $0x1  }
0x40d: {  	v3 =	vperm.xlane v3, v2;
	v4 =	vadd.s32 v1, v4;
	_ =	sdelay $0x1  }
0x40e: {  	v3 =	vadd.s32 v1, v3;
	_ =	sdelay $0x1  }
0x40f: {  	s28 =	simm.s32 $0x6000  }
0x410: {  	[tilespmem:s28], [sflag:$0x1] =	stream.indirect_vreg.gather [hbm4b:s3+s2], $0x80, v4, vm0, $0xb8;
	[tilespmem:$0x11000] =	vst v63  }
0x411: {  	s8 =	simm.s32 $0x6800  }
0x412: {  	[tilespmem:s8], [sflag:$0x1] =	stream.indirect_vreg.gather [hbm4b:s3+s2], $0x80, v3, vm0, $0xb8;
	[tilespmem:$0x11000] =	vst v63  }
0x413: {  	v3 =	vld [tilespmem:$0x560];
	_ =	sdelay $0x4  }
0x414: {  	v62 =	vshll.u32 v3, $0x1  }
0x415: {  	v3 =	vand.u32 $0x7, v3;
	v4 =	vand.u32 $0xFFFFFFF0, v62  }
0x416: {  	v3 =	vor.u32 v3, v4  }
0x417: {  	v4 =	vperm.xlane v3, v0;
	_ =	sdelay $0x1  }
0x418: {  	v3 =	vperm.xlane v3, v2;
	v4 =	vadd.s32 v1, v4;
	_ =	sdelay $0x1  }
0x419: {  	v3 =	vadd.s32 v1, v3;
	_ =	sdelay $0x1  }
0x41a: {  	s28 =	simm.s32 $0x7000  }
0x41b: {  	[tilespmem:s28], [sflag:$0x1] =	stream.indirect_vreg.gather [hbm4b:s3+s2], $0x80, v4, vm0, $0xb8;
	[tilespmem:$0x11000] =	vst v63  }
0x41c: {  	s15 =	simm.s32 $0x7800  }
0x41d: {  	[tilespmem:s15], [sflag:$0x1] =	stream.indirect_vreg.gather [hbm4b:s3+s2], $0x80, v3, vm0, $0xb8;
	[tilespmem:$0x11000] =	vst v63  }
0x41e: {  	v3 =	vld [tilespmem:$0x570];
	_ =	sdelay $0x4  }
0x41f: {  	v63 =	vshll.u32 v3, $0x1  }
0x420: {  	v3 =	vand.u32 $0x7, v3;
	v4 =	vand.u32 $0xFFFFFFF0, v63  }
0x421: {  	v3 =	vor.u32 v3, v4  }
0x422: {  	v4 =	vperm.xlane v3, v0;
	_ =	sdelay $0x1  }
0x423: {  	v3 =	vperm.xlane v3, v2;
	v4 =	vadd.s32 v1, v4;
	_ =	sdelay $0x1  }
0x424: {  	v3 =	vadd.s32 v1, v3;
	_ =	sdelay $0x1  }
0x425: {  	s28 =	simm.s32 $0x8000  }
0x426: {  	[tilespmem:s28], [sflag:$0x1] =	stream.indirect_vreg.gather [hbm4b:s3+s2], $0x80, v4, vm0, $0xb8;
	[tilespmem:$0x11000] =	vst v63  }
0x427: {  	s18 =	simm.s32 $0x8800  }
0x428: {  	[tilespmem:s18], [sflag:$0x1] =	stream.indirect_vreg.gather [hbm4b:s3+s2], $0x80, v3, vm0, $0xb8;
	[tilespmem:$0x11000] =	vst v63  }
0x429: {  	_ =	swait.ge [sflag:s12], $0x8000  }
0x42a: {  	[sflag:s12] =	ssyncset.done $0x0  }
0x42b: {  	s28 =	rddreg [dreg:$0xd];
	[sflag:s12] =	ssyncadd.s32 $0xFFFF8000  }
0x42c: {  	[hbm4b:s28+s2] =	stream.linear.scatter [tilespmem:s22], [sflag:$0x4], $0x8000, $0x38;
	[tilespmem:$0x11000] =	vst v63  }
0x42d: {  	_ =	swait.ge [sflag:s13], $0x8000  }
0x42e: {  	[sflag:s13] =	ssyncset.done $0x0  }
0x42f: {  	[sflag:s13] =	ssyncadd.s32 $0xFFFF8000  }
0x430: {  	v3 =	vld [tilespmem:$0x580];
	_ =	sdelay $0x4  }
0x431: {  	v8 =	vshll.u32 v3, $0x1  }
0x432: {  	v3 =	vand.u32 $0x7, v3;
	v4 =	vand.u32 $0xFFFFFFF0, v8  }
0x433: {  	v3 =	vor.u32 v3, v4  }
0x434: {  	v4 =	vperm.xlane v3, v0;
	_ =	sdelay $0x1  }
0x435: {  	v3 =	vperm.xlane v3, v2;
	v4 =	vadd.s32 v1, v4;
	_ =	sdelay $0x1  }
0x436: {  	v3 =	vadd.s32 v1, v3;
	_ =	sdelay $0x2  }
0x437: {  	[tilespmem:s22], [sflag:$0x2] =	stream.indirect_vreg.gather [hbm4b:s3+s2], $0x80, v4, vm0, $0xb8;
	[tilespmem:$0x11000] =	vst v63  }
0x438: {  	s29 =	simm.s32 $0x9800  }
0x439: {  	[tilespmem:s29], [sflag:$0x2] =	stream.indirect_vreg.gather [hbm4b:s3+s2], $0x80, v3, vm0, $0xb8;
	[tilespmem:$0x11000] =	vst v63  }
0x43a: {  	v3 =	vld [tilespmem:$0x590];
	_ =	sdelay $0x4  }
0x43b: {  	v9 =	vshll.u32 v3, $0x1  }
0x43c: {  	v3 =	vand.u32 $0x7, v3;
	v4 =	vand.u32 $0xFFFFFFF0, v9  }
0x43d: {  	v3 =	vor.u32 v3, v4  }
0x43e: {  	v4 =	vperm.xlane v3, v0;
	_ =	sdelay $0x1  }
0x43f: {  	v3 =	vperm.xlane v3, v2;
	v4 =	vadd.s32 v1, v4;
	_ =	sdelay $0x1  }
0x440: {  	v3 =	vadd.s32 v1, v3;
	_ =	sdelay $0x1  }
0x441: {  	s16 =	simm.s32 $0xA000  }
0x442: {  	[tilespmem:s16], [sflag:$0x2] =	stream.indirect_vreg.gather [hbm4b:s3+s2], $0x80, v4, vm0, $0xb8;
	[tilespmem:$0x11000] =	vst v63  }
0x443: {  	s0 =	simm.s32 $0xA800  }
0x444: {  	[tilespmem:s0], [sflag:$0x2] =	stream.indirect_vreg.gather [hbm4b:s3+s2], $0x80, v3, vm0, $0xb8;
	[tilespmem:$0x11000] =	vst v63  }
0x445: {  	v3 =	vld [tilespmem:$0x5A0];
	_ =	sdelay $0x4  }
0x446: {  	v10 =	vshll.u32 v3, $0x1  }
0x447: {  	v3 =	vand.u32 $0x7, v3;
	v4 =	vand.u32 $0xFFFFFFF0, v10  }
0x448: {  	v3 =	vor.u32 v3, v4  }
0x449: {  	v4 =	vperm.xlane v3, v0;
	_ =	sdelay $0x1  }
0x44a: {  	v3 =	vperm.xlane v3, v2;
	v4 =	vadd.s32 v1, v4;
	_ =	sdelay $0x1  }
0x44b: {  	v3 =	vadd.s32 v1, v3;
	_ =	sdelay $0x1  }
0x44c: {  	s1 =	simm.s32 $0xB000  }
0x44d: {  	[tilespmem:s1], [sflag:$0x2] =	stream.indirect_vreg.gather [hbm4b:s3+s2], $0x80, v4, vm0, $0xb8;
	[tilespmem:$0x11000] =	vst v63  }
0x44e: {  	s4 =	simm.s32 $0xB800  }
0x44f: {  	[tilespmem:s4], [sflag:$0x2] =	stream.indirect_vreg.gather [hbm4b:s3+s2], $0x80, v3, vm0, $0xb8;
	[tilespmem:$0x11000] =	vst v63  }
0x450: {  	v3 =	vld [tilespmem:$0x5B0];
	_ =	sdelay $0x4  }
0x451: {  	v11 =	vshll.u32 v3, $0x1  }
0x452: {  	v3 =	vand.u32 $0x7, v3;
	v4 =	vand.u32 $0xFFFFFFF0, v11  }
0x453: {  	v3 =	vor.u32 v3, v4  }
0x454: {  	v4 =	vperm.xlane v3, v0;
	_ =	sdelay $0x1  }
0x455: {  	v3 =	vperm.xlane v3, v2;
	v4 =	vadd.s32 v1, v4;
	_ =	sdelay $0x1  }
0x456: {  	v3 =	vadd.s32 v1, v3;
	_ =	sdelay $0x1  }
0x457: {  	s5 =	simm.s32 $0xC000  }
0x458: {  	[tilespmem:s5], [sflag:$0x2] =	stream.indirect_vreg.gather [hbm4b:s3+s2], $0x80, v4, vm0, $0xb8;
	[tilespmem:$0x11000] =	vst v63  }
0x459: {  	s9 =	simm.s32 $0xC800  }
0x45a: {  	[tilespmem:s9], [sflag:$0x2] =	stream.indirect_vreg.gather [hbm4b:s3+s2], $0x80, v3, vm0, $0xb8;
	[tilespmem:$0x11000] =	vst v63  }
0x45b: {  	v3 =	vld [tilespmem:$0x5C0];
	_ =	sdelay $0x4  }
0x45c: {  	v12 =	vshll.u32 v3, $0x1  }
0x45d: {  	v3 =	vand.u32 $0x7, v3;
	v4 =	vand.u32 $0xFFFFFFF0, v12  }
0x45e: {  	v3 =	vor.u32 v3, v4  }
0x45f: {  	v4 =	vperm.xlane v3, v0;
	_ =	sdelay $0x1  }
0x460: {  	v3 =	vperm.xlane v3, v2;
	v4 =	vadd.s32 v1, v4;
	_ =	sdelay $0x1  }
0x461: {  	v3 =	vadd.s32 v1, v3;
	_ =	sdelay $0x1  }
0x462: {  	s31 =	simm.s32 $0xD000  }
0x463: {  	[tilespmem:s31], [sflag:$0x2] =	stream.indirect_vreg.gather [hbm4b:s3+s2], $0x80, v4, vm0, $0xb8;
	[tilespmem:$0x11000] =	vst v63  }
0x464: {  	s23 =	simm.s32 $0xD800  }
0x465: {  	[tilespmem:s23], [sflag:$0x2] =	stream.indirect_vreg.gather [hbm4b:s3+s2], $0x80, v3, vm0, $0xb8;
	[tilespmem:$0x11000] =	vst v63  }
0x466: {  	v3 =	vld [tilespmem:$0x5D0];
	_ =	sdelay $0x4  }
0x467: {  	v13 =	vshll.u32 v3, $0x1  }
0x468: {  	v3 =	vand.u32 $0x7, v3;
	v4 =	vand.u32 $0xFFFFFFF0, v13  }
0x469: {  	v3 =	vor.u32 v3, v4  }
0x46a: {  	v4 =	vperm.xlane v3, v0;
	_ =	sdelay $0x1  }
0x46b: {  	v3 =	vperm.xlane v3, v2;
	v4 =	vadd.s32 v1, v4;
	_ =	sdelay $0x1  }
0x46c: {  	v3 =	vadd.s32 v1, v3;
	_ =	sdelay $0x1  }
0x46d: {  	s26 =	simm.s32 $0xE000  }
0x46e: {  	[tilespmem:s26], [sflag:$0x2] =	stream.indirect_vreg.gather [hbm4b:s3+s2], $0x80, v4, vm0, $0xb8;
	[tilespmem:$0x11000] =	vst v63  }
0x46f: {  	s17 =	simm.s32 $0xE800  }
0x470: {  	[tilespmem:s17], [sflag:$0x2] =	stream.indirect_vreg.gather [hbm4b:s3+s2], $0x80, v3, vm0, $0xb8;
	[tilespmem:$0x11000] =	vst v63  }
0x471: {  	v3 =	vld [tilespmem:$0x5E0];
	_ =	sdelay $0x4  }
0x472: {  	v14 =	vshll.u32 v3, $0x1  }
0x473: {  	v3 =	vand.u32 $0x7, v3;
	v4 =	vand.u32 $0xFFFFFFF0, v14  }
0x474: {  	v3 =	vor.u32 v3, v4  }
0x475: {  	v4 =	vperm.xlane v3, v0;
	_ =	sdelay $0x1  }
0x476: {  	v3 =	vperm.xlane v3, v2;
	v4 =	vadd.s32 v1, v4;
	_ =	sdelay $0x1  }
0x477: {  	v3 =	vadd.s32 v1, v3;
	_ =	sdelay $0x1  }
0x478: {  	s20 =	simm.s32 $0xF000  }
0x479: {  	[tilespmem:s20], [sflag:$0x2] =	stream.indirect_vreg.gather [hbm4b:s3+s2], $0x80, v4, vm0, $0xb8;
	[tilespmem:$0x11000] =	vst v63  }
0x47a: {  	s30 =	simm.s32 $0xF800  }
0x47b: {  	[tilespmem:s30], [sflag:$0x2] =	stream.indirect_vreg.gather [hbm4b:s3+s2], $0x80, v3, vm0, $0xb8;
	[tilespmem:$0x11000] =	vst v63  }
0x47c: {  	v3 =	vld [tilespmem:$0x5F0];
	_ =	sdelay $0x4  }
0x47d: {  	v15 =	vshll.u32 v3, $0x1  }
0x47e: {  	v3 =	vand.u32 $0x7, v3;
	v4 =	vand.u32 $0xFFFFFFF0, v15  }
0x47f: {  	v3 =	vor.u32 v3, v4  }
0x480: {  	v4 =	vperm.xlane v3, v0;
	_ =	sdelay $0x1  }
0x481: {  	v3 =	vperm.xlane v3, v2;
	v4 =	vadd.s32 v1, v4;
	_ =	sdelay $0x1  }
0x482: {  	v3 =	vadd.s32 v1, v3;
	_ =	sdelay $0x1  }
0x483: {  	s21 =	simm.s32 $0x10000  }
0x484: {  	[tilespmem:s21], [sflag:$0x2] =	stream.indirect_vreg.gather [hbm4b:s3+s2], $0x80, v4, vm0, $0xb8;
	[tilespmem:$0x11000] =	vst v63  }
0x485: {  	s7 =	simm.s32 $0x10800  }
0x486: {  	[tilespmem:s7], [sflag:$0x2] =	stream.indirect_vreg.gather [hbm4b:s3+s2], $0x80, v3, vm0, $0xb8;
	[tilespmem:$0x11000] =	vst v63  }
0x487: {  	_ =	swait.ge [sflag:s10], $0x8000  }
0x488: {  	[sflag:s10] =	ssyncset.done $0x0  }
0x489: {  	s30 =	rddreg [dreg:$0xe];
	[sflag:s10] =	ssyncadd.s32 $0xFFFF8000  }
0x48a: {  	[hbm4b:s30+s2] =	stream.linear.scatter [tilespmem:s6], [sflag:$0x3], $0x8000, $0x38;
	[tilespmem:$0x11000] =	vst v63  }
0x48b: {  	_ =	swait.ge [sflag:s11], $0x8000  }
0x48c: {  	[sflag:s11] =	ssyncset.done $0x0  }
0x48d: {  	[sflag:s11] =	ssyncadd.s32 $0xFFFF8000  }
0x48e: {  	v3 =	vld [tilespmem:$0x600];
	_ =	sdelay $0x4  }
0x48f: {  	v16 =	vshll.u32 v3, $0x1  }
0x490: {  	v3 =	vand.u32 $0x7, v3;
	v4 =	vand.u32 $0xFFFFFFF0, v16  }
0x491: {  	v3 =	vor.u32 v3, v4  }
0x492: {  	v4 =	vperm.xlane v3, v0;
	_ =	sdelay $0x1  }
0x493: {  	v3 =	vperm.xlane v3, v2;
	v4 =	vadd.s32 v1, v4;
	_ =	sdelay $0x1  }
0x494: {  	v3 =	vadd.s32 v1, v3;
	_ =	sdelay $0x2  }
0x495: {  	[tilespmem:s6], [sflag:$0x1] =	stream.indirect_vreg.gather [hbm4b:s3+s2], $0x80, v4, vm0, $0xb8;
	[tilespmem:$0x11000] =	vst v63  }
0x496: {  	s30 =	simm.s32 $0x1800  }
0x497: {  	[tilespmem:s30], [sflag:$0x1] =	stream.indirect_vreg.gather [hbm4b:s3+s2], $0x80, v3, vm0, $0xb8;
	[tilespmem:$0x11000] =	vst v63  }
0x498: {  	v3 =	vld [tilespmem:$0x610];
	_ =	sdelay $0x4  }
0x499: {  	v17 =	vshll.u32 v3, $0x1  }
0x49a: {  	v3 =	vand.u32 $0x7, v3;
	v4 =	vand.u32 $0xFFFFFFF0, v17  }
0x49b: {  	v3 =	vor.u32 v3, v4  }
0x49c: {  	v4 =	vperm.xlane v3, v0;
	_ =	sdelay $0x1  }
0x49d: {  	v3 =	vperm.xlane v3, v2;
	v4 =	vadd.s32 v1, v4;
	_ =	sdelay $0x1  }
0x49e: {  	v3 =	vadd.s32 v1, v3;
	_ =	sdelay $0x1  }
0x49f: {  	s19 =	simm.s32 $0x2000  }
0x4a0: {  	[tilespmem:s19], [sflag:$0x1] =	stream.indirect_vreg.gather [hbm4b:s3+s2], $0x80, v4, vm0, $0xb8;
	[tilespmem:$0x11000] =	vst v63  }
0x4a1: {  	s30 =	simm.s32 $0x2800  }
0x4a2: {  	[tilespmem:s30], [sflag:$0x1] =	stream.indirect_vreg.gather [hbm4b:s3+s2], $0x80, v3, vm0, $0xb8;
	[tilespmem:$0x11000] =	vst v63  }
0x4a3: {  	v3 =	vld [tilespmem:$0x620];
	_ =	sdelay $0x4  }
0x4a4: {  	v18 =	vshll.u32 v3, $0x1  }
0x4a5: {  	v3 =	vand.u32 $0x7, v3;
	v4 =	vand.u32 $0xFFFFFFF0, v18  }
0x4a6: {  	v3 =	vor.u32 v3, v4  }
0x4a7: {  	v4 =	vperm.xlane v3, v0;
	_ =	sdelay $0x1  }
0x4a8: {  	v3 =	vperm.xlane v3, v2;
	v4 =	vadd.s32 v1, v4;
	_ =	sdelay $0x1  }
0x4a9: {  	v3 =	vadd.s32 v1, v3;
	_ =	sdelay $0x1  }
0x4aa: {  	s30 =	simm.s32 $0x3000  }
0x4ab: {  	[tilespmem:s30], [sflag:$0x1] =	stream.indirect_vreg.gather [hbm4b:s3+s2], $0x80, v4, vm0, $0xb8;
	[tilespmem:$0x11000] =	vst v63  }
0x4ac: {  	s30 =	simm.s32 $0x3800  }
0x4ad: {  	[tilespmem:s30], [sflag:$0x1] =	stream.indirect_vreg.gather [hbm4b:s3+s2], $0x80, v3, vm0, $0xb8;
	[tilespmem:$0x11000] =	vst v63  }
0x4ae: {  	v3 =	vld [tilespmem:$0x630];
	_ =	sdelay $0x4  }
0x4af: {  	v19 =	vshll.u32 v3, $0x1  }
0x4b0: {  	v3 =	vand.u32 $0x7, v3;
	v4 =	vand.u32 $0xFFFFFFF0, v19  }
0x4b1: {  	v3 =	vor.u32 v3, v4  }
0x4b2: {  	v4 =	vperm.xlane v3, v0;
	_ =	sdelay $0x1  }
0x4b3: {  	v3 =	vperm.xlane v3, v2;
	v4 =	vadd.s32 v1, v4;
	_ =	sdelay $0x1  }
0x4b4: {  	v3 =	vadd.s32 v1, v3;
	_ =	sdelay $0x1  }
0x4b5: {  	s30 =	simm.s32 $0x4000  }
0x4b6: {  	[tilespmem:s30], [sflag:$0x1] =	stream.indirect_vreg.gather [hbm4b:s3+s2], $0x80, v4, vm0, $0xb8;
	[tilespmem:$0x11000] =	vst v63  }
0x4b7: {  	s24 =	simm.s32 $0x4800  }
0x4b8: {  	[tilespmem:s24], [sflag:$0x1] =	stream.indirect_vreg.gather [hbm4b:s3+s2], $0x80, v3, vm0, $0xb8;
	[tilespmem:$0x11000] =	vst v63  }
0x4b9: {  	v3 =	vld [tilespmem:$0x640];
	_ =	sdelay $0x4  }
0x4ba: {  	v20 =	vshll.u32 v3, $0x1  }
0x4bb: {  	v3 =	vand.u32 $0x7, v3;
	v4 =	vand.u32 $0xFFFFFFF0, v20  }
0x4bc: {  	v3 =	vor.u32 v3, v4  }
0x4bd: {  	v4 =	vperm.xlane v3, v0;
	_ =	sdelay $0x1  }
0x4be: {  	v3 =	vperm.xlane v3, v2;
	v4 =	vadd.s32 v1, v4;
	_ =	sdelay $0x1  }
0x4bf: {  	v3 =	vadd.s32 v1, v3;
	_ =	sdelay $0x1  }
0x4c0: {  	s30 =	simm.s32 $0x5000  }
0x4c1: {  	[tilespmem:s30], [sflag:$0x1] =	stream.indirect_vreg.gather [hbm4b:s3+s2], $0x80, v4, vm0, $0xb8;
	[tilespmem:$0x11000] =	vst v63  }
0x4c2: {  	s25 =	simm.s32 $0x5800  }
0x4c3: {  	[tilespmem:s25], [sflag:$0x1] =	stream.indirect_vreg.gather [hbm4b:s3+s2], $0x80, v3, vm0, $0xb8;
	[tilespmem:$0x11000] =	vst v63  }
0x4c4: {  	v3 =	vld [tilespmem:$0x650];
	_ =	sdelay $0x4  }
0x4c5: {  	v21 =	vshll.u32 v3, $0x1  }
0x4c6: {  	v3 =	vand.u32 $0x7, v3;
	v4 =	vand.u32 $0xFFFFFFF0, v21  }
0x4c7: {  	v3 =	vor.u32 v3, v4  }
0x4c8: {  	v4 =	vperm.xlane v3, v0;
	_ =	sdelay $0x1  }
0x4c9: {  	v3 =	vperm.xlane v3, v2;
	v4 =	vadd.s32 v1, v4;
	_ =	sdelay $0x1  }
0x4ca: {  	v3 =	vadd.s32 v1, v3;
	_ =	sdelay $0x1  }
0x4cb: {  	s30 =	simm.s32 $0x6000  }
0x4cc: {  	[tilespmem:s30], [sflag:$0x1] =	stream.indirect_vreg.gather [hbm4b:s3+s2], $0x80, v4, vm0, $0xb8;
	[tilespmem:$0x11000] =	vst v63  }
0x4cd: {  	s8 =	simm.s32 $0x6800  }
0x4ce: {  	[tilespmem:s8], [sflag:$0x1] =	stream.indirect_vreg.gather [hbm4b:s3+s2], $0x80, v3, vm0, $0xb8;
	[tilespmem:$0x11000] =	vst v63  }
0x4cf: {  	v3 =	vld [tilespmem:$0x660];
	_ =	sdelay $0x4  }
0x4d0: {  	v22 =	vshll.u32 v3, $0x1  }
0x4d1: {  	v3 =	vand.u32 $0x7, v3;
	v4 =	vand.u32 $0xFFFFFFF0, v22  }
0x4d2: {  	v3 =	vor.u32 v3, v4  }
0x4d3: {  	v4 =	vperm.xlane v3, v0;
	_ =	sdelay $0x1  }
0x4d4: {  	v3 =	vperm.xlane v3, v2;
	v4 =	vadd.s32 v1, v4;
	_ =	sdelay $0x1  }
0x4d5: {  	v3 =	vadd.s32 v1, v3;
	_ =	sdelay $0x1  }
0x4d6: {  	s30 =	simm.s32 $0x7000  }
0x4d7: {  	[tilespmem:s30], [sflag:$0x1] =	stream.indirect_vreg.gather [hbm4b:s3+s2], $0x80, v4, vm0, $0xb8;
	[tilespmem:$0x11000] =	vst v63  }
0x4d8: {  	s15 =	simm.s32 $0x7800  }
0x4d9: {  	[tilespmem:s15], [sflag:$0x1] =	stream.indirect_vreg.gather [hbm4b:s3+s2], $0x80, v3, vm0, $0xb8;
	[tilespmem:$0x11000] =	vst v63  }
0x4da: {  	v3 =	vld [tilespmem:$0x670];
	_ =	sdelay $0x4  }
0x4db: {  	v23 =	vshll.u32 v3, $0x1  }
0x4dc: {  	v3 =	vand.u32 $0x7, v3;
	v4 =	vand.u32 $0xFFFFFFF0, v23  }
0x4dd: {  	v3 =	vor.u32 v3, v4  }
0x4de: {  	v4 =	vperm.xlane v3, v0;
	_ =	sdelay $0x1  }
0x4df: {  	v3 =	vperm.xlane v3, v2;
	v4 =	vadd.s32 v1, v4;
	_ =	sdelay $0x1  }
0x4e0: {  	v3 =	vadd.s32 v1, v3;
	_ =	sdelay $0x1  }
0x4e1: {  	s30 =	simm.s32 $0x8000  }
0x4e2: {  	[tilespmem:s30], [sflag:$0x1] =	stream.indirect_vreg.gather [hbm4b:s3+s2], $0x80, v4, vm0, $0xb8;
	[tilespmem:$0x11000] =	vst v63  }
0x4e3: {  	s18 =	simm.s32 $0x8800  }
0x4e4: {  	[tilespmem:s18], [sflag:$0x1] =	stream.indirect_vreg.gather [hbm4b:s3+s2], $0x80, v3, vm0, $0xb8;
	[tilespmem:$0x11000] =	vst v63  }
0x4e5: {  	_ =	swait.ge [sflag:s12], $0x8000  }
0x4e6: {  	[sflag:s12] =	ssyncset.done $0x0  }
0x4e7: {  	s30 =	rddreg [dreg:$0xf];
	[sflag:s12] =	ssyncadd.s32 $0xFFFF8000  }
0x4e8: {  	[hbm4b:s30+s2] =	stream.linear.scatter [tilespmem:s22], [sflag:$0x4], $0x8000, $0x38;
	[tilespmem:$0x11000] =	vst v63  }
0x4e9: {  	_ =	swait.ge [sflag:s13], $0x8000  }
0x4ea: {  	[sflag:s13] =	ssyncset.done $0x0  }
0x4eb: {  	[sflag:s13] =	ssyncadd.s32 $0xFFFF8000  }
0x4ec: {  	v3 =	vld [tilespmem:$0x680];
	_ =	sdelay $0x4  }
0x4ed: {  	v24 =	vshll.u32 v3, $0x1  }
0x4ee: {  	v3 =	vand.u32 $0x7, v3;
	v4 =	vand.u32 $0xFFFFFFF0, v24  }
0x4ef: {  	v3 =	vor.u32 v3, v4  }
0x4f0: {  	v4 =	vperm.xlane v3, v0;
	_ =	sdelay $0x1  }
0x4f1: {  	v3 =	vperm.xlane v3, v2;
	v4 =	vadd.s32 v1, v4;
	_ =	sdelay $0x1  }
0x4f2: {  	v3 =	vadd.s32 v1, v3;
	_ =	sdelay $0x2  }
0x4f3: {  	[tilespmem:s22], [sflag:$0x2] =	stream.indirect_vreg.gather [hbm4b:s3+s2], $0x80, v4, vm0, $0xb8;
	[tilespmem:$0x11000] =	vst v63  }
0x4f4: {  	s29 =	simm.s32 $0x9800  }
0x4f5: {  	[tilespmem:s29], [sflag:$0x2] =	stream.indirect_vreg.gather [hbm4b:s3+s2], $0x80, v3, vm0, $0xb8;
	[tilespmem:$0x11000] =	vst v63  }
0x4f6: {  	v3 =	vld [tilespmem:$0x690];
	_ =	sdelay $0x4  }
0x4f7: {  	v25 =	vshll.u32 v3, $0x1  }
0x4f8: {  	v3 =	vand.u32 $0x7, v3;
	v4 =	vand.u32 $0xFFFFFFF0, v25  }
0x4f9: {  	v3 =	vor.u32 v3, v4  }
0x4fa: {  	v4 =	vperm.xlane v3, v0;
	_ =	sdelay $0x1  }
0x4fb: {  	v3 =	vperm.xlane v3, v2;
	v4 =	vadd.s32 v1, v4;
	_ =	sdelay $0x1  }
0x4fc: {  	v3 =	vadd.s32 v1, v3;
	_ =	sdelay $0x1  }
0x4fd: {  	s16 =	simm.s32 $0xA000  }
0x4fe: {  	[tilespmem:s16], [sflag:$0x2] =	stream.indirect_vreg.gather [hbm4b:s3+s2], $0x80, v4, vm0, $0xb8;
	[tilespmem:$0x11000] =	vst v63  }
0x4ff: {  	s0 =	simm.s32 $0xA800  }
0x500: {  	[tilespmem:s0], [sflag:$0x2] =	stream.indirect_vreg.gather [hbm4b:s3+s2], $0x80, v3, vm0, $0xb8;
	[tilespmem:$0x11000] =	vst v63  }
0x501: {  	v3 =	vld [tilespmem:$0x6A0];
	_ =	sdelay $0x4  }
0x502: {  	v26 =	vshll.u32 v3, $0x1  }
0x503: {  	v3 =	vand.u32 $0x7, v3;
	v4 =	vand.u32 $0xFFFFFFF0, v26  }
0x504: {  	v3 =	vor.u32 v3, v4  }
0x505: {  	v4 =	vperm.xlane v3, v0;
	_ =	sdelay $0x1  }
0x506: {  	v3 =	vperm.xlane v3, v2;
	v4 =	vadd.s32 v1, v4;
	_ =	sdelay $0x1  }
0x507: {  	v3 =	vadd.s32 v1, v3;
	_ =	sdelay $0x1  }
0x508: {  	s1 =	simm.s32 $0xB000  }
0x509: {  	[tilespmem:s1], [sflag:$0x2] =	stream.indirect_vreg.gather [hbm4b:s3+s2], $0x80, v4, vm0, $0xb8;
	[tilespmem:$0x11000] =	vst v63  }
0x50a: {  	s4 =	simm.s32 $0xB800  }
0x50b: {  	[tilespmem:s4], [sflag:$0x2] =	stream.indirect_vreg.gather [hbm4b:s3+s2], $0x80, v3, vm0, $0xb8;
	[tilespmem:$0x11000] =	vst v63  }
0x50c: {  	v3 =	vld [tilespmem:$0x6B0];
	_ =	sdelay $0x4  }
0x50d: {  	v27 =	vshll.u32 v3, $0x1  }
0x50e: {  	v3 =	vand.u32 $0x7, v3;
	v4 =	vand.u32 $0xFFFFFFF0, v27  }
0x50f: {  	v3 =	vor.u32 v3, v4  }
0x510: {  	v4 =	vperm.xlane v3, v0;
	_ =	sdelay $0x1  }
0x511: {  	v3 =	vperm.xlane v3, v2;
	v4 =	vadd.s32 v1, v4;
	_ =	sdelay $0x1  }
0x512: {  	v3 =	vadd.s32 v1, v3;
	_ =	sdelay $0x1  }
0x513: {  	s5 =	simm.s32 $0xC000  }
0x514: {  	[tilespmem:s5], [sflag:$0x2] =	stream.indirect_vreg.gather [hbm4b:s3+s2], $0x80, v4, vm0, $0xb8;
	[tilespmem:$0x11000] =	vst v63  }
0x515: {  	s9 =	simm.s32 $0xC800  }
0x516: {  	[tilespmem:s9], [sflag:$0x2] =	stream.indirect_vreg.gather [hbm4b:s3+s2], $0x80, v3, vm0, $0xb8;
	[tilespmem:$0x11000] =	vst v63  }
0x517: {  	v3 =	vld [tilespmem:$0x6C0];
	_ =	sdelay $0x4  }
0x518: {  	v28 =	vshll.u32 v3, $0x1  }
0x519: {  	v3 =	vand.u32 $0x7, v3;
	v4 =	vand.u32 $0xFFFFFFF0, v28  }
0x51a: {  	v3 =	vor.u32 v3, v4  }
0x51b: {  	v4 =	vperm.xlane v3, v0;
	_ =	sdelay $0x1  }
0x51c: {  	v3 =	vperm.xlane v3, v2;
	v4 =	vadd.s32 v1, v4;
	_ =	sdelay $0x1  }
0x51d: {  	v3 =	vadd.s32 v1, v3;
	_ =	sdelay $0x1  }
0x51e: {  	s28 =	simm.s32 $0xD000  }
0x51f: {  	[tilespmem:s28], [sflag:$0x2] =	stream.indirect_vreg.gather [hbm4b:s3+s2], $0x80, v4, vm0, $0xb8;
	[tilespmem:$0x11000] =	vst v63  }
0x520: {  	s31 =	simm.s32 $0xD800  }
0x521: {  	[tilespmem:s31], [sflag:$0x2] =	stream.indirect_vreg.gather [hbm4b:s3+s2], $0x80, v3, vm0, $0xb8;
	[tilespmem:$0x11000] =	vst v63  }
0x522: {  	v3 =	vld [tilespmem:$0x6D0];
	_ =	sdelay $0x4  }
0x523: {  	v29 =	vshll.u32 v3, $0x1  }
0x524: {  	v3 =	vand.u32 $0x7, v3;
	v4 =	vand.u32 $0xFFFFFFF0, v29  }
0x525: {  	v3 =	vor.u32 v3, v4  }
0x526: {  	v4 =	vperm.xlane v3, v0;
	_ =	sdelay $0x1  }
0x527: {  	v3 =	vperm.xlane v3, v2;
	v4 =	vadd.s32 v1, v4;
	_ =	sdelay $0x1  }
0x528: {  	v3 =	vadd.s32 v1, v3;
	_ =	sdelay $0x1  }
0x529: {  	s23 =	simm.s32 $0xE000  }
0x52a: {  	[tilespmem:s23], [sflag:$0x2] =	stream.indirect_vreg.gather [hbm4b:s3+s2], $0x80, v4, vm0, $0xb8;
	[tilespmem:$0x11000] =	vst v63  }
0x52b: {  	s17 =	simm.s32 $0xE800  }
0x52c: {  	[tilespmem:s17], [sflag:$0x2] =	stream.indirect_vreg.gather [hbm4b:s3+s2], $0x80, v3, vm0, $0xb8;
	[tilespmem:$0x11000] =	vst v63  }
0x52d: {  	v3 =	vld [tilespmem:$0x6E0];
	_ =	sdelay $0x4  }
0x52e: {  	v30 =	vshll.u32 v3, $0x1  }
0x52f: {  	v3 =	vand.u32 $0x7, v3;
	v4 =	vand.u32 $0xFFFFFFF0, v30  }
0x530: {  	v3 =	vor.u32 v3, v4  }
0x531: {  	v4 =	vperm.xlane v3, v0;
	_ =	sdelay $0x1  }
0x532: {  	v3 =	vperm.xlane v3, v2;
	v4 =	vadd.s32 v1, v4;
	_ =	sdelay $0x1  }
0x533: {  	v3 =	vadd.s32 v1, v3;
	_ =	sdelay $0x1  }
0x534: {  	s20 =	simm.s32 $0xF000  }
0x535: {  	[tilespmem:s20], [sflag:$0x2] =	stream.indirect_vreg.gather [hbm4b:s3+s2], $0x80, v4, vm0, $0xb8;
	[tilespmem:$0x11000] =	vst v63  }
0x536: {  	s26 =	simm.s32 $0xF800  }
0x537: {  	[tilespmem:s26], [sflag:$0x2] =	stream.indirect_vreg.gather [hbm4b:s3+s2], $0x80, v3, vm0, $0xb8;
	[tilespmem:$0x11000] =	vst v63  }
0x538: {  	v3 =	vld [tilespmem:$0x6F0];
	_ =	sdelay $0x4  }
0x539: {  	v31 =	vshll.u32 v3, $0x1  }
0x53a: {  	v3 =	vand.u32 $0x7, v3;
	v4 =	vand.u32 $0xFFFFFFF0, v31  }
0x53b: {  	v3 =	vor.u32 v3, v4  }
0x53c: {  	v4 =	vperm.xlane v3, v0;
	_ =	sdelay $0x1  }
0x53d: {  	v3 =	vperm.xlane v3, v2;
	v4 =	vadd.s32 v1, v4;
	_ =	sdelay $0x1  }
0x53e: {  	v3 =	vadd.s32 v1, v3;
	_ =	sdelay $0x1  }
0x53f: {  	s21 =	simm.s32 $0x10000  }
0x540: {  	[tilespmem:s21], [sflag:$0x2] =	stream.indirect_vreg.gather [hbm4b:s3+s2], $0x80, v4, vm0, $0xb8;
	[tilespmem:$0x11000] =	vst v63  }
0x541: {  	s7 =	simm.s32 $0x10800  }
0x542: {  	[tilespmem:s7], [sflag:$0x2] =	stream.indirect_vreg.gather [hbm4b:s3+s2], $0x80, v3, vm0, $0xb8;
	[tilespmem:$0x11000] =	vst v63  }
0x543: {  	_ =	swait.ge [sflag:s10], $0x8000  }
0x544: {  	[sflag:s10] =	ssyncset.done $0x0  }
0x545: {  	s31 =	rddreg [dreg:$0x10];
	[sflag:s10] =	ssyncadd.s32 $0xFFFF8000  }
0x546: {  	[hbm4b:s31+s2] =	stream.linear.scatter [tilespmem:s6], [sflag:$0x3], $0x8000, $0x38;
	[tilespmem:$0x11000] =	vst v63  }
0x547: {  	_ =	swait.ge [sflag:s11], $0x8000  }
0x548: {  	[sflag:s11] =	ssyncset.done $0x0  }
0x549: {  	[sflag:s11] =	ssyncadd.s32 $0xFFFF8000  }
0x54a: {  	v3 =	vld [tilespmem:$0x700];
	_ =	sdelay $0x4  }
0x54b: {  	v32 =	vshll.u32 v3, $0x1  }
0x54c: {  	v3 =	vand.u32 $0x7, v3;
	v4 =	vand.u32 $0xFFFFFFF0, v32  }
0x54d: {  	v3 =	vor.u32 v3, v4  }
0x54e: {  	v4 =	vperm.xlane v3, v0;
	_ =	sdelay $0x1  }
0x54f: {  	v3 =	vperm.xlane v3, v2;
	v4 =	vadd.s32 v1, v4;
	_ =	sdelay $0x1  }
0x550: {  	v3 =	vadd.s32 v1, v3;
	_ =	sdelay $0x2  }
0x551: {  	[tilespmem:s6], [sflag:$0x1] =	stream.indirect_vreg.gather [hbm4b:s3+s2], $0x80, v4, vm0, $0xb8;
	[tilespmem:$0x11000] =	vst v63  }
0x552: {  	s26 =	simm.s32 $0x1800  }
0x553: {  	[tilespmem:s26], [sflag:$0x1] =	stream.indirect_vreg.gather [hbm4b:s3+s2], $0x80, v3, vm0, $0xb8;
	[tilespmem:$0x11000] =	vst v63  }
0x554: {  	v3 =	vld [tilespmem:$0x710];
	_ =	sdelay $0x4  }
0x555: {  	v33 =	vshll.u32 v3, $0x1  }
0x556: {  	v3 =	vand.u32 $0x7, v3;
	v4 =	vand.u32 $0xFFFFFFF0, v33  }
0x557: {  	v3 =	vor.u32 v3, v4  }
0x558: {  	v4 =	vperm.xlane v3, v0;
	_ =	sdelay $0x1  }
0x559: {  	v3 =	vperm.xlane v3, v2;
	v4 =	vadd.s32 v1, v4;
	_ =	sdelay $0x1  }
0x55a: {  	v3 =	vadd.s32 v1, v3;
	_ =	sdelay $0x1  }
0x55b: {  	s19 =	simm.s32 $0x2000  }
0x55c: {  	[tilespmem:s19], [sflag:$0x1] =	stream.indirect_vreg.gather [hbm4b:s3+s2], $0x80, v4, vm0, $0xb8;
	[tilespmem:$0x11000] =	vst v63  }
0x55d: {  	s31 =	simm.s32 $0x2800  }
0x55e: {  	[tilespmem:s31], [sflag:$0x1] =	stream.indirect_vreg.gather [hbm4b:s3+s2], $0x80, v3, vm0, $0xb8;
	[tilespmem:$0x11000] =	vst v63  }
0x55f: {  	v3 =	vld [tilespmem:$0x720];
	_ =	sdelay $0x4  }
0x560: {  	v34 =	vshll.u32 v3, $0x1  }
0x561: {  	v3 =	vand.u32 $0x7, v3;
	v4 =	vand.u32 $0xFFFFFFF0, v34  }
0x562: {  	v3 =	vor.u32 v3, v4  }
0x563: {  	v4 =	vperm.xlane v3, v0;
	_ =	sdelay $0x1  }
0x564: {  	v3 =	vperm.xlane v3, v2;
	v4 =	vadd.s32 v1, v4;
	_ =	sdelay $0x1  }
0x565: {  	v3 =	vadd.s32 v1, v3;
	_ =	sdelay $0x1  }
0x566: {  	s26 =	simm.s32 $0x3000  }
0x567: {  	[tilespmem:s26], [sflag:$0x1] =	stream.indirect_vreg.gather [hbm4b:s3+s2], $0x80, v4, vm0, $0xb8;
	[tilespmem:$0x11000] =	vst v63  }
0x568: {  	s31 =	simm.s32 $0x3800  }
0x569: {  	[tilespmem:s31], [sflag:$0x1] =	stream.indirect_vreg.gather [hbm4b:s3+s2], $0x80, v3, vm0, $0xb8;
	[tilespmem:$0x11000] =	vst v63  }
0x56a: {  	v3 =	vld [tilespmem:$0x730];
	_ =	sdelay $0x4  }
0x56b: {  	v35 =	vshll.u32 v3, $0x1  }
0x56c: {  	v3 =	vand.u32 $0x7, v3;
	v4 =	vand.u32 $0xFFFFFFF0, v35  }
0x56d: {  	v3 =	vor.u32 v3, v4  }
0x56e: {  	v4 =	vperm.xlane v3, v0;
	_ =	sdelay $0x1  }
0x56f: {  	v3 =	vperm.xlane v3, v2;
	v4 =	vadd.s32 v1, v4;
	_ =	sdelay $0x1  }
0x570: {  	v3 =	vadd.s32 v1, v3;
	_ =	sdelay $0x1  }
0x571: {  	s26 =	simm.s32 $0x4000  }
0x572: {  	[tilespmem:s26], [sflag:$0x1] =	stream.indirect_vreg.gather [hbm4b:s3+s2], $0x80, v4, vm0, $0xb8;
	[tilespmem:$0x11000] =	vst v63  }
0x573: {  	s24 =	simm.s32 $0x4800  }
0x574: {  	[tilespmem:s24], [sflag:$0x1] =	stream.indirect_vreg.gather [hbm4b:s3+s2], $0x80, v3, vm0, $0xb8;
	[tilespmem:$0x11000] =	vst v63  }
0x575: {  	v3 =	vld [tilespmem:$0x740];
	_ =	sdelay $0x4  }
0x576: {  	v36 =	vshll.u32 v3, $0x1  }
0x577: {  	v3 =	vand.u32 $0x7, v3;
	v4 =	vand.u32 $0xFFFFFFF0, v36  }
0x578: {  	v3 =	vor.u32 v3, v4  }
0x579: {  	v4 =	vperm.xlane v3, v0;
	_ =	sdelay $0x1  }
0x57a: {  	v3 =	vperm.xlane v3, v2;
	v4 =	vadd.s32 v1, v4;
	_ =	sdelay $0x1  }
0x57b: {  	v3 =	vadd.s32 v1, v3;
	_ =	sdelay $0x1  }
0x57c: {  	s31 =	simm.s32 $0x5000  }
0x57d: {  	[tilespmem:s31], [sflag:$0x1] =	stream.indirect_vreg.gather [hbm4b:s3+s2], $0x80, v4, vm0, $0xb8;
	[tilespmem:$0x11000] =	vst v63  }
0x57e: {  	s25 =	simm.s32 $0x5800  }
0x57f: {  	[tilespmem:s25], [sflag:$0x1] =	stream.indirect_vreg.gather [hbm4b:s3+s2], $0x80, v3, vm0, $0xb8;
	[tilespmem:$0x11000] =	vst v63  }
0x580: {  	v3 =	vld [tilespmem:$0x750];
	_ =	sdelay $0x4  }
0x581: {  	v37 =	vshll.u32 v3, $0x1  }
0x582: {  	v3 =	vand.u32 $0x7, v3;
	v4 =	vand.u32 $0xFFFFFFF0, v37  }
0x583: {  	v3 =	vor.u32 v3, v4  }
0x584: {  	v4 =	vperm.xlane v3, v0;
	_ =	sdelay $0x1  }
0x585: {  	v3 =	vperm.xlane v3, v2;
	v4 =	vadd.s32 v1, v4;
	_ =	sdelay $0x1  }
0x586: {  	v3 =	vadd.s32 v1, v3;
	_ =	sdelay $0x1  }
0x587: {  	s25 =	simm.s32 $0x6000  }
0x588: {  	[tilespmem:s25], [sflag:$0x1] =	stream.indirect_vreg.gather [hbm4b:s3+s2], $0x80, v4, vm0, $0xb8;
	[tilespmem:$0x11000] =	vst v63  }
0x589: {  	s8 =	simm.s32 $0x6800  }
0x58a: {  	[tilespmem:s8], [sflag:$0x1] =	stream.indirect_vreg.gather [hbm4b:s3+s2], $0x80, v3, vm0, $0xb8;
	[tilespmem:$0x11000] =	vst v63  }
0x58b: {  	v3 =	vld [tilespmem:$0x760];
	_ =	sdelay $0x4  }
0x58c: {  	v38 =	vshll.u32 v3, $0x1  }
0x58d: {  	v3 =	vand.u32 $0x7, v3;
	v4 =	vand.u32 $0xFFFFFFF0, v38  }
0x58e: {  	v3 =	vor.u32 v3, v4  }
0x58f: {  	v4 =	vperm.xlane v3, v0;
	_ =	sdelay $0x1  }
0x590: {  	v3 =	vperm.xlane v3, v2;
	v4 =	vadd.s32 v1, v4;
	_ =	sdelay $0x1  }
0x591: {  	v3 =	vadd.s32 v1, v3;
	_ =	sdelay $0x1  }
0x592: {  	s26 =	simm.s32 $0x7000  }
0x593: {  	[tilespmem:s26], [sflag:$0x1] =	stream.indirect_vreg.gather [hbm4b:s3+s2], $0x80, v4, vm0, $0xb8;
	[tilespmem:$0x11000] =	vst v63  }
0x594: {  	s15 =	simm.s32 $0x7800  }
0x595: {  	[tilespmem:s15], [sflag:$0x1] =	stream.indirect_vreg.gather [hbm4b:s3+s2], $0x80, v3, vm0, $0xb8;
	[tilespmem:$0x11000] =	vst v63  }
0x596: {  	v3 =	vld [tilespmem:$0x770];
	_ =	sdelay $0x4  }
0x597: {  	v39 =	vshll.u32 v3, $0x1  }
0x598: {  	v3 =	vand.u32 $0x7, v3;
	v4 =	vand.u32 $0xFFFFFFF0, v39  }
0x599: {  	v3 =	vor.u32 v3, v4  }
0x59a: {  	v4 =	vperm.xlane v3, v0;
	_ =	sdelay $0x1  }
0x59b: {  	v3 =	vperm.xlane v3, v2;
	v4 =	vadd.s32 v1, v4;
	_ =	sdelay $0x1  }
0x59c: {  	v3 =	vadd.s32 v1, v3;
	_ =	sdelay $0x1  }
0x59d: {  	s25 =	simm.s32 $0x8000  }
0x59e: {  	[tilespmem:s25], [sflag:$0x1] =	stream.indirect_vreg.gather [hbm4b:s3+s2], $0x80, v4, vm0, $0xb8;
	[tilespmem:$0x11000] =	vst v63  }
0x59f: {  	s18 =	simm.s32 $0x8800  }
0x5a0: {  	[tilespmem:s18], [sflag:$0x1] =	stream.indirect_vreg.gather [hbm4b:s3+s2], $0x80, v3, vm0, $0xb8;
	[tilespmem:$0x11000] =	vst v63  }
0x5a1: {  	_ =	swait.ge [sflag:s12], $0x8000  }
0x5a2: {  	[sflag:s12] =	ssyncset.done $0x0  }
0x5a3: {  	s15 =	rddreg [dreg:$0x11];
	[sflag:s12] =	ssyncadd.s32 $0xFFFF8000  }
0x5a4: {  	[hbm4b:s15+s2] =	stream.linear.scatter [tilespmem:s22], [sflag:$0x4], $0x8000, $0x38;
	[tilespmem:$0x11000] =	vst v63  }
0x5a5: {  	_ =	swait.ge [sflag:s13], $0x8000  }
0x5a6: {  	[sflag:s13] =	ssyncset.done $0x0  }
0x5a7: {  	[sflag:s13] =	ssyncadd.s32 $0xFFFF8000  }
0x5a8: {  	v3 =	vld [tilespmem:$0x780];
	_ =	sdelay $0x4  }
0x5a9: {  	v40 =	vshll.u32 v3, $0x1  }
0x5aa: {  	v3 =	vand.u32 $0x7, v3;
	v4 =	vand.u32 $0xFFFFFFF0, v40  }
0x5ab: {  	v3 =	vor.u32 v3, v4  }
0x5ac: {  	v4 =	vperm.xlane v3, v0;
	_ =	sdelay $0x1  }
0x5ad: {  	v3 =	vperm.xlane v3, v2;
	v4 =	vadd.s32 v1, v4;
	_ =	sdelay $0x1  }
0x5ae: {  	v3 =	vadd.s32 v1, v3;
	_ =	sdelay $0x2  }
0x5af: {  	[tilespmem:s22], [sflag:$0x2] =	stream.indirect_vreg.gather [hbm4b:s3+s2], $0x80, v4, vm0, $0xb8;
	[tilespmem:$0x11000] =	vst v63  }
0x5b0: {  	s25 =	simm.s32 $0x9800  }
0x5b1: {  	[tilespmem:s25], [sflag:$0x2] =	stream.indirect_vreg.gather [hbm4b:s3+s2], $0x80, v3, vm0, $0xb8;
	[tilespmem:$0x11000] =	vst v63  }
0x5b2: {  	v3 =	vld [tilespmem:$0x790];
	_ =	sdelay $0x4  }
0x5b3: {  	v41 =	vshll.u32 v3, $0x1  }
0x5b4: {  	v3 =	vand.u32 $0x7, v3;
	v4 =	vand.u32 $0xFFFFFFF0, v41  }
0x5b5: {  	v3 =	vor.u32 v3, v4  }
0x5b6: {  	v4 =	vperm.xlane v3, v0;
	_ =	sdelay $0x1  }
0x5b7: {  	v3 =	vperm.xlane v3, v2;
	v4 =	vadd.s32 v1, v4;
	_ =	sdelay $0x1  }
0x5b8: {  	v3 =	vadd.s32 v1, v3;
	_ =	sdelay $0x1  }
0x5b9: {  	s16 =	simm.s32 $0xA000  }
0x5ba: {  	[tilespmem:s16], [sflag:$0x2] =	stream.indirect_vreg.gather [hbm4b:s3+s2], $0x80, v4, vm0, $0xb8;
	[tilespmem:$0x11000] =	vst v63  }
0x5bb: {  	s0 =	simm.s32 $0xA800  }
0x5bc: {  	[tilespmem:s0], [sflag:$0x2] =	stream.indirect_vreg.gather [hbm4b:s3+s2], $0x80, v3, vm0, $0xb8;
	[tilespmem:$0x11000] =	vst v63  }
0x5bd: {  	v3 =	vld [tilespmem:$0x7A0];
	_ =	sdelay $0x4  }
0x5be: {  	v42 =	vshll.u32 v3, $0x1  }
0x5bf: {  	v3 =	vand.u32 $0x7, v3;
	v4 =	vand.u32 $0xFFFFFFF0, v42  }
0x5c0: {  	v3 =	vor.u32 v3, v4  }
0x5c1: {  	v4 =	vperm.xlane v3, v0;
	_ =	sdelay $0x1  }
0x5c2: {  	v3 =	vperm.xlane v3, v2;
	v4 =	vadd.s32 v1, v4;
	_ =	sdelay $0x1  }
0x5c3: {  	v3 =	vadd.s32 v1, v3;
	_ =	sdelay $0x1  }
0x5c4: {  	s1 =	simm.s32 $0xB000  }
0x5c5: {  	[tilespmem:s1], [sflag:$0x2] =	stream.indirect_vreg.gather [hbm4b:s3+s2], $0x80, v4, vm0, $0xb8;
	[tilespmem:$0x11000] =	vst v63  }
0x5c6: {  	s4 =	simm.s32 $0xB800  }
0x5c7: {  	[tilespmem:s4], [sflag:$0x2] =	stream.indirect_vreg.gather [hbm4b:s3+s2], $0x80, v3, vm0, $0xb8;
	[tilespmem:$0x11000] =	vst v63  }
0x5c8: {  	v3 =	vld [tilespmem:$0x7B0];
	_ =	sdelay $0x4  }
0x5c9: {  	v43 =	vshll.u32 v3, $0x1  }
0x5ca: {  	v3 =	vand.u32 $0x7, v3;
	v4 =	vand.u32 $0xFFFFFFF0, v43  }
0x5cb: {  	v3 =	vor.u32 v3, v4  }
0x5cc: {  	v4 =	vperm.xlane v3, v0;
	_ =	sdelay $0x1  }
0x5cd: {  	v3 =	vperm.xlane v3, v2;
	v4 =	vadd.s32 v1, v4;
	_ =	sdelay $0x1  }
0x5ce: {  	v3 =	vadd.s32 v1, v3;
	_ =	sdelay $0x1  }
0x5cf: {  	s5 =	simm.s32 $0xC000  }
0x5d0: {  	[tilespmem:s5], [sflag:$0x2] =	stream.indirect_vreg.gather [hbm4b:s3+s2], $0x80, v4, vm0, $0xb8;
	[tilespmem:$0x11000] =	vst v63  }
0x5d1: {  	s9 =	simm.s32 $0xC800  }
0x5d2: {  	[tilespmem:s9], [sflag:$0x2] =	stream.indirect_vreg.gather [hbm4b:s3+s2], $0x80, v3, vm0, $0xb8;
	[tilespmem:$0x11000] =	vst v63  }
0x5d3: {  	v3 =	vld [tilespmem:$0x7C0];
	_ =	sdelay $0x4  }
0x5d4: {  	v44 =	vshll.u32 v3, $0x1  }
0x5d5: {  	v3 =	vand.u32 $0x7, v3;
	v4 =	vand.u32 $0xFFFFFFF0, v44  }
0x5d6: {  	v3 =	vor.u32 v3, v4  }
0x5d7: {  	v4 =	vperm.xlane v3, v0;
	_ =	sdelay $0x1  }
0x5d8: {  	v3 =	vperm.xlane v3, v2;
	v4 =	vadd.s32 v1, v4;
	_ =	sdelay $0x1  }
0x5d9: {  	v3 =	vadd.s32 v1, v3;
	_ =	sdelay $0x1  }
0x5da: {  	s30 =	simm.s32 $0xD000  }
0x5db: {  	[tilespmem:s30], [sflag:$0x2] =	stream.indirect_vreg.gather [hbm4b:s3+s2], $0x80, v4, vm0, $0xb8;
	[tilespmem:$0x11000] =	vst v63  }
0x5dc: {  	s29 =	simm.s32 $0xD800  }
0x5dd: {  	[tilespmem:s29], [sflag:$0x2] =	stream.indirect_vreg.gather [hbm4b:s3+s2], $0x80, v3, vm0, $0xb8;
	[tilespmem:$0x11000] =	vst v63  }
0x5de: {  	v3 =	vld [tilespmem:$0x7D0];
	_ =	sdelay $0x4  }
0x5df: {  	v45 =	vshll.u32 v3, $0x1  }
0x5e0: {  	v3 =	vand.u32 $0x7, v3;
	v4 =	vand.u32 $0xFFFFFFF0, v45  }
0x5e1: {  	v3 =	vor.u32 v3, v4  }
0x5e2: {  	v4 =	vperm.xlane v3, v0;
	_ =	sdelay $0x1  }
0x5e3: {  	v3 =	vperm.xlane v3, v2;
	v4 =	vadd.s32 v1, v4;
	_ =	sdelay $0x1  }
0x5e4: {  	v3 =	vadd.s32 v1, v3;
	_ =	sdelay $0x1  }
0x5e5: {  	s23 =	simm.s32 $0xE000  }
0x5e6: {  	[tilespmem:s23], [sflag:$0x2] =	stream.indirect_vreg.gather [hbm4b:s3+s2], $0x80, v4, vm0, $0xb8;
	[tilespmem:$0x11000] =	vst v63  }
0x5e7: {  	s17 =	simm.s32 $0xE800  }
0x5e8: {  	[tilespmem:s17], [sflag:$0x2] =	stream.indirect_vreg.gather [hbm4b:s3+s2], $0x80, v3, vm0, $0xb8;
	[tilespmem:$0x11000] =	vst v63  }
0x5e9: {  	v3 =	vld [tilespmem:$0x7E0];
	_ =	sdelay $0x4  }
0x5ea: {  	v46 =	vshll.u32 v3, $0x1  }
0x5eb: {  	v3 =	vand.u32 $0x7, v3;
	v4 =	vand.u32 $0xFFFFFFF0, v46  }
0x5ec: {  	v3 =	vor.u32 v3, v4  }
0x5ed: {  	v4 =	vperm.xlane v3, v0;
	_ =	sdelay $0x1  }
0x5ee: {  	v3 =	vperm.xlane v3, v2;
	v4 =	vadd.s32 v1, v4;
	_ =	sdelay $0x1  }
0x5ef: {  	v3 =	vadd.s32 v1, v3;
	_ =	sdelay $0x1  }
0x5f0: {  	s20 =	simm.s32 $0xF000  }
0x5f1: {  	[tilespmem:s20], [sflag:$0x2] =	stream.indirect_vreg.gather [hbm4b:s3+s2], $0x80, v4, vm0, $0xb8;
	[tilespmem:$0x11000] =	vst v63  }
0x5f2: {  	s28 =	simm.s32 $0xF800  }
0x5f3: {  	[tilespmem:s28], [sflag:$0x2] =	stream.indirect_vreg.gather [hbm4b:s3+s2], $0x80, v3, vm0, $0xb8;
	[tilespmem:$0x11000] =	vst v63  }
0x5f4: {  	v3 =	vld [tilespmem:$0x7F0];
	_ =	sdelay $0x4  }
0x5f5: {  	v47 =	vshll.u32 v3, $0x1  }
0x5f6: {  	v3 =	vand.u32 $0x7, v3;
	v4 =	vand.u32 $0xFFFFFFF0, v47  }
0x5f7: {  	v3 =	vor.u32 v3, v4  }
0x5f8: {  	v4 =	vperm.xlane v3, v0;
	_ =	sdelay $0x1  }
0x5f9: {  	v3 =	vperm.xlane v3, v2;
	v4 =	vadd.s32 v1, v4;
	_ =	sdelay $0x1  }
0x5fa: {  	v3 =	vadd.s32 v1, v3;
	_ =	sdelay $0x1  }
0x5fb: {  	s21 =	simm.s32 $0x10000  }
0x5fc: {  	[tilespmem:s21], [sflag:$0x2] =	stream.indirect_vreg.gather [hbm4b:s3+s2], $0x80, v4, vm0, $0xb8;
	[tilespmem:$0x11000] =	vst v63  }
0x5fd: {  	s7 =	simm.s32 $0x10800  }
0x5fe: {  	[tilespmem:s7], [sflag:$0x2] =	stream.indirect_vreg.gather [hbm4b:s3+s2], $0x80, v3, vm0, $0xb8;
	[tilespmem:$0x11000] =	vst v63  }
0x5ff: {  	_ =	swait.ge [sflag:s10], $0x8000  }
0x600: {  	[sflag:s10] =	ssyncset.done $0x0  }
0x601: {  	s29 =	rddreg [dreg:$0x12];
	[sflag:s10] =	ssyncadd.s32 $0xFFFF8000  }
0x602: {  	[hbm4b:s29+s2] =	stream.linear.scatter [tilespmem:s6], [sflag:$0x3], $0x8000, $0x38;
	[tilespmem:$0x11000] =	vst v63  }
0x603: {  	_ =	swait.ge [sflag:s11], $0x8000  }
0x604: {  	[sflag:s11] =	ssyncset.done $0x0  }
0x605: {  	[sflag:s11] =	ssyncadd.s32 $0xFFFF8000  }
0x606: {  	v3 =	vld [tilespmem:$0x800];
	_ =	sdelay $0x4  }
0x607: {  	v48 =	vshll.u32 v3, $0x1  }
0x608: {  	v3 =	vand.u32 $0x7, v3;
	v4 =	vand.u32 $0xFFFFFFF0, v48  }
0x609: {  	v3 =	vor.u32 v3, v4  }
0x60a: {  	v4 =	vperm.xlane v3, v0;
	_ =	sdelay $0x1  }
0x60b: {  	v3 =	vperm.xlane v3, v2;
	v4 =	vadd.s32 v1, v4;
	_ =	sdelay $0x1  }
0x60c: {  	v3 =	vadd.s32 v1, v3;
	_ =	sdelay $0x2  }
0x60d: {  	[tilespmem:s6], [sflag:$0x1] =	stream.indirect_vreg.gather [hbm4b:s3+s2], $0x80, v4, vm0, $0xb8;
	[tilespmem:$0x11000] =	vst v63  }
0x60e: {  	s21 =	simm.s32 $0x1800  }
0x60f: {  	[tilespmem:s21], [sflag:$0x1] =	stream.indirect_vreg.gather [hbm4b:s3+s2], $0x80, v3, vm0, $0xb8;
	[tilespmem:$0x11000] =	vst v63  }
0x610: {  	v3 =	vld [tilespmem:$0x810];
	_ =	sdelay $0x4  }
0x611: {  	v49 =	vshll.u32 v3, $0x1  }
0x612: {  	v3 =	vand.u32 $0x7, v3;
	v4 =	vand.u32 $0xFFFFFFF0, v49  }
0x613: {  	v3 =	vor.u32 v3, v4  }
0x614: {  	v4 =	vperm.xlane v3, v0;
	_ =	sdelay $0x1  }
0x615: {  	v3 =	vperm.xlane v3, v2;
	v4 =	vadd.s32 v1, v4;
	_ =	sdelay $0x1  }
0x616: {  	v3 =	vadd.s32 v1, v3;
	_ =	sdelay $0x1  }
0x617: {  	s19 =	simm.s32 $0x2000  }
0x618: {  	[tilespmem:s19], [sflag:$0x1] =	stream.indirect_vreg.gather [hbm4b:s3+s2], $0x80, v4, vm0, $0xb8;
	[tilespmem:$0x11000] =	vst v63  }
0x619: {  	s28 =	simm.s32 $0x2800  }
0x61a: {  	[tilespmem:s28], [sflag:$0x1] =	stream.indirect_vreg.gather [hbm4b:s3+s2], $0x80, v3, vm0, $0xb8;
	[tilespmem:$0x11000] =	vst v63  }
0x61b: {  	v3 =	vld [tilespmem:$0x820];
	_ =	sdelay $0x4  }
0x61c: {  	v50 =	vshll.u32 v3, $0x1  }
0x61d: {  	v3 =	vand.u32 $0x7, v3;
	v4 =	vand.u32 $0xFFFFFFF0, v50  }
0x61e: {  	v3 =	vor.u32 v3, v4  }
0x61f: {  	v4 =	vperm.xlane v3, v0;
	_ =	sdelay $0x1  }
0x620: {  	v3 =	vperm.xlane v3, v2;
	v4 =	vadd.s32 v1, v4;
	_ =	sdelay $0x1  }
0x621: {  	v3 =	vadd.s32 v1, v3;
	_ =	sdelay $0x1  }
0x622: {  	s19 =	simm.s32 $0x3000  }
0x623: {  	[tilespmem:s19], [sflag:$0x1] =	stream.indirect_vreg.gather [hbm4b:s3+s2], $0x80, v4, vm0, $0xb8;
	[tilespmem:$0x11000] =	vst v63  }
0x624: {  	s21 =	simm.s32 $0x3800  }
0x625: {  	[tilespmem:s21], [sflag:$0x1] =	stream.indirect_vreg.gather [hbm4b:s3+s2], $0x80, v3, vm0, $0xb8;
	[tilespmem:$0x11000] =	vst v63  }
0x626: {  	v3 =	vld [tilespmem:$0x830];
	_ =	sdelay $0x4  }
0x627: {  	v51 =	vshll.u32 v3, $0x1  }
0x628: {  	v3 =	vand.u32 $0x7, v3;
	v4 =	vand.u32 $0xFFFFFFF0, v51  }
0x629: {  	v3 =	vor.u32 v3, v4  }
0x62a: {  	v4 =	vperm.xlane v3, v0;
	_ =	sdelay $0x1  }
0x62b: {  	v3 =	vperm.xlane v3, v2;
	v4 =	vadd.s32 v1, v4;
	_ =	sdelay $0x1  }
0x62c: {  	v3 =	vadd.s32 v1, v3;
	_ =	sdelay $0x1  }
0x62d: {  	s28 =	simm.s32 $0x4000  }
0x62e: {  	[tilespmem:s28], [sflag:$0x1] =	stream.indirect_vreg.gather [hbm4b:s3+s2], $0x80, v4, vm0, $0xb8;
	[tilespmem:$0x11000] =	vst v63  }
0x62f: {  	s24 =	simm.s32 $0x4800  }
0x630: {  	[tilespmem:s24], [sflag:$0x1] =	stream.indirect_vreg.gather [hbm4b:s3+s2], $0x80, v3, vm0, $0xb8;
	[tilespmem:$0x11000] =	vst v63  }
0x631: {  	v3 =	vld [tilespmem:$0x840];
	_ =	sdelay $0x4  }
0x632: {  	v52 =	vshll.u32 v3, $0x1  }
0x633: {  	v3 =	vand.u32 $0x7, v3;
	v4 =	vand.u32 $0xFFFFFFF0, v52  }
0x634: {  	v3 =	vor.u32 v3, v4  }
0x635: {  	v4 =	vperm.xlane v3, v0;
	_ =	sdelay $0x1  }
0x636: {  	v3 =	vperm.xlane v3, v2;
	v4 =	vadd.s32 v1, v4;
	_ =	sdelay $0x1  }
0x637: {  	v3 =	vadd.s32 v1, v3;
	_ =	sdelay $0x1  }
0x638: {  	s19 =	simm.s32 $0x5000  }
0x639: {  	[tilespmem:s19], [sflag:$0x1] =	stream.indirect_vreg.gather [hbm4b:s3+s2], $0x80, v4, vm0, $0xb8;
	[tilespmem:$0x11000] =	vst v63  }
0x63a: {  	s31 =	simm.s32 $0x5800  }
0x63b: {  	[tilespmem:s31], [sflag:$0x1] =	stream.indirect_vreg.gather [hbm4b:s3+s2], $0x80, v3, vm0, $0xb8;
	[tilespmem:$0x11000] =	vst v63  }
0x63c: {  	v3 =	vld [tilespmem:$0x850];
	_ =	sdelay $0x4  }
0x63d: {  	v53 =	vshll.u32 v3, $0x1  }
0x63e: {  	v3 =	vand.u32 $0x7, v3;
	v4 =	vand.u32 $0xFFFFFFF0, v53  }
0x63f: {  	v3 =	vor.u32 v3, v4  }
0x640: {  	v4 =	vperm.xlane v3, v0;
	_ =	sdelay $0x1  }
0x641: {  	v3 =	vperm.xlane v3, v2;
	v4 =	vadd.s32 v1, v4;
	_ =	sdelay $0x1  }
0x642: {  	v3 =	vadd.s32 v1, v3;
	_ =	sdelay $0x1  }
0x643: {  	s24 =	simm.s32 $0x6000  }
0x644: {  	[tilespmem:s24], [sflag:$0x1] =	stream.indirect_vreg.gather [hbm4b:s3+s2], $0x80, v4, vm0, $0xb8;
	[tilespmem:$0x11000] =	vst v63  }
0x645: {  	s8 =	simm.s32 $0x6800  }
0x646: {  	[tilespmem:s8], [sflag:$0x1] =	stream.indirect_vreg.gather [hbm4b:s3+s2], $0x80, v3, vm0, $0xb8;
	[tilespmem:$0x11000] =	vst v63  }
0x647: {  	v3 =	vld [tilespmem:$0x860];
	_ =	sdelay $0x4  }
0x648: {  	v54 =	vshll.u32 v3, $0x1  }
0x649: {  	v3 =	vand.u32 $0x7, v3;
	v4 =	vand.u32 $0xFFFFFFF0, v54  }
0x64a: {  	v3 =	vor.u32 v3, v4  }
0x64b: {  	v4 =	vperm.xlane v3, v0;
	_ =	sdelay $0x1  }
0x64c: {  	v3 =	vperm.xlane v3, v2;
	v4 =	vadd.s32 v1, v4;
	_ =	sdelay $0x1  }
0x64d: {  	v3 =	vadd.s32 v1, v3;
	_ =	sdelay $0x1  }
0x64e: {  	s28 =	simm.s32 $0x7000  }
0x64f: {  	[tilespmem:s28], [sflag:$0x1] =	stream.indirect_vreg.gather [hbm4b:s3+s2], $0x80, v4, vm0, $0xb8;
	[tilespmem:$0x11000] =	vst v63  }
0x650: {  	s26 =	simm.s32 $0x7800  }
0x651: {  	[tilespmem:s26], [sflag:$0x1] =	stream.indirect_vreg.gather [hbm4b:s3+s2], $0x80, v3, vm0, $0xb8;
	[tilespmem:$0x11000] =	vst v63  }
0x652: {  	v3 =	vld [tilespmem:$0x870];
	_ =	sdelay $0x4  }
0x653: {  	v55 =	vshll.u32 v3, $0x1  }
0x654: {  	v3 =	vand.u32 $0x7, v3;
	v4 =	vand.u32 $0xFFFFFFF0, v55  }
0x655: {  	v3 =	vor.u32 v3, v4  }
0x656: {  	v4 =	vperm.xlane v3, v0;
	_ =	sdelay $0x1  }
0x657: {  	v3 =	vperm.xlane v3, v2;
	v4 =	vadd.s32 v1, v4;
	_ =	sdelay $0x1  }
0x658: {  	v3 =	vadd.s32 v1, v3;
	_ =	sdelay $0x1  }
0x659: {  	s14 =	simm.s32 $0x8000  }
0x65a: {  	[tilespmem:s14], [sflag:$0x1] =	stream.indirect_vreg.gather [hbm4b:s3+s2], $0x80, v4, vm0, $0xb8;
	[tilespmem:$0x11000] =	vst v63  }
0x65b: {  	s18 =	simm.s32 $0x8800  }
0x65c: {  	[tilespmem:s18], [sflag:$0x1] =	stream.indirect_vreg.gather [hbm4b:s3+s2], $0x80, v3, vm0, $0xb8;
	[tilespmem:$0x11000] =	vst v63  }
0x65d: {  	_ =	swait.ge [sflag:s12], $0x8000  }
0x65e: {  	[sflag:s12] =	ssyncset.done $0x0  }
0x65f: {  	s18 =	rddreg [dreg:$0x13];
	[sflag:s12] =	ssyncadd.s32 $0xFFFF8000  }
0x660: {  	[hbm4b:s18+s2] =	stream.linear.scatter [tilespmem:s22], [sflag:$0x4], $0x8000, $0x38;
	[tilespmem:$0x11000] =	vst v63  }
0x661: {  	_ =	swait.ge [sflag:s13], $0x8000  }
0x662: {  	[sflag:s13] =	ssyncset.done $0x0  }
0x663: {  	[sflag:s13] =	ssyncadd.s32 $0xFFFF8000  }
0x664: {  	v3 =	vld [tilespmem:$0x880];
	_ =	sdelay $0x4  }
0x665: {  	v56 =	vshll.u32 v3, $0x1  }
0x666: {  	v3 =	vand.u32 $0x7, v3;
	v4 =	vand.u32 $0xFFFFFFF0, v56  }
0x667: {  	v3 =	vor.u32 v3, v4  }
0x668: {  	v4 =	vperm.xlane v3, v0;
	_ =	sdelay $0x1  }
0x669: {  	v3 =	vperm.xlane v3, v2;
	v4 =	vadd.s32 v1, v4;
	_ =	sdelay $0x1  }
0x66a: {  	v3 =	vadd.s32 v1, v3;
	_ =	sdelay $0x2  }
0x66b: {  	[tilespmem:s22], [sflag:$0x2] =	stream.indirect_vreg.gather [hbm4b:s3+s2], $0x80, v4, vm0, $0xb8;
	[tilespmem:$0x11000] =	vst v63  }
0x66c: {  	s19 =	simm.s32 $0x9800  }
0x66d: {  	[tilespmem:s19], [sflag:$0x2] =	stream.indirect_vreg.gather [hbm4b:s3+s2], $0x80, v3, vm0, $0xb8;
	[tilespmem:$0x11000] =	vst v63  }
0x66e: {  	v3 =	vld [tilespmem:$0x890];
	_ =	sdelay $0x4  }
0x66f: {  	v57 =	vshll.u32 v3, $0x1  }
0x670: {  	v3 =	vand.u32 $0x7, v3;
	v4 =	vand.u32 $0xFFFFFFF0, v57  }
0x671: {  	v3 =	vor.u32 v3, v4  }
0x672: {  	v4 =	vperm.xlane v3, v0;
	_ =	sdelay $0x1  }
0x673: {  	v3 =	vperm.xlane v3, v2;
	v4 =	vadd.s32 v1, v4;
	_ =	sdelay $0x1  }
0x674: {  	v3 =	vadd.s32 v1, v3;
	_ =	sdelay $0x1  }
0x675: {  	s16 =	simm.s32 $0xA000  }
0x676: {  	[tilespmem:s16], [sflag:$0x2] =	stream.indirect_vreg.gather [hbm4b:s3+s2], $0x80, v4, vm0, $0xb8;
	[tilespmem:$0x11000] =	vst v63  }
0x677: {  	s0 =	simm.s32 $0xA800  }
0x678: {  	[tilespmem:s0], [sflag:$0x2] =	stream.indirect_vreg.gather [hbm4b:s3+s2], $0x80, v3, vm0, $0xb8;
	[tilespmem:$0x11000] =	vst v63  }
0x679: {  	v3 =	vld [tilespmem:$0x8A0];
	_ =	sdelay $0x4  }
0x67a: {  	v58 =	vshll.u32 v3, $0x1  }
0x67b: {  	v3 =	vand.u32 $0x7, v3;
	v4 =	vand.u32 $0xFFFFFFF0, v58  }
0x67c: {  	v3 =	vor.u32 v3, v4  }
0x67d: {  	v4 =	vperm.xlane v3, v0;
	_ =	sdelay $0x1  }
0x67e: {  	v3 =	vperm.xlane v3, v2;
	v4 =	vadd.s32 v1, v4;
	_ =	sdelay $0x1  }
0x67f: {  	v3 =	vadd.s32 v1, v3;
	_ =	sdelay $0x1  }
0x680: {  	s1 =	simm.s32 $0xB000  }
0x681: {  	[tilespmem:s1], [sflag:$0x2] =	stream.indirect_vreg.gather [hbm4b:s3+s2], $0x80, v4, vm0, $0xb8;
	[tilespmem:$0x11000] =	vst v63  }
0x682: {  	s4 =	simm.s32 $0xB800  }
0x683: {  	[tilespmem:s4], [sflag:$0x2] =	stream.indirect_vreg.gather [hbm4b:s3+s2], $0x80, v3, vm0, $0xb8;
	[tilespmem:$0x11000] =	vst v63  }
0x684: {  	v3 =	vld [tilespmem:$0x8B0];
	_ =	sdelay $0x4  }
0x685: {  	v59 =	vshll.u32 v3, $0x1  }
0x686: {  	v3 =	vand.u32 $0x7, v3;
	v4 =	vand.u32 $0xFFFFFFF0, v59  }
0x687: {  	v3 =	vor.u32 v3, v4  }
0x688: {  	v4 =	vperm.xlane v3, v0;
	_ =	sdelay $0x1  }
0x689: {  	v3 =	vperm.xlane v3, v2;
	v4 =	vadd.s32 v1, v4;
	_ =	sdelay $0x1  }
0x68a: {  	v3 =	vadd.s32 v1, v3;
	_ =	sdelay $0x1  }
0x68b: {  	s5 =	simm.s32 $0xC000  }
0x68c: {  	[tilespmem:s5], [sflag:$0x2] =	stream.indirect_vreg.gather [hbm4b:s3+s2], $0x80, v4, vm0, $0xb8;
	[tilespmem:$0x11000] =	vst v63  }
0x68d: {  	s9 =	simm.s32 $0xC800  }
0x68e: {  	[tilespmem:s9], [sflag:$0x2] =	stream.indirect_vreg.gather [hbm4b:s3+s2], $0x80, v3, vm0, $0xb8;
	[tilespmem:$0x11000] =	vst v63  }
0x68f: {  	v3 =	vld [tilespmem:$0x8C0];
	_ =	sdelay $0x4  }
0x690: {  	v60 =	vshll.u32 v3, $0x1  }
0x691: {  	v3 =	vand.u32 $0x7, v3;
	v4 =	vand.u32 $0xFFFFFFF0, v60  }
0x692: {  	v3 =	vor.u32 v3, v4  }
0x693: {  	v4 =	vperm.xlane v3, v0;
	_ =	sdelay $0x1  }
0x694: {  	v3 =	vperm.xlane v3, v2;
	v4 =	vadd.s32 v1, v4;
	_ =	sdelay $0x1  }
0x695: {  	v3 =	vadd.s32 v1, v3;
	_ =	sdelay $0x1  }
0x696: {  	s14 =	simm.s32 $0xD000  }
0x697: {  	[tilespmem:s14], [sflag:$0x2] =	stream.indirect_vreg.gather [hbm4b:s3+s2], $0x80, v4, vm0, $0xb8;
	[tilespmem:$0x11000] =	vst v63  }
0x698: {  	s30 =	simm.s32 $0xD800  }
0x699: {  	[tilespmem:s30], [sflag:$0x2] =	stream.indirect_vreg.gather [hbm4b:s3+s2], $0x80, v3, vm0, $0xb8;
	[tilespmem:$0x11000] =	vst v63  }
0x69a: {  	v3 =	vld [tilespmem:$0x8D0];
	_ =	sdelay $0x4  }
0x69b: {  	v61 =	vshll.u32 v3, $0x1  }
0x69c: {  	v3 =	vand.u32 $0x7, v3;
	v4 =	vand.u32 $0xFFFFFFF0, v61  }
0x69d: {  	v3 =	vor.u32 v3, v4  }
0x69e: {  	v4 =	vperm.xlane v3, v0;
	_ =	sdelay $0x1  }
0x69f: {  	v3 =	vperm.xlane v3, v2;
	v4 =	vadd.s32 v1, v4;
	_ =	sdelay $0x1  }
0x6a0: {  	v3 =	vadd.s32 v1, v3;
	_ =	sdelay $0x1  }
0x6a1: {  	s15 =	simm.s32 $0xE000  }
0x6a2: {  	[tilespmem:s15], [sflag:$0x2] =	stream.indirect_vreg.gather [hbm4b:s3+s2], $0x80, v4, vm0, $0xb8;
	[tilespmem:$0x11000] =	vst v63  }
0x6a3: {  	s25 =	simm.s32 $0xE800  }
0x6a4: {  	[tilespmem:s25], [sflag:$0x2] =	stream.indirect_vreg.gather [hbm4b:s3+s2], $0x80, v3, vm0, $0xb8;
	[tilespmem:$0x11000] =	vst v63  }
0x6a5: {  	v3 =	vld [tilespmem:$0x8E0];
	_ =	sdelay $0x4  }
0x6a6: {  	v62 =	vshll.u32 v3, $0x1  }
0x6a7: {  	v3 =	vand.u32 $0x7, v3;
	v4 =	vand.u32 $0xFFFFFFF0, v62  }
0x6a8: {  	v3 =	vor.u32 v3, v4  }
0x6a9: {  	v4 =	vperm.xlane v3, v0;
	_ =	sdelay $0x1  }
0x6aa: {  	v3 =	vperm.xlane v3, v2;
	v4 =	vadd.s32 v1, v4;
	_ =	sdelay $0x1  }
0x6ab: {  	v3 =	vadd.s32 v1, v3;
	_ =	sdelay $0x1  }
0x6ac: {  	s17 =	simm.s32 $0xF000  }
0x6ad: {  	[tilespmem:s17], [sflag:$0x2] =	stream.indirect_vreg.gather [hbm4b:s3+s2], $0x80, v4, vm0, $0xb8;
	[tilespmem:$0x11000] =	vst v63  }
0x6ae: {  	s23 =	simm.s32 $0xF800  }
0x6af: {  	[tilespmem:s23], [sflag:$0x2] =	stream.indirect_vreg.gather [hbm4b:s3+s2], $0x80, v3, vm0, $0xb8;
	[tilespmem:$0x11000] =	vst v63  }
0x6b0: {  	v3 =	vld [tilespmem:$0x8F0];
	_ =	sdelay $0x4  }
0x6b1: {  	v63 =	vshll.u32 v3, $0x1  }
0x6b2: {  	v3 =	vand.u32 $0x7, v3;
	v4 =	vand.u32 $0xFFFFFFF0, v63  }
0x6b3: {  	v3 =	vor.u32 v3, v4  }
0x6b4: {  	v4 =	vperm.xlane v3, v0;
	_ =	sdelay $0x1  }
0x6b5: {  	v3 =	vperm.xlane v3, v2;
	v4 =	vadd.s32 v1, v4;
	_ =	sdelay $0x1  }
0x6b6: {  	v3 =	vadd.s32 v1, v3;
	_ =	sdelay $0x1  }
0x6b7: {  	s20 =	simm.s32 $0x10000  }
0x6b8: {  	[tilespmem:s20], [sflag:$0x2] =	stream.indirect_vreg.gather [hbm4b:s3+s2], $0x80, v4, vm0, $0xb8;
	[tilespmem:$0x11000] =	vst v63  }
0x6b9: {  	s7 =	simm.s32 $0x10800  }
0x6ba: {  	[tilespmem:s7], [sflag:$0x2] =	stream.indirect_vreg.gather [hbm4b:s3+s2], $0x80, v3, vm0, $0xb8;
	[tilespmem:$0x11000] =	vst v63  }
0x6bb: {  	_ =	swait.ge [sflag:s10], $0x8000  }
0x6bc: {  	[sflag:s10] =	ssyncset.done $0x0  }
0x6bd: {  	s20 =	rddreg [dreg:$0x14];
	[sflag:s10] =	ssyncadd.s32 $0xFFFF8000  }
0x6be: {  	[hbm4b:s20+s2] =	stream.linear.scatter [tilespmem:s6], [sflag:$0x3], $0x8000, $0x38;
	[tilespmem:$0x11000] =	vst v63  }
0x6bf: {  	_ =	swait.ge [sflag:s11], $0x8000  }
0x6c0: {  	[sflag:s11] =	ssyncset.done $0x0  }
0x6c1: {  	[sflag:s11] =	ssyncadd.s32 $0xFFFF8000  }
0x6c2: {  	v3 =	vld [tilespmem:$0x900];
	_ =	sdelay $0x4  }
0x6c3: {  	v8 =	vshll.u32 v3, $0x1  }
0x6c4: {  	v3 =	vand.u32 $0x7, v3;
	v4 =	vand.u32 $0xFFFFFFF0, v8  }
0x6c5: {  	v3 =	vor.u32 v3, v4  }
0x6c6: {  	v4 =	vperm.xlane v3, v0;
	_ =	sdelay $0x1  }
0x6c7: {  	v3 =	vperm.xlane v3, v2;
	v4 =	vadd.s32 v1, v4;
	_ =	sdelay $0x1  }
0x6c8: {  	v3 =	vadd.s32 v1, v3;
	_ =	sdelay $0x2  }
0x6c9: {  	[tilespmem:s6], [sflag:$0x1] =	stream.indirect_vreg.gather [hbm4b:s3+s2], $0x80, v4, vm0, $0xb8;
	[tilespmem:$0x11000] =	vst v63  }
0x6ca: {  	s20 =	simm.s32 $0x1800  }
0x6cb: {  	[tilespmem:s20], [sflag:$0x1] =	stream.indirect_vreg.gather [hbm4b:s3+s2], $0x80, v3, vm0, $0xb8;
	[tilespmem:$0x11000] =	vst v63  }
0x6cc: {  	v3 =	vld [tilespmem:$0x910];
	_ =	sdelay $0x4  }
0x6cd: {  	v9 =	vshll.u32 v3, $0x1  }
0x6ce: {  	v3 =	vand.u32 $0x7, v3;
	v4 =	vand.u32 $0xFFFFFFF0, v9  }
0x6cf: {  	v3 =	vor.u32 v3, v4  }
0x6d0: {  	v4 =	vperm.xlane v3, v0;
	_ =	sdelay $0x1  }
0x6d1: {  	v3 =	vperm.xlane v3, v2;
	v4 =	vadd.s32 v1, v4;
	_ =	sdelay $0x1  }
0x6d2: {  	v3 =	vadd.s32 v1, v3;
	_ =	sdelay $0x1  }
0x6d3: {  	s29 =	simm.s32 $0x2000  }
0x6d4: {  	[tilespmem:s29], [sflag:$0x1] =	stream.indirect_vreg.gather [hbm4b:s3+s2], $0x80, v4, vm0, $0xb8;
	[tilespmem:$0x11000] =	vst v63  }
0x6d5: {  	s29 =	simm.s32 $0x2800  }
0x6d6: {  	[tilespmem:s29], [sflag:$0x1] =	stream.indirect_vreg.gather [hbm4b:s3+s2], $0x80, v3, vm0, $0xb8;
	[tilespmem:$0x11000] =	vst v63  }
0x6d7: {  	v3 =	vld [tilespmem:$0x920];
	_ =	sdelay $0x4  }
0x6d8: {  	v10 =	vshll.u32 v3, $0x1  }
0x6d9: {  	v3 =	vand.u32 $0x7, v3;
	v4 =	vand.u32 $0xFFFFFFF0, v10  }
0x6da: {  	v3 =	vor.u32 v3, v4  }
0x6db: {  	v4 =	vperm.xlane v3, v0;
	_ =	sdelay $0x1  }
0x6dc: {  	v3 =	vperm.xlane v3, v2;
	v4 =	vadd.s32 v1, v4;
	_ =	sdelay $0x1  }
0x6dd: {  	v3 =	vadd.s32 v1, v3;
	_ =	sdelay $0x1  }
0x6de: {  	s29 =	simm.s32 $0x3000  }
0x6df: {  	[tilespmem:s29], [sflag:$0x1] =	stream.indirect_vreg.gather [hbm4b:s3+s2], $0x80, v4, vm0, $0xb8;
	[tilespmem:$0x11000] =	vst v63  }
0x6e0: {  	s29 =	simm.s32 $0x3800  }
0x6e1: {  	[tilespmem:s29], [sflag:$0x1] =	stream.indirect_vreg.gather [hbm4b:s3+s2], $0x80, v3, vm0, $0xb8;
	[tilespmem:$0x11000] =	vst v63  }
0x6e2: {  	v3 =	vld [tilespmem:$0x930];
	_ =	sdelay $0x4  }
0x6e3: {  	v11 =	vshll.u32 v3, $0x1  }
0x6e4: {  	v3 =	vand.u32 $0x7, v3;
	v4 =	vand.u32 $0xFFFFFFF0, v11  }
0x6e5: {  	v3 =	vor.u32 v3, v4  }
0x6e6: {  	v4 =	vperm.xlane v3, v0;
	_ =	sdelay $0x1  }
0x6e7: {  	v3 =	vperm.xlane v3, v2;
	v4 =	vadd.s32 v1, v4;
	_ =	sdelay $0x1  }
0x6e8: {  	v3 =	vadd.s32 v1, v3;
	_ =	sdelay $0x1  }
0x6e9: {  	s29 =	simm.s32 $0x4000  }
0x6ea: {  	[tilespmem:s29], [sflag:$0x1] =	stream.indirect_vreg.gather [hbm4b:s3+s2], $0x80, v4, vm0, $0xb8;
	[tilespmem:$0x11000] =	vst v63  }
0x6eb: {  	s21 =	simm.s32 $0x4800  }
0x6ec: {  	[tilespmem:s21], [sflag:$0x1] =	stream.indirect_vreg.gather [hbm4b:s3+s2], $0x80, v3, vm0, $0xb8;
	[tilespmem:$0x11000] =	vst v63  }
0x6ed: {  	v3 =	vld [tilespmem:$0x940];
	_ =	sdelay $0x4  }
0x6ee: {  	v12 =	vshll.u32 v3, $0x1  }
0x6ef: {  	v3 =	vand.u32 $0x7, v3;
	v4 =	vand.u32 $0xFFFFFFF0, v12  }
0x6f0: {  	v3 =	vor.u32 v3, v4  }
0x6f1: {  	v4 =	vperm.xlane v3, v0;
	_ =	sdelay $0x1  }
0x6f2: {  	v3 =	vperm.xlane v3, v2;
	v4 =	vadd.s32 v1, v4;
	_ =	sdelay $0x1  }
0x6f3: {  	v3 =	vadd.s32 v1, v3;
	_ =	sdelay $0x1  }
0x6f4: {  	s21 =	simm.s32 $0x5000  }
0x6f5: {  	[tilespmem:s21], [sflag:$0x1] =	stream.indirect_vreg.gather [hbm4b:s3+s2], $0x80, v4, vm0, $0xb8;
	[tilespmem:$0x11000] =	vst v63  }
0x6f6: {  	s31 =	simm.s32 $0x5800  }
0x6f7: {  	[tilespmem:s31], [sflag:$0x1] =	stream.indirect_vreg.gather [hbm4b:s3+s2], $0x80, v3, vm0, $0xb8;
	[tilespmem:$0x11000] =	vst v63  }
0x6f8: {  	v3 =	vld [tilespmem:$0x950];
	_ =	sdelay $0x4  }
0x6f9: {  	v13 =	vshll.u32 v3, $0x1  }
0x6fa: {  	v3 =	vand.u32 $0x7, v3;
	v4 =	vand.u32 $0xFFFFFFF0, v13  }
0x6fb: {  	v3 =	vor.u32 v3, v4  }
0x6fc: {  	v4 =	vperm.xlane v3, v0;
	_ =	sdelay $0x1  }
0x6fd: {  	v3 =	vperm.xlane v3, v2;
	v4 =	vadd.s32 v1, v4;
	_ =	sdelay $0x1  }
0x6fe: {  	v3 =	vadd.s32 v1, v3;
	_ =	sdelay $0x1  }
0x6ff: {  	s21 =	simm.s32 $0x6000  }
0x700: {  	[tilespmem:s21], [sflag:$0x1] =	stream.indirect_vreg.gather [hbm4b:s3+s2], $0x80, v4, vm0, $0xb8;
	[tilespmem:$0x11000] =	vst v63  }
0x701: {  	s24 =	simm.s32 $0x6800  }
0x702: {  	[tilespmem:s24], [sflag:$0x1] =	stream.indirect_vreg.gather [hbm4b:s3+s2], $0x80, v3, vm0, $0xb8;
	[tilespmem:$0x11000] =	vst v63  }
0x703: {  	v3 =	vld [tilespmem:$0x960];
	_ =	sdelay $0x4  }
0x704: {  	v14 =	vshll.u32 v3, $0x1  }
0x705: {  	v3 =	vand.u32 $0x7, v3;
	v4 =	vand.u32 $0xFFFFFFF0, v14  }
0x706: {  	v3 =	vor.u32 v3, v4  }
0x707: {  	v4 =	vperm.xlane v3, v0;
	_ =	sdelay $0x1  }
0x708: {  	v3 =	vperm.xlane v3, v2;
	v4 =	vadd.s32 v1, v4;
	_ =	sdelay $0x1  }
0x709: {  	v3 =	vadd.s32 v1, v3;
	_ =	sdelay $0x1  }
0x70a: {  	s24 =	simm.s32 $0x7000  }
0x70b: {  	[tilespmem:s24], [sflag:$0x1] =	stream.indirect_vreg.gather [hbm4b:s3+s2], $0x80, v4, vm0, $0xb8;
	[tilespmem:$0x11000] =	vst v63  }
0x70c: {  	s28 =	simm.s32 $0x7800  }
0x70d: {  	[tilespmem:s28], [sflag:$0x1] =	stream.indirect_vreg.gather [hbm4b:s3+s2], $0x80, v3, vm0, $0xb8;
	[tilespmem:$0x11000] =	vst v63  }
0x70e: {  	v3 =	vld [tilespmem:$0x970];
	_ =	sdelay $0x4  }
0x70f: {  	v15 =	vshll.u32 v3, $0x1  }
0x710: {  	v3 =	vand.u32 $0x7, v3;
	v4 =	vand.u32 $0xFFFFFFF0, v15  }
0x711: {  	v3 =	vor.u32 v3, v4  }
0x712: {  	v4 =	vperm.xlane v3, v0;
	_ =	sdelay $0x1  }
0x713: {  	v3 =	vperm.xlane v3, v2;
	v4 =	vadd.s32 v1, v4;
	_ =	sdelay $0x1  }
0x714: {  	v3 =	vadd.s32 v1, v3;
	_ =	sdelay $0x1  }
0x715: {  	s28 =	simm.s32 $0x8000  }
0x716: {  	[tilespmem:s28], [sflag:$0x1] =	stream.indirect_vreg.gather [hbm4b:s3+s2], $0x80, v4, vm0, $0xb8;
	[tilespmem:$0x11000] =	vst v63  }
0x717: {  	s26 =	simm.s32 $0x8800  }
0x718: {  	[tilespmem:s26], [sflag:$0x1] =	stream.indirect_vreg.gather [hbm4b:s3+s2], $0x80, v3, vm0, $0xb8;
	[tilespmem:$0x11000] =	vst v63  }
0x719: {  	_ =	swait.ge [sflag:s12], $0x8000  }
0x71a: {  	[sflag:s12] =	ssyncset.done $0x0  }
0x71b: {  	s21 =	rddreg [dreg:$0x15];
	[sflag:s12] =	ssyncadd.s32 $0xFFFF8000  }
0x71c: {  	[hbm4b:s21+s2] =	stream.linear.scatter [tilespmem:s22], [sflag:$0x4], $0x8000, $0x38;
	[tilespmem:$0x11000] =	vst v63  }
0x71d: {  	_ =	swait.ge [sflag:s13], $0x8000  }
0x71e: {  	[sflag:s13] =	ssyncset.done $0x0  }
0x71f: {  	[sflag:s13] =	ssyncadd.s32 $0xFFFF8000  }
0x720: {  	v3 =	vld [tilespmem:$0x980];
	_ =	sdelay $0x4  }
0x721: {  	v16 =	vshll.u32 v3, $0x1  }
0x722: {  	v3 =	vand.u32 $0x7, v3;
	v4 =	vand.u32 $0xFFFFFFF0, v16  }
0x723: {  	v3 =	vor.u32 v3, v4  }
0x724: {  	v4 =	vperm.xlane v3, v0;
	_ =	sdelay $0x1  }
0x725: {  	v3 =	vperm.xlane v3, v2;
	v4 =	vadd.s32 v1, v4;
	_ =	sdelay $0x1  }
0x726: {  	v3 =	vadd.s32 v1, v3;
	_ =	sdelay $0x2  }
0x727: {  	[tilespmem:s22], [sflag:$0x2] =	stream.indirect_vreg.gather [hbm4b:s3+s2], $0x80, v4, vm0, $0xb8;
	[tilespmem:$0x11000] =	vst v63  }
0x728: {  	s18 =	simm.s32 $0x9800  }
0x729: {  	[tilespmem:s18], [sflag:$0x2] =	stream.indirect_vreg.gather [hbm4b:s3+s2], $0x80, v3, vm0, $0xb8;
	[tilespmem:$0x11000] =	vst v63  }
0x72a: {  	v3 =	vld [tilespmem:$0x990];
	_ =	sdelay $0x4  }
0x72b: {  	v17 =	vshll.u32 v3, $0x1  }
0x72c: {  	v3 =	vand.u32 $0x7, v3;
	v4 =	vand.u32 $0xFFFFFFF0, v17  }
0x72d: {  	v3 =	vor.u32 v3, v4  }
0x72e: {  	v4 =	vperm.xlane v3, v0;
	_ =	sdelay $0x1  }
0x72f: {  	v3 =	vperm.xlane v3, v2;
	v4 =	vadd.s32 v1, v4;
	_ =	sdelay $0x1  }
0x730: {  	v3 =	vadd.s32 v1, v3;
	_ =	sdelay $0x1  }
0x731: {  	s19 =	simm.s32 $0xA000  }
0x732: {  	[tilespmem:s19], [sflag:$0x2] =	stream.indirect_vreg.gather [hbm4b:s3+s2], $0x80, v4, vm0, $0xb8;
	[tilespmem:$0x11000] =	vst v63  }
0x733: {  	s16 =	simm.s32 $0xA800  }
0x734: {  	[tilespmem:s16], [sflag:$0x2] =	stream.indirect_vreg.gather [hbm4b:s3+s2], $0x80, v3, vm0, $0xb8;
	[tilespmem:$0x11000] =	vst v63  }
0x735: {  	v3 =	vld [tilespmem:$0x9A0];
	_ =	sdelay $0x4  }
0x736: {  	v18 =	vshll.u32 v3, $0x1  }
0x737: {  	v3 =	vand.u32 $0x7, v3;
	v4 =	vand.u32 $0xFFFFFFF0, v18  }
0x738: {  	v3 =	vor.u32 v3, v4  }
0x739: {  	v4 =	vperm.xlane v3, v0;
	_ =	sdelay $0x1  }
0x73a: {  	v3 =	vperm.xlane v3, v2;
	v4 =	vadd.s32 v1, v4;
	_ =	sdelay $0x1  }
0x73b: {  	v3 =	vadd.s32 v1, v3;
	_ =	sdelay $0x1  }
0x73c: {  	s1 =	simm.s32 $0xB000  }
0x73d: {  	[tilespmem:s1], [sflag:$0x2] =	stream.indirect_vreg.gather [hbm4b:s3+s2], $0x80, v4, vm0, $0xb8;
	[tilespmem:$0x11000] =	vst v63  }
0x73e: {  	s4 =	simm.s32 $0xB800  }
0x73f: {  	[tilespmem:s4], [sflag:$0x2] =	stream.indirect_vreg.gather [hbm4b:s3+s2], $0x80, v3, vm0, $0xb8;
	[tilespmem:$0x11000] =	vst v63  }
0x740: {  	v3 =	vld [tilespmem:$0x9B0];
	_ =	sdelay $0x4  }
0x741: {  	v19 =	vshll.u32 v3, $0x1  }
0x742: {  	v3 =	vand.u32 $0x7, v3;
	v4 =	vand.u32 $0xFFFFFFF0, v19  }
0x743: {  	v3 =	vor.u32 v3, v4  }
0x744: {  	v4 =	vperm.xlane v3, v0;
	_ =	sdelay $0x1  }
0x745: {  	v3 =	vperm.xlane v3, v2;
	v4 =	vadd.s32 v1, v4;
	_ =	sdelay $0x1  }
0x746: {  	v3 =	vadd.s32 v1, v3;
	_ =	sdelay $0x1  }
0x747: {  	s5 =	simm.s32 $0xC000  }
0x748: {  	[tilespmem:s5], [sflag:$0x2] =	stream.indirect_vreg.gather [hbm4b:s3+s2], $0x80, v4, vm0, $0xb8;
	[tilespmem:$0x11000] =	vst v63  }
0x749: {  	s8 =	simm.s32 $0xC800  }
0x74a: {  	[tilespmem:s8], [sflag:$0x2] =	stream.indirect_vreg.gather [hbm4b:s3+s2], $0x80, v3, vm0, $0xb8;
	[tilespmem:$0x11000] =	vst v63  }
0x74b: {  	v3 =	vld [tilespmem:$0x9C0];
	_ =	sdelay $0x4  }
0x74c: {  	v20 =	vshll.u32 v3, $0x1  }
0x74d: {  	v3 =	vand.u32 $0x7, v3;
	v4 =	vand.u32 $0xFFFFFFF0, v20  }
0x74e: {  	v3 =	vor.u32 v3, v4  }
0x74f: {  	v4 =	vperm.xlane v3, v0;
	_ =	sdelay $0x1  }
0x750: {  	v3 =	vperm.xlane v3, v2;
	v4 =	vadd.s32 v1, v4;
	_ =	sdelay $0x1  }
0x751: {  	v3 =	vadd.s32 v1, v3;
	_ =	sdelay $0x1  }
0x752: {  	s0 =	simm.s32 $0xD000  }
0x753: {  	[tilespmem:s0], [sflag:$0x2] =	stream.indirect_vreg.gather [hbm4b:s3+s2], $0x80, v4, vm0, $0xb8;
	[tilespmem:$0x11000] =	vst v63  }
0x754: {  	s30 =	simm.s32 $0xD800  }
0x755: {  	[tilespmem:s30], [sflag:$0x2] =	stream.indirect_vreg.gather [hbm4b:s3+s2], $0x80, v3, vm0, $0xb8;
	[tilespmem:$0x11000] =	vst v63  }
0x756: {  	v3 =	vld [tilespmem:$0x9D0];
	_ =	sdelay $0x4  }
0x757: {  	v21 =	vshll.u32 v3, $0x1  }
0x758: {  	v3 =	vand.u32 $0x7, v3;
	v4 =	vand.u32 $0xFFFFFFF0, v21  }
0x759: {  	v3 =	vor.u32 v3, v4  }
0x75a: {  	v4 =	vperm.xlane v3, v0;
	_ =	sdelay $0x1  }
0x75b: {  	v3 =	vperm.xlane v3, v2;
	v4 =	vadd.s32 v1, v4;
	_ =	sdelay $0x1  }
0x75c: {  	v3 =	vadd.s32 v1, v3;
	_ =	sdelay $0x1  }
0x75d: {  	s15 =	simm.s32 $0xE000  }
0x75e: {  	[tilespmem:s15], [sflag:$0x2] =	stream.indirect_vreg.gather [hbm4b:s3+s2], $0x80, v4, vm0, $0xb8;
	[tilespmem:$0x11000] =	vst v63  }
0x75f: {  	s25 =	simm.s32 $0xE800  }
0x760: {  	[tilespmem:s25], [sflag:$0x2] =	stream.indirect_vreg.gather [hbm4b:s3+s2], $0x80, v3, vm0, $0xb8;
	[tilespmem:$0x11000] =	vst v63  }
0x761: {  	v3 =	vld [tilespmem:$0x9E0];
	_ =	sdelay $0x4  }
0x762: {  	v22 =	vshll.u32 v3, $0x1  }
0x763: {  	v3 =	vand.u32 $0x7, v3;
	v4 =	vand.u32 $0xFFFFFFF0, v22  }
0x764: {  	v3 =	vor.u32 v3, v4  }
0x765: {  	v4 =	vperm.xlane v3, v0;
	_ =	sdelay $0x1  }
0x766: {  	v3 =	vperm.xlane v3, v2;
	v4 =	vadd.s32 v1, v4;
	_ =	sdelay $0x1  }
0x767: {  	v3 =	vadd.s32 v1, v3;
	_ =	sdelay $0x1  }
0x768: {  	s17 =	simm.s32 $0xF000  }
0x769: {  	[tilespmem:s17], [sflag:$0x2] =	stream.indirect_vreg.gather [hbm4b:s3+s2], $0x80, v4, vm0, $0xb8;
	[tilespmem:$0x11000] =	vst v63  }
0x76a: {  	s23 =	simm.s32 $0xF800  }
0x76b: {  	[tilespmem:s23], [sflag:$0x2] =	stream.indirect_vreg.gather [hbm4b:s3+s2], $0x80, v3, vm0, $0xb8;
	[tilespmem:$0x11000] =	vst v63  }
0x76c: {  	v3 =	vld [tilespmem:$0x9F0];
	_ =	sdelay $0x4  }
0x76d: {  	v23 =	vshll.u32 v3, $0x1  }
0x76e: {  	v3 =	vand.u32 $0x7, v3;
	v4 =	vand.u32 $0xFFFFFFF0, v23  }
0x76f: {  	v3 =	vor.u32 v3, v4  }
0x770: {  	v4 =	vperm.xlane v3, v0;
	_ =	sdelay $0x1  }
0x771: {  	v3 =	vperm.xlane v3, v2;
	v4 =	vadd.s32 v1, v4;
	_ =	sdelay $0x1  }
0x772: {  	v3 =	vadd.s32 v1, v3;
	_ =	sdelay $0x1  }
0x773: {  	s9 =	simm.s32 $0x10000  }
0x774: {  	[tilespmem:s9], [sflag:$0x2] =	stream.indirect_vreg.gather [hbm4b:s3+s2], $0x80, v4, vm0, $0xb8;
	[tilespmem:$0x11000] =	vst v63  }
0x775: {  	s7 =	simm.s32 $0x10800  }
0x776: {  	[tilespmem:s7], [sflag:$0x2] =	stream.indirect_vreg.gather [hbm4b:s3+s2], $0x80, v3, vm0, $0xb8;
	[tilespmem:$0x11000] =	vst v63  }
0x777: {  	_ =	swait.ge [sflag:s10], $0x8000  }
0x778: {  	[sflag:s10] =	ssyncset.done $0x0  }
0x779: {  	s23 =	rddreg [dreg:$0x16];
	[sflag:s10] =	ssyncadd.s32 $0xFFFF8000  }
0x77a: {  	[hbm4b:s23+s2] =	stream.linear.scatter [tilespmem:s6], [sflag:$0x3], $0x8000, $0x38;
	[tilespmem:$0x11000] =	vst v63  }
0x77b: {  	_ =	swait.ge [sflag:s11], $0x8000  }
0x77c: {  	[sflag:s11] =	ssyncset.done $0x0  }
0x77d: {  	[sflag:s11] =	ssyncadd.s32 $0xFFFF8000  }
0x77e: {  	v3 =	vld [tilespmem:$0xA00];
	_ =	sdelay $0x4  }
0x77f: {  	v24 =	vshll.u32 v3, $0x1  }
0x780: {  	v3 =	vand.u32 $0x7, v3;
	v4 =	vand.u32 $0xFFFFFFF0, v24  }
0x781: {  	v3 =	vor.u32 v3, v4  }
0x782: {  	v4 =	vperm.xlane v3, v0;
	_ =	sdelay $0x1  }
0x783: {  	v3 =	vperm.xlane v3, v2;
	v4 =	vadd.s32 v1, v4;
	_ =	sdelay $0x1  }
0x784: {  	v3 =	vadd.s32 v1, v3;
	_ =	sdelay $0x2  }
0x785: {  	[tilespmem:s6], [sflag:$0x1] =	stream.indirect_vreg.gather [hbm4b:s3+s2], $0x80, v4, vm0, $0xb8;
	[tilespmem:$0x11000] =	vst v63  }
0x786: {  	s30 =	simm.s32 $0x1800  }
0x787: {  	[tilespmem:s30], [sflag:$0x1] =	stream.indirect_vreg.gather [hbm4b:s3+s2], $0x80, v3, vm0, $0xb8;
	[tilespmem:$0x11000] =	vst v63  }
0x788: {  	v3 =	vld [tilespmem:$0xA10];
	_ =	sdelay $0x4  }
0x789: {  	v25 =	vshll.u32 v3, $0x1  }
0x78a: {  	v3 =	vand.u32 $0x7, v3;
	v4 =	vand.u32 $0xFFFFFFF0, v25  }
0x78b: {  	v3 =	vor.u32 v3, v4  }
0x78c: {  	v4 =	vperm.xlane v3, v0;
	_ =	sdelay $0x1  }
0x78d: {  	v3 =	vperm.xlane v3, v2;
	v4 =	vadd.s32 v1, v4;
	_ =	sdelay $0x1  }
0x78e: {  	v3 =	vadd.s32 v1, v3;
	_ =	sdelay $0x1  }
0x78f: {  	s20 =	simm.s32 $0x2000  }
0x790: {  	[tilespmem:s20], [sflag:$0x1] =	stream.indirect_vreg.gather [hbm4b:s3+s2], $0x80, v4, vm0, $0xb8;
	[tilespmem:$0x11000] =	vst v63  }
0x791: {  	s23 =	simm.s32 $0x2800  }
0x792: {  	[tilespmem:s23], [sflag:$0x1] =	stream.indirect_vreg.gather [hbm4b:s3+s2], $0x80, v3, vm0, $0xb8;
	[tilespmem:$0x11000] =	vst v63  }
0x793: {  	v3 =	vld [tilespmem:$0xA20];
	_ =	sdelay $0x4  }
0x794: {  	v26 =	vshll.u32 v3, $0x1  }
0x795: {  	v3 =	vand.u32 $0x7, v3;
	v4 =	vand.u32 $0xFFFFFFF0, v26  }
0x796: {  	v3 =	vor.u32 v3, v4  }
0x797: {  	v4 =	vperm.xlane v3, v0;
	_ =	sdelay $0x1  }
0x798: {  	v3 =	vperm.xlane v3, v2;
	v4 =	vadd.s32 v1, v4;
	_ =	sdelay $0x1  }
0x799: {  	v3 =	vadd.s32 v1, v3;
	_ =	sdelay $0x1  }
0x79a: {  	s30 =	simm.s32 $0x3000  }
0x79b: {  	[tilespmem:s30], [sflag:$0x1] =	stream.indirect_vreg.gather [hbm4b:s3+s2], $0x80, v4, vm0, $0xb8;
	[tilespmem:$0x11000] =	vst v63  }
0x79c: {  	s23 =	simm.s32 $0x3800  }
0x79d: {  	[tilespmem:s23], [sflag:$0x1] =	stream.indirect_vreg.gather [hbm4b:s3+s2], $0x80, v3, vm0, $0xb8;
	[tilespmem:$0x11000] =	vst v63  }
0x79e: {  	v3 =	vld [tilespmem:$0xA30];
	_ =	sdelay $0x4  }
0x79f: {  	v27 =	vshll.u32 v3, $0x1  }
0x7a0: {  	v3 =	vand.u32 $0x7, v3;
	v4 =	vand.u32 $0xFFFFFFF0, v27  }
0x7a1: {  	v3 =	vor.u32 v3, v4  }
0x7a2: {  	v4 =	vperm.xlane v3, v0;
	_ =	sdelay $0x1  }
0x7a3: {  	v3 =	vperm.xlane v3, v2;
	v4 =	vadd.s32 v1, v4;
	_ =	sdelay $0x1  }
0x7a4: {  	v3 =	vadd.s32 v1, v3;
	_ =	sdelay $0x1  }
0x7a5: {  	s30 =	simm.s32 $0x4000  }
0x7a6: {  	[tilespmem:s30], [sflag:$0x1] =	stream.indirect_vreg.gather [hbm4b:s3+s2], $0x80, v4, vm0, $0xb8;
	[tilespmem:$0x11000] =	vst v63  }
0x7a7: {  	s29 =	simm.s32 $0x4800  }
0x7a8: {  	[tilespmem:s29], [sflag:$0x1] =	stream.indirect_vreg.gather [hbm4b:s3+s2], $0x80, v3, vm0, $0xb8;
	[tilespmem:$0x11000] =	vst v63  }
0x7a9: {  	v3 =	vld [tilespmem:$0xA40];
	_ =	sdelay $0x4  }
0x7aa: {  	v28 =	vshll.u32 v3, $0x1  }
0x7ab: {  	v3 =	vand.u32 $0x7, v3;
	v4 =	vand.u32 $0xFFFFFFF0, v28  }
0x7ac: {  	v3 =	vor.u32 v3, v4  }
0x7ad: {  	v4 =	vperm.xlane v3, v0;
	_ =	sdelay $0x1  }
0x7ae: {  	v3 =	vperm.xlane v3, v2;
	v4 =	vadd.s32 v1, v4;
	_ =	sdelay $0x1  }
0x7af: {  	v3 =	vadd.s32 v1, v3;
	_ =	sdelay $0x1  }
0x7b0: {  	s23 =	simm.s32 $0x5000  }
0x7b1: {  	[tilespmem:s23], [sflag:$0x1] =	stream.indirect_vreg.gather [hbm4b:s3+s2], $0x80, v4, vm0, $0xb8;
	[tilespmem:$0x11000] =	vst v63  }
0x7b2: {  	s29 =	simm.s32 $0x5800  }
0x7b3: {  	[tilespmem:s29], [sflag:$0x1] =	stream.indirect_vreg.gather [hbm4b:s3+s2], $0x80, v3, vm0, $0xb8;
	[tilespmem:$0x11000] =	vst v63  }
0x7b4: {  	v3 =	vld [tilespmem:$0xA50];
	_ =	sdelay $0x4  }
0x7b5: {  	v29 =	vshll.u32 v3, $0x1  }
0x7b6: {  	v3 =	vand.u32 $0x7, v3;
	v4 =	vand.u32 $0xFFFFFFF0, v29  }
0x7b7: {  	v3 =	vor.u32 v3, v4  }
0x7b8: {  	v4 =	vperm.xlane v3, v0;
	_ =	sdelay $0x1  }
0x7b9: {  	v3 =	vperm.xlane v3, v2;
	v4 =	vadd.s32 v1, v4;
	_ =	sdelay $0x1  }
0x7ba: {  	v3 =	vadd.s32 v1, v3;
	_ =	sdelay $0x1  }
0x7bb: {  	s23 =	simm.s32 $0x6000  }
0x7bc: {  	[tilespmem:s23], [sflag:$0x1] =	stream.indirect_vreg.gather [hbm4b:s3+s2], $0x80, v4, vm0, $0xb8;
	[tilespmem:$0x11000] =	vst v63  }
0x7bd: {  	s31 =	simm.s32 $0x6800  }
0x7be: {  	[tilespmem:s31], [sflag:$0x1] =	stream.indirect_vreg.gather [hbm4b:s3+s2], $0x80, v3, vm0, $0xb8;
	[tilespmem:$0x11000] =	vst v63  }
0x7bf: {  	v3 =	vld [tilespmem:$0xA60];
	_ =	sdelay $0x4  }
0x7c0: {  	v30 =	vshll.u32 v3, $0x1  }
0x7c1: {  	v3 =	vand.u32 $0x7, v3;
	v4 =	vand.u32 $0xFFFFFFF0, v30  }
0x7c2: {  	v3 =	vor.u32 v3, v4  }
0x7c3: {  	v4 =	vperm.xlane v3, v0;
	_ =	sdelay $0x1  }
0x7c4: {  	v3 =	vperm.xlane v3, v2;
	v4 =	vadd.s32 v1, v4;
	_ =	sdelay $0x1  }
0x7c5: {  	v3 =	vadd.s32 v1, v3;
	_ =	sdelay $0x1  }
0x7c6: {  	s23 =	simm.s32 $0x7000  }
0x7c7: {  	[tilespmem:s23], [sflag:$0x1] =	stream.indirect_vreg.gather [hbm4b:s3+s2], $0x80, v4, vm0, $0xb8;
	[tilespmem:$0x11000] =	vst v63  }
0x7c8: {  	s24 =	simm.s32 $0x7800  }
0x7c9: {  	[tilespmem:s24], [sflag:$0x1] =	stream.indirect_vreg.gather [hbm4b:s3+s2], $0x80, v3, vm0, $0xb8;
	[tilespmem:$0x11000] =	vst v63  }
0x7ca: {  	v3 =	vld [tilespmem:$0xA70];
	_ =	sdelay $0x4  }
0x7cb: {  	v31 =	vshll.u32 v3, $0x1  }
0x7cc: {  	v3 =	vand.u32 $0x7, v3;
	v4 =	vand.u32 $0xFFFFFFF0, v31  }
0x7cd: {  	v3 =	vor.u32 v3, v4  }
0x7ce: {  	v4 =	vperm.xlane v3, v0;
	_ =	sdelay $0x1  }
0x7cf: {  	v3 =	vperm.xlane v3, v2;
	v4 =	vadd.s32 v1, v4;
	_ =	sdelay $0x1  }
0x7d0: {  	v3 =	vadd.s32 v1, v3;
	_ =	sdelay $0x1  }
0x7d1: {  	s24 =	simm.s32 $0x8000  }
0x7d2: {  	[tilespmem:s24], [sflag:$0x1] =	stream.indirect_vreg.gather [hbm4b:s3+s2], $0x80, v4, vm0, $0xb8;
	[tilespmem:$0x11000] =	vst v63  }
0x7d3: {  	s26 =	simm.s32 $0x8800  }
0x7d4: {  	[tilespmem:s26], [sflag:$0x1] =	stream.indirect_vreg.gather [hbm4b:s3+s2], $0x80, v3, vm0, $0xb8;
	[tilespmem:$0x11000] =	vst v63  }
0x7d5: {  	_ =	swait.ge [sflag:s12], $0x8000  }
0x7d6: {  	[sflag:s12] =	ssyncset.done $0x0  }
0x7d7: {  	s31 =	rddreg [dreg:$0x17];
	[sflag:s12] =	ssyncadd.s32 $0xFFFF8000  }
0x7d8: {  	[hbm4b:s31+s2] =	stream.linear.scatter [tilespmem:s22], [sflag:$0x4], $0x8000, $0x38;
	[tilespmem:$0x11000] =	vst v63  }
0x7d9: {  	_ =	swait.ge [sflag:s13], $0x8000  }
0x7da: {  	[sflag:s13] =	ssyncset.done $0x0  }
0x7db: {  	[sflag:s13] =	ssyncadd.s32 $0xFFFF8000  }
0x7dc: {  	v3 =	vld [tilespmem:$0xA80];
	_ =	sdelay $0x4  }
0x7dd: {  	v32 =	vshll.u32 v3, $0x1  }
0x7de: {  	v3 =	vand.u32 $0x7, v3;
	v4 =	vand.u32 $0xFFFFFFF0, v32  }
0x7df: {  	v3 =	vor.u32 v3, v4  }
0x7e0: {  	v4 =	vperm.xlane v3, v0;
	_ =	sdelay $0x1  }
0x7e1: {  	v3 =	vperm.xlane v3, v2;
	v4 =	vadd.s32 v1, v4;
	_ =	sdelay $0x1  }
0x7e2: {  	v3 =	vadd.s32 v1, v3;
	_ =	sdelay $0x2  }
0x7e3: {  	[tilespmem:s22], [sflag:$0x2] =	stream.indirect_vreg.gather [hbm4b:s3+s2], $0x80, v4, vm0, $0xb8;
	[tilespmem:$0x11000] =	vst v63  }
0x7e4: {  	s21 =	simm.s32 $0x9800  }
0x7e5: {  	[tilespmem:s21], [sflag:$0x2] =	stream.indirect_vreg.gather [hbm4b:s3+s2], $0x80, v3, vm0, $0xb8;
	[tilespmem:$0x11000] =	vst v63  }
0x7e6: {  	v3 =	vld [tilespmem:$0xA90];
	_ =	sdelay $0x4  }
0x7e7: {  	v33 =	vshll.u32 v3, $0x1  }
0x7e8: {  	v3 =	vand.u32 $0x7, v3;
	v4 =	vand.u32 $0xFFFFFFF0, v33  }
0x7e9: {  	v3 =	vor.u32 v3, v4  }
0x7ea: {  	v4 =	vperm.xlane v3, v0;
	_ =	sdelay $0x1  }
0x7eb: {  	v3 =	vperm.xlane v3, v2;
	v4 =	vadd.s32 v1, v4;
	_ =	sdelay $0x1  }
0x7ec: {  	v3 =	vadd.s32 v1, v3;
	_ =	sdelay $0x1  }
0x7ed: {  	s19 =	simm.s32 $0xA000  }
0x7ee: {  	[tilespmem:s19], [sflag:$0x2] =	stream.indirect_vreg.gather [hbm4b:s3+s2], $0x80, v4, vm0, $0xb8;
	[tilespmem:$0x11000] =	vst v63  }
0x7ef: {  	s16 =	simm.s32 $0xA800  }
0x7f0: {  	[tilespmem:s16], [sflag:$0x2] =	stream.indirect_vreg.gather [hbm4b:s3+s2], $0x80, v3, vm0, $0xb8;
	[tilespmem:$0x11000] =	vst v63  }
0x7f1: {  	v3 =	vld [tilespmem:$0xAA0];
	_ =	sdelay $0x4  }
0x7f2: {  	v34 =	vshll.u32 v3, $0x1  }
0x7f3: {  	v3 =	vand.u32 $0x7, v3;
	v4 =	vand.u32 $0xFFFFFFF0, v34  }
0x7f4: {  	v3 =	vor.u32 v3, v4  }
0x7f5: {  	v4 =	vperm.xlane v3, v0;
	_ =	sdelay $0x1  }
0x7f6: {  	v3 =	vperm.xlane v3, v2;
	v4 =	vadd.s32 v1, v4;
	_ =	sdelay $0x1  }
0x7f7: {  	v3 =	vadd.s32 v1, v3;
	_ =	sdelay $0x1  }
0x7f8: {  	s1 =	simm.s32 $0xB000  }
0x7f9: {  	[tilespmem:s1], [sflag:$0x2] =	stream.indirect_vreg.gather [hbm4b:s3+s2], $0x80, v4, vm0, $0xb8;
	[tilespmem:$0x11000] =	vst v63  }
0x7fa: {  	s4 =	simm.s32 $0xB800  }
0x7fb: {  	[tilespmem:s4], [sflag:$0x2] =	stream.indirect_vreg.gather [hbm4b:s3+s2], $0x80, v3, vm0, $0xb8;
	[tilespmem:$0x11000] =	vst v63  }
0x7fc: {  	v3 =	vld [tilespmem:$0xAB0];
	_ =	sdelay $0x4  }
0x7fd: {  	v35 =	vshll.u32 v3, $0x1  }
0x7fe: {  	v3 =	vand.u32 $0x7, v3;
	v4 =	vand.u32 $0xFFFFFFF0, v35  }
0x7ff: {  	v3 =	vor.u32 v3, v4  }
0x800: {  	v4 =	vperm.xlane v3, v0;
	_ =	sdelay $0x1  }
0x801: {  	v3 =	vperm.xlane v3, v2;
	v4 =	vadd.s32 v1, v4;
	_ =	sdelay $0x1  }
0x802: {  	v3 =	vadd.s32 v1, v3;
	_ =	sdelay $0x1  }
0x803: {  	s5 =	simm.s32 $0xC000  }
0x804: {  	[tilespmem:s5], [sflag:$0x2] =	stream.indirect_vreg.gather [hbm4b:s3+s2], $0x80, v4, vm0, $0xb8;
	[tilespmem:$0x11000] =	vst v63  }
0x805: {  	s8 =	simm.s32 $0xC800  }
0x806: {  	[tilespmem:s8], [sflag:$0x2] =	stream.indirect_vreg.gather [hbm4b:s3+s2], $0x80, v3, vm0, $0xb8;
	[tilespmem:$0x11000] =	vst v63  }
0x807: {  	v3 =	vld [tilespmem:$0xAC0];
	_ =	sdelay $0x4  }
0x808: {  	v36 =	vshll.u32 v3, $0x1  }
0x809: {  	v3 =	vand.u32 $0x7, v3;
	v4 =	vand.u32 $0xFFFFFFF0, v36  }
0x80a: {  	v3 =	vor.u32 v3, v4  }
0x80b: {  	v4 =	vperm.xlane v3, v0;
	_ =	sdelay $0x1  }
0x80c: {  	v3 =	vperm.xlane v3, v2;
	v4 =	vadd.s32 v1, v4;
	_ =	sdelay $0x1  }
0x80d: {  	v3 =	vadd.s32 v1, v3;
	_ =	sdelay $0x1  }
0x80e: {  	s0 =	simm.s32 $0xD000  }
0x80f: {  	[tilespmem:s0], [sflag:$0x2] =	stream.indirect_vreg.gather [hbm4b:s3+s2], $0x80, v4, vm0, $0xb8;
	[tilespmem:$0x11000] =	vst v63  }
0x810: {  	s18 =	simm.s32 $0xD800  }
0x811: {  	[tilespmem:s18], [sflag:$0x2] =	stream.indirect_vreg.gather [hbm4b:s3+s2], $0x80, v3, vm0, $0xb8;
	[tilespmem:$0x11000] =	vst v63  }
0x812: {  	v3 =	vld [tilespmem:$0xAD0];
	_ =	sdelay $0x4  }
0x813: {  	v37 =	vshll.u32 v3, $0x1  }
0x814: {  	v3 =	vand.u32 $0x7, v3;
	v4 =	vand.u32 $0xFFFFFFF0, v37  }
0x815: {  	v3 =	vor.u32 v3, v4  }
0x816: {  	v4 =	vperm.xlane v3, v0;
	_ =	sdelay $0x1  }
0x817: {  	v3 =	vperm.xlane v3, v2;
	v4 =	vadd.s32 v1, v4;
	_ =	sdelay $0x1  }
0x818: {  	v3 =	vadd.s32 v1, v3;
	_ =	sdelay $0x1  }
0x819: {  	s28 =	simm.s32 $0xE000  }
0x81a: {  	[tilespmem:s28], [sflag:$0x2] =	stream.indirect_vreg.gather [hbm4b:s3+s2], $0x80, v4, vm0, $0xb8;
	[tilespmem:$0x11000] =	vst v63  }
0x81b: {  	s25 =	simm.s32 $0xE800  }
0x81c: {  	[tilespmem:s25], [sflag:$0x2] =	stream.indirect_vreg.gather [hbm4b:s3+s2], $0x80, v3, vm0, $0xb8;
	[tilespmem:$0x11000] =	vst v63  }
0x81d: {  	v3 =	vld [tilespmem:$0xAE0];
	_ =	sdelay $0x4  }
0x81e: {  	v38 =	vshll.u32 v3, $0x1  }
0x81f: {  	v3 =	vand.u32 $0x7, v3;
	v4 =	vand.u32 $0xFFFFFFF0, v38  }
0x820: {  	v3 =	vor.u32 v3, v4  }
0x821: {  	v4 =	vperm.xlane v3, v0;
	_ =	sdelay $0x1  }
0x822: {  	v3 =	vperm.xlane v3, v2;
	v4 =	vadd.s32 v1, v4;
	_ =	sdelay $0x1  }
0x823: {  	v3 =	vadd.s32 v1, v3;
	_ =	sdelay $0x1  }
0x824: {  	s15 =	simm.s32 $0xF000  }
0x825: {  	[tilespmem:s15], [sflag:$0x2] =	stream.indirect_vreg.gather [hbm4b:s3+s2], $0x80, v4, vm0, $0xb8;
	[tilespmem:$0x11000] =	vst v63  }
0x826: {  	s17 =	simm.s32 $0xF800  }
0x827: {  	[tilespmem:s17], [sflag:$0x2] =	stream.indirect_vreg.gather [hbm4b:s3+s2], $0x80, v3, vm0, $0xb8;
	[tilespmem:$0x11000] =	vst v63  }
0x828: {  	v3 =	vld [tilespmem:$0xAF0];
	_ =	sdelay $0x4  }
0x829: {  	v39 =	vshll.u32 v3, $0x1  }
0x82a: {  	v3 =	vand.u32 $0x7, v3;
	v4 =	vand.u32 $0xFFFFFFF0, v39  }
0x82b: {  	v3 =	vor.u32 v3, v4  }
0x82c: {  	v4 =	vperm.xlane v3, v0;
	_ =	sdelay $0x1  }
0x82d: {  	v3 =	vperm.xlane v3, v2;
	v4 =	vadd.s32 v1, v4;
	_ =	sdelay $0x1  }
0x82e: {  	v3 =	vadd.s32 v1, v3;
	_ =	sdelay $0x1  }
0x82f: {  	s9 =	simm.s32 $0x10000  }
0x830: {  	[tilespmem:s9], [sflag:$0x2] =	stream.indirect_vreg.gather [hbm4b:s3+s2], $0x80, v4, vm0, $0xb8;
	[tilespmem:$0x11000] =	vst v63  }
0x831: {  	s7 =	simm.s32 $0x10800  }
0x832: {  	[tilespmem:s7], [sflag:$0x2] =	stream.indirect_vreg.gather [hbm4b:s3+s2], $0x80, v3, vm0, $0xb8;
	[tilespmem:$0x11000] =	vst v63  }
0x833: {  	_ =	swait.ge [sflag:s10], $0x8000  }
0x834: {  	[sflag:s10] =	ssyncset.done $0x0  }
0x835: {  	s25 =	rddreg [dreg:$0x18];
	[sflag:s10] =	ssyncadd.s32 $0xFFFF8000  }
0x836: {  	[hbm4b:s25+s2] =	stream.linear.scatter [tilespmem:s6], [sflag:$0x3], $0x8000, $0x38;
	[tilespmem:$0x11000] =	vst v63  }
0x837: {  	_ =	swait.ge [sflag:s11], $0x8000  }
0x838: {  	[sflag:s11] =	ssyncset.done $0x0  }
0x839: {  	[sflag:s11] =	ssyncadd.s32 $0xFFFF8000  }
0x83a: {  	v3 =	vld [tilespmem:$0xB00];
	_ =	sdelay $0x4  }
0x83b: {  	v40 =	vshll.u32 v3, $0x1  }
0x83c: {  	v3 =	vand.u32 $0x7, v3;
	v4 =	vand.u32 $0xFFFFFFF0, v40  }
0x83d: {  	v3 =	vor.u32 v3, v4  }
0x83e: {  	v4 =	vperm.xlane v3, v0;
	_ =	sdelay $0x1  }
0x83f: {  	v3 =	vperm.xlane v3, v2;
	v4 =	vadd.s32 v1, v4;
	_ =	sdelay $0x1  }
0x840: {  	v3 =	vadd.s32 v1, v3;
	_ =	sdelay $0x2  }
0x841: {  	[tilespmem:s6], [sflag:$0x1] =	stream.indirect_vreg.gather [hbm4b:s3+s2], $0x80, v4, vm0, $0xb8;
	[tilespmem:$0x11000] =	vst v63  }
0x842: {  	s28 =	simm.s32 $0x1800  }
0x843: {  	[tilespmem:s28], [sflag:$0x1] =	stream.indirect_vreg.gather [hbm4b:s3+s2], $0x80, v3, vm0, $0xb8;
	[tilespmem:$0x11000] =	vst v63  }
0x844: {  	v3 =	vld [tilespmem:$0xB10];
	_ =	sdelay $0x4  }
0x845: {  	v41 =	vshll.u32 v3, $0x1  }
0x846: {  	v3 =	vand.u32 $0x7, v3;
	v4 =	vand.u32 $0xFFFFFFF0, v41  }
0x847: {  	v3 =	vor.u32 v3, v4  }
0x848: {  	v4 =	vperm.xlane v3, v0;
	_ =	sdelay $0x1  }
0x849: {  	v3 =	vperm.xlane v3, v2;
	v4 =	vadd.s32 v1, v4;
	_ =	sdelay $0x1  }
0x84a: {  	v3 =	vadd.s32 v1, v3;
	_ =	sdelay $0x1  }
0x84b: {  	s20 =	simm.s32 $0x2000  }
0x84c: {  	[tilespmem:s20], [sflag:$0x1] =	stream.indirect_vreg.gather [hbm4b:s3+s2], $0x80, v4, vm0, $0xb8;
	[tilespmem:$0x11000] =	vst v63  }
0x84d: {  	s25 =	simm.s32 $0x2800  }
0x84e: {  	[tilespmem:s25], [sflag:$0x1] =	stream.indirect_vreg.gather [hbm4b:s3+s2], $0x80, v3, vm0, $0xb8;
	[tilespmem:$0x11000] =	vst v63  }
0x84f: {  	v3 =	vld [tilespmem:$0xB20];
	_ =	sdelay $0x4  }
0x850: {  	v42 =	vshll.u32 v3, $0x1  }
0x851: {  	v3 =	vand.u32 $0x7, v3;
	v4 =	vand.u32 $0xFFFFFFF0, v42  }
0x852: {  	v3 =	vor.u32 v3, v4  }
0x853: {  	v4 =	vperm.xlane v3, v0;
	_ =	sdelay $0x1  }
0x854: {  	v3 =	vperm.xlane v3, v2;
	v4 =	vadd.s32 v1, v4;
	_ =	sdelay $0x1  }
0x855: {  	v3 =	vadd.s32 v1, v3;
	_ =	sdelay $0x1  }
0x856: {  	s28 =	simm.s32 $0x3000  }
0x857: {  	[tilespmem:s28], [sflag:$0x1] =	stream.indirect_vreg.gather [hbm4b:s3+s2], $0x80, v4, vm0, $0xb8;
	[tilespmem:$0x11000] =	vst v63  }
0x858: {  	s25 =	simm.s32 $0x3800  }
0x859: {  	[tilespmem:s25], [sflag:$0x1] =	stream.indirect_vreg.gather [hbm4b:s3+s2], $0x80, v3, vm0, $0xb8;
	[tilespmem:$0x11000] =	vst v63  }
0x85a: {  	v3 =	vld [tilespmem:$0xB30];
	_ =	sdelay $0x4  }
0x85b: {  	v43 =	vshll.u32 v3, $0x1  }
0x85c: {  	v3 =	vand.u32 $0x7, v3;
	v4 =	vand.u32 $0xFFFFFFF0, v43  }
0x85d: {  	v3 =	vor.u32 v3, v4  }
0x85e: {  	v4 =	vperm.xlane v3, v0;
	_ =	sdelay $0x1  }
0x85f: {  	v3 =	vperm.xlane v3, v2;
	v4 =	vadd.s32 v1, v4;
	_ =	sdelay $0x1  }
0x860: {  	v3 =	vadd.s32 v1, v3;
	_ =	sdelay $0x1  }
0x861: {  	s28 =	simm.s32 $0x4000  }
0x862: {  	[tilespmem:s28], [sflag:$0x1] =	stream.indirect_vreg.gather [hbm4b:s3+s2], $0x80, v4, vm0, $0xb8;
	[tilespmem:$0x11000] =	vst v63  }
0x863: {  	s30 =	simm.s32 $0x4800  }
0x864: {  	[tilespmem:s30], [sflag:$0x1] =	stream.indirect_vreg.gather [hbm4b:s3+s2], $0x80, v3, vm0, $0xb8;
	[tilespmem:$0x11000] =	vst v63  }
0x865: {  	v3 =	vld [tilespmem:$0xB40];
	_ =	sdelay $0x4  }
0x866: {  	v44 =	vshll.u32 v3, $0x1  }
0x867: {  	v3 =	vand.u32 $0x7, v3;
	v4 =	vand.u32 $0xFFFFFFF0, v44  }
0x868: {  	v3 =	vor.u32 v3, v4  }
0x869: {  	v4 =	vperm.xlane v3, v0;
	_ =	sdelay $0x1  }
0x86a: {  	v3 =	vperm.xlane v3, v2;
	v4 =	vadd.s32 v1, v4;
	_ =	sdelay $0x1  }
0x86b: {  	v3 =	vadd.s32 v1, v3;
	_ =	sdelay $0x1  }
0x86c: {  	s30 =	simm.s32 $0x5000  }
0x86d: {  	[tilespmem:s30], [sflag:$0x1] =	stream.indirect_vreg.gather [hbm4b:s3+s2], $0x80, v4, vm0, $0xb8;
	[tilespmem:$0x11000] =	vst v63  }
0x86e: {  	s29 =	simm.s32 $0x5800  }
0x86f: {  	[tilespmem:s29], [sflag:$0x1] =	stream.indirect_vreg.gather [hbm4b:s3+s2], $0x80, v3, vm0, $0xb8;
	[tilespmem:$0x11000] =	vst v63  }
0x870: {  	v3 =	vld [tilespmem:$0xB50];
	_ =	sdelay $0x4  }
0x871: {  	v45 =	vshll.u32 v3, $0x1  }
0x872: {  	v3 =	vand.u32 $0x7, v3;
	v4 =	vand.u32 $0xFFFFFFF0, v45  }
0x873: {  	v3 =	vor.u32 v3, v4  }
0x874: {  	v4 =	vperm.xlane v3, v0;
	_ =	sdelay $0x1  }
0x875: {  	v3 =	vperm.xlane v3, v2;
	v4 =	vadd.s32 v1, v4;
	_ =	sdelay $0x1  }
0x876: {  	v3 =	vadd.s32 v1, v3;
	_ =	sdelay $0x1  }
0x877: {  	s25 =	simm.s32 $0x6000  }
0x878: {  	[tilespmem:s25], [sflag:$0x1] =	stream.indirect_vreg.gather [hbm4b:s3+s2], $0x80, v4, vm0, $0xb8;
	[tilespmem:$0x11000] =	vst v63  }
0x879: {  	s28 =	simm.s32 $0x6800  }
0x87a: {  	[tilespmem:s28], [sflag:$0x1] =	stream.indirect_vreg.gather [hbm4b:s3+s2], $0x80, v3, vm0, $0xb8;
	[tilespmem:$0x11000] =	vst v63  }
0x87b: {  	v3 =	vld [tilespmem:$0xB60];
	_ =	sdelay $0x4  }
0x87c: {  	v46 =	vshll.u32 v3, $0x1  }
0x87d: {  	v3 =	vand.u32 $0x7, v3;
	v4 =	vand.u32 $0xFFFFFFF0, v46  }
0x87e: {  	v3 =	vor.u32 v3, v4  }
0x87f: {  	v4 =	vperm.xlane v3, v0;
	_ =	sdelay $0x1  }
0x880: {  	v3 =	vperm.xlane v3, v2;
	v4 =	vadd.s32 v1, v4;
	_ =	sdelay $0x1  }
0x881: {  	v3 =	vadd.s32 v1, v3;
	_ =	sdelay $0x1  }
0x882: {  	s30 =	simm.s32 $0x7000  }
0x883: {  	[tilespmem:s30], [sflag:$0x1] =	stream.indirect_vreg.gather [hbm4b:s3+s2], $0x80, v4, vm0, $0xb8;
	[tilespmem:$0x11000] =	vst v63  }
0x884: {  	s23 =	simm.s32 $0x7800  }
0x885: {  	[tilespmem:s23], [sflag:$0x1] =	stream.indirect_vreg.gather [hbm4b:s3+s2], $0x80, v3, vm0, $0xb8;
	[tilespmem:$0x11000] =	vst v63  }
0x886: {  	v3 =	vld [tilespmem:$0xB70];
	_ =	sdelay $0x4  }
0x887: {  	v47 =	vshll.u32 v3, $0x1  }
0x888: {  	v3 =	vand.u32 $0x7, v3;
	v4 =	vand.u32 $0xFFFFFFF0, v47  }
0x889: {  	v3 =	vor.u32 v3, v4  }
0x88a: {  	v4 =	vperm.xlane v3, v0;
	_ =	sdelay $0x1  }
0x88b: {  	v3 =	vperm.xlane v3, v2;
	v4 =	vadd.s32 v1, v4;
	_ =	sdelay $0x1  }
0x88c: {  	v3 =	vadd.s32 v1, v3;
	_ =	sdelay $0x1  }
0x88d: {  	s28 =	simm.s32 $0x8000  }
0x88e: {  	[tilespmem:s28], [sflag:$0x1] =	stream.indirect_vreg.gather [hbm4b:s3+s2], $0x80, v4, vm0, $0xb8;
	[tilespmem:$0x11000] =	vst v63  }
0x88f: {  	s24 =	simm.s32 $0x8800  }
0x890: {  	[tilespmem:s24], [sflag:$0x1] =	stream.indirect_vreg.gather [hbm4b:s3+s2], $0x80, v3, vm0, $0xb8;
	[tilespmem:$0x11000] =	vst v63  }
0x891: {  	_ =	swait.ge [sflag:s12], $0x8000  }
0x892: {  	[sflag:s12] =	ssyncset.done $0x0  }
0x893: {  	s30 =	rddreg [dreg:$0x19];
	[sflag:s12] =	ssyncadd.s32 $0xFFFF8000  }
0x894: {  	[hbm4b:s30+s2] =	stream.linear.scatter [tilespmem:s22], [sflag:$0x4], $0x8000, $0x38;
	[tilespmem:$0x11000] =	vst v63  }
0x895: {  	_ =	swait.ge [sflag:s13], $0x8000  }
0x896: {  	[sflag:s13] =	ssyncset.done $0x0  }
0x897: {  	[sflag:s13] =	ssyncadd.s32 $0xFFFF8000  }
0x898: {  	v3 =	vld [tilespmem:$0xB80];
	_ =	sdelay $0x4  }
0x899: {  	v48 =	vshll.u32 v3, $0x1  }
0x89a: {  	v3 =	vand.u32 $0x7, v3;
	v4 =	vand.u32 $0xFFFFFFF0, v48  }
0x89b: {  	v3 =	vor.u32 v3, v4  }
0x89c: {  	v4 =	vperm.xlane v3, v0;
	_ =	sdelay $0x1  }
0x89d: {  	v3 =	vperm.xlane v3, v2;
	v4 =	vadd.s32 v1, v4;
	_ =	sdelay $0x1  }
0x89e: {  	v3 =	vadd.s32 v1, v3;
	_ =	sdelay $0x2  }
0x89f: {  	[tilespmem:s22], [sflag:$0x2] =	stream.indirect_vreg.gather [hbm4b:s3+s2], $0x80, v4, vm0, $0xb8;
	[tilespmem:$0x11000] =	vst v63  }
0x8a0: {  	s31 =	simm.s32 $0x9800  }
0x8a1: {  	[tilespmem:s31], [sflag:$0x2] =	stream.indirect_vreg.gather [hbm4b:s3+s2], $0x80, v3, vm0, $0xb8;
	[tilespmem:$0x11000] =	vst v63  }
0x8a2: {  	v3 =	vld [tilespmem:$0xB90];
	_ =	sdelay $0x4  }
0x8a3: {  	v49 =	vshll.u32 v3, $0x1  }
0x8a4: {  	v3 =	vand.u32 $0x7, v3;
	v4 =	vand.u32 $0xFFFFFFF0, v49  }
0x8a5: {  	v3 =	vor.u32 v3, v4  }
0x8a6: {  	v4 =	vperm.xlane v3, v0;
	_ =	sdelay $0x1  }
0x8a7: {  	v3 =	vperm.xlane v3, v2;
	v4 =	vadd.s32 v1, v4;
	_ =	sdelay $0x1  }
0x8a8: {  	v3 =	vadd.s32 v1, v3;
	_ =	sdelay $0x1  }
0x8a9: {  	s19 =	simm.s32 $0xA000  }
0x8aa: {  	[tilespmem:s19], [sflag:$0x2] =	stream.indirect_vreg.gather [hbm4b:s3+s2], $0x80, v4, vm0, $0xb8;
	[tilespmem:$0x11000] =	vst v63  }
0x8ab: {  	s26 =	simm.s32 $0xA800  }
0x8ac: {  	[tilespmem:s26], [sflag:$0x2] =	stream.indirect_vreg.gather [hbm4b:s3+s2], $0x80, v3, vm0, $0xb8;
	[tilespmem:$0x11000] =	vst v63  }
0x8ad: {  	v3 =	vld [tilespmem:$0xBA0];
	_ =	sdelay $0x4  }
0x8ae: {  	v50 =	vshll.u32 v3, $0x1  }
0x8af: {  	v3 =	vand.u32 $0x7, v3;
	v4 =	vand.u32 $0xFFFFFFF0, v50  }
0x8b0: {  	v3 =	vor.u32 v3, v4  }
0x8b1: {  	v4 =	vperm.xlane v3, v0;
	_ =	sdelay $0x1  }
0x8b2: {  	v3 =	vperm.xlane v3, v2;
	v4 =	vadd.s32 v1, v4;
	_ =	sdelay $0x1  }
0x8b3: {  	v3 =	vadd.s32 v1, v3;
	_ =	sdelay $0x1  }
0x8b4: {  	s1 =	simm.s32 $0xB000  }
0x8b5: {  	[tilespmem:s1], [sflag:$0x2] =	stream.indirect_vreg.gather [hbm4b:s3+s2], $0x80, v4, vm0, $0xb8;
	[tilespmem:$0x11000] =	vst v63  }
0x8b6: {  	s4 =	simm.s32 $0xB800  }
0x8b7: {  	[tilespmem:s4], [sflag:$0x2] =	stream.indirect_vreg.gather [hbm4b:s3+s2], $0x80, v3, vm0, $0xb8;
	[tilespmem:$0x11000] =	vst v63  }
0x8b8: {  	v3 =	vld [tilespmem:$0xBB0];
	_ =	sdelay $0x4  }
0x8b9: {  	v51 =	vshll.u32 v3, $0x1  }
0x8ba: {  	v3 =	vand.u32 $0x7, v3;
	v4 =	vand.u32 $0xFFFFFFF0, v51  }
0x8bb: {  	v3 =	vor.u32 v3, v4  }
0x8bc: {  	v4 =	vperm.xlane v3, v0;
	_ =	sdelay $0x1  }
0x8bd: {  	v3 =	vperm.xlane v3, v2;
	v4 =	vadd.s32 v1, v4;
	_ =	sdelay $0x1  }
0x8be: {  	v3 =	vadd.s32 v1, v3;
	_ =	sdelay $0x1  }
0x8bf: {  	s5 =	simm.s32 $0xC000  }
0x8c0: {  	[tilespmem:s5], [sflag:$0x2] =	stream.indirect_vreg.gather [hbm4b:s3+s2], $0x80, v4, vm0, $0xb8;
	[tilespmem:$0x11000] =	vst v63  }
0x8c1: {  	s8 =	simm.s32 $0xC800  }
0x8c2: {  	[tilespmem:s8], [sflag:$0x2] =	stream.indirect_vreg.gather [hbm4b:s3+s2], $0x80, v3, vm0, $0xb8;
	[tilespmem:$0x11000] =	vst v63  }
0x8c3: {  	v3 =	vld [tilespmem:$0xBC0];
	_ =	sdelay $0x4  }
0x8c4: {  	v52 =	vshll.u32 v3, $0x1  }
0x8c5: {  	v3 =	vand.u32 $0x7, v3;
	v4 =	vand.u32 $0xFFFFFFF0, v52  }
0x8c6: {  	v3 =	vor.u32 v3, v4  }
0x8c7: {  	v4 =	vperm.xlane v3, v0;
	_ =	sdelay $0x1  }
0x8c8: {  	v3 =	vperm.xlane v3, v2;
	v4 =	vadd.s32 v1, v4;
	_ =	sdelay $0x1  }
0x8c9: {  	v3 =	vadd.s32 v1, v3;
	_ =	sdelay $0x1  }
0x8ca: {  	s21 =	simm.s32 $0xD000  }
0x8cb: {  	[tilespmem:s21], [sflag:$0x2] =	stream.indirect_vreg.gather [hbm4b:s3+s2], $0x80, v4, vm0, $0xb8;
	[tilespmem:$0x11000] =	vst v63  }
0x8cc: {  	s0 =	simm.s32 $0xD800  }
0x8cd: {  	[tilespmem:s0], [sflag:$0x2] =	stream.indirect_vreg.gather [hbm4b:s3+s2], $0x80, v3, vm0, $0xb8;
	[tilespmem:$0x11000] =	vst v63  }
0x8ce: {  	v3 =	vld [tilespmem:$0xBD0];
	_ =	sdelay $0x4  }
0x8cf: {  	v53 =	vshll.u32 v3, $0x1  }
0x8d0: {  	v3 =	vand.u32 $0x7, v3;
	v4 =	vand.u32 $0xFFFFFFF0, v53  }
0x8d1: {  	v3 =	vor.u32 v3, v4  }
0x8d2: {  	v4 =	vperm.xlane v3, v0;
	_ =	sdelay $0x1  }
0x8d3: {  	v3 =	vperm.xlane v3, v2;
	v4 =	vadd.s32 v1, v4;
	_ =	sdelay $0x1  }
0x8d4: {  	v3 =	vadd.s32 v1, v3;
	_ =	sdelay $0x1  }
0x8d5: {  	s18 =	simm.s32 $0xE000  }
0x8d6: {  	[tilespmem:s18], [sflag:$0x2] =	stream.indirect_vreg.gather [hbm4b:s3+s2], $0x80, v4, vm0, $0xb8;
	[tilespmem:$0x11000] =	vst v63  }
0x8d7: {  	s16 =	simm.s32 $0xE800  }
0x8d8: {  	[tilespmem:s16], [sflag:$0x2] =	stream.indirect_vreg.gather [hbm4b:s3+s2], $0x80, v3, vm0, $0xb8;
	[tilespmem:$0x11000] =	vst v63  }
0x8d9: {  	v3 =	vld [tilespmem:$0xBE0];
	_ =	sdelay $0x4  }
0x8da: {  	v54 =	vshll.u32 v3, $0x1  }
0x8db: {  	v3 =	vand.u32 $0x7, v3;
	v4 =	vand.u32 $0xFFFFFFF0, v54  }
0x8dc: {  	v3 =	vor.u32 v3, v4  }
0x8dd: {  	v4 =	vperm.xlane v3, v0;
	_ =	sdelay $0x1  }
0x8de: {  	v3 =	vperm.xlane v3, v2;
	v4 =	vadd.s32 v1, v4;
	_ =	sdelay $0x1  }
0x8df: {  	v3 =	vadd.s32 v1, v3;
	_ =	sdelay $0x1  }
0x8e0: {  	s15 =	simm.s32 $0xF000  }
0x8e1: {  	[tilespmem:s15], [sflag:$0x2] =	stream.indirect_vreg.gather [hbm4b:s3+s2], $0x80, v4, vm0, $0xb8;
	[tilespmem:$0x11000] =	vst v63  }
0x8e2: {  	s17 =	simm.s32 $0xF800  }
0x8e3: {  	[tilespmem:s17], [sflag:$0x2] =	stream.indirect_vreg.gather [hbm4b:s3+s2], $0x80, v3, vm0, $0xb8;
	[tilespmem:$0x11000] =	vst v63  }
0x8e4: {  	v3 =	vld [tilespmem:$0xBF0];
	_ =	sdelay $0x4  }
0x8e5: {  	v55 =	vshll.u32 v3, $0x1  }
0x8e6: {  	v3 =	vand.u32 $0x7, v3;
	v4 =	vand.u32 $0xFFFFFFF0, v55  }
0x8e7: {  	v3 =	vor.u32 v3, v4  }
0x8e8: {  	v4 =	vperm.xlane v3, v0;
	_ =	sdelay $0x1  }
0x8e9: {  	v3 =	vperm.xlane v3, v2;
	v4 =	vadd.s32 v1, v4;
	_ =	sdelay $0x1  }
0x8ea: {  	v3 =	vadd.s32 v1, v3;
	_ =	sdelay $0x1  }
0x8eb: {  	s9 =	simm.s32 $0x10000  }
0x8ec: {  	[tilespmem:s9], [sflag:$0x2] =	stream.indirect_vreg.gather [hbm4b:s3+s2], $0x80, v4, vm0, $0xb8;
	[tilespmem:$0x11000] =	vst v63  }
0x8ed: {  	s7 =	simm.s32 $0x10800  }
0x8ee: {  	[tilespmem:s7], [sflag:$0x2] =	stream.indirect_vreg.gather [hbm4b:s3+s2], $0x80, v3, vm0, $0xb8;
	[tilespmem:$0x11000] =	vst v63  }
0x8ef: {  	_ =	swait.ge [sflag:s10], $0x8000  }
0x8f0: {  	[sflag:s10] =	ssyncset.done $0x0  }
0x8f1: {  	s21 =	rddreg [dreg:$0x1a];
	[sflag:s10] =	ssyncadd.s32 $0xFFFF8000  }
0x8f2: {  	[hbm4b:s21+s2] =	stream.linear.scatter [tilespmem:s6], [sflag:$0x3], $0x8000, $0x38;
	[tilespmem:$0x11000] =	vst v63  }
0x8f3: {  	_ =	swait.ge [sflag:s11], $0x8000  }
0x8f4: {  	[sflag:s11] =	ssyncset.done $0x0  }
0x8f5: {  	[sflag:s11] =	ssyncadd.s32 $0xFFFF8000  }
0x8f6: {  	v3 =	vld [tilespmem:$0xC00];
	_ =	sdelay $0x4  }
0x8f7: {  	v56 =	vshll.u32 v3, $0x1  }
0x8f8: {  	v3 =	vand.u32 $0x7, v3;
	v4 =	vand.u32 $0xFFFFFFF0, v56  }
0x8f9: {  	v3 =	vor.u32 v3, v4  }
0x8fa: {  	v4 =	vperm.xlane v3, v0;
	_ =	sdelay $0x1  }
0x8fb: {  	v3 =	vperm.xlane v3, v2;
	v4 =	vadd.s32 v1, v4;
	_ =	sdelay $0x1  }
0x8fc: {  	v3 =	vadd.s32 v1, v3;
	_ =	sdelay $0x2  }
0x8fd: {  	[tilespmem:s6], [sflag:$0x1] =	stream.indirect_vreg.gather [hbm4b:s3+s2], $0x80, v4, vm0, $0xb8;
	[tilespmem:$0x11000] =	vst v63  }
0x8fe: {  	s26 =	simm.s32 $0x1800  }
0x8ff: {  	[tilespmem:s26], [sflag:$0x1] =	stream.indirect_vreg.gather [hbm4b:s3+s2], $0x80, v3, vm0, $0xb8;
	[tilespmem:$0x11000] =	vst v63  }
0x900: {  	v3 =	vld [tilespmem:$0xC10];
	_ =	sdelay $0x4  }
0x901: {  	v57 =	vshll.u32 v3, $0x1  }
0x902: {  	v3 =	vand.u32 $0x7, v3;
	v4 =	vand.u32 $0xFFFFFFF0, v57  }
0x903: {  	v3 =	vor.u32 v3, v4  }
0x904: {  	v4 =	vperm.xlane v3, v0;
	_ =	sdelay $0x1  }
0x905: {  	v3 =	vperm.xlane v3, v2;
	v4 =	vadd.s32 v1, v4;
	_ =	sdelay $0x1  }
0x906: {  	v3 =	vadd.s32 v1, v3;
	_ =	sdelay $0x1  }
0x907: {  	s20 =	simm.s32 $0x2000  }
0x908: {  	[tilespmem:s20], [sflag:$0x1] =	stream.indirect_vreg.gather [hbm4b:s3+s2], $0x80, v4, vm0, $0xb8;
	[tilespmem:$0x11000] =	vst v63  }
0x909: {  	s21 =	simm.s32 $0x2800  }
0x90a: {  	[tilespmem:s21], [sflag:$0x1] =	stream.indirect_vreg.gather [hbm4b:s3+s2], $0x80, v3, vm0, $0xb8;
	[tilespmem:$0x11000] =	vst v63  }
0x90b: {  	v3 =	vld [tilespmem:$0xC20];
	_ =	sdelay $0x4  }
0x90c: {  	v58 =	vshll.u32 v3, $0x1  }
0x90d: {  	v3 =	vand.u32 $0x7, v3;
	v4 =	vand.u32 $0xFFFFFFF0, v58  }
0x90e: {  	v3 =	vor.u32 v3, v4  }
0x90f: {  	v4 =	vperm.xlane v3, v0;
	_ =	sdelay $0x1  }
0x910: {  	v3 =	vperm.xlane v3, v2;
	v4 =	vadd.s32 v1, v4;
	_ =	sdelay $0x1  }
0x911: {  	v3 =	vadd.s32 v1, v3;
	_ =	sdelay $0x1  }
0x912: {  	s20 =	simm.s32 $0x3000  }
0x913: {  	[tilespmem:s20], [sflag:$0x1] =	stream.indirect_vreg.gather [hbm4b:s3+s2], $0x80, v4, vm0, $0xb8;
	[tilespmem:$0x11000] =	vst v63  }
0x914: {  	s21 =	simm.s32 $0x3800  }
0x915: {  	[tilespmem:s21], [sflag:$0x1] =	stream.indirect_vreg.gather [hbm4b:s3+s2], $0x80, v3, vm0, $0xb8;
	[tilespmem:$0x11000] =	vst v63  }
0x916: {  	v3 =	vld [tilespmem:$0xC30];
	_ =	sdelay $0x4  }
0x917: {  	v59 =	vshll.u32 v3, $0x1  }
0x918: {  	v3 =	vand.u32 $0x7, v3;
	v4 =	vand.u32 $0xFFFFFFF0, v59  }
0x919: {  	v3 =	vor.u32 v3, v4  }
0x91a: {  	v4 =	vperm.xlane v3, v0;
	_ =	sdelay $0x1  }
0x91b: {  	v3 =	vperm.xlane v3, v2;
	v4 =	vadd.s32 v1, v4;
	_ =	sdelay $0x1  }
0x91c: {  	v3 =	vadd.s32 v1, v3;
	_ =	sdelay $0x1  }
0x91d: {  	s20 =	simm.s32 $0x4000  }
0x91e: {  	[tilespmem:s20], [sflag:$0x1] =	stream.indirect_vreg.gather [hbm4b:s3+s2], $0x80, v4, vm0, $0xb8;
	[tilespmem:$0x11000] =	vst v63  }
0x91f: {  	s21 =	simm.s32 $0x4800  }
0x920: {  	[tilespmem:s21], [sflag:$0x1] =	stream.indirect_vreg.gather [hbm4b:s3+s2], $0x80, v3, vm0, $0xb8;
	[tilespmem:$0x11000] =	vst v63  }
0x921: {  	v3 =	vld [tilespmem:$0xC40];
	_ =	sdelay $0x4  }
0x922: {  	v60 =	vshll.u32 v3, $0x1  }
0x923: {  	v3 =	vand.u32 $0x7, v3;
	v4 =	vand.u32 $0xFFFFFFF0, v60  }
0x924: {  	v3 =	vor.u32 v3, v4  }
0x925: {  	v4 =	vperm.xlane v3, v0;
	_ =	sdelay $0x1  }
0x926: {  	v3 =	vperm.xlane v3, v2;
	v4 =	vadd.s32 v1, v4;
	_ =	sdelay $0x1  }
0x927: {  	v3 =	vadd.s32 v1, v3;
	_ =	sdelay $0x1  }
0x928: {  	s20 =	simm.s32 $0x5000  }
0x929: {  	[tilespmem:s20], [sflag:$0x1] =	stream.indirect_vreg.gather [hbm4b:s3+s2], $0x80, v4, vm0, $0xb8;
	[tilespmem:$0x11000] =	vst v63  }
0x92a: {  	s29 =	simm.s32 $0x5800  }
0x92b: {  	[tilespmem:s29], [sflag:$0x1] =	stream.indirect_vreg.gather [hbm4b:s3+s2], $0x80, v3, vm0, $0xb8;
	[tilespmem:$0x11000] =	vst v63  }
0x92c: {  	v3 =	vld [tilespmem:$0xC50];
	_ =	sdelay $0x4  }
0x92d: {  	v61 =	vshll.u32 v3, $0x1  }
0x92e: {  	v3 =	vand.u32 $0x7, v3;
	v4 =	vand.u32 $0xFFFFFFF0, v61  }
0x92f: {  	v3 =	vor.u32 v3, v4  }
0x930: {  	v4 =	vperm.xlane v3, v0;
	_ =	sdelay $0x1  }
0x931: {  	v3 =	vperm.xlane v3, v2;
	v4 =	vadd.s32 v1, v4;
	_ =	sdelay $0x1  }
0x932: {  	v3 =	vadd.s32 v1, v3;
	_ =	sdelay $0x1  }
0x933: {  	s20 =	simm.s32 $0x6000  }
0x934: {  	[tilespmem:s20], [sflag:$0x1] =	stream.indirect_vreg.gather [hbm4b:s3+s2], $0x80, v4, vm0, $0xb8;
	[tilespmem:$0x11000] =	vst v63  }
0x935: {  	s25 =	simm.s32 $0x6800  }
0x936: {  	[tilespmem:s25], [sflag:$0x1] =	stream.indirect_vreg.gather [hbm4b:s3+s2], $0x80, v3, vm0, $0xb8;
	[tilespmem:$0x11000] =	vst v63  }
0x937: {  	v3 =	vld [tilespmem:$0xC60];
	_ =	sdelay $0x4  }
0x938: {  	v62 =	vshll.u32 v3, $0x1  }
0x939: {  	v3 =	vand.u32 $0x7, v3;
	v4 =	vand.u32 $0xFFFFFFF0, v62  }
0x93a: {  	v3 =	vor.u32 v3, v4  }
0x93b: {  	v4 =	vperm.xlane v3, v0;
	_ =	sdelay $0x1  }
0x93c: {  	v3 =	vperm.xlane v3, v2;
	v4 =	vadd.s32 v1, v4;
	_ =	sdelay $0x1  }
0x93d: {  	v3 =	vadd.s32 v1, v3;
	_ =	sdelay $0x1  }
0x93e: {  	s29 =	simm.s32 $0x7000  }
0x93f: {  	[tilespmem:s29], [sflag:$0x1] =	stream.indirect_vreg.gather [hbm4b:s3+s2], $0x80, v4, vm0, $0xb8;
	[tilespmem:$0x11000] =	vst v63  }
0x940: {  	s23 =	simm.s32 $0x7800  }
0x941: {  	[tilespmem:s23], [sflag:$0x1] =	stream.indirect_vreg.gather [hbm4b:s3+s2], $0x80, v3, vm0, $0xb8;
	[tilespmem:$0x11000] =	vst v63  }
0x942: {  	v3 =	vld [tilespmem:$0xC70];
	_ =	sdelay $0x4  }
0x943: {  	v63 =	vshll.u32 v3, $0x1  }
0x944: {  	v3 =	vand.u32 $0x7, v3;
	v4 =	vand.u32 $0xFFFFFFF0, v63  }
0x945: {  	v3 =	vor.u32 v3, v4  }
0x946: {  	v4 =	vperm.xlane v3, v0;
	_ =	sdelay $0x1  }
0x947: {  	v3 =	vperm.xlane v3, v2;
	v4 =	vadd.s32 v1, v4;
	_ =	sdelay $0x1  }
0x948: {  	v3 =	vadd.s32 v1, v3;
	_ =	sdelay $0x1  }
0x949: {  	s20 =	simm.s32 $0x8000  }
0x94a: {  	[tilespmem:s20], [sflag:$0x1] =	stream.indirect_vreg.gather [hbm4b:s3+s2], $0x80, v4, vm0, $0xb8;
	[tilespmem:$0x11000] =	vst v63  }
0x94b: {  	s24 =	simm.s32 $0x8800  }
0x94c: {  	[tilespmem:s24], [sflag:$0x1] =	stream.indirect_vreg.gather [hbm4b:s3+s2], $0x80, v3, vm0, $0xb8;
	[tilespmem:$0x11000] =	vst v63  }
0x94d: {  	_ =	swait.ge [sflag:s12], $0x8000  }
0x94e: {  	[sflag:s12] =	ssyncset.done $0x0  }
0x94f: {  	s29 =	rddreg [dreg:$0x1b];
	[sflag:s12] =	ssyncadd.s32 $0xFFFF8000  }
0x950: {  	[hbm4b:s29+s2] =	stream.linear.scatter [tilespmem:s22], [sflag:$0x4], $0x8000, $0x38;
	[tilespmem:$0x11000] =	vst v63  }
0x951: {  	_ =	swait.ge [sflag:s13], $0x8000  }
0x952: {  	[sflag:s13] =	ssyncset.done $0x0  }
0x953: {  	[sflag:s13] =	ssyncadd.s32 $0xFFFF8000  }
0x954: {  	v3 =	vld [tilespmem:$0xC80];
	_ =	sdelay $0x4  }
0x955: {  	v8 =	vshll.u32 v3, $0x1  }
0x956: {  	v3 =	vand.u32 $0x7, v3;
	v4 =	vand.u32 $0xFFFFFFF0, v8  }
0x957: {  	v3 =	vor.u32 v3, v4  }
0x958: {  	v4 =	vperm.xlane v3, v0;
	_ =	sdelay $0x1  }
0x959: {  	v3 =	vperm.xlane v3, v2;
	v4 =	vadd.s32 v1, v4;
	_ =	sdelay $0x1  }
0x95a: {  	v3 =	vadd.s32 v1, v3;
	_ =	sdelay $0x2  }
0x95b: {  	[tilespmem:s22], [sflag:$0x2] =	stream.indirect_vreg.gather [hbm4b:s3+s2], $0x80, v4, vm0, $0xb8;
	[tilespmem:$0x11000] =	vst v63  }
0x95c: {  	s31 =	simm.s32 $0x9800  }
0x95d: {  	[tilespmem:s31], [sflag:$0x2] =	stream.indirect_vreg.gather [hbm4b:s3+s2], $0x80, v3, vm0, $0xb8;
	[tilespmem:$0x11000] =	vst v63  }
0x95e: {  	v3 =	vld [tilespmem:$0xC90];
	_ =	sdelay $0x4  }
0x95f: {  	v9 =	vshll.u32 v3, $0x1  }
0x960: {  	v3 =	vand.u32 $0x7, v3;
	v4 =	vand.u32 $0xFFFFFFF0, v9  }
0x961: {  	v3 =	vor.u32 v3, v4  }
0x962: {  	v4 =	vperm.xlane v3, v0;
	_ =	sdelay $0x1  }
0x963: {  	v3 =	vperm.xlane v3, v2;
	v4 =	vadd.s32 v1, v4;
	_ =	sdelay $0x1  }
0x964: {  	v3 =	vadd.s32 v1, v3;
	_ =	sdelay $0x1  }
0x965: {  	s19 =	simm.s32 $0xA000  }
0x966: {  	[tilespmem:s19], [sflag:$0x2] =	stream.indirect_vreg.gather [hbm4b:s3+s2], $0x80, v4, vm0, $0xb8;
	[tilespmem:$0x11000] =	vst v63  }
0x967: {  	s30 =	simm.s32 $0xA800  }
0x968: {  	[tilespmem:s30], [sflag:$0x2] =	stream.indirect_vreg.gather [hbm4b:s3+s2], $0x80, v3, vm0, $0xb8;
	[tilespmem:$0x11000] =	vst v63  }
0x969: {  	v3 =	vld [tilespmem:$0xCA0];
	_ =	sdelay $0x4  }
0x96a: {  	v10 =	vshll.u32 v3, $0x1  }
0x96b: {  	v3 =	vand.u32 $0x7, v3;
	v4 =	vand.u32 $0xFFFFFFF0, v10  }
0x96c: {  	v3 =	vor.u32 v3, v4  }
0x96d: {  	v4 =	vperm.xlane v3, v0;
	_ =	sdelay $0x1  }
0x96e: {  	v3 =	vperm.xlane v3, v2;
	v4 =	vadd.s32 v1, v4;
	_ =	sdelay $0x1  }
0x96f: {  	v3 =	vadd.s32 v1, v3;
	_ =	sdelay $0x1  }
0x970: {  	s28 =	simm.s32 $0xB000  }
0x971: {  	[tilespmem:s28], [sflag:$0x2] =	stream.indirect_vreg.gather [hbm4b:s3+s2], $0x80, v4, vm0, $0xb8;
	[tilespmem:$0x11000] =	vst v63  }
0x972: {  	s4 =	simm.s32 $0xB800  }
0x973: {  	[tilespmem:s4], [sflag:$0x2] =	stream.indirect_vreg.gather [hbm4b:s3+s2], $0x80, v3, vm0, $0xb8;
	[tilespmem:$0x11000] =	vst v63  }
0x974: {  	v3 =	vld [tilespmem:$0xCB0];
	_ =	sdelay $0x4  }
0x975: {  	v11 =	vshll.u32 v3, $0x1  }
0x976: {  	v3 =	vand.u32 $0x7, v3;
	v4 =	vand.u32 $0xFFFFFFF0, v11  }
0x977: {  	v3 =	vor.u32 v3, v4  }
0x978: {  	v4 =	vperm.xlane v3, v0;
	_ =	sdelay $0x1  }
0x979: {  	v3 =	vperm.xlane v3, v2;
	v4 =	vadd.s32 v1, v4;
	_ =	sdelay $0x1  }
0x97a: {  	v3 =	vadd.s32 v1, v3;
	_ =	sdelay $0x1  }
0x97b: {  	s5 =	simm.s32 $0xC000  }
0x97c: {  	[tilespmem:s5], [sflag:$0x2] =	stream.indirect_vreg.gather [hbm4b:s3+s2], $0x80, v4, vm0, $0xb8;
	[tilespmem:$0x11000] =	vst v63  }
0x97d: {  	s8 =	simm.s32 $0xC800  }
0x97e: {  	[tilespmem:s8], [sflag:$0x2] =	stream.indirect_vreg.gather [hbm4b:s3+s2], $0x80, v3, vm0, $0xb8;
	[tilespmem:$0x11000] =	vst v63  }
0x97f: {  	v3 =	vld [tilespmem:$0xCC0];
	_ =	sdelay $0x4  }
0x980: {  	v12 =	vshll.u32 v3, $0x1  }
0x981: {  	v3 =	vand.u32 $0x7, v3;
	v4 =	vand.u32 $0xFFFFFFF0, v12  }
0x982: {  	v3 =	vor.u32 v3, v4  }
0x983: {  	v4 =	vperm.xlane v3, v0;
	_ =	sdelay $0x1  }
0x984: {  	v3 =	vperm.xlane v3, v2;
	v4 =	vadd.s32 v1, v4;
	_ =	sdelay $0x1  }
0x985: {  	v3 =	vadd.s32 v1, v3;
	_ =	sdelay $0x1  }
0x986: {  	s1 =	simm.s32 $0xD000  }
0x987: {  	[tilespmem:s1], [sflag:$0x2] =	stream.indirect_vreg.gather [hbm4b:s3+s2], $0x80, v4, vm0, $0xb8;
	[tilespmem:$0x11000] =	vst v63  }
0x988: {  	s0 =	simm.s32 $0xD800  }
0x989: {  	[tilespmem:s0], [sflag:$0x2] =	stream.indirect_vreg.gather [hbm4b:s3+s2], $0x80, v3, vm0, $0xb8;
	[tilespmem:$0x11000] =	vst v63  }
0x98a: {  	v3 =	vld [tilespmem:$0xCD0];
	_ =	sdelay $0x4  }
0x98b: {  	v13 =	vshll.u32 v3, $0x1  }
0x98c: {  	v3 =	vand.u32 $0x7, v3;
	v4 =	vand.u32 $0xFFFFFFF0, v13  }
0x98d: {  	v3 =	vor.u32 v3, v4  }
0x98e: {  	v4 =	vperm.xlane v3, v0;
	_ =	sdelay $0x1  }
0x98f: {  	v3 =	vperm.xlane v3, v2;
	v4 =	vadd.s32 v1, v4;
	_ =	sdelay $0x1  }
0x990: {  	v3 =	vadd.s32 v1, v3;
	_ =	sdelay $0x1  }
0x991: {  	s18 =	simm.s32 $0xE000  }
0x992: {  	[tilespmem:s18], [sflag:$0x2] =	stream.indirect_vreg.gather [hbm4b:s3+s2], $0x80, v4, vm0, $0xb8;
	[tilespmem:$0x11000] =	vst v63  }
0x993: {  	s16 =	simm.s32 $0xE800  }
0x994: {  	[tilespmem:s16], [sflag:$0x2] =	stream.indirect_vreg.gather [hbm4b:s3+s2], $0x80, v3, vm0, $0xb8;
	[tilespmem:$0x11000] =	vst v63  }
0x995: {  	v3 =	vld [tilespmem:$0xCE0];
	_ =	sdelay $0x4  }
0x996: {  	v14 =	vshll.u32 v3, $0x1  }
0x997: {  	v3 =	vand.u32 $0x7, v3;
	v4 =	vand.u32 $0xFFFFFFF0, v14  }
0x998: {  	v3 =	vor.u32 v3, v4  }
0x999: {  	v4 =	vperm.xlane v3, v0;
	_ =	sdelay $0x1  }
0x99a: {  	v3 =	vperm.xlane v3, v2;
	v4 =	vadd.s32 v1, v4;
	_ =	sdelay $0x1  }
0x99b: {  	v3 =	vadd.s32 v1, v3;
	_ =	sdelay $0x1  }
0x99c: {  	s15 =	simm.s32 $0xF000  }
0x99d: {  	[tilespmem:s15], [sflag:$0x2] =	stream.indirect_vreg.gather [hbm4b:s3+s2], $0x80, v4, vm0, $0xb8;
	[tilespmem:$0x11000] =	vst v63  }
0x99e: {  	s17 =	simm.s32 $0xF800  }
0x99f: {  	[tilespmem:s17], [sflag:$0x2] =	stream.indirect_vreg.gather [hbm4b:s3+s2], $0x80, v3, vm0, $0xb8;
	[tilespmem:$0x11000] =	vst v63  }
0x9a0: {  	v3 =	vld [tilespmem:$0xCF0];
	_ =	sdelay $0x4  }
0x9a1: {  	v15 =	vshll.u32 v3, $0x1  }
0x9a2: {  	v3 =	vand.u32 $0x7, v3;
	v4 =	vand.u32 $0xFFFFFFF0, v15  }
0x9a3: {  	v3 =	vor.u32 v3, v4  }
0x9a4: {  	v4 =	vperm.xlane v3, v0;
	_ =	sdelay $0x1  }
0x9a5: {  	v3 =	vperm.xlane v3, v2;
	v4 =	vadd.s32 v1, v4;
	_ =	sdelay $0x1  }
0x9a6: {  	v3 =	vadd.s32 v1, v3;
	_ =	sdelay $0x1  }
0x9a7: {  	s9 =	simm.s32 $0x10000  }
0x9a8: {  	[tilespmem:s9], [sflag:$0x2] =	stream.indirect_vreg.gather [hbm4b:s3+s2], $0x80, v4, vm0, $0xb8;
	[tilespmem:$0x11000] =	vst v63  }
0x9a9: {  	s7 =	simm.s32 $0x10800  }
0x9aa: {  	[tilespmem:s7], [sflag:$0x2] =	stream.indirect_vreg.gather [hbm4b:s3+s2], $0x80, v3, vm0, $0xb8;
	[tilespmem:$0x11000] =	vst v63  }
0x9ab: {  	_ =	swait.ge [sflag:s10], $0x8000  }
0x9ac: {  	[sflag:s10] =	ssyncset.done $0x0  }
0x9ad: {  	s7 =	rddreg [dreg:$0x1c];
	[sflag:s10] =	ssyncadd.s32 $0xFFFF8000  }
0x9ae: {  	[hbm4b:s7+s2] =	stream.linear.scatter [tilespmem:s6], [sflag:$0x3], $0x8000, $0x38;
	[tilespmem:$0x11000] =	vst v63  }
0x9af: {  	_ =	swait.ge [sflag:s11], $0x8000  }
0x9b0: {  	[sflag:s11] =	ssyncset.done $0x0  }
0x9b1: {  	[sflag:s11] =	ssyncadd.s32 $0xFFFF8000  }
0x9b2: {  	v3 =	vld [tilespmem:$0xD00];
	_ =	sdelay $0x4  }
0x9b3: {  	v16 =	vshll.u32 v3, $0x1  }
0x9b4: {  	v3 =	vand.u32 $0x7, v3;
	v4 =	vand.u32 $0xFFFFFFF0, v16  }
0x9b5: {  	v3 =	vor.u32 v3, v4  }
0x9b6: {  	v4 =	vperm.xlane v3, v0;
	_ =	sdelay $0x1  }
0x9b7: {  	v3 =	vperm.xlane v3, v2;
	v4 =	vadd.s32 v1, v4;
	_ =	sdelay $0x1  }
0x9b8: {  	v3 =	vadd.s32 v1, v3;
	_ =	sdelay $0x2  }
0x9b9: {  	[tilespmem:s6], [sflag:$0x1] =	stream.indirect_vreg.gather [hbm4b:s3+s2], $0x80, v4, vm0, $0xb8;
	[tilespmem:$0x11000] =	vst v63  }
0x9ba: {  	s14 =	simm.s32 $0x1800  }
0x9bb: {  	[tilespmem:s14], [sflag:$0x1] =	stream.indirect_vreg.gather [hbm4b:s3+s2], $0x80, v3, vm0, $0xb8;
	[tilespmem:$0x11000] =	vst v63  }
0x9bc: {  	v3 =	vld [tilespmem:$0xD10];
	_ =	sdelay $0x4  }
0x9bd: {  	v17 =	vshll.u32 v3, $0x1  }
0x9be: {  	v3 =	vand.u32 $0x7, v3;
	v4 =	vand.u32 $0xFFFFFFF0, v17  }
0x9bf: {  	v3 =	vor.u32 v3, v4  }
0x9c0: {  	v4 =	vperm.xlane v3, v0;
	_ =	sdelay $0x1  }
0x9c1: {  	v3 =	vperm.xlane v3, v2;
	v4 =	vadd.s32 v1, v4;
	_ =	sdelay $0x1  }
0x9c2: {  	v3 =	vadd.s32 v1, v3;
	_ =	sdelay $0x1  }
0x9c3: {  	s26 =	simm.s32 $0x2000  }
0x9c4: {  	[tilespmem:s26], [sflag:$0x1] =	stream.indirect_vreg.gather [hbm4b:s3+s2], $0x80, v4, vm0, $0xb8;
	[tilespmem:$0x11000] =	vst v63  }
0x9c5: {  	s17 =	simm.s32 $0x2800  }
0x9c6: {  	[tilespmem:s17], [sflag:$0x1] =	stream.indirect_vreg.gather [hbm4b:s3+s2], $0x80, v3, vm0, $0xb8;
	[tilespmem:$0x11000] =	vst v63  }
0x9c7: {  	v3 =	vld [tilespmem:$0xD20];
	_ =	sdelay $0x4  }
0x9c8: {  	v18 =	vshll.u32 v3, $0x1  }
0x9c9: {  	v3 =	vand.u32 $0x7, v3;
	v4 =	vand.u32 $0xFFFFFFF0, v18  }
0x9ca: {  	v3 =	vor.u32 v3, v4  }
0x9cb: {  	v4 =	vperm.xlane v3, v0;
	_ =	sdelay $0x1  }
0x9cc: {  	v3 =	vperm.xlane v3, v2;
	v4 =	vadd.s32 v1, v4;
	_ =	sdelay $0x1  }
0x9cd: {  	v3 =	vadd.s32 v1, v3;
	_ =	sdelay $0x1  }
0x9ce: {  	s14 =	simm.s32 $0x3000  }
0x9cf: {  	[tilespmem:s14], [sflag:$0x1] =	stream.indirect_vreg.gather [hbm4b:s3+s2], $0x80, v4, vm0, $0xb8;
	[tilespmem:$0x11000] =	vst v63  }
0x9d0: {  	s17 =	simm.s32 $0x3800  }
0x9d1: {  	[tilespmem:s17], [sflag:$0x1] =	stream.indirect_vreg.gather [hbm4b:s3+s2], $0x80, v3, vm0, $0xb8;
	[tilespmem:$0x11000] =	vst v63  }
0x9d2: {  	v3 =	vld [tilespmem:$0xD30];
	_ =	sdelay $0x4  }
0x9d3: {  	v19 =	vshll.u32 v3, $0x1  }
0x9d4: {  	v3 =	vand.u32 $0x7, v3;
	v4 =	vand.u32 $0xFFFFFFF0, v19  }
0x9d5: {  	v3 =	vor.u32 v3, v4  }
0x9d6: {  	v4 =	vperm.xlane v3, v0;
	_ =	sdelay $0x1  }
0x9d7: {  	v3 =	vperm.xlane v3, v2;
	v4 =	vadd.s32 v1, v4;
	_ =	sdelay $0x1  }
0x9d8: {  	v3 =	vadd.s32 v1, v3;
	_ =	sdelay $0x1  }
0x9d9: {  	s14 =	simm.s32 $0x4000  }
0x9da: {  	[tilespmem:s14], [sflag:$0x1] =	stream.indirect_vreg.gather [hbm4b:s3+s2], $0x80, v4, vm0, $0xb8;
	[tilespmem:$0x11000] =	vst v63  }
0x9db: {  	s21 =	simm.s32 $0x4800  }
0x9dc: {  	[tilespmem:s21], [sflag:$0x1] =	stream.indirect_vreg.gather [hbm4b:s3+s2], $0x80, v3, vm0, $0xb8;
	[tilespmem:$0x11000] =	vst v63  }
0x9dd: {  	v3 =	vld [tilespmem:$0xD40];
	_ =	sdelay $0x4  }
0x9de: {  	v20 =	vshll.u32 v3, $0x1  }
0x9df: {  	v3 =	vand.u32 $0x7, v3;
	v4 =	vand.u32 $0xFFFFFFF0, v20  }
0x9e0: {  	v3 =	vor.u32 v3, v4  }
0x9e1: {  	v4 =	vperm.xlane v3, v0;
	_ =	sdelay $0x1  }
0x9e2: {  	v3 =	vperm.xlane v3, v2;
	v4 =	vadd.s32 v1, v4;
	_ =	sdelay $0x1  }
0x9e3: {  	v3 =	vadd.s32 v1, v3;
	_ =	sdelay $0x1  }
0x9e4: {  	s17 =	simm.s32 $0x5000  }
0x9e5: {  	[tilespmem:s17], [sflag:$0x1] =	stream.indirect_vreg.gather [hbm4b:s3+s2], $0x80, v4, vm0, $0xb8;
	[tilespmem:$0x11000] =	vst v63  }
0x9e6: {  	s21 =	simm.s32 $0x5800  }
0x9e7: {  	[tilespmem:s21], [sflag:$0x1] =	stream.indirect_vreg.gather [hbm4b:s3+s2], $0x80, v3, vm0, $0xb8;
	[tilespmem:$0x11000] =	vst v63  }
0x9e8: {  	v3 =	vld [tilespmem:$0xD50];
	_ =	sdelay $0x4  }
0x9e9: {  	v21 =	vshll.u32 v3, $0x1  }
0x9ea: {  	v3 =	vand.u32 $0x7, v3;
	v4 =	vand.u32 $0xFFFFFFF0, v21  }
0x9eb: {  	v3 =	vor.u32 v3, v4  }
0x9ec: {  	v4 =	vperm.xlane v3, v0;
	_ =	sdelay $0x1  }
0x9ed: {  	v3 =	vperm.xlane v3, v2;
	v4 =	vadd.s32 v1, v4;
	_ =	sdelay $0x1  }
0x9ee: {  	v3 =	vadd.s32 v1, v3;
	_ =	sdelay $0x1  }
0x9ef: {  	s17 =	simm.s32 $0x6000  }
0x9f0: {  	[tilespmem:s17], [sflag:$0x1] =	stream.indirect_vreg.gather [hbm4b:s3+s2], $0x80, v4, vm0, $0xb8;
	[tilespmem:$0x11000] =	vst v63  }
0x9f1: {  	s25 =	simm.s32 $0x6800  }
0x9f2: {  	[tilespmem:s25], [sflag:$0x1] =	stream.indirect_vreg.gather [hbm4b:s3+s2], $0x80, v3, vm0, $0xb8;
	[tilespmem:$0x11000] =	vst v63  }
0x9f3: {  	v3 =	vld [tilespmem:$0xD60];
	_ =	sdelay $0x4  }
0x9f4: {  	v22 =	vshll.u32 v3, $0x1  }
0x9f5: {  	v3 =	vand.u32 $0x7, v3;
	v4 =	vand.u32 $0xFFFFFFF0, v22  }
0x9f6: {  	v3 =	vor.u32 v3, v4  }
0x9f7: {  	v4 =	vperm.xlane v3, v0;
	_ =	sdelay $0x1  }
0x9f8: {  	v3 =	vperm.xlane v3, v2;
	v4 =	vadd.s32 v1, v4;
	_ =	sdelay $0x1  }
0x9f9: {  	v3 =	vadd.s32 v1, v3;
	_ =	sdelay $0x1  }
0x9fa: {  	s17 =	simm.s32 $0x7000  }
0x9fb: {  	[tilespmem:s17], [sflag:$0x1] =	stream.indirect_vreg.gather [hbm4b:s3+s2], $0x80, v4, vm0, $0xb8;
	[tilespmem:$0x11000] =	vst v63  }
0x9fc: {  	s23 =	simm.s32 $0x7800  }
0x9fd: {  	[tilespmem:s23], [sflag:$0x1] =	stream.indirect_vreg.gather [hbm4b:s3+s2], $0x80, v3, vm0, $0xb8;
	[tilespmem:$0x11000] =	vst v63  }
0x9fe: {  	v3 =	vld [tilespmem:$0xD70];
	_ =	sdelay $0x4  }
0x9ff: {  	v23 =	vshll.u32 v3, $0x1  }
0xa00: {  	v3 =	vand.u32 $0x7, v3;
	v4 =	vand.u32 $0xFFFFFFF0, v23  }
0xa01: {  	v3 =	vor.u32 v3, v4  }
0xa02: {  	v4 =	vperm.xlane v3, v0;
	_ =	sdelay $0x1  }
0xa03: {  	v3 =	vperm.xlane v3, v2;
	v4 =	vadd.s32 v1, v4;
	_ =	sdelay $0x1  }
0xa04: {  	v3 =	vadd.s32 v1, v3;
	_ =	sdelay $0x1  }
0xa05: {  	s17 =	simm.s32 $0x8000  }
0xa06: {  	[tilespmem:s17], [sflag:$0x1] =	stream.indirect_vreg.gather [hbm4b:s3+s2], $0x80, v4, vm0, $0xb8;
	[tilespmem:$0x11000] =	vst v63  }
0xa07: {  	s20 =	simm.s32 $0x8800  }
0xa08: {  	[tilespmem:s20], [sflag:$0x1] =	stream.indirect_vreg.gather [hbm4b:s3+s2], $0x80, v3, vm0, $0xb8;
	[tilespmem:$0x11000] =	vst v63  }
0xa09: {  	_ =	swait.ge [sflag:s12], $0x8000  }
0xa0a: {  	[sflag:s12] =	ssyncset.done $0x0  }
0xa0b: {  	s20 =	rddreg [dreg:$0x1d];
	[sflag:s12] =	ssyncadd.s32 $0xFFFF8000  }
0xa0c: {  	[hbm4b:s20+s2] =	stream.linear.scatter [tilespmem:s22], [sflag:$0x4], $0x8000, $0x38;
	[tilespmem:$0x11000] =	vst v63  }
0xa0d: {  	_ =	swait.ge [sflag:s13], $0x8000  }
0xa0e: {  	[sflag:s13] =	ssyncset.done $0x0  }
0xa0f: {  	[sflag:s13] =	ssyncadd.s32 $0xFFFF8000  }
0xa10: {  	v3 =	vld [tilespmem:$0xD80];
	_ =	sdelay $0x4  }
0xa11: {  	v24 =	vshll.u32 v3, $0x1  }
0xa12: {  	v3 =	vand.u32 $0x7, v3;
	v4 =	vand.u32 $0xFFFFFFF0, v24  }
0xa13: {  	v3 =	vor.u32 v3, v4  }
0xa14: {  	v4 =	vperm.xlane v3, v0;
	_ =	sdelay $0x1  }
0xa15: {  	v3 =	vperm.xlane v3, v2;
	v4 =	vadd.s32 v1, v4;
	_ =	sdelay $0x1  }
0xa16: {  	v3 =	vadd.s32 v1, v3;
	_ =	sdelay $0x2  }
0xa17: {  	[tilespmem:s22], [sflag:$0x2] =	stream.indirect_vreg.gather [hbm4b:s3+s2], $0x80, v4, vm0, $0xb8;
	[tilespmem:$0x11000] =	vst v63  }
0xa18: {  	s29 =	simm.s32 $0x9800  }
0xa19: {  	[tilespmem:s29], [sflag:$0x2] =	stream.indirect_vreg.gather [hbm4b:s3+s2], $0x80, v3, vm0, $0xb8;
	[tilespmem:$0x11000] =	vst v63  }
0xa1a: {  	v3 =	vld [tilespmem:$0xD90];
	_ =	sdelay $0x4  }
0xa1b: {  	v25 =	vshll.u32 v3, $0x1  }
0xa1c: {  	v3 =	vand.u32 $0x7, v3;
	v4 =	vand.u32 $0xFFFFFFF0, v25  }
0xa1d: {  	v3 =	vor.u32 v3, v4  }
0xa1e: {  	v4 =	vperm.xlane v3, v0;
	_ =	sdelay $0x1  }
0xa1f: {  	v3 =	vperm.xlane v3, v2;
	v4 =	vadd.s32 v1, v4;
	_ =	sdelay $0x1  }
0xa20: {  	v3 =	vadd.s32 v1, v3;
	_ =	sdelay $0x1  }
0xa21: {  	s31 =	simm.s32 $0xA000  }
0xa22: {  	[tilespmem:s31], [sflag:$0x2] =	stream.indirect_vreg.gather [hbm4b:s3+s2], $0x80, v4, vm0, $0xb8;
	[tilespmem:$0x11000] =	vst v63  }
0xa23: {  	s30 =	simm.s32 $0xA800  }
0xa24: {  	[tilespmem:s30], [sflag:$0x2] =	stream.indirect_vreg.gather [hbm4b:s3+s2], $0x80, v3, vm0, $0xb8;
	[tilespmem:$0x11000] =	vst v63  }
0xa25: {  	v3 =	vld [tilespmem:$0xDA0];
	_ =	sdelay $0x4  }
0xa26: {  	v26 =	vshll.u32 v3, $0x1  }
0xa27: {  	v3 =	vand.u32 $0x7, v3;
	v4 =	vand.u32 $0xFFFFFFF0, v26  }
0xa28: {  	v3 =	vor.u32 v3, v4  }
0xa29: {  	v4 =	vperm.xlane v3, v0;
	_ =	sdelay $0x1  }
0xa2a: {  	v3 =	vperm.xlane v3, v2;
	v4 =	vadd.s32 v1, v4;
	_ =	sdelay $0x1  }
0xa2b: {  	v3 =	vadd.s32 v1, v3;
	_ =	sdelay $0x1  }
0xa2c: {  	s28 =	simm.s32 $0xB000  }
0xa2d: {  	[tilespmem:s28], [sflag:$0x2] =	stream.indirect_vreg.gather [hbm4b:s3+s2], $0x80, v4, vm0, $0xb8;
	[tilespmem:$0x11000] =	vst v63  }
0xa2e: {  	s4 =	simm.s32 $0xB800  }
0xa2f: {  	[tilespmem:s4], [sflag:$0x2] =	stream.indirect_vreg.gather [hbm4b:s3+s2], $0x80, v3, vm0, $0xb8;
	[tilespmem:$0x11000] =	vst v63  }
0xa30: {  	v3 =	vld [tilespmem:$0xDB0];
	_ =	sdelay $0x4  }
0xa31: {  	v27 =	vshll.u32 v3, $0x1  }
0xa32: {  	v3 =	vand.u32 $0x7, v3;
	v4 =	vand.u32 $0xFFFFFFF0, v27  }
0xa33: {  	v3 =	vor.u32 v3, v4  }
0xa34: {  	v4 =	vperm.xlane v3, v0;
	_ =	sdelay $0x1  }
0xa35: {  	v3 =	vperm.xlane v3, v2;
	v4 =	vadd.s32 v1, v4;
	_ =	sdelay $0x1  }
0xa36: {  	v3 =	vadd.s32 v1, v3;
	_ =	sdelay $0x1  }
0xa37: {  	s5 =	simm.s32 $0xC000  }
0xa38: {  	[tilespmem:s5], [sflag:$0x2] =	stream.indirect_vreg.gather [hbm4b:s3+s2], $0x80, v4, vm0, $0xb8;
	[tilespmem:$0x11000] =	vst v63  }
0xa39: {  	s8 =	simm.s32 $0xC800  }
0xa3a: {  	[tilespmem:s8], [sflag:$0x2] =	stream.indirect_vreg.gather [hbm4b:s3+s2], $0x80, v3, vm0, $0xb8;
	[tilespmem:$0x11000] =	vst v63  }
0xa3b: {  	v3 =	vld [tilespmem:$0xDC0];
	_ =	sdelay $0x4  }
0xa3c: {  	v28 =	vshll.u32 v3, $0x1  }
0xa3d: {  	v3 =	vand.u32 $0x7, v3;
	v4 =	vand.u32 $0xFFFFFFF0, v28  }
0xa3e: {  	v3 =	vor.u32 v3, v4  }
0xa3f: {  	v4 =	vperm.xlane v3, v0;
	_ =	sdelay $0x1  }
0xa40: {  	v3 =	vperm.xlane v3, v2;
	v4 =	vadd.s32 v1, v4;
	_ =	sdelay $0x1  }
0xa41: {  	v3 =	vadd.s32 v1, v3;
	_ =	sdelay $0x1  }
0xa42: {  	s24 =	simm.s32 $0xD000  }
0xa43: {  	[tilespmem:s24], [sflag:$0x2] =	stream.indirect_vreg.gather [hbm4b:s3+s2], $0x80, v4, vm0, $0xb8;
	[tilespmem:$0x11000] =	vst v63  }
0xa44: {  	s19 =	simm.s32 $0xD800  }
0xa45: {  	[tilespmem:s19], [sflag:$0x2] =	stream.indirect_vreg.gather [hbm4b:s3+s2], $0x80, v3, vm0, $0xb8;
	[tilespmem:$0x11000] =	vst v63  }
0xa46: {  	v3 =	vld [tilespmem:$0xDD0];
	_ =	sdelay $0x4  }
0xa47: {  	v29 =	vshll.u32 v3, $0x1  }
0xa48: {  	v3 =	vand.u32 $0x7, v3;
	v4 =	vand.u32 $0xFFFFFFF0, v29  }
0xa49: {  	v3 =	vor.u32 v3, v4  }
0xa4a: {  	v4 =	vperm.xlane v3, v0;
	_ =	sdelay $0x1  }
0xa4b: {  	v3 =	vperm.xlane v3, v2;
	v4 =	vadd.s32 v1, v4;
	_ =	sdelay $0x1  }
0xa4c: {  	v3 =	vadd.s32 v1, v3;
	_ =	sdelay $0x1  }
0xa4d: {  	s18 =	simm.s32 $0xE000  }
0xa4e: {  	[tilespmem:s18], [sflag:$0x2] =	stream.indirect_vreg.gather [hbm4b:s3+s2], $0x80, v4, vm0, $0xb8;
	[tilespmem:$0x11000] =	vst v63  }
0xa4f: {  	s1 =	simm.s32 $0xE800  }
0xa50: {  	[tilespmem:s1], [sflag:$0x2] =	stream.indirect_vreg.gather [hbm4b:s3+s2], $0x80, v3, vm0, $0xb8;
	[tilespmem:$0x11000] =	vst v63  }
0xa51: {  	v3 =	vld [tilespmem:$0xDE0];
	_ =	sdelay $0x4  }
0xa52: {  	v30 =	vshll.u32 v3, $0x1  }
0xa53: {  	v3 =	vand.u32 $0x7, v3;
	v4 =	vand.u32 $0xFFFFFFF0, v30  }
0xa54: {  	v3 =	vor.u32 v3, v4  }
0xa55: {  	v4 =	vperm.xlane v3, v0;
	_ =	sdelay $0x1  }
0xa56: {  	v3 =	vperm.xlane v3, v2;
	v4 =	vadd.s32 v1, v4;
	_ =	sdelay $0x1  }
0xa57: {  	v3 =	vadd.s32 v1, v3;
	_ =	sdelay $0x1  }
0xa58: {  	s15 =	simm.s32 $0xF000  }
0xa59: {  	[tilespmem:s15], [sflag:$0x2] =	stream.indirect_vreg.gather [hbm4b:s3+s2], $0x80, v4, vm0, $0xb8;
	[tilespmem:$0x11000] =	vst v63  }
0xa5a: {  	s16 =	simm.s32 $0xF800  }
0xa5b: {  	[tilespmem:s16], [sflag:$0x2] =	stream.indirect_vreg.gather [hbm4b:s3+s2], $0x80, v3, vm0, $0xb8;
	[tilespmem:$0x11000] =	vst v63  }
0xa5c: {  	v3 =	vld [tilespmem:$0xDF0];
	_ =	sdelay $0x4  }
0xa5d: {  	v31 =	vshll.u32 v3, $0x1  }
0xa5e: {  	v3 =	vand.u32 $0x7, v3;
	v4 =	vand.u32 $0xFFFFFFF0, v31  }
0xa5f: {  	v3 =	vor.u32 v3, v4  }
0xa60: {  	v4 =	vperm.xlane v3, v0;
	_ =	sdelay $0x1  }
0xa61: {  	v3 =	vperm.xlane v3, v2;
	v4 =	vadd.s32 v1, v4;
	_ =	sdelay $0x1  }
0xa62: {  	v3 =	vadd.s32 v1, v3;
	_ =	sdelay $0x1  }
0xa63: {  	s9 =	simm.s32 $0x10000  }
0xa64: {  	[tilespmem:s9], [sflag:$0x2] =	stream.indirect_vreg.gather [hbm4b:s3+s2], $0x80, v4, vm0, $0xb8;
	[tilespmem:$0x11000] =	vst v63  }
0xa65: {  	s0 =	simm.s32 $0x10800  }
0xa66: {  	[tilespmem:s0], [sflag:$0x2] =	stream.indirect_vreg.gather [hbm4b:s3+s2], $0x80, v3, vm0, $0xb8;
	[tilespmem:$0x11000] =	vst v63  }
0xa67: {  	_ =	swait.ge [sflag:s10], $0x8000  }
0xa68: {  	[sflag:s10] =	ssyncset.done $0x0  }
0xa69: {  	s0 =	rddreg [dreg:$0x1e];
	[sflag:s10] =	ssyncadd.s32 $0xFFFF8000  }
0xa6a: {  	[hbm4b:s0+s2] =	stream.linear.scatter [tilespmem:s6], [sflag:$0x3], $0x8000, $0x38;
	[tilespmem:$0x11000] =	vst v63  }
0xa6b: {  	_ =	swait.ge [sflag:s11], $0x8000  }
0xa6c: {  	[sflag:s11] =	ssyncset.done $0x0  }
0xa6d: {  	[sflag:s11] =	ssyncadd.s32 $0xFFFF8000  }
0xa6e: {  	v3 =	vld [tilespmem:$0xE00];
	_ =	sdelay $0x4  }
0xa6f: {  	v32 =	vshll.u32 v3, $0x1  }
0xa70: {  	v3 =	vand.u32 $0x7, v3;
	v4 =	vand.u32 $0xFFFFFFF0, v32  }
0xa71: {  	v3 =	vor.u32 v3, v4  }
0xa72: {  	v4 =	vperm.xlane v3, v0;
	_ =	sdelay $0x1  }
0xa73: {  	v3 =	vperm.xlane v3, v2;
	v4 =	vadd.s32 v1, v4;
	_ =	sdelay $0x1  }
0xa74: {  	v3 =	vadd.s32 v1, v3;
	_ =	sdelay $0x2  }
0xa75: {  	[tilespmem:s6], [sflag:$0x1] =	stream.indirect_vreg.gather [hbm4b:s3+s2], $0x80, v4, vm0, $0xb8;
	[tilespmem:$0x11000] =	vst v63  }
0xa76: {  	s9 =	simm.s32 $0x1800  }
0xa77: {  	[tilespmem:s9], [sflag:$0x1] =	stream.indirect_vreg.gather [hbm4b:s3+s2], $0x80, v3, vm0, $0xb8;
	[tilespmem:$0x11000] =	vst v63  }
0xa78: {  	v3 =	vld [tilespmem:$0xE10];
	_ =	sdelay $0x4  }
0xa79: {  	v33 =	vshll.u32 v3, $0x1  }
0xa7a: {  	v3 =	vand.u32 $0x7, v3;
	v4 =	vand.u32 $0xFFFFFFF0, v33  }
0xa7b: {  	v3 =	vor.u32 v3, v4  }
0xa7c: {  	v4 =	vperm.xlane v3, v0;
	_ =	sdelay $0x1  }
0xa7d: {  	v3 =	vperm.xlane v3, v2;
	v4 =	vadd.s32 v1, v4;
	_ =	sdelay $0x1  }
0xa7e: {  	v3 =	vadd.s32 v1, v3;
	_ =	sdelay $0x1  }
0xa7f: {  	s26 =	simm.s32 $0x2000  }
0xa80: {  	[tilespmem:s26], [sflag:$0x1] =	stream.indirect_vreg.gather [hbm4b:s3+s2], $0x80, v4, vm0, $0xb8;
	[tilespmem:$0x11000] =	vst v63  }
0xa81: {  	s14 =	simm.s32 $0x2800  }
0xa82: {  	[tilespmem:s14], [sflag:$0x1] =	stream.indirect_vreg.gather [hbm4b:s3+s2], $0x80, v3, vm0, $0xb8;
	[tilespmem:$0x11000] =	vst v63  }
0xa83: {  	v3 =	vld [tilespmem:$0xE20];
	_ =	sdelay $0x4  }
0xa84: {  	v34 =	vshll.u32 v3, $0x1  }
0xa85: {  	v3 =	vand.u32 $0x7, v3;
	v4 =	vand.u32 $0xFFFFFFF0, v34  }
0xa86: {  	v3 =	vor.u32 v3, v4  }
0xa87: {  	v4 =	vperm.xlane v3, v0;
	_ =	sdelay $0x1  }
0xa88: {  	v3 =	vperm.xlane v3, v2;
	v4 =	vadd.s32 v1, v4;
	_ =	sdelay $0x1  }
0xa89: {  	v3 =	vadd.s32 v1, v3;
	_ =	sdelay $0x1  }
0xa8a: {  	s16 =	simm.s32 $0x3000  }
0xa8b: {  	[tilespmem:s16], [sflag:$0x1] =	stream.indirect_vreg.gather [hbm4b:s3+s2], $0x80, v4, vm0, $0xb8;
	[tilespmem:$0x11000] =	vst v63  }
0xa8c: {  	s26 =	simm.s32 $0x3800  }
0xa8d: {  	[tilespmem:s26], [sflag:$0x1] =	stream.indirect_vreg.gather [hbm4b:s3+s2], $0x80, v3, vm0, $0xb8;
	[tilespmem:$0x11000] =	vst v63  }
0xa8e: {  	v3 =	vld [tilespmem:$0xE30];
	_ =	sdelay $0x4  }
0xa8f: {  	v35 =	vshll.u32 v3, $0x1  }
0xa90: {  	v3 =	vand.u32 $0x7, v3;
	v4 =	vand.u32 $0xFFFFFFF0, v35  }
0xa91: {  	v3 =	vor.u32 v3, v4  }
0xa92: {  	v4 =	vperm.xlane v3, v0;
	_ =	sdelay $0x1  }
0xa93: {  	v3 =	vperm.xlane v3, v2;
	v4 =	vadd.s32 v1, v4;
	_ =	sdelay $0x1  }
0xa94: {  	v3 =	vadd.s32 v1, v3;
	_ =	sdelay $0x1  }
0xa95: {  	s14 =	simm.s32 $0x4000  }
0xa96: {  	[tilespmem:s14], [sflag:$0x1] =	stream.indirect_vreg.gather [hbm4b:s3+s2], $0x80, v4, vm0, $0xb8;
	[tilespmem:$0x11000] =	vst v63  }
0xa97: {  	s7 =	simm.s32 $0x4800  }
0xa98: {  	[tilespmem:s7], [sflag:$0x1] =	stream.indirect_vreg.gather [hbm4b:s3+s2], $0x80, v3, vm0, $0xb8;
	[tilespmem:$0x11000] =	vst v63  }
0xa99: {  	v3 =	vld [tilespmem:$0xE40];
	_ =	sdelay $0x4  }
0xa9a: {  	v36 =	vshll.u32 v3, $0x1  }
0xa9b: {  	v3 =	vand.u32 $0x7, v3;
	v4 =	vand.u32 $0xFFFFFFF0, v36  }
0xa9c: {  	v3 =	vor.u32 v3, v4  }
0xa9d: {  	v4 =	vperm.xlane v3, v0;
	_ =	sdelay $0x1  }
0xa9e: {  	v3 =	vperm.xlane v3, v2;
	v4 =	vadd.s32 v1, v4;
	_ =	sdelay $0x1  }
0xa9f: {  	v3 =	vadd.s32 v1, v3;
	_ =	sdelay $0x1  }
0xaa0: {  	s16 =	simm.s32 $0x5000  }
0xaa1: {  	[tilespmem:s16], [sflag:$0x1] =	stream.indirect_vreg.gather [hbm4b:s3+s2], $0x80, v4, vm0, $0xb8;
	[tilespmem:$0x11000] =	vst v63  }
0xaa2: {  	s21 =	simm.s32 $0x5800  }
0xaa3: {  	[tilespmem:s21], [sflag:$0x1] =	stream.indirect_vreg.gather [hbm4b:s3+s2], $0x80, v3, vm0, $0xb8;
	[tilespmem:$0x11000] =	vst v63  }
0xaa4: {  	v3 =	vld [tilespmem:$0xE50];
	_ =	sdelay $0x4  }
0xaa5: {  	v37 =	vshll.u32 v3, $0x1  }
0xaa6: {  	v3 =	vand.u32 $0x7, v3;
	v4 =	vand.u32 $0xFFFFFFF0, v37  }
0xaa7: {  	v3 =	vor.u32 v3, v4  }
0xaa8: {  	v4 =	vperm.xlane v3, v0;
	_ =	sdelay $0x1  }
0xaa9: {  	v3 =	vperm.xlane v3, v2;
	v4 =	vadd.s32 v1, v4;
	_ =	sdelay $0x1  }
0xaaa: {  	v3 =	vadd.s32 v1, v3;
	_ =	sdelay $0x1  }
0xaab: {  	s21 =	simm.s32 $0x6000  }
0xaac: {  	[tilespmem:s21], [sflag:$0x1] =	stream.indirect_vreg.gather [hbm4b:s3+s2], $0x80, v4, vm0, $0xb8;
	[tilespmem:$0x11000] =	vst v63  }
0xaad: {  	s25 =	simm.s32 $0x6800  }
0xaae: {  	[tilespmem:s25], [sflag:$0x1] =	stream.indirect_vreg.gather [hbm4b:s3+s2], $0x80, v3, vm0, $0xb8;
	[tilespmem:$0x11000] =	vst v63  }
0xaaf: {  	v3 =	vld [tilespmem:$0xE60];
	_ =	sdelay $0x4  }
0xab0: {  	v38 =	vshll.u32 v3, $0x1  }
0xab1: {  	v3 =	vand.u32 $0x7, v3;
	v4 =	vand.u32 $0xFFFFFFF0, v38  }
0xab2: {  	v3 =	vor.u32 v3, v4  }
0xab3: {  	v4 =	vperm.xlane v3, v0;
	_ =	sdelay $0x1  }
0xab4: {  	v3 =	vperm.xlane v3, v2;
	v4 =	vadd.s32 v1, v4;
	_ =	sdelay $0x1  }
0xab5: {  	v3 =	vadd.s32 v1, v3;
	_ =	sdelay $0x1  }
0xab6: {  	s14 =	simm.s32 $0x7000  }
0xab7: {  	[tilespmem:s14], [sflag:$0x1] =	stream.indirect_vreg.gather [hbm4b:s3+s2], $0x80, v4, vm0, $0xb8;
	[tilespmem:$0x11000] =	vst v63  }
0xab8: {  	s23 =	simm.s32 $0x7800  }
0xab9: {  	[tilespmem:s23], [sflag:$0x1] =	stream.indirect_vreg.gather [hbm4b:s3+s2], $0x80, v3, vm0, $0xb8;
	[tilespmem:$0x11000] =	vst v63  }
0xaba: {  	v3 =	vld [tilespmem:$0xE70];
	_ =	sdelay $0x4  }
0xabb: {  	v39 =	vshll.u32 v3, $0x1  }
0xabc: {  	v3 =	vand.u32 $0x7, v3;
	v4 =	vand.u32 $0xFFFFFFF0, v39  }
0xabd: {  	v3 =	vor.u32 v3, v4  }
0xabe: {  	v4 =	vperm.xlane v3, v0;
	_ =	sdelay $0x1  }
0xabf: {  	v3 =	vperm.xlane v3, v2;
	v4 =	vadd.s32 v1, v4;
	_ =	sdelay $0x1  }
0xac0: {  	v3 =	vadd.s32 v1, v3;
	_ =	sdelay $0x1  }
0xac1: {  	s16 =	simm.s32 $0x8000  }
0xac2: {  	[tilespmem:s16], [sflag:$0x1] =	stream.indirect_vreg.gather [hbm4b:s3+s2], $0x80, v4, vm0, $0xb8;
	[tilespmem:$0x11000] =	vst v63  }
0xac3: {  	s17 =	simm.s32 $0x8800  }
0xac4: {  	[tilespmem:s17], [sflag:$0x1] =	stream.indirect_vreg.gather [hbm4b:s3+s2], $0x80, v3, vm0, $0xb8;
	[tilespmem:$0x11000] =	vst v63  }
0xac5: {  	_ =	swait.ge [sflag:s12], $0x8000  }
0xac6: {  	[sflag:s12] =	ssyncset.done $0x0  }
0xac7: {  	s23 =	rddreg [dreg:$0x1f];
	[sflag:s12] =	ssyncadd.s32 $0xFFFF8000  }
0xac8: {  	[hbm4b:s23+s2] =	stream.linear.scatter [tilespmem:s22], [sflag:$0x4], $0x8000, $0x38;
	[tilespmem:$0x11000] =	vst v63  }
0xac9: {  	_ =	swait.ge [sflag:s13], $0x8000  }
0xaca: {  	[sflag:s13] =	ssyncset.done $0x0  }
0xacb: {  	[sflag:s13] =	ssyncadd.s32 $0xFFFF8000  }
0xacc: {  	v3 =	vld [tilespmem:$0xE80];
	_ =	sdelay $0x4  }
0xacd: {  	v40 =	vshll.u32 v3, $0x1  }
0xace: {  	v3 =	vand.u32 $0x7, v3;
	v4 =	vand.u32 $0xFFFFFFF0, v40  }
0xacf: {  	v3 =	vor.u32 v3, v4  }
0xad0: {  	v4 =	vperm.xlane v3, v0;
	_ =	sdelay $0x1  }
0xad1: {  	v3 =	vperm.xlane v3, v2;
	v4 =	vadd.s32 v1, v4;
	_ =	sdelay $0x1  }
0xad2: {  	v3 =	vadd.s32 v1, v3;
	_ =	sdelay $0x2  }
0xad3: {  	[tilespmem:s22], [sflag:$0x2] =	stream.indirect_vreg.gather [hbm4b:s3+s2], $0x80, v4, vm0, $0xb8;
	[tilespmem:$0x11000] =	vst v63  }
0xad4: {  	s20 =	simm.s32 $0x9800  }
0xad5: {  	[tilespmem:s20], [sflag:$0x2] =	stream.indirect_vreg.gather [hbm4b:s3+s2], $0x80, v3, vm0, $0xb8;
	[tilespmem:$0x11000] =	vst v63  }
0xad6: {  	v3 =	vld [tilespmem:$0xE90];
	_ =	sdelay $0x4  }
0xad7: {  	v41 =	vshll.u32 v3, $0x1  }
0xad8: {  	v3 =	vand.u32 $0x7, v3;
	v4 =	vand.u32 $0xFFFFFFF0, v41  }
0xad9: {  	v3 =	vor.u32 v3, v4  }
0xada: {  	v4 =	vperm.xlane v3, v0;
	_ =	sdelay $0x1  }
0xadb: {  	v3 =	vperm.xlane v3, v2;
	v4 =	vadd.s32 v1, v4;
	_ =	sdelay $0x1  }
0xadc: {  	v3 =	vadd.s32 v1, v3;
	_ =	sdelay $0x1  }
0xadd: {  	s29 =	simm.s32 $0xA000  }
0xade: {  	[tilespmem:s29], [sflag:$0x2] =	stream.indirect_vreg.gather [hbm4b:s3+s2], $0x80, v4, vm0, $0xb8;
	[tilespmem:$0x11000] =	vst v63  }
0xadf: {  	s29 =	simm.s32 $0xA800  }
0xae0: {  	[tilespmem:s29], [sflag:$0x2] =	stream.indirect_vreg.gather [hbm4b:s3+s2], $0x80, v3, vm0, $0xb8;
	[tilespmem:$0x11000] =	vst v63  }
0xae1: {  	v3 =	vld [tilespmem:$0xEA0];
	_ =	sdelay $0x4  }
0xae2: {  	v42 =	vshll.u32 v3, $0x1  }
0xae3: {  	v3 =	vand.u32 $0x7, v3;
	v4 =	vand.u32 $0xFFFFFFF0, v42  }
0xae4: {  	v3 =	vor.u32 v3, v4  }
0xae5: {  	v4 =	vperm.xlane v3, v0;
	_ =	sdelay $0x1  }
0xae6: {  	v3 =	vperm.xlane v3, v2;
	v4 =	vadd.s32 v1, v4;
	_ =	sdelay $0x1  }
0xae7: {  	v3 =	vadd.s32 v1, v3;
	_ =	sdelay $0x1  }
0xae8: {  	s28 =	simm.s32 $0xB000  }
0xae9: {  	[tilespmem:s28], [sflag:$0x2] =	stream.indirect_vreg.gather [hbm4b:s3+s2], $0x80, v4, vm0, $0xb8;
	[tilespmem:$0x11000] =	vst v63  }
0xaea: {  	s31 =	simm.s32 $0xB800  }
0xaeb: {  	[tilespmem:s31], [sflag:$0x2] =	stream.indirect_vreg.gather [hbm4b:s3+s2], $0x80, v3, vm0, $0xb8;
	[tilespmem:$0x11000] =	vst v63  }
0xaec: {  	v3 =	vld [tilespmem:$0xEB0];
	_ =	sdelay $0x4  }
0xaed: {  	v43 =	vshll.u32 v3, $0x1  }
0xaee: {  	v3 =	vand.u32 $0x7, v3;
	v4 =	vand.u32 $0xFFFFFFF0, v43  }
0xaef: {  	v3 =	vor.u32 v3, v4  }
0xaf0: {  	v4 =	vperm.xlane v3, v0;
	_ =	sdelay $0x1  }
0xaf1: {  	v3 =	vperm.xlane v3, v2;
	v4 =	vadd.s32 v1, v4;
	_ =	sdelay $0x1  }
0xaf2: {  	v3 =	vadd.s32 v1, v3;
	_ =	sdelay $0x1  }
0xaf3: {  	s5 =	simm.s32 $0xC000  }
0xaf4: {  	[tilespmem:s5], [sflag:$0x2] =	stream.indirect_vreg.gather [hbm4b:s3+s2], $0x80, v4, vm0, $0xb8;
	[tilespmem:$0x11000] =	vst v63  }
0xaf5: {  	s8 =	simm.s32 $0xC800  }
0xaf6: {  	[tilespmem:s8], [sflag:$0x2] =	stream.indirect_vreg.gather [hbm4b:s3+s2], $0x80, v3, vm0, $0xb8;
	[tilespmem:$0x11000] =	vst v63  }
0xaf7: {  	v3 =	vld [tilespmem:$0xEC0];
	_ =	sdelay $0x4  }
0xaf8: {  	v44 =	vshll.u32 v3, $0x1  }
0xaf9: {  	v3 =	vand.u32 $0x7, v3;
	v4 =	vand.u32 $0xFFFFFFF0, v44  }
0xafa: {  	v3 =	vor.u32 v3, v4  }
0xafb: {  	v4 =	vperm.xlane v3, v0;
	_ =	sdelay $0x1  }
0xafc: {  	v3 =	vperm.xlane v3, v2;
	v4 =	vadd.s32 v1, v4;
	_ =	sdelay $0x1  }
0xafd: {  	v3 =	vadd.s32 v1, v3;
	_ =	sdelay $0x1  }
0xafe: {  	s30 =	simm.s32 $0xD000  }
0xaff: {  	[tilespmem:s30], [sflag:$0x2] =	stream.indirect_vreg.gather [hbm4b:s3+s2], $0x80, v4, vm0, $0xb8;
	[tilespmem:$0x11000] =	vst v63  }
0xb00: {  	s19 =	simm.s32 $0xD800  }
0xb01: {  	[tilespmem:s19], [sflag:$0x2] =	stream.indirect_vreg.gather [hbm4b:s3+s2], $0x80, v3, vm0, $0xb8;
	[tilespmem:$0x11000] =	vst v63  }
0xb02: {  	v3 =	vld [tilespmem:$0xED0];
	_ =	sdelay $0x4  }
0xb03: {  	v45 =	vshll.u32 v3, $0x1  }
0xb04: {  	v3 =	vand.u32 $0x7, v3;
	v4 =	vand.u32 $0xFFFFFFF0, v45  }
0xb05: {  	v3 =	vor.u32 v3, v4  }
0xb06: {  	v4 =	vperm.xlane v3, v0;
	_ =	sdelay $0x1  }
0xb07: {  	v3 =	vperm.xlane v3, v2;
	v4 =	vadd.s32 v1, v4;
	_ =	sdelay $0x1  }
0xb08: {  	v3 =	vadd.s32 v1, v3;
	_ =	sdelay $0x1  }
0xb09: {  	s24 =	simm.s32 $0xE000  }
0xb0a: {  	[tilespmem:s24], [sflag:$0x2] =	stream.indirect_vreg.gather [hbm4b:s3+s2], $0x80, v4, vm0, $0xb8;
	[tilespmem:$0x11000] =	vst v63  }
0xb0b: {  	s1 =	simm.s32 $0xE800  }
0xb0c: {  	[tilespmem:s1], [sflag:$0x2] =	stream.indirect_vreg.gather [hbm4b:s3+s2], $0x80, v3, vm0, $0xb8;
	[tilespmem:$0x11000] =	vst v63  }
0xb0d: {  	v3 =	vld [tilespmem:$0xEE0];
	_ =	sdelay $0x4  }
0xb0e: {  	v46 =	vshll.u32 v3, $0x1  }
0xb0f: {  	v3 =	vand.u32 $0x7, v3;
	v4 =	vand.u32 $0xFFFFFFF0, v46  }
0xb10: {  	v3 =	vor.u32 v3, v4  }
0xb11: {  	v4 =	vperm.xlane v3, v0;
	_ =	sdelay $0x1  }
0xb12: {  	v3 =	vperm.xlane v3, v2;
	v4 =	vadd.s32 v1, v4;
	_ =	sdelay $0x1  }
0xb13: {  	v3 =	vadd.s32 v1, v3;
	_ =	sdelay $0x1  }
0xb14: {  	s4 =	simm.s32 $0xF000  }
0xb15: {  	[tilespmem:s4], [sflag:$0x2] =	stream.indirect_vreg.gather [hbm4b:s3+s2], $0x80, v4, vm0, $0xb8;
	[tilespmem:$0x11000] =	vst v63  }
0xb16: {  	s14 =	simm.s32 $0xF800  }
0xb17: {  	[tilespmem:s14], [sflag:$0x2] =	stream.indirect_vreg.gather [hbm4b:s3+s2], $0x80, v3, vm0, $0xb8;
	[tilespmem:$0x11000] =	vst v63  }
0xb18: {  	v3 =	vld [tilespmem:$0xEF0];
	_ =	sdelay $0x4  }
0xb19: {  	v47 =	vshll.u32 v3, $0x1  }
0xb1a: {  	v3 =	vand.u32 $0x7, v3;
	v4 =	vand.u32 $0xFFFFFFF0, v47  }
0xb1b: {  	v3 =	vor.u32 v3, v4  }
0xb1c: {  	v4 =	vperm.xlane v3, v0;
	_ =	sdelay $0x1  }
0xb1d: {  	v3 =	vperm.xlane v3, v2;
	v4 =	vadd.s32 v1, v4;
	_ =	sdelay $0x1  }
0xb1e: {  	v3 =	vadd.s32 v1, v3;
	_ =	sdelay $0x1  }
0xb1f: {  	s18 =	simm.s32 $0x10000  }
0xb20: {  	[tilespmem:s18], [sflag:$0x2] =	stream.indirect_vreg.gather [hbm4b:s3+s2], $0x80, v4, vm0, $0xb8;
	[tilespmem:$0x11000] =	vst v63  }
0xb21: {  	s15 =	simm.s32 $0x10800  }
0xb22: {  	[tilespmem:s15], [sflag:$0x2] =	stream.indirect_vreg.gather [hbm4b:s3+s2], $0x80, v3, vm0, $0xb8;
	[tilespmem:$0x11000] =	vst v63  }
0xb23: {  	_ =	swait.ge [sflag:s10], $0x8000  }
0xb24: {  	s18 =	sld [smem:$0x7FA]  }
0xb25: {  	[sflag:s10] =	ssyncset.done $0x0  }
0xb26: {  	[sflag:s10] =	ssyncadd.s32 $0xFFFF8000  }
0xb27: {  	[hbm4b:s18+s2] =	stream.linear.scatter [tilespmem:s6], [sflag:$0x3], $0x8000, $0x38;
	[tilespmem:$0x11000] =	vst v63  }
0xb28: {  	_ =	swait.ge [sflag:s11], $0x8000  }
0xb29: {  	[sflag:s11] =	ssyncset.done $0x0  }
0xb2a: {  	[sflag:s11] =	ssyncadd.s32 $0xFFFF8000  }
0xb2b: {  	v3 =	vld [tilespmem:$0xF00];
	_ =	sdelay $0x4  }
0xb2c: {  	v48 =	vshll.u32 v3, $0x1  }
0xb2d: {  	v3 =	vand.u32 $0x7, v3;
	v4 =	vand.u32 $0xFFFFFFF0, v48  }
0xb2e: {  	v3 =	vor.u32 v3, v4  }
0xb2f: {  	v4 =	vperm.xlane v3, v0;
	_ =	sdelay $0x1  }
0xb30: {  	v3 =	vperm.xlane v3, v2;
	v4 =	vadd.s32 v1, v4;
	_ =	sdelay $0x1  }
0xb31: {  	v3 =	vadd.s32 v1, v3;
	_ =	sdelay $0x2  }
0xb32: {  	[tilespmem:s6], [sflag:$0x1] =	stream.indirect_vreg.gather [hbm4b:s3+s2], $0x80, v4, vm0, $0xb8;
	[tilespmem:$0x11000] =	vst v63  }
0xb33: {  	s15 =	simm.s32 $0x1800  }
0xb34: {  	[tilespmem:s15], [sflag:$0x1] =	stream.indirect_vreg.gather [hbm4b:s3+s2], $0x80, v3, vm0, $0xb8;
	[tilespmem:$0x11000] =	vst v63  }
0xb35: {  	v3 =	vld [tilespmem:$0xF10];
	_ =	sdelay $0x4  }
0xb36: {  	v49 =	vshll.u32 v3, $0x1  }
0xb37: {  	v3 =	vand.u32 $0x7, v3;
	v4 =	vand.u32 $0xFFFFFFF0, v49  }
0xb38: {  	v3 =	vor.u32 v3, v4  }
0xb39: {  	v4 =	vperm.xlane v3, v0;
	_ =	sdelay $0x1  }
0xb3a: {  	v3 =	vperm.xlane v3, v2;
	v4 =	vadd.s32 v1, v4;
	_ =	sdelay $0x1  }
0xb3b: {  	v3 =	vadd.s32 v1, v3;
	_ =	sdelay $0x1  }
0xb3c: {  	s9 =	simm.s32 $0x2000  }
0xb3d: {  	[tilespmem:s9], [sflag:$0x1] =	stream.indirect_vreg.gather [hbm4b:s3+s2], $0x80, v4, vm0, $0xb8;
	[tilespmem:$0x11000] =	vst v63  }
0xb3e: {  	s18 =	simm.s32 $0x2800  }
0xb3f: {  	[tilespmem:s18], [sflag:$0x1] =	stream.indirect_vreg.gather [hbm4b:s3+s2], $0x80, v3, vm0, $0xb8;
	[tilespmem:$0x11000] =	vst v63  }
0xb40: {  	v3 =	vld [tilespmem:$0xF20];
	_ =	sdelay $0x4  }
0xb41: {  	v50 =	vshll.u32 v3, $0x1  }
0xb42: {  	v3 =	vand.u32 $0x7, v3;
	v4 =	vand.u32 $0xFFFFFFF0, v50  }
0xb43: {  	v3 =	vor.u32 v3, v4  }
0xb44: {  	v4 =	vperm.xlane v3, v0;
	_ =	sdelay $0x1  }
0xb45: {  	v3 =	vperm.xlane v3, v2;
	v4 =	vadd.s32 v1, v4;
	_ =	sdelay $0x1  }
0xb46: {  	v3 =	vadd.s32 v1, v3;
	_ =	sdelay $0x1  }
0xb47: {  	s14 =	simm.s32 $0x3000  }
0xb48: {  	[tilespmem:s14], [sflag:$0x1] =	stream.indirect_vreg.gather [hbm4b:s3+s2], $0x80, v4, vm0, $0xb8;
	[tilespmem:$0x11000] =	vst v63  }
0xb49: {  	s15 =	simm.s32 $0x3800  }
0xb4a: {  	[tilespmem:s15], [sflag:$0x1] =	stream.indirect_vreg.gather [hbm4b:s3+s2], $0x80, v3, vm0, $0xb8;
	[tilespmem:$0x11000] =	vst v63  }
0xb4b: {  	v3 =	vld [tilespmem:$0xF30];
	_ =	sdelay $0x4  }
0xb4c: {  	v51 =	vshll.u32 v3, $0x1  }
0xb4d: {  	v3 =	vand.u32 $0x7, v3;
	v4 =	vand.u32 $0xFFFFFFF0, v51  }
0xb4e: {  	v3 =	vor.u32 v3, v4  }
0xb4f: {  	v4 =	vperm.xlane v3, v0;
	_ =	sdelay $0x1  }
0xb50: {  	v3 =	vperm.xlane v3, v2;
	v4 =	vadd.s32 v1, v4;
	_ =	sdelay $0x1  }
0xb51: {  	v3 =	vadd.s32 v1, v3;
	_ =	sdelay $0x1  }
0xb52: {  	s18 =	simm.s32 $0x4000  }
0xb53: {  	[tilespmem:s18], [sflag:$0x1] =	stream.indirect_vreg.gather [hbm4b:s3+s2], $0x80, v4, vm0, $0xb8;
	[tilespmem:$0x11000] =	vst v63  }
0xb54: {  	s0 =	simm.s32 $0x4800  }
0xb55: {  	[tilespmem:s0], [sflag:$0x1] =	stream.indirect_vreg.gather [hbm4b:s3+s2], $0x80, v3, vm0, $0xb8;
	[tilespmem:$0x11000] =	vst v63  }
0xb56: {  	v3 =	vld [tilespmem:$0xF40];
	_ =	sdelay $0x4  }
0xb57: {  	v52 =	vshll.u32 v3, $0x1  }
0xb58: {  	v3 =	vand.u32 $0x7, v3;
	v4 =	vand.u32 $0xFFFFFFF0, v52  }
0xb59: {  	v3 =	vor.u32 v3, v4  }
0xb5a: {  	v4 =	vperm.xlane v3, v0;
	_ =	sdelay $0x1  }
0xb5b: {  	v3 =	vperm.xlane v3, v2;
	v4 =	vadd.s32 v1, v4;
	_ =	sdelay $0x1  }
0xb5c: {  	v3 =	vadd.s32 v1, v3;
	_ =	sdelay $0x1  }
0xb5d: {  	s14 =	simm.s32 $0x5000  }
0xb5e: {  	[tilespmem:s14], [sflag:$0x1] =	stream.indirect_vreg.gather [hbm4b:s3+s2], $0x80, v4, vm0, $0xb8;
	[tilespmem:$0x11000] =	vst v63  }
0xb5f: {  	s26 =	simm.s32 $0x5800  }
0xb60: {  	[tilespmem:s26], [sflag:$0x1] =	stream.indirect_vreg.gather [hbm4b:s3+s2], $0x80, v3, vm0, $0xb8;
	[tilespmem:$0x11000] =	vst v63  }
0xb61: {  	v3 =	vld [tilespmem:$0xF50];
	_ =	sdelay $0x4  }
0xb62: {  	v53 =	vshll.u32 v3, $0x1  }
0xb63: {  	v3 =	vand.u32 $0x7, v3;
	v4 =	vand.u32 $0xFFFFFFF0, v53  }
0xb64: {  	v3 =	vor.u32 v3, v4  }
0xb65: {  	v4 =	vperm.xlane v3, v0;
	_ =	sdelay $0x1  }
0xb66: {  	v3 =	vperm.xlane v3, v2;
	v4 =	vadd.s32 v1, v4;
	_ =	sdelay $0x1  }
0xb67: {  	v3 =	vadd.s32 v1, v3;
	_ =	sdelay $0x1  }
0xb68: {  	s15 =	simm.s32 $0x6000  }
0xb69: {  	[tilespmem:s15], [sflag:$0x1] =	stream.indirect_vreg.gather [hbm4b:s3+s2], $0x80, v4, vm0, $0xb8;
	[tilespmem:$0x11000] =	vst v63  }
0xb6a: {  	s21 =	simm.s32 $0x6800  }
0xb6b: {  	[tilespmem:s21], [sflag:$0x1] =	stream.indirect_vreg.gather [hbm4b:s3+s2], $0x80, v3, vm0, $0xb8;
	[tilespmem:$0x11000] =	vst v63  }
0xb6c: {  	v3 =	vld [tilespmem:$0xF60];
	_ =	sdelay $0x4  }
0xb6d: {  	v54 =	vshll.u32 v3, $0x1  }
0xb6e: {  	v3 =	vand.u32 $0x7, v3;
	v4 =	vand.u32 $0xFFFFFFF0, v54  }
0xb6f: {  	v3 =	vor.u32 v3, v4  }
0xb70: {  	v4 =	vperm.xlane v3, v0;
	_ =	sdelay $0x1  }
0xb71: {  	v3 =	vperm.xlane v3, v2;
	v4 =	vadd.s32 v1, v4;
	_ =	sdelay $0x1  }
0xb72: {  	v3 =	vadd.s32 v1, v3;
	_ =	sdelay $0x1  }
0xb73: {  	s18 =	simm.s32 $0x7000  }
0xb74: {  	[tilespmem:s18], [sflag:$0x1] =	stream.indirect_vreg.gather [hbm4b:s3+s2], $0x80, v4, vm0, $0xb8;
	[tilespmem:$0x11000] =	vst v63  }
0xb75: {  	s25 =	simm.s32 $0x7800  }
0xb76: {  	[tilespmem:s25], [sflag:$0x1] =	stream.indirect_vreg.gather [hbm4b:s3+s2], $0x80, v3, vm0, $0xb8;
	[tilespmem:$0x11000] =	vst v63  }
0xb77: {  	v3 =	vld [tilespmem:$0xF70];
	_ =	sdelay $0x4  }
0xb78: {  	v55 =	vshll.u32 v3, $0x1  }
0xb79: {  	v3 =	vand.u32 $0x7, v3;
	v4 =	vand.u32 $0xFFFFFFF0, v55  }
0xb7a: {  	v3 =	vor.u32 v3, v4  }
0xb7b: {  	v4 =	vperm.xlane v3, v0;
	_ =	sdelay $0x1  }
0xb7c: {  	v3 =	vperm.xlane v3, v2;
	v4 =	vadd.s32 v1, v4;
	_ =	sdelay $0x1  }
0xb7d: {  	v3 =	vadd.s32 v1, v3;
	_ =	sdelay $0x1  }
0xb7e: {  	s21 =	simm.s32 $0x8000  }
0xb7f: {  	[tilespmem:s21], [sflag:$0x1] =	stream.indirect_vreg.gather [hbm4b:s3+s2], $0x80, v4, vm0, $0xb8;
	[tilespmem:$0x11000] =	vst v63  }
0xb80: {  	s7 =	simm.s32 $0x8800  }
0xb81: {  	[tilespmem:s7], [sflag:$0x1] =	stream.indirect_vreg.gather [hbm4b:s3+s2], $0x80, v3, vm0, $0xb8;
	[tilespmem:$0x11000] =	vst v63  }
0xb82: {  	_ =	swait.ge [sflag:s12], $0x8000  }
0xb83: {  	s25 =	sld [smem:$0x7FB]  }
0xb84: {  	[sflag:s12] =	ssyncset.done $0x0  }
0xb85: {  	[sflag:s12] =	ssyncadd.s32 $0xFFFF8000  }
0xb86: {  	[hbm4b:s25+s2] =	stream.linear.scatter [tilespmem:s22], [sflag:$0x4], $0x8000, $0x38;
	[tilespmem:$0x11000] =	vst v63  }
0xb87: {  	_ =	swait.ge [sflag:s13], $0x8000  }
0xb88: {  	[sflag:s13] =	ssyncset.done $0x0  }
0xb89: {  	[sflag:s13] =	ssyncadd.s32 $0xFFFF8000  }
0xb8a: {  	v3 =	vld [tilespmem:$0xF80];
	_ =	sdelay $0x4  }
0xb8b: {  	v56 =	vshll.u32 v3, $0x1  }
0xb8c: {  	v3 =	vand.u32 $0x7, v3;
	v4 =	vand.u32 $0xFFFFFFF0, v56  }
0xb8d: {  	v3 =	vor.u32 v3, v4  }
0xb8e: {  	v4 =	vperm.xlane v3, v0;
	_ =	sdelay $0x1  }
0xb8f: {  	v3 =	vperm.xlane v3, v2;
	v4 =	vadd.s32 v1, v4;
	_ =	sdelay $0x1  }
0xb90: {  	v3 =	vadd.s32 v1, v3;
	_ =	sdelay $0x2  }
0xb91: {  	[tilespmem:s22], [sflag:$0x2] =	stream.indirect_vreg.gather [hbm4b:s3+s2], $0x80, v4, vm0, $0xb8;
	[tilespmem:$0x11000] =	vst v63  }
0xb92: {  	s16 =	simm.s32 $0x9800  }
0xb93: {  	[tilespmem:s16], [sflag:$0x2] =	stream.indirect_vreg.gather [hbm4b:s3+s2], $0x80, v3, vm0, $0xb8;
	[tilespmem:$0x11000] =	vst v63  }
0xb94: {  	v3 =	vld [tilespmem:$0xF90];
	_ =	sdelay $0x4  }
0xb95: {  	v57 =	vshll.u32 v3, $0x1  }
0xb96: {  	v3 =	vand.u32 $0x7, v3;
	v4 =	vand.u32 $0xFFFFFFF0, v57  }
0xb97: {  	v3 =	vor.u32 v3, v4  }
0xb98: {  	v4 =	vperm.xlane v3, v0;
	_ =	sdelay $0x1  }
0xb99: {  	v3 =	vperm.xlane v3, v2;
	v4 =	vadd.s32 v1, v4;
	_ =	sdelay $0x1  }
0xb9a: {  	v3 =	vadd.s32 v1, v3;
	_ =	sdelay $0x1  }
0xb9b: {  	s23 =	simm.s32 $0xA000  }
0xb9c: {  	[tilespmem:s23], [sflag:$0x2] =	stream.indirect_vreg.gather [hbm4b:s3+s2], $0x80, v4, vm0, $0xb8;
	[tilespmem:$0x11000] =	vst v63  }
0xb9d: {  	s26 =	simm.s32 $0xA800  }
0xb9e: {  	[tilespmem:s26], [sflag:$0x2] =	stream.indirect_vreg.gather [hbm4b:s3+s2], $0x80, v3, vm0, $0xb8;
	[tilespmem:$0x11000] =	vst v63  }
0xb9f: {  	v3 =	vld [tilespmem:$0xFA0];
	_ =	sdelay $0x4  }
0xba0: {  	v58 =	vshll.u32 v3, $0x1  }
0xba1: {  	v3 =	vand.u32 $0x7, v3;
	v4 =	vand.u32 $0xFFFFFFF0, v58  }
0xba2: {  	v3 =	vor.u32 v3, v4  }
0xba3: {  	v4 =	vperm.xlane v3, v0;
	_ =	sdelay $0x1  }
0xba4: {  	v3 =	vperm.xlane v3, v2;
	v4 =	vadd.s32 v1, v4;
	_ =	sdelay $0x1  }
0xba5: {  	v3 =	vadd.s32 v1, v3;
	_ =	sdelay $0x1  }
0xba6: {  	s29 =	simm.s32 $0xB000  }
0xba7: {  	[tilespmem:s29], [sflag:$0x2] =	stream.indirect_vreg.gather [hbm4b:s3+s2], $0x80, v4, vm0, $0xb8;
	[tilespmem:$0x11000] =	vst v63  }
0xba8: {  	s31 =	simm.s32 $0xB800  }
0xba9: {  	[tilespmem:s31], [sflag:$0x2] =	stream.indirect_vreg.gather [hbm4b:s3+s2], $0x80, v3, vm0, $0xb8;
	[tilespmem:$0x11000] =	vst v63  }
0xbaa: {  	v3 =	vld [tilespmem:$0xFB0];
	_ =	sdelay $0x4  }
0xbab: {  	v59 =	vshll.u32 v3, $0x1  }
0xbac: {  	v3 =	vand.u32 $0x7, v3;
	v4 =	vand.u32 $0xFFFFFFF0, v59  }
0xbad: {  	v3 =	vor.u32 v3, v4  }
0xbae: {  	v4 =	vperm.xlane v3, v0;
	_ =	sdelay $0x1  }
0xbaf: {  	v3 =	vperm.xlane v3, v2;
	v4 =	vadd.s32 v1, v4;
	_ =	sdelay $0x1  }
0xbb0: {  	v3 =	vadd.s32 v1, v3;
	_ =	sdelay $0x1  }
0xbb1: {  	s20 =	simm.s32 $0xC000  }
0xbb2: {  	[tilespmem:s20], [sflag:$0x2] =	stream.indirect_vreg.gather [hbm4b:s3+s2], $0x80, v4, vm0, $0xb8;
	[tilespmem:$0x11000] =	vst v63  }
0xbb3: {  	s5 =	simm.s32 $0xC800  }
0xbb4: {  	[tilespmem:s5], [sflag:$0x2] =	stream.indirect_vreg.gather [hbm4b:s3+s2], $0x80, v3, vm0, $0xb8;
	[tilespmem:$0x11000] =	vst v63  }
0xbb5: {  	v3 =	vld [tilespmem:$0xFC0];
	_ =	sdelay $0x4  }
0xbb6: {  	v60 =	vshll.u32 v3, $0x1  }
0xbb7: {  	v3 =	vand.u32 $0x7, v3;
	v4 =	vand.u32 $0xFFFFFFF0, v60  }
0xbb8: {  	v3 =	vor.u32 v3, v4  }
0xbb9: {  	v4 =	vperm.xlane v3, v0;
	_ =	sdelay $0x1  }
0xbba: {  	v3 =	vperm.xlane v3, v2;
	v4 =	vadd.s32 v1, v4;
	_ =	sdelay $0x1  }
0xbbb: {  	v3 =	vadd.s32 v1, v3;
	_ =	sdelay $0x1  }
0xbbc: {  	s30 =	simm.s32 $0xD000  }
0xbbd: {  	[tilespmem:s30], [sflag:$0x2] =	stream.indirect_vreg.gather [hbm4b:s3+s2], $0x80, v4, vm0, $0xb8;
	[tilespmem:$0x11000] =	vst v63  }
0xbbe: {  	s28 =	simm.s32 $0xD800  }
0xbbf: {  	[tilespmem:s28], [sflag:$0x2] =	stream.indirect_vreg.gather [hbm4b:s3+s2], $0x80, v3, vm0, $0xb8;
	[tilespmem:$0x11000] =	vst v63  }
0xbc0: {  	v3 =	vld [tilespmem:$0xFD0];
	_ =	sdelay $0x4  }
0xbc1: {  	v61 =	vshll.u32 v3, $0x1  }
0xbc2: {  	v3 =	vand.u32 $0x7, v3;
	v4 =	vand.u32 $0xFFFFFFF0, v61  }
0xbc3: {  	v3 =	vor.u32 v3, v4  }
0xbc4: {  	v4 =	vperm.xlane v3, v0;
	_ =	sdelay $0x1  }
0xbc5: {  	v3 =	vperm.xlane v3, v2;
	v4 =	vadd.s32 v1, v4;
	_ =	sdelay $0x1  }
0xbc6: {  	v3 =	vadd.s32 v1, v3;
	_ =	sdelay $0x1  }
0xbc7: {  	s19 =	simm.s32 $0xE000  }
0xbc8: {  	[tilespmem:s19], [sflag:$0x2] =	stream.indirect_vreg.gather [hbm4b:s3+s2], $0x80, v4, vm0, $0xb8;
	[tilespmem:$0x11000] =	vst v63  }
0xbc9: {  	s17 =	simm.s32 $0xE800  }
0xbca: {  	[tilespmem:s17], [sflag:$0x2] =	stream.indirect_vreg.gather [hbm4b:s3+s2], $0x80, v3, vm0, $0xb8;
	[tilespmem:$0x11000] =	vst v63  }
0xbcb: {  	v3 =	vld [tilespmem:$0xFE0];
	_ =	sdelay $0x4  }
0xbcc: {  	v62 =	vshll.u32 v3, $0x1  }
0xbcd: {  	v3 =	vand.u32 $0x7, v3;
	v4 =	vand.u32 $0xFFFFFFF0, v62  }
0xbce: {  	v3 =	vor.u32 v3, v4  }
0xbcf: {  	v4 =	vperm.xlane v3, v0;
	_ =	sdelay $0x1  }
0xbd0: {  	v3 =	vperm.xlane v3, v2;
	v4 =	vadd.s32 v1, v4;
	_ =	sdelay $0x1  }
0xbd1: {  	v3 =	vadd.s32 v1, v3;
	_ =	sdelay $0x1  }
0xbd2: {  	s1 =	simm.s32 $0xF000  }
0xbd3: {  	[tilespmem:s1], [sflag:$0x2] =	stream.indirect_vreg.gather [hbm4b:s3+s2], $0x80, v4, vm0, $0xb8;
	[tilespmem:$0x11000] =	vst v63  }
0xbd4: {  	s24 =	simm.s32 $0xF800  }
0xbd5: {  	[tilespmem:s24], [sflag:$0x2] =	stream.indirect_vreg.gather [hbm4b:s3+s2], $0x80, v3, vm0, $0xb8;
	[tilespmem:$0x11000] =	vst v63  }
0xbd6: {  	v3 =	vld [tilespmem:$0xFF0];
	_ =	sdelay $0x4  }
0xbd7: {  	v63 =	vshll.u32 v3, $0x1  }
0xbd8: {  	v3 =	vand.u32 $0x7, v3;
	v4 =	vand.u32 $0xFFFFFFF0, v63  }
0xbd9: {  	v3 =	vor.u32 v3, v4  }
0xbda: {  	v4 =	vperm.xlane v3, v0;
	_ =	sdelay $0x1  }
0xbdb: {  	v3 =	vperm.xlane v3, v2;
	v4 =	vadd.s32 v1, v4;
	_ =	sdelay $0x1  }
0xbdc: {  	v3 =	vadd.s32 v1, v3;
	_ =	sdelay $0x1  }
0xbdd: {  	s8 =	simm.s32 $0x10000  }
0xbde: {  	[tilespmem:s8], [sflag:$0x2] =	stream.indirect_vreg.gather [hbm4b:s3+s2], $0x80, v4, vm0, $0xb8;
	[tilespmem:$0x11000] =	vst v63  }
0xbdf: {  	s4 =	simm.s32 $0x10800  }
0xbe0: {  	[tilespmem:s4], [sflag:$0x2] =	stream.indirect_vreg.gather [hbm4b:s3+s2], $0x80, v3, vm0, $0xb8;
	[tilespmem:$0x11000] =	vst v63  }
0xbe1: {  	_ =	swait.ge [sflag:s10], $0x8000  }
0xbe2: {  	s29 =	sld [smem:$0x7FC]  }
0xbe3: {  	[sflag:s10] =	ssyncset.done $0x0  }
0xbe4: {  	[sflag:s10] =	ssyncadd.s32 $0xFFFF8000  }
0xbe5: {  	[hbm4b:s29+s2] =	stream.linear.scatter [tilespmem:s6], [sflag:$0x3], $0x8000, $0x38;
	[tilespmem:$0x11000] =	vst v63  }
0xbe6: {  	_ =	swait.ge [sflag:s12], $0x8000  }
0xbe7: {  	s30 =	sld [smem:$0x7FD]  }
0xbe8: {  	[sflag:s12] =	ssyncset.done $0x0;
	s31 =	sld [smem:$0x7F9]  }
0xbe9: {  	[sflag:s12] =	ssyncadd.s32 $0xFFFF8000  }
0xbea: {  	[hbm4b:s30+s2] =	stream.linear.scatter [tilespmem:s22], [sflag:$0x4], $0x8000, $0x38;
	[tilespmem:$0x11000] =	vst v63  }
0xbeb: {  	p0 =	sne.s32 s31, $0x1;
	_ =	swait.ge [sflag:s13], $0x8000  }
.Ltmp0:
0xbec: {  	[sflag:s13] =	ssyncset.done $0x0;
	(pc) =	sbr.rel @p0 .LBB2_1-.Ltmp0, $4  }
0xbed: {  	[sflag:s13] =	ssyncadd.s32 $0xFFFF8000  }
0xbee: {  	_ =	swait.ge [sflag:s11], $0x8000  }
0xbef: {  	[sflag:s11] =	ssyncset.done $0x0  }
0xbf0: {  	s14 =	sadd.s32 $0xFFFFFFFF, s31;
	[sflag:s11] =	ssyncadd.s32 $0xFFFF8000  }
0xbf1: {  	_ =	sfence.sel $0x180000  }
0xbf2: {  	[bflag:$0x0] =	sbarrier.arrive $0xFFFF  }
0xbf3: {  	_ =	strace $0x90000047  }
0xbf4: {  	s0 =	stileid.u32;
	[bflag:$0x2] =	sbarrier.arrive $0xFFFF  }
0xbf5: {  	p0 =	sne.s32 s0, $0x0;
	s0 =	rddreg [dreg:$0x2]  }
0xbf6: {  	s0 =	sadd.s32 @!p0 $0x100000, s0  }
0xbf7: {  	[sflag:s0] =	ssyncadd.tile.s32 @!p0 $0x1;
	_ =	shalt  }
.Lfunc_end2:
_tile_overlayer_lowered:
.L_overlay_start_2:
0xbf8: {  	(tag) =	ssettag $0x2  }
0xbf9: {  	s0 =	rddreg [dreg:$0x0];
	s2 =	stileid.u32  }
0xbfa: {  	s1 =	rddreg [dreg:$0x1];
	p0 =	sne.s32 s2, $0x0  }
0xbfb: {  	s3 =	rddreg [dreg:$0x2];
	[bflag:$0x3] =	sbarrier.arrive $0xFFFF;
	s2 =	simm.s32 @!p0 $0x1C05  }
0xbfc: {  	[timem:s3], [sflag:s2] =	dma.local @!p0 [hbm:s0], s1  }
0xbfd: {  	s0 =	simm.s32 @!p0 $0x5  }
0xbfe: {  	_ =	swait.ge @!p0 [sflag:s0], s1  }
0xbff: {  	s1 =	ssub.s32 @!p0 $0x0, s1;
	[sflag:s0] =	ssyncset.done @!p0 $0x0  }
0xc00: {  	[sflag:s0] =	ssyncadd.s32 @!p0 s1  }
0xc01: {  	[bflag:$0x3] =	sbarrier.arrive $0xFFFF  }
0xc02: {  	_ =	shalt  }

</sc_bundles>
